<compile_context>
chip_gen: v7x
topology: tpu7x:2x2x1
jax: 0.10.2.dev20260603
libtpu: 0.0.44.dev20260713+nightly
codegen_flags: <defaults>
</compile_context>

<pallas_src>
import functools

import jax
import jax.numpy as jnp
from jax.experimental import pallas as pl
from jax.experimental.pallas import tpu as pltpu
from jax.experimental.pallas import tpu_sc as plsc

N = 784
NPAD = 896
C = 96
CP = 128
E = 64
HID = 192
CAP = 32
RB = 8
PRIM = E * CAP
OVFSLOTS = 1216
NCHUNK_OVF = OVFSLOTS // RB
OVF_BASE = PRIM
TRASH = PRIM + OVFSLOTS
NBUF = TRASH + (NPAD - N)


def _meta_body(tok_ref, wr_ref, br_ref, dest_ref, co_ref):
    logits = jax.lax.dot_general(
        wr_ref[:], tok_ref[:, :C], (((1,), (1,)), ((), ())),
        preferred_element_type=jnp.float32) + br_ref[:]
    maxv = jnp.max(logits, axis=0, keepdims=True)
    sub = jax.lax.broadcasted_iota(jnp.int32, (E, NPAD), 0)
    eidx = jnp.min(jnp.where(logits >= maxv, sub, E), axis=0,
                   keepdims=True)
    lane = jax.lax.broadcasted_iota(jnp.int32, (E, NPAD), 1)
    onehot = ((sub == eidx) & (lane < N)).astype(jnp.float32)

    rp = jax.lax.broadcasted_iota(jnp.int32, (NPAD, NPAD), 0)
    rq = jax.lax.broadcasted_iota(jnp.int32, (NPAD, NPAD), 1)
    ut = (rp < rq).astype(jnp.float32)
    cum = jax.lax.dot_general(
        onehot, ut, (((1,), (0,)), ((), ())),
        preferred_element_type=jnp.float32)
    rank_row = jnp.sum(onehot * cum, axis=0, keepdims=True)

    counts = jnp.sum(onehot, axis=1, keepdims=True)
    ovf = jnp.maximum(counts - float(CAP), 0.0)
    pco = jnp.floor((ovf + 7.0) * 0.125) * 8.0
    r64 = jax.lax.broadcasted_iota(jnp.int32, (E, E), 0)
    c64 = jax.lax.broadcasted_iota(jnp.int32, (E, E), 1)
    lt = (c64 < r64).astype(jnp.float32)
    offo = jax.lax.dot_general(
        lt, pco, (((1,), (0,)), ((), ())),
        preferred_element_type=jnp.float32)
    offo_row = jnp.sum(onehot * offo, axis=0, keepdims=True)
    eidx_f = jnp.sum(onehot * sub.astype(jnp.float32), axis=0,
                     keepdims=True)

    prim = eidx_f * float(CAP) + rank_row
    ovfd = float(OVF_BASE) + offo_row + rank_row - float(CAP)
    dest = jnp.where(rank_row < float(CAP), prim, ovfd).astype(jnp.int32)
    lane1 = jax.lax.broadcasted_iota(jnp.int32, (1, NPAD), 1)
    dest_ref[:] = jnp.where(lane1 < N, dest, TRASH + lane1 - N)

    offo_end = (offo + pco).astype(jnp.int32)
    cj = jax.lax.broadcasted_iota(jnp.int32, (E, NCHUNK_OVF), 1) * RB
    ce = jnp.sum((offo_end <= cj).astype(jnp.int32), axis=0, keepdims=True)
    ce = jnp.minimum(ce, E - 1)
    novf = jnp.sum(pco, axis=0, keepdims=True).astype(jnp.int32) // RB
    lanec = jax.lax.broadcasted_iota(jnp.int32, (1, NCHUNK_OVF + 1), 1)
    co_ref[:] = jnp.where(lanec < NCHUNK_OVF,
                          jnp.pad(ce, ((0, 0), (0, 1))),
                          jnp.broadcast_to(novf, (1, NCHUNK_OVF + 1)))


def _router_meta(tokens_pad, Wr, br):
    return pl.pallas_call(
        _meta_body,
        in_specs=[
            pl.BlockSpec((NPAD, CP), lambda: (0, 0)),
            pl.BlockSpec((E, C), lambda: (0, 0)),
            pl.BlockSpec((E, 1), lambda: (0, 0)),
        ],
        out_specs=[
            pl.BlockSpec((1, NPAD), lambda: (0, 0)),
            pl.BlockSpec((1, NCHUNK_OVF + 1), lambda: (0, 0)),
        ],
        out_shape=[
            jax.ShapeDtypeStruct((1, NPAD), jnp.int32),
            jax.ShapeDtypeStruct((1, NCHUNK_OVF + 1), jnp.int32),
        ],
    )(tokens_pad, Wr, br.reshape(E, 1))


def _sc_scatter(tokens_pad, dest):
    mesh = plsc.VectorSubcoreMesh(core_axis_name="c", subcore_axis_name="s")

    @functools.partial(
        pl.kernel,
        out_type=jax.ShapeDtypeStruct((NBUF, CP), jnp.float32),
        mesh=mesh)
    def k(x_hbm, i_hbm, o_hbm):
        def body(x_vmem, i_vmem):
            pltpu.sync_copy(x_vmem, o_hbm.at[i_vmem.at[0]])

        pltpu.emit_pipeline(
            body,
            grid=(NPAD // 128,),
            in_specs=[
                pl.BlockSpec((128, CP), lambda i: (i, 0)),
                pl.BlockSpec((1, 128), lambda i: (0, i)),
            ],
            out_specs=[],
            core_axis_name="s",
            dimension_semantics=(pltpu.PARALLEL,),
        )(x_hbm, i_hbm)

    return k(tokens_pad, dest)


def _sc_gather(y_sorted, dest):
    mesh = plsc.VectorSubcoreMesh(core_axis_name="c", subcore_axis_name="s")

    @functools.partial(
        pl.kernel,
        out_type=jax.ShapeDtypeStruct((NPAD, CP), jnp.float32),
        mesh=mesh)
    def k(y_hbm, i_hbm, o_hbm):
        def body(i_vmem, o_vmem):
            pltpu.sync_copy(y_hbm.at[i_vmem.at[0]], o_vmem)

        pltpu.emit_pipeline(
            body,
            grid=(NPAD // 128,),
            in_specs=[pl.BlockSpec((1, 128), lambda i: (0, i))],
            out_specs=[pl.BlockSpec((128, CP), lambda i: (i, 0))],
            core_axis_name="s",
            dimension_semantics=(pltpu.PARALLEL,),
        )(i_hbm, o_hbm)

    return k(y_sorted, dest)


def _expert_body(co_ref, tok_ref, w1_ref, b1_ref, w2_ref, b2_ref,
                 scale_ref, out_ref, h1_ref):
    scale = scale_ref[0, 0]

    for e in range(E):
        t = tok_ref[pl.ds(e * CAP, CAP), :C]
        h1_ref[pl.ds(e * CAP, CAP), :] = jax.lax.dot_general(
            t.astype(jnp.bfloat16), w1_ref[e], (((1,), (0,)), ((), ())),
            preferred_element_type=jnp.float32) + b1_ref[e]

    h1 = h1_ref[:]
    h1_ref[:] = (0.5 * h1 * (1.0 + jax.lax.erf(h1 * 0.7071067811865476))
                 ).astype(jnp.bfloat16).astype(jnp.float32)

    for e in range(E):
        t = tok_ref[pl.ds(e * CAP, CAP), :C]
        ye = jax.lax.dot_general(
            h1_ref[pl.ds(e * CAP, CAP), :].astype(jnp.bfloat16),
            w2_ref[e], (((1,), (0,)), ((), ())),
            preferred_element_type=jnp.float32) + b2_ref[e]
        out_ref[pl.ds(e * CAP, CAP), :C] = t + scale * ye

    def mlp(t, e_w1, e_b1, e_w2, e_b2):
        h1 = jax.lax.dot_general(
            t.astype(jnp.bfloat16), e_w1, (((1,), (0,)), ((), ())),
            preferred_element_type=jnp.float32) + e_b1
        h1 = 0.5 * h1 * (1.0 + jax.lax.erf(h1 * 0.7071067811865476))
        ye = jax.lax.dot_general(
            h1.astype(jnp.bfloat16), e_w2, (((1,), (0,)), ((), ())),
            preferred_element_type=jnp.float32) + e_b2
        return t + scale * ye

    novf = co_ref[0, NCHUNK_OVF]

    def step(j, carry):
        e = co_ref[0, j]
        t = tok_ref[pl.ds(OVF_BASE + j * RB, RB), :C]
        out_ref[pl.ds(OVF_BASE + j * RB, RB), :C] = mlp(
            t, w1_ref[e], b1_ref[e], w2_ref[e], b2_ref[e])
        return carry

    jax.lax.fori_loop(0, novf, step, 0)


def _expert_compute(co, sorted_tokens, W1, b1, W2, b2, scale):
    grid_spec = pltpu.PrefetchScalarGridSpec(
        num_scalar_prefetch=1,
        grid=(1,),
        in_specs=[
            pl.BlockSpec((NBUF, CP), lambda i, co: (0, 0)),
            pl.BlockSpec((E, C, HID), lambda i, co: (0, 0, 0)),
            pl.BlockSpec((E, 1, HID), lambda i, co: (0, 0, 0)),
            pl.BlockSpec((E, HID, C), lambda i, co: (0, 0, 0)),
            pl.BlockSpec((E, 1, C), lambda i, co: (0, 0, 0)),
            pl.BlockSpec((1, 1), lambda i, co: (0, 0)),
        ],
        out_specs=pl.BlockSpec((NBUF, CP), lambda i, co: (0, 0)),
        scratch_shapes=[pltpu.VMEM((PRIM, HID), jnp.float32)],
    )
    return pl.pallas_call(
        _expert_body,
        grid_spec=grid_spec,
        out_shape=jax.ShapeDtypeStruct((NBUF, CP), jnp.float32),
    )(co, sorted_tokens,
      jnp.transpose(W1.astype(jnp.bfloat16), (0, 2, 1)),
      b1.reshape(E, 1, HID),
      jnp.transpose(W2.astype(jnp.bfloat16), (0, 2, 1)),
      b2.reshape(E, 1, C), scale.reshape(1, 1))


def kernel(x, Wr, br, W1, b1, W2, b2, scale):
    b, c, h, w = x.shape
    tokens = jnp.transpose(x, (0, 2, 3, 1)).reshape(b * h * w, c)
    tokens_pad = jnp.zeros((NPAD, CP), jnp.float32).at[:N, :C].set(tokens)

    dest, co = _router_meta(tokens_pad, Wr, br)
    sorted_tokens = _sc_scatter(tokens_pad, dest)
    y_sorted = _expert_compute(co, sorted_tokens, W1, b1, W2, b2, scale)
    y_tokens = _sc_gather(y_sorted, dest)

    return jnp.transpose(y_tokens[:N, :C].reshape(b, h, w, c), (0, 3, 1, 2))

# --- scband reference (transcript-rebuilt; emitter-appended) ---
"""Pipeline reference for scband-sparse-top-kmo-e-4801773437213 (READ-ONLY COPY).

The authoritative reference and input builder live on the scoring server;
editing this copy changes nothing except your own understanding.
"""

import jax, jax.numpy as jnp
import numpy as np

B, C, H, W = 4, 96, 14, 14
E = 64
K = 1
HID = int(C * 2.0)


def setup_inputs(seed: int = 0) -> dict:
    key = jax.random.key(seed)
    ks = jax.random.split(key, 8)
    x = jax.random.normal(ks[0], (B, C, H, W), dtype=jnp.float32)
    Wr = jax.random.normal(ks[1], (E, C), dtype=jnp.float32) * 0.02
    br = jnp.zeros((E,), dtype=jnp.float32)
    W1 = jax.random.normal(ks[2], (E, HID, C), dtype=jnp.float32) * 0.02
    b1 = jnp.zeros((E, HID), dtype=jnp.float32)
    W2 = jax.random.normal(ks[3], (E, C, HID), dtype=jnp.float32) * 0.02
    b2 = jnp.zeros((E, C), dtype=jnp.float32)
    scale = jax.random.normal(ks[4], (1,), dtype=jnp.float32) * 0.1
    return {"x": x, "Wr": Wr, "br": br, "W1": W1, "b1": b1, "W2": W2, "b2": b2, "scale": scale}


def reference(x, Wr, br, W1, b1, W2, b2, scale):
    b, c, h, w = x.shape
    tokens = jnp.transpose(x, (0, 2, 3, 1)).reshape(b, h * w, c)
    # router
    logits = tokens @ Wr.T + br  # (b, n, E)
    topv, topi = jax.lax.top_k(logits, K)  # (b, n, K)
    wts = jax.nn.softmax(topv, axis=-1)  # (b, n, K)
    # dense evaluation of all experts (same math as sparse masked loop)
    h1 = jnp.einsum('bnc,ehc->bneh', tokens, W1) + b1[None, None, :, :]
    h1 = jax.nn.gelu(h1, approximate=False)
    ye = jnp.einsum('bneh,ech->bnec', h1, W2) + b2[None, None, :, :]  # (b, n, E, c)
    # combine weights: sum_k wts_k * onehot(topi_k)
    combine = jnp.sum(jax.nn.one_hot(topi, E, dtype=jnp.float32) * wts[..., None], axis=2)  # (b, n, E)
    out = jnp.einsum('bne,bnec->bnc', combine, ye)  # (b, n, c)
    out = jnp.transpose(out.reshape(b, h, w, c), (0, 3, 1, 2))
    y = x + scale.reshape(1, 1, 1, 1) * out
    return y

if __name__ == "__main__":
    import jax
    _d = setup_inputs()
    print(jax.jit(kernel)(*tuple(_d.values())))

</pallas_src>

<mosaic_0001>
#map = affine_map<(d0, d1) -> (0, 0)>
module attributes {stable_mosaic.version = 14 : i64} {
  func.func @k(%arg0: i32, %arg1: i32, %arg2: memref<3376x128xf32, #tpu.memory_space<hbm>>, %arg3: memref<1x896xi32, #tpu.memory_space<hbm>>, %arg4: memref<896x128xf32, #tpu.memory_space<hbm>>) attributes {dimension_semantics = [#tpu.dimension_semantics<core_parallel>, #tpu.dimension_semantics<subcore_parallel>], iteration_bounds = array<i64: 2, 16>, scalar_prefetch = 0 : i64, scratch_operands = 0 : i64, tpu.core_type = #tpu.core_type<sc_vector_subcore>, window_params = [{transform_indices = #map}, {transform_indices = #map}, {transform_indices = #map}]} {
    %lt3A = arith.constant 7 : i32
    %lt3A_0 = arith.cmpi slt, %arg1, %lt3A : i32
    %jit3A = arith.constant 1 : i32
    %jit3A_1 = arith.constant 0 : i32
    %select_n3A = arith.select %lt3A_0, %jit3A, %jit3A_1 : i32
    %lt3A_2 = arith.constant 7 : i32
    %lt3A_3 = arith.cmpi slt, %arg1, %lt3A_2 : i32
    %mul3A = arith.muli %arg1, %select_n3A : i32
    %mul3A_4 = arith.constant 0 : i32
    %mul3A_5 = arith.muli %arg1, %mul3A_4 : i32
    %add3A = arith.constant 7 : i32
    %add3A_6 = arith.addi %mul3A_5, %add3A : i32
    %select_n3A_7 = arith.select %lt3A_3, %mul3A, %add3A_6 : i32
    %mul3A_8 = arith.constant 1 : i32
    %mul3A_9 = arith.muli %mul3A_8, %select_n3A : i32
    "tpu.region"() ({
      %run_scoped3A = memref.alloca() : memref<2x1x128xi32, #tpu.memory_space<vmem>>
      %run_scoped3A_10 = tpu.sem_alloc : memref<2x!tpu.dma_semaphore, #tpu.memory_space<semaphore_mem>>
      %run_scoped3A_11 = memref.alloca() : memref<2x128x128xf32, #tpu.memory_space<vmem>>
      %run_scoped3A_12 = tpu.sem_alloc : memref<2x!tpu.dma_semaphore, #tpu.memory_space<semaphore_mem>>
      %gt3A = arith.constant 0 : i32
      %gt3A_13 = arith.cmpi sgt, %mul3A_9, %gt3A : i32
      %convert_element_type3A = arith.extui %gt3A_13 : i1 to i32
      %cond3A = arith.constant 0 : i32
      %cond3A_14 = arith.cmpi ne, %convert_element_type3A, %cond3A : i32
      scf.if %cond3A_14 {
        %mul3A_15 = arith.constant 1 : i32
        %mul3A_16 = arith.muli %mul3A_15, %select_n3A : i32
        %sub3A = arith.constant 1 : i32
        %sub3A_17 = arith.subi %mul3A_16, %sub3A : i32
        %eq3A = arith.constant 0 : i32
        %eq3A_18 = arith.cmpi eq, %sub3A_17, %eq3A : i32
        %add3A_19 = arith.constant 0 : i32
        %add3A_20 = arith.addi %add3A_19, %select_n3A_7 : i32
        %select_n3A_21 = arith.constant true
        %select_n3A_22 = arith.constant 0 : i32
        %select_n3A_23 = arith.constant -1 : i32
        %select_n3A_24 = arith.select %select_n3A_21, %select_n3A_23, %select_n3A_22 : i32
        %eq3A_25 = arith.constant -1 : i32
        %eq3A_26 = arith.cmpi eq, %select_n3A_24, %eq3A_25 : i32
        %sub3A_27 = arith.constant 1 : i32
        %sub3A_28 = arith.subi %select_n3A, %sub3A_27 : i32
        %select_n3A_29 = arith.select %eq3A_26, %sub3A_28, %select_n3A_24 : i32
        %add3A_30 = arith.addi %select_n3A_29, %select_n3A_7 : i32
        %select_n3A_31 = arith.constant true
        %select_n3A_32 = arith.constant 0 : i32
        %select_n3A_33 = arith.constant 1 : i32
        %select_n3A_34 = arith.select %select_n3A_31, %select_n3A_33, %select_n3A_32 : i32
        %eq3A_35 = arith.cmpi eq, %select_n3A_34, %select_n3A : i32
        %select_n3A_36 = arith.constant 0 : i32
        %select_n3A_37 = arith.select %eq3A_35, %select_n3A_36, %select_n3A_34 : i32
        %add3A_38 = arith.addi %select_n3A_37, %select_n3A_7 : i32
        %add3A_39 = arith.constant 1 : i32
        %add3A_40 = arith.addi %select_n3A_37, %add3A_39 : i32
        %select_n3A_41 = arith.constant true
        %select_n3A_42 = arith.select %select_n3A_41, %add3A_40, %select_n3A_37 : i32
        %eq3A_43 = arith.cmpi eq, %select_n3A_42, %select_n3A : i32
        %select_n3A_44 = arith.constant 0 : i32
        %select_n3A_45 = arith.select %eq3A_43, %select_n3A_44, %select_n3A_42 : i32
        %add3A_46 = arith.addi %select_n3A_45, %select_n3A_7 : i32
        "tpu.trace_start"() <{level = 10 : i32, message = "ep_initialize_0"}> : () -> ()
        %rem3A = arith.constant 0 : i32
        %rem3A_47 = arith.constant 2 : i32
        %rem3A_48 = arith.remui %rem3A, %rem3A_47 : i32
        %mul3A_49 = arith.constant 128 : i32
        %mul3A_50 = arith.muli %mul3A_49, %add3A_20 : i32
        %dma_start3A = arith.constant 0 : i32
        %dma_start3A_51 = arith.constant 0 : i32
        %dma_start3A_52 = tpu.memref_slice %run_scoped3A[%rem3A_48, %dma_start3A, %dma_start3A_51] : memref<2x1x128xi32, #tpu.memory_space<vmem>> -> memref<1x1x128xi32, #tpu.memory_space<vmem>>
        %dma_start3A_53 = tpu.memref_squeeze %dma_start3A_52 : memref<1x1x128xi32, #tpu.memory_space<vmem>> -> memref<1x128xi32, #tpu.memory_space<vmem>>
        %dma_start3A_54 = arith.constant 0 : i32
        %dma_start3A_55 = tpu.memref_slice %arg3[%dma_start3A_54, %mul3A_50] : memref<1x896xi32, #tpu.memory_space<hbm>> -> memref<1x128xi32, #tpu.memory_space<hbm>>
        %dma_start3A_56 = tpu.memref_slice %run_scoped3A_10[%rem3A_48] : memref<2x!tpu.dma_semaphore, #tpu.memory_space<semaphore_mem>> -> memref<1x!tpu.dma_semaphore, #tpu.memory_space<semaphore_mem>>
        %dma_start3A_57 = tpu.memref_squeeze %dma_start3A_56 : memref<1x!tpu.dma_semaphore, #tpu.memory_space<semaphore_mem>> -> memref<!tpu.dma_semaphore, #tpu.memory_space<semaphore_mem>>
        %dma_start3A_58 = arith.constant 0 : i32
        %dma_start3A_59 = arith.constant 0 : i32
        %dma_start3A_60 = tpu.memref_slice %run_scoped3A[%rem3A_48, %dma_start3A_58, %dma_start3A_59] : memref<2x1x128xi32, #tpu.memory_space<vmem>> -> memref<1x1x128xi32, #tpu.memory_space<vmem>>
        %dma_start3A_61 = tpu.memref_squeeze %dma_start3A_60 : memref<1x1x128xi32, #tpu.memory_space<vmem>> -> memref<1x128xi32, #tpu.memory_space<vmem>>
        %dma_start3A_62 = arith.constant 0 : i32
        %dma_start3A_63 = tpu.memref_slice %arg3[%dma_start3A_62, %mul3A_50] : memref<1x896xi32, #tpu.memory_space<hbm>> -> memref<1x128xi32, #tpu.memory_space<hbm>>
        tpu.enqueue_dma source(%dma_start3A_63 : memref<1x128xi32, #tpu.memory_space<hbm>>) target(%dma_start3A_61 : memref<1x128xi32, #tpu.memory_space<vmem>>) target_semaphore(%dma_start3A_57 : memref<!tpu.dma_semaphore, #tpu.memory_space<semaphore_mem>>)
        %add3A_64 = arith.constant 0 : i32
        %add3A_65 = arith.constant 1 : i32
        %add3A_66 = arith.addi %add3A_64, %add3A_65 : i32
        %select_n3A_67 = arith.constant true
        %select_n3A_68 = arith.constant 0 : i32
        %select_n3A_69 = arith.select %select_n3A_67, %add3A_66, %select_n3A_68 : i32
        %while3A = arith.constant 0 : i32
        %while3A_70 = arith.constant 0 : i32
        %while3A_71 = arith.constant 0 : i32
        %while3A_72 = arith.constant 0 : i32
        %while3A_73 = arith.constant 0 : i32
        "tpu.trace_stop"() : () -> ()
        %while3A_74 = arith.subi %mul3A_9, %while3A : i32
        %while3A_75 = arith.addi %while3A, %while3A_74 : i32
        %while3A_76 = arith.constant 1 : i32
        %while3A_77 = arith.divsi %while3A_74, %while3A_76 : i32
        %while3A_78 = arith.muli %while3A_77, %while3A_76 : i32
        %while3A_79 = arith.addi %while3A, %while3A_78 : i32
        %while3A_80 = arith.constant 1 : i32
        %while3A_81:5 = scf.for %while3A_135 = %while3A to %while3A_79 step %while3A_80 iter_args(%while3A_136 = %select_n3A_69, %while3A_137 = %while3A_70, %while3A_138 = %while3A_71, %while3A_139 = %while3A_72, %while3A_140 = %while3A_73) -> (i32, i32, i32, i32, i32)  : i32 {
          %mul3A_141 = arith.constant 1 : i32
          %mul3A_142 = arith.muli %mul3A_141, %select_n3A : i32
          %eq3A_143 = arith.constant 0 : i32
          %eq3A_144 = arith.cmpi eq, %while3A_135, %eq3A_143 : i32
          %sub3A_145 = arith.constant 1 : i32
          %sub3A_146 = arith.subi %mul3A_142, %sub3A_145 : i32
          %eq3A_147 = arith.cmpi eq, %while3A_135, %sub3A_146 : i32
          %add3A_148 = arith.addi %while3A_140, %select_n3A_7 : i32
          %sub3A_149 = arith.constant 1 : i32
          %sub3A_150 = arith.subi %while3A_140, %sub3A_149 : i32
          %select_n3A_151 = arith.constant true
          %select_n3A_152 = arith.select %select_n3A_151, %sub3A_150, %while3A_140 : i32
          %eq3A_153 = arith.constant -1 : i32
          %eq3A_154 = arith.cmpi eq, %select_n3A_152, %eq3A_153 : i32
          %sub3A_155 = arith.constant 1 : i32
          %sub3A_156 = arith.subi %select_n3A, %sub3A_155 : i32
          %select_n3A_157 = arith.select %eq3A_154, %sub3A_156, %select_n3A_152 : i32
          %add3A_158 = arith.addi %select_n3A_157, %select_n3A_7 : i32
          %add3A_159 = arith.constant 1 : i32
          %add3A_160 = arith.addi %while3A_140, %add3A_159 : i32
          %select_n3A_161 = arith.constant true
          %select_n3A_162 = arith.select %select_n3A_161, %add3A_160, %while3A_140 : i32
          %eq3A_163 = arith.cmpi eq, %select_n3A_162, %select_n3A : i32
          %select_n3A_164 = arith.constant 0 : i32
          %select_n3A_165 = arith.select %eq3A_163, %select_n3A_164, %select_n3A_162 : i32
          %add3A_166 = arith.addi %select_n3A_165, %select_n3A_7 : i32
          %add3A_167 = arith.constant 1 : i32
          %add3A_168 = arith.addi %select_n3A_165, %add3A_167 : i32
          %select_n3A_169 = arith.constant true
          %select_n3A_170 = arith.select %select_n3A_169, %add3A_168, %select_n3A_165 : i32
          %eq3A_171 = arith.cmpi eq, %select_n3A_170, %select_n3A : i32
          %select_n3A_172 = arith.constant 0 : i32
          %select_n3A_173 = arith.select %eq3A_171, %select_n3A_172, %select_n3A_170 : i32
          %add3A_174 = arith.addi %select_n3A_173, %select_n3A_7 : i32
          %ne3A = arith.cmpi ne, %add3A_148, %add3A_166 : i32
          %or3A = arith.constant false
          %or3A_175 = arith.ori %or3A, %ne3A : i1
          %sub3A_176 = arith.constant 2 : i32
          %sub3A_177 = arith.subi %mul3A_142, %sub3A_176 : i32
          %add3A_178 = arith.constant 1 : i32
          %add3A_179 = arith.addi %sub3A_177, %add3A_178 : i32
          %ge3A = arith.cmpi sge, %while3A_135, %add3A_179 : i32
          %not3A = arith.constant true
          %not3A_180 = arith.xori %ge3A, %not3A : i1
          %and3A = arith.andi %or3A_175, %not3A_180 : i1
          %convert_element_type3A_181 = arith.extui %and3A : i1 to i32
          %cond3A_182 = arith.constant 0 : i32
          %cond3A_183 = arith.cmpi ne, %convert_element_type3A_181, %cond3A_182 : i32
          scf.if %cond3A_183 {
            "tpu.trace_start"() <{level = 10 : i32, message = "ep_copy_in"}> : () -> ()
            %rem3A_287 = arith.constant 2 : i32
            %rem3A_288 = arith.remui %while3A_136, %rem3A_287 : i32
            %mul3A_289 = arith.constant 128 : i32
            %mul3A_290 = arith.muli %mul3A_289, %add3A_166 : i32
            %dma_start3A_291 = arith.constant 0 : i32
            %dma_start3A_292 = arith.constant 0 : i32
            %dma_start3A_293 = tpu.memref_slice %run_scoped3A[%rem3A_288, %dma_start3A_291, %dma_start3A_292] : memref<2x1x128xi32, #tpu.memory_space<vmem>> -> memref<1x1x128xi32, #tpu.memory_space<vmem>>
            %dma_start3A_294 = tpu.memref_squeeze %dma_start3A_293 : memref<1x1x128xi32, #tpu.memory_space<vmem>> -> memref<1x128xi32, #tpu.memory_space<vmem>>
            %dma_start3A_295 = arith.constant 0 : i32
            %dma_start3A_296 = tpu.memref_slice %arg3[%dma_start3A_295, %mul3A_290] : memref<1x896xi32, #tpu.memory_space<hbm>> -> memref<1x128xi32, #tpu.memory_space<hbm>>
            %dma_start3A_297 = tpu.memref_slice %run_scoped3A_10[%rem3A_288] : memref<2x!tpu.dma_semaphore, #tpu.memory_space<semaphore_mem>> -> memref<1x!tpu.dma_semaphore, #tpu.memory_space<semaphore_mem>>
            %dma_start3A_298 = tpu.memref_squeeze %dma_start3A_297 : memref<1x!tpu.dma_semaphore, #tpu.memory_space<semaphore_mem>> -> memref<!tpu.dma_semaphore, #tpu.memory_space<semaphore_mem>>
            %dma_start3A_299 = arith.constant 0 : i32
            %dma_start3A_300 = arith.constant 0 : i32
            %dma_start3A_301 = tpu.memref_slice %run_scoped3A[%rem3A_288, %dma_start3A_299, %dma_start3A_300] : memref<2x1x128xi32, #tpu.memory_space<vmem>> -> memref<1x1x128xi32, #tpu.memory_space<vmem>>
            %dma_start3A_302 = tpu.memref_squeeze %dma_start3A_301 : memref<1x1x128xi32, #tpu.memory_space<vmem>> -> memref<1x128xi32, #tpu.memory_space<vmem>>
            %dma_start3A_303 = arith.constant 0 : i32
            %dma_start3A_304 = tpu.memref_slice %arg3[%dma_start3A_303, %mul3A_290] : memref<1x896xi32, #tpu.memory_space<hbm>> -> memref<1x128xi32, #tpu.memory_space<hbm>>
            tpu.enqueue_dma source(%dma_start3A_304 : memref<1x128xi32, #tpu.memory_space<hbm>>) target(%dma_start3A_302 : memref<1x128xi32, #tpu.memory_space<vmem>>) target_semaphore(%dma_start3A_298 : memref<!tpu.dma_semaphore, #tpu.memory_space<semaphore_mem>>)
            "tpu.trace_stop"() : () -> ()
          } else {
          }
          %and3A_184 = arith.constant true
          %and3A_185 = arith.andi %and3A, %and3A_184 : i1
          %add3A_186 = arith.constant 1 : i32
          %add3A_187 = arith.addi %while3A_136, %add3A_186 : i32
          %select_n3A_188 = arith.select %and3A_185, %add3A_187, %while3A_136 : i32
          %ne3A_189 = arith.cmpi ne, %add3A_148, %add3A_166 : i32
          %or3A_190 = arith.constant false
          %or3A_191 = arith.ori %or3A_190, %ne3A_189 : i1
          %or3A_192 = arith.constant false
          %or3A_193 = arith.ori %or3A_191, %or3A_192 : i1
          %sub3A_194 = arith.constant 2 : i32
          %sub3A_195 = arith.subi %mul3A_142, %sub3A_194 : i32
          %add3A_196 = arith.constant 1 : i32
          %add3A_197 = arith.addi %sub3A_195, %add3A_196 : i32
          %ge3A_198 = arith.cmpi sge, %while3A_135, %add3A_197 : i32
          %not3A_199 = arith.constant true
          %not3A_200 = arith.xori %ge3A_198, %not3A_199 : i1
          %and3A_201 = arith.andi %or3A_193, %not3A_200 : i1
          %ne3A_202 = arith.cmpi ne, %add3A_148, %add3A_158 : i32
          %or3A_203 = arith.constant false
          %or3A_204 = arith.ori %or3A_203, %ne3A_202 : i1
          %or3A_205 = arith.ori %or3A_204, %eq3A_144 : i1
          %convert_element_type3A_206 = arith.extui %or3A_205 : i1 to i32
          %cond3A_207 = arith.constant 0 : i32
          %cond3A_208 = arith.cmpi ne, %convert_element_type3A_206, %cond3A_207 : i32
          scf.if %cond3A_208 {
            "tpu.trace_start"() <{level = 10 : i32, message = "ep_wait_in"}> : () -> ()
            %mul3A_287 = arith.constant 128 : i32
            %mul3A_288 = arith.muli %mul3A_287, %add3A_148 : i32
            %rem3A_289 = arith.constant 2 : i32
            %rem3A_290 = arith.remui %while3A_137, %rem3A_289 : i32
            %dma_wait3A = arith.constant 0 : i32
            %dma_wait3A_291 = arith.constant 0 : i32
            %dma_wait3A_292 = tpu.memref_slice %run_scoped3A[%rem3A_290, %dma_wait3A, %dma_wait3A_291] : memref<2x1x128xi32, #tpu.memory_space<vmem>> -> memref<1x1x128xi32, #tpu.memory_space<vmem>>
            %dma_wait3A_293 = tpu.memref_squeeze %dma_wait3A_292 : memref<1x1x128xi32, #tpu.memory_space<vmem>> -> memref<1x128xi32, #tpu.memory_space<vmem>>
            %dma_wait3A_294 = arith.constant 0 : i32
            %dma_wait3A_295 = tpu.memref_slice %arg3[%dma_wait3A_294, %mul3A_288] : memref<1x896xi32, #tpu.memory_space<hbm>> -> memref<1x128xi32, #tpu.memory_space<hbm>>
            %dma_wait3A_296 = tpu.memref_slice %run_scoped3A_10[%rem3A_290] : memref<2x!tpu.dma_semaphore, #tpu.memory_space<semaphore_mem>> -> memref<1x!tpu.dma_semaphore, #tpu.memory_space<semaphore_mem>>
            %dma_wait3A_297 = tpu.memref_squeeze %dma_wait3A_296 : memref<1x!tpu.dma_semaphore, #tpu.memory_space<semaphore_mem>> -> memref<!tpu.dma_semaphore, #tpu.memory_space<semaphore_mem>>
            %dma_wait3A_298 = arith.constant 0 : i32
            %dma_wait3A_299 = arith.constant 0 : i32
            %dma_wait3A_300 = tpu.memref_slice %run_scoped3A[%rem3A_290, %dma_wait3A_298, %dma_wait3A_299] : memref<2x1x128xi32, #tpu.memory_space<vmem>> -> memref<1x1x128xi32, #tpu.memory_space<vmem>>
            %dma_wait3A_301 = tpu.memref_squeeze %dma_wait3A_300 : memref<1x1x128xi32, #tpu.memory_space<vmem>> -> memref<1x128xi32, #tpu.memory_space<vmem>>
            %dma_wait3A_302 = arith.constant 0 : i32
            %dma_wait3A_303 = tpu.memref_slice %arg3[%dma_wait3A_302, %mul3A_288] : memref<1x896xi32, #tpu.memory_space<hbm>> -> memref<1x128xi32, #tpu.memory_space<hbm>>
            tpu.wait_dma2 semaphore(%dma_wait3A_297 : memref<!tpu.dma_semaphore, #tpu.memory_space<semaphore_mem>>) src(%dma_wait3A_303 : memref<1x128xi32, #tpu.memory_space<hbm>>) dst(%dma_wait3A_301 : memref<1x128xi32, #tpu.memory_space<vmem>>)
            "tpu.trace_stop"() : () -> ()
          } else {
          }
          %ne3A_209 = arith.cmpi ne, %add3A_148, %add3A_158 : i32
          %or3A_210 = arith.constant false
          %or3A_211 = arith.ori %or3A_210, %ne3A_209 : i1
          %or3A_212 = arith.constant false
          %or3A_213 = arith.ori %or3A_211, %or3A_212 : i1
          %or3A_214 = arith.ori %or3A_213, %eq3A_144 : i1
          %convert_element_type3A_215 = arith.extui %or3A_214 : i1 to i32
          %cond3A_216 = arith.constant 0 : i32
          %cond3A_217 = arith.cmpi ne, %convert_element_type3A_215, %cond3A_216 : i32
          scf.if %cond3A_217 {
          } else {
          }
          %rem3A_218 = arith.constant 2 : i32
          %rem3A_219 = arith.remui %while3A_137, %rem3A_218 : i32
          %rem3A_220 = arith.constant 2 : i32
          %rem3A_221 = arith.remui %while3A_138, %rem3A_220 : i32
          %run_scoped3A_222 = arith.constant 0 : i32
          "tpu.trace_start"() <{level = 10 : i32, message = "ep_run_kernel"}> : () -> ()
          "tpu.region"() ({
            %run_scoped3A_287 = tpu.sem_alloc : memref<!tpu.dma_semaphore, #tpu.memory_space<semaphore_mem>>
            %dma_start3A_288 = arith.constant 0 : i32
            %dma_start3A_289 = arith.constant 0 : i32
            %dma_start3A_290 = tpu.memref_slice %run_scoped3A_11[%rem3A_221, %dma_start3A_288, %dma_start3A_289] : memref<2x128x128xf32, #tpu.memory_space<vmem>> -> memref<1x128x128xf32, #tpu.memory_space<vmem>>
            %dma_start3A_291 = tpu.memref_squeeze %dma_start3A_290 : memref<1x128x128xf32, #tpu.memory_space<vmem>> -> memref<128x128xf32, #tpu.memory_space<vmem>>
            %dma_start3A_292 = arith.constant 0 : i32
            %dma_start3A_293 = arith.constant 0 : i32
            %dma_start3A_294 = tpu.memref_slice %run_scoped3A[%rem3A_219, %dma_start3A_292, %dma_start3A_293] : memref<2x1x128xi32, #tpu.memory_space<vmem>> -> memref<1x1x128xi32, #tpu.memory_space<vmem>>
            %dma_start3A_295 = tpu.memref_squeeze %dma_start3A_294 : memref<1x1x128xi32, #tpu.memory_space<vmem>> -> memref<1x128xi32, #tpu.memory_space<vmem>>
            %dma_start3A_296 = arith.constant 0 : i32
            %dma_start3A_297 = tpu.memref_slice %dma_start3A_295[%run_scoped3A_222, %dma_start3A_296] : memref<1x128xi32, #tpu.memory_space<vmem>> -> memref<1x128xi32, #tpu.memory_space<vmem>>
            %dma_start3A_298 = tpu.memref_squeeze %dma_start3A_297 : memref<1x128xi32, #tpu.memory_space<vmem>> -> memref<128xi32, #tpu.memory_space<vmem>>
            %dma_start3A_299 = arith.constant 0 : i32
            %dma_start3A_300 = arith.constant 0 : i32
            %dma_start3A_301 = tpu.memref_slice %arg2[%dma_start3A_299, %dma_start3A_300] : memref<3376x128xf32, #tpu.memory_space<hbm>> -> memref<3376x128xf32, #tpu.memory_space<hbm>>
            tpu.enqueue_indirect_dma source(%dma_start3A_301 : memref<3376x128xf32, #tpu.memory_space<hbm>>) target(%dma_start3A_291 : memref<128x128xf32, #tpu.memory_space<vmem>>) offsets(%dma_start3A_298 : memref<128xi32, #tpu.memory_space<vmem>>) semaphore(%run_scoped3A_287 : memref<!tpu.dma_semaphore, #tpu.memory_space<semaphore_mem>>)
            %dma_wait3A = arith.constant 0 : i32
            %dma_wait3A_302 = arith.constant 0 : i32
            %dma_wait3A_303 = tpu.memref_slice %run_scoped3A_11[%rem3A_221, %dma_wait3A, %dma_wait3A_302] : memref<2x128x128xf32, #tpu.memory_space<vmem>> -> memref<1x128x128xf32, #tpu.memory_space<vmem>>
            %dma_wait3A_304 = tpu.memref_squeeze %dma_wait3A_303 : memref<1x128x128xf32, #tpu.memory_space<vmem>> -> memref<128x128xf32, #tpu.memory_space<vmem>>
            %dma_wait3A_305 = arith.constant 0 : i32
            %dma_wait3A_306 = arith.constant 0 : i32
            %dma_wait3A_307 = tpu.memref_slice %run_scoped3A[%rem3A_219, %dma_wait3A_305, %dma_wait3A_306] : memref<2x1x128xi32, #tpu.memory_space<vmem>> -> memref<1x1x128xi32, #tpu.memory_space<vmem>>
            %dma_wait3A_308 = tpu.memref_squeeze %dma_wait3A_307 : memref<1x1x128xi32, #tpu.memory_space<vmem>> -> memref<1x128xi32, #tpu.memory_space<vmem>>
            %dma_wait3A_309 = arith.constant 0 : i32
            %dma_wait3A_310 = tpu.memref_slice %dma_wait3A_308[%run_scoped3A_222, %dma_wait3A_309] : memref<1x128xi32, #tpu.memory_space<vmem>> -> memref<1x128xi32, #tpu.memory_space<vmem>>
            %dma_wait3A_311 = tpu.memref_squeeze %dma_wait3A_310 : memref<1x128xi32, #tpu.memory_space<vmem>> -> memref<128xi32, #tpu.memory_space<vmem>>
            %dma_wait3A_312 = arith.constant 0 : i32
            %dma_wait3A_313 = arith.constant 0 : i32
            %dma_wait3A_314 = tpu.memref_slice %arg2[%dma_wait3A_312, %dma_wait3A_313] : memref<3376x128xf32, #tpu.memory_space<hbm>> -> memref<3376x128xf32, #tpu.memory_space<hbm>>
            tpu.wait_indirect_dma semaphore(%run_scoped3A_287 : memref<!tpu.dma_semaphore, #tpu.memory_space<semaphore_mem>>) src(%dma_wait3A_314 : memref<3376x128xf32, #tpu.memory_space<hbm>>) dst(%dma_wait3A_304 : memref<128x128xf32, #tpu.memory_space<vmem>>)
            tpu.yield
          }) : () -> ()
          "tpu.trace_stop"() : () -> ()
          %ne3A_223 = arith.cmpi ne, %add3A_148, %add3A_166 : i32
          %or3A_224 = arith.constant false
          %or3A_225 = arith.ori %or3A_224, %ne3A_223 : i1
          %or3A_226 = arith.ori %or3A_225, %eq3A_147 : i1
          %convert_element_type3A_227 = arith.extui %or3A_226 : i1 to i32
          %cond3A_228 = arith.constant 0 : i32
          %cond3A_229 = arith.cmpi ne, %convert_element_type3A_227, %cond3A_228 : i32
          scf.if %cond3A_229 {
          } else {
          }
          %and3A_230 = arith.constant false
          %and3A_231 = arith.andi %or3A_226, %and3A_230 : i1
          %ne3A_232 = arith.cmpi ne, %add3A_148, %add3A_166 : i32
          %or3A_233 = arith.constant false
          %or3A_234 = arith.ori %or3A_233, %ne3A_232 : i1
          %or3A_235 = arith.constant false
          %or3A_236 = arith.ori %or3A_234, %or3A_235 : i1
          %or3A_237 = arith.ori %or3A_236, %eq3A_147 : i1
          %convert_element_type3A_238 = arith.extui %or3A_237 : i1 to i32
          %cond3A_239 = arith.constant 0 : i32
          %cond3A_240 = arith.cmpi ne, %convert_element_type3A_238, %cond3A_239 : i32
          scf.if %cond3A_240 {
            "tpu.trace_start"() <{level = 10 : i32, message = "ep_copy_out"}> : () -> ()
            %rem3A_287 = arith.constant 2 : i32
            %rem3A_288 = arith.remui %while3A_138, %rem3A_287 : i32
            %mul3A_289 = arith.constant 128 : i32
            %mul3A_290 = arith.muli %mul3A_289, %add3A_148 : i32
            %dma_start3A_291 = arith.constant 0 : i32
            %dma_start3A_292 = arith.constant 0 : i32
            %dma_start3A_293 = tpu.memref_slice %run_scoped3A_11[%rem3A_288, %dma_start3A_291, %dma_start3A_292] : memref<2x128x128xf32, #tpu.memory_space<vmem>> -> memref<1x128x128xf32, #tpu.memory_space<vmem>>
            %dma_start3A_294 = tpu.memref_squeeze %dma_start3A_293 : memref<1x128x128xf32, #tpu.memory_space<vmem>> -> memref<128x128xf32, #tpu.memory_space<vmem>>
            %dma_start3A_295 = arith.constant 0 : i32
            %dma_start3A_296 = tpu.memref_slice %arg4[%mul3A_290, %dma_start3A_295] : memref<896x128xf32, #tpu.memory_space<hbm>> -> memref<128x128xf32, #tpu.memory_space<hbm>>
            %dma_start3A_297 = tpu.memref_slice %run_scoped3A_12[%rem3A_288] : memref<2x!tpu.dma_semaphore, #tpu.memory_space<semaphore_mem>> -> memref<1x!tpu.dma_semaphore, #tpu.memory_space<semaphore_mem>>
            %dma_start3A_298 = tpu.memref_squeeze %dma_start3A_297 : memref<1x!tpu.dma_semaphore, #tpu.memory_space<semaphore_mem>> -> memref<!tpu.dma_semaphore, #tpu.memory_space<semaphore_mem>>
            %dma_start3A_299 = arith.constant 0 : i32
            %dma_start3A_300 = tpu.memref_slice %arg4[%mul3A_290, %dma_start3A_299] : memref<896x128xf32, #tpu.memory_space<hbm>> -> memref<128x128xf32, #tpu.memory_space<hbm>>
            %dma_start3A_301 = arith.constant 0 : i32
            %dma_start3A_302 = arith.constant 0 : i32
            %dma_start3A_303 = tpu.memref_slice %run_scoped3A_11[%rem3A_288, %dma_start3A_301, %dma_start3A_302] : memref<2x128x128xf32, #tpu.memory_space<vmem>> -> memref<1x128x128xf32, #tpu.memory_space<vmem>>
            %dma_start3A_304 = tpu.memref_squeeze %dma_start3A_303 : memref<1x128x128xf32, #tpu.memory_space<vmem>> -> memref<128x128xf32, #tpu.memory_space<vmem>>
            tpu.enqueue_dma source(%dma_start3A_304 : memref<128x128xf32, #tpu.memory_space<vmem>>) target(%dma_start3A_300 : memref<128x128xf32, #tpu.memory_space<hbm>>) target_semaphore(%dma_start3A_298 : memref<!tpu.dma_semaphore, #tpu.memory_space<semaphore_mem>>)
            "tpu.trace_stop"() : () -> ()
          } else {
          }
          %and3A_241 = arith.constant true
          %and3A_242 = arith.andi %or3A_237, %and3A_241 : i1
          %add3A_243 = arith.constant 1 : i32
          %add3A_244 = arith.addi %while3A_138, %add3A_243 : i32
          %select_n3A_245 = arith.select %and3A_242, %add3A_244, %while3A_138 : i32
          %ne3A_246 = arith.cmpi ne, %add3A_148, %add3A_158 : i32
          %or3A_247 = arith.constant false
          %or3A_248 = arith.ori %or3A_247, %ne3A_246 : i1
          %not3A_249 = arith.constant true
          %not3A_250 = arith.xori %eq3A_144, %not3A_249 : i1
          %and3A_251 = arith.andi %or3A_248, %not3A_250 : i1
          %convert_element_type3A_252 = arith.extui %and3A_251 : i1 to i32
          %cond3A_253 = arith.constant 0 : i32
          %cond3A_254 = arith.cmpi ne, %convert_element_type3A_252, %cond3A_253 : i32
          scf.if %cond3A_254 {
          } else {
          }
          %and3A_255 = arith.constant false
          %and3A_256 = arith.andi %and3A_251, %and3A_255 : i1
          %ne3A_257 = arith.cmpi ne, %add3A_148, %add3A_158 : i32
          %or3A_258 = arith.constant false
          %or3A_259 = arith.ori %or3A_258, %ne3A_257 : i1
          %or3A_260 = arith.constant false
          %or3A_261 = arith.ori %or3A_259, %or3A_260 : i1
          %not3A_262 = arith.constant true
          %not3A_263 = arith.xori %eq3A_144, %not3A_262 : i1
          %and3A_264 = arith.andi %or3A_261, %not3A_263 : i1
          %convert_element_type3A_265 = arith.extui %and3A_264 : i1 to i32
          %cond3A_266 = arith.constant 0 : i32
          %cond3A_267 = arith.cmpi ne, %convert_element_type3A_265, %cond3A_266 : i32
          scf.if %cond3A_267 {
            "tpu.trace_start"() <{level = 10 : i32, message = "ep_wait_out"}> : () -> ()
            %rem3A_287 = arith.constant 2 : i32
            %rem3A_288 = arith.remui %while3A_139, %rem3A_287 : i32
            %mul3A_289 = arith.constant 128 : i32
            %mul3A_290 = arith.muli %mul3A_289, %add3A_158 : i32
            %dma_wait3A = arith.constant 0 : i32
            %dma_wait3A_291 = arith.constant 0 : i32
            %dma_wait3A_292 = tpu.memref_slice %run_scoped3A_11[%rem3A_288, %dma_wait3A, %dma_wait3A_291] : memref<2x128x128xf32, #tpu.memory_space<vmem>> -> memref<1x128x128xf32, #tpu.memory_space<vmem>>
            %dma_wait3A_293 = tpu.memref_squeeze %dma_wait3A_292 : memref<1x128x128xf32, #tpu.memory_space<vmem>> -> memref<128x128xf32, #tpu.memory_space<vmem>>
            %dma_wait3A_294 = arith.constant 0 : i32
            %dma_wait3A_295 = tpu.memref_slice %arg4[%mul3A_290, %dma_wait3A_294] : memref<896x128xf32, #tpu.memory_space<hbm>> -> memref<128x128xf32, #tpu.memory_space<hbm>>
            %dma_wait3A_296 = tpu.memref_slice %run_scoped3A_12[%rem3A_288] : memref<2x!tpu.dma_semaphore, #tpu.memory_space<semaphore_mem>> -> memref<1x!tpu.dma_semaphore, #tpu.memory_space<semaphore_mem>>
            %dma_wait3A_297 = tpu.memref_squeeze %dma_wait3A_296 : memref<1x!tpu.dma_semaphore, #tpu.memory_space<semaphore_mem>> -> memref<!tpu.dma_semaphore, #tpu.memory_space<semaphore_mem>>
            %dma_wait3A_298 = arith.constant 0 : i32
            %dma_wait3A_299 = tpu.memref_slice %arg4[%mul3A_290, %dma_wait3A_298] : memref<896x128xf32, #tpu.memory_space<hbm>> -> memref<128x128xf32, #tpu.memory_space<hbm>>
            %dma_wait3A_300 = arith.constant 0 : i32
            %dma_wait3A_301 = arith.constant 0 : i32
            %dma_wait3A_302 = tpu.memref_slice %run_scoped3A_11[%rem3A_288, %dma_wait3A_300, %dma_wait3A_301] : memref<2x128x128xf32, #tpu.memory_space<vmem>> -> memref<1x128x128xf32, #tpu.memory_space<vmem>>
            %dma_wait3A_303 = tpu.memref_squeeze %dma_wait3A_302 : memref<1x128x128xf32, #tpu.memory_space<vmem>> -> memref<128x128xf32, #tpu.memory_space<vmem>>
            tpu.wait_dma2 semaphore(%dma_wait3A_297 : memref<!tpu.dma_semaphore, #tpu.memory_space<semaphore_mem>>) src(%dma_wait3A_303 : memref<128x128xf32, #tpu.memory_space<vmem>>) dst(%dma_wait3A_299 : memref<128x128xf32, #tpu.memory_space<hbm>>)
            "tpu.trace_stop"() : () -> ()
          } else {
          }
          %and3A_268 = arith.constant true
          %and3A_269 = arith.andi %and3A_264, %and3A_268 : i1
          %add3A_270 = arith.constant 1 : i32
          %add3A_271 = arith.addi %while3A_139, %add3A_270 : i32
          %select_n3A_272 = arith.select %and3A_269, %add3A_271, %while3A_139 : i32
          %ne3A_273 = arith.cmpi ne, %add3A_148, %add3A_166 : i32
          %or3A_274 = arith.constant false
          %or3A_275 = arith.ori %or3A_274, %ne3A_273 : i1
          %or3A_276 = arith.ori %or3A_275, %eq3A_147 : i1
          %add3A_277 = arith.constant 1 : i32
          %add3A_278 = arith.addi %while3A_137, %add3A_277 : i32
          %select_n3A_279 = arith.select %or3A_276, %add3A_278, %while3A_137 : i32
          %add3A_280 = arith.constant 1 : i32
          %add3A_281 = arith.addi %while3A_140, %add3A_280 : i32
          %select_n3A_282 = arith.constant true
          %select_n3A_283 = arith.select %select_n3A_282, %add3A_281, %while3A_140 : i32
          %eq3A_284 = arith.cmpi eq, %select_n3A_283, %select_n3A : i32
          %select_n3A_285 = arith.constant 0 : i32
          %select_n3A_286 = arith.select %eq3A_284, %select_n3A_285, %select_n3A_283 : i32
          scf.yield %select_n3A_188, %select_n3A_279, %select_n3A_245, %select_n3A_272, %select_n3A_286 : i32, i32, i32, i32, i32
        }
        %while3A_82 = arith.constant 1 : i32
        %while3A_83:5 = scf.for %while3A_135 = %while3A_79 to %while3A_75 step %while3A_82 iter_args(%while3A_136 = %while3A_81#0, %while3A_137 = %while3A_81#1, %while3A_138 = %while3A_81#2, %while3A_139 = %while3A_81#3, %while3A_140 = %while3A_81#4) -> (i32, i32, i32, i32, i32)  : i32 {
          %mul3A_141 = arith.constant 1 : i32
          %mul3A_142 = arith.muli %mul3A_141, %select_n3A : i32
          %eq3A_143 = arith.constant 0 : i32
          %eq3A_144 = arith.cmpi eq, %while3A_135, %eq3A_143 : i32
          %sub3A_145 = arith.constant 1 : i32
          %sub3A_146 = arith.subi %mul3A_142, %sub3A_145 : i32
          %eq3A_147 = arith.cmpi eq, %while3A_135, %sub3A_146 : i32
          %add3A_148 = arith.addi %while3A_140, %select_n3A_7 : i32
          %sub3A_149 = arith.constant 1 : i32
          %sub3A_150 = arith.subi %while3A_140, %sub3A_149 : i32
          %select_n3A_151 = arith.constant true
          %select_n3A_152 = arith.select %select_n3A_151, %sub3A_150, %while3A_140 : i32
          %eq3A_153 = arith.constant -1 : i32
          %eq3A_154 = arith.cmpi eq, %select_n3A_152, %eq3A_153 : i32
          %sub3A_155 = arith.constant 1 : i32
          %sub3A_156 = arith.subi %select_n3A, %sub3A_155 : i32
          %select_n3A_157 = arith.select %eq3A_154, %sub3A_156, %select_n3A_152 : i32
          %add3A_158 = arith.addi %select_n3A_157, %select_n3A_7 : i32
          %add3A_159 = arith.constant 1 : i32
          %add3A_160 = arith.addi %while3A_140, %add3A_159 : i32
          %select_n3A_161 = arith.constant true
          %select_n3A_162 = arith.select %select_n3A_161, %add3A_160, %while3A_140 : i32
          %eq3A_163 = arith.cmpi eq, %select_n3A_162, %select_n3A : i32
          %select_n3A_164 = arith.constant 0 : i32
          %select_n3A_165 = arith.select %eq3A_163, %select_n3A_164, %select_n3A_162 : i32
          %add3A_166 = arith.addi %select_n3A_165, %select_n3A_7 : i32
          %add3A_167 = arith.constant 1 : i32
          %add3A_168 = arith.addi %select_n3A_165, %add3A_167 : i32
          %select_n3A_169 = arith.constant true
          %select_n3A_170 = arith.select %select_n3A_169, %add3A_168, %select_n3A_165 : i32
          %eq3A_171 = arith.cmpi eq, %select_n3A_170, %select_n3A : i32
          %select_n3A_172 = arith.constant 0 : i32
          %select_n3A_173 = arith.select %eq3A_171, %select_n3A_172, %select_n3A_170 : i32
          %add3A_174 = arith.addi %select_n3A_173, %select_n3A_7 : i32
          %ne3A = arith.cmpi ne, %add3A_148, %add3A_166 : i32
          %or3A = arith.constant false
          %or3A_175 = arith.ori %or3A, %ne3A : i1
          %sub3A_176 = arith.constant 2 : i32
          %sub3A_177 = arith.subi %mul3A_142, %sub3A_176 : i32
          %add3A_178 = arith.constant 1 : i32
          %add3A_179 = arith.addi %sub3A_177, %add3A_178 : i32
          %ge3A = arith.cmpi sge, %while3A_135, %add3A_179 : i32
          %not3A = arith.constant true
          %not3A_180 = arith.xori %ge3A, %not3A : i1
          %and3A = arith.andi %or3A_175, %not3A_180 : i1
          %convert_element_type3A_181 = arith.extui %and3A : i1 to i32
          %cond3A_182 = arith.constant 0 : i32
          %cond3A_183 = arith.cmpi ne, %convert_element_type3A_181, %cond3A_182 : i32
          scf.if %cond3A_183 {
            "tpu.trace_start"() <{level = 10 : i32, message = "ep_copy_in"}> : () -> ()
            %rem3A_287 = arith.constant 2 : i32
            %rem3A_288 = arith.remui %while3A_136, %rem3A_287 : i32
            %mul3A_289 = arith.constant 128 : i32
            %mul3A_290 = arith.muli %mul3A_289, %add3A_166 : i32
            %dma_start3A_291 = arith.constant 0 : i32
            %dma_start3A_292 = arith.constant 0 : i32
            %dma_start3A_293 = tpu.memref_slice %run_scoped3A[%rem3A_288, %dma_start3A_291, %dma_start3A_292] : memref<2x1x128xi32, #tpu.memory_space<vmem>> -> memref<1x1x128xi32, #tpu.memory_space<vmem>>
            %dma_start3A_294 = tpu.memref_squeeze %dma_start3A_293 : memref<1x1x128xi32, #tpu.memory_space<vmem>> -> memref<1x128xi32, #tpu.memory_space<vmem>>
            %dma_start3A_295 = arith.constant 0 : i32
            %dma_start3A_296 = tpu.memref_slice %arg3[%dma_start3A_295, %mul3A_290] : memref<1x896xi32, #tpu.memory_space<hbm>> -> memref<1x128xi32, #tpu.memory_space<hbm>>
            %dma_start3A_297 = tpu.memref_slice %run_scoped3A_10[%rem3A_288] : memref<2x!tpu.dma_semaphore, #tpu.memory_space<semaphore_mem>> -> memref<1x!tpu.dma_semaphore, #tpu.memory_space<semaphore_mem>>
            %dma_start3A_298 = tpu.memref_squeeze %dma_start3A_297 : memref<1x!tpu.dma_semaphore, #tpu.memory_space<semaphore_mem>> -> memref<!tpu.dma_semaphore, #tpu.memory_space<semaphore_mem>>
            %dma_start3A_299 = arith.constant 0 : i32
            %dma_start3A_300 = arith.constant 0 : i32
            %dma_start3A_301 = tpu.memref_slice %run_scoped3A[%rem3A_288, %dma_start3A_299, %dma_start3A_300] : memref<2x1x128xi32, #tpu.memory_space<vmem>> -> memref<1x1x128xi32, #tpu.memory_space<vmem>>
            %dma_start3A_302 = tpu.memref_squeeze %dma_start3A_301 : memref<1x1x128xi32, #tpu.memory_space<vmem>> -> memref<1x128xi32, #tpu.memory_space<vmem>>
            %dma_start3A_303 = arith.constant 0 : i32
            %dma_start3A_304 = tpu.memref_slice %arg3[%dma_start3A_303, %mul3A_290] : memref<1x896xi32, #tpu.memory_space<hbm>> -> memref<1x128xi32, #tpu.memory_space<hbm>>
            tpu.enqueue_dma source(%dma_start3A_304 : memref<1x128xi32, #tpu.memory_space<hbm>>) target(%dma_start3A_302 : memref<1x128xi32, #tpu.memory_space<vmem>>) target_semaphore(%dma_start3A_298 : memref<!tpu.dma_semaphore, #tpu.memory_space<semaphore_mem>>)
            "tpu.trace_stop"() : () -> ()
          } else {
          }
          %and3A_184 = arith.constant true
          %and3A_185 = arith.andi %and3A, %and3A_184 : i1
          %add3A_186 = arith.constant 1 : i32
          %add3A_187 = arith.addi %while3A_136, %add3A_186 : i32
          %select_n3A_188 = arith.select %and3A_185, %add3A_187, %while3A_136 : i32
          %ne3A_189 = arith.cmpi ne, %add3A_148, %add3A_166 : i32
          %or3A_190 = arith.constant false
          %or3A_191 = arith.ori %or3A_190, %ne3A_189 : i1
          %or3A_192 = arith.constant false
          %or3A_193 = arith.ori %or3A_191, %or3A_192 : i1
          %sub3A_194 = arith.constant 2 : i32
          %sub3A_195 = arith.subi %mul3A_142, %sub3A_194 : i32
          %add3A_196 = arith.constant 1 : i32
          %add3A_197 = arith.addi %sub3A_195, %add3A_196 : i32
          %ge3A_198 = arith.cmpi sge, %while3A_135, %add3A_197 : i32
          %not3A_199 = arith.constant true
          %not3A_200 = arith.xori %ge3A_198, %not3A_199 : i1
          %and3A_201 = arith.andi %or3A_193, %not3A_200 : i1
          %ne3A_202 = arith.cmpi ne, %add3A_148, %add3A_158 : i32
          %or3A_203 = arith.constant false
          %or3A_204 = arith.ori %or3A_203, %ne3A_202 : i1
          %or3A_205 = arith.ori %or3A_204, %eq3A_144 : i1
          %convert_element_type3A_206 = arith.extui %or3A_205 : i1 to i32
          %cond3A_207 = arith.constant 0 : i32
          %cond3A_208 = arith.cmpi ne, %convert_element_type3A_206, %cond3A_207 : i32
          scf.if %cond3A_208 {
            "tpu.trace_start"() <{level = 10 : i32, message = "ep_wait_in"}> : () -> ()
            %mul3A_287 = arith.constant 128 : i32
            %mul3A_288 = arith.muli %mul3A_287, %add3A_148 : i32
            %rem3A_289 = arith.constant 2 : i32
            %rem3A_290 = arith.remui %while3A_137, %rem3A_289 : i32
            %dma_wait3A = arith.constant 0 : i32
            %dma_wait3A_291 = arith.constant 0 : i32
            %dma_wait3A_292 = tpu.memref_slice %run_scoped3A[%rem3A_290, %dma_wait3A, %dma_wait3A_291] : memref<2x1x128xi32, #tpu.memory_space<vmem>> -> memref<1x1x128xi32, #tpu.memory_space<vmem>>
            %dma_wait3A_293 = tpu.memref_squeeze %dma_wait3A_292 : memref<1x1x128xi32, #tpu.memory_space<vmem>> -> memref<1x128xi32, #tpu.memory_space<vmem>>
            %dma_wait3A_294 = arith.constant 0 : i32
            %dma_wait3A_295 = tpu.memref_slice %arg3[%dma_wait3A_294, %mul3A_288] : memref<1x896xi32, #tpu.memory_space<hbm>> -> memref<1x128xi32, #tpu.memory_space<hbm>>
            %dma_wait3A_296 = tpu.memref_slice %run_scoped3A_10[%rem3A_290] : memref<2x!tpu.dma_semaphore, #tpu.memory_space<semaphore_mem>> -> memref<1x!tpu.dma_semaphore, #tpu.memory_space<semaphore_mem>>
            %dma_wait3A_297 = tpu.memref_squeeze %dma_wait3A_296 : memref<1x!tpu.dma_semaphore, #tpu.memory_space<semaphore_mem>> -> memref<!tpu.dma_semaphore, #tpu.memory_space<semaphore_mem>>
            %dma_wait3A_298 = arith.constant 0 : i32
            %dma_wait3A_299 = arith.constant 0 : i32
            %dma_wait3A_300 = tpu.memref_slice %run_scoped3A[%rem3A_290, %dma_wait3A_298, %dma_wait3A_299] : memref<2x1x128xi32, #tpu.memory_space<vmem>> -> memref<1x1x128xi32, #tpu.memory_space<vmem>>
            %dma_wait3A_301 = tpu.memref_squeeze %dma_wait3A_300 : memref<1x1x128xi32, #tpu.memory_space<vmem>> -> memref<1x128xi32, #tpu.memory_space<vmem>>
            %dma_wait3A_302 = arith.constant 0 : i32
            %dma_wait3A_303 = tpu.memref_slice %arg3[%dma_wait3A_302, %mul3A_288] : memref<1x896xi32, #tpu.memory_space<hbm>> -> memref<1x128xi32, #tpu.memory_space<hbm>>
            tpu.wait_dma2 semaphore(%dma_wait3A_297 : memref<!tpu.dma_semaphore, #tpu.memory_space<semaphore_mem>>) src(%dma_wait3A_303 : memref<1x128xi32, #tpu.memory_space<hbm>>) dst(%dma_wait3A_301 : memref<1x128xi32, #tpu.memory_space<vmem>>)
            "tpu.trace_stop"() : () -> ()
          } else {
          }
          %ne3A_209 = arith.cmpi ne, %add3A_148, %add3A_158 : i32
          %or3A_210 = arith.constant false
          %or3A_211 = arith.ori %or3A_210, %ne3A_209 : i1
          %or3A_212 = arith.constant false
          %or3A_213 = arith.ori %or3A_211, %or3A_212 : i1
          %or3A_214 = arith.ori %or3A_213, %eq3A_144 : i1
          %convert_element_type3A_215 = arith.extui %or3A_214 : i1 to i32
          %cond3A_216 = arith.constant 0 : i32
          %cond3A_217 = arith.cmpi ne, %convert_element_type3A_215, %cond3A_216 : i32
          scf.if %cond3A_217 {
          } else {
          }
          %rem3A_218 = arith.constant 2 : i32
          %rem3A_219 = arith.remui %while3A_137, %rem3A_218 : i32
          %rem3A_220 = arith.constant 2 : i32
          %rem3A_221 = arith.remui %while3A_138, %rem3A_220 : i32
          %run_scoped3A_222 = arith.constant 0 : i32
          "tpu.trace_start"() <{level = 10 : i32, message = "ep_run_kernel"}> : () -> ()
          "tpu.region"() ({
            %run_scoped3A_287 = tpu.sem_alloc : memref<!tpu.dma_semaphore, #tpu.memory_space<semaphore_mem>>
            %dma_start3A_288 = arith.constant 0 : i32
            %dma_start3A_289 = arith.constant 0 : i32
            %dma_start3A_290 = tpu.memref_slice %run_scoped3A_11[%rem3A_221, %dma_start3A_288, %dma_start3A_289] : memref<2x128x128xf32, #tpu.memory_space<vmem>> -> memref<1x128x128xf32, #tpu.memory_space<vmem>>
            %dma_start3A_291 = tpu.memref_squeeze %dma_start3A_290 : memref<1x128x128xf32, #tpu.memory_space<vmem>> -> memref<128x128xf32, #tpu.memory_space<vmem>>
            %dma_start3A_292 = arith.constant 0 : i32
            %dma_start3A_293 = arith.constant 0 : i32
            %dma_start3A_294 = tpu.memref_slice %run_scoped3A[%rem3A_219, %dma_start3A_292, %dma_start3A_293] : memref<2x1x128xi32, #tpu.memory_space<vmem>> -> memref<1x1x128xi32, #tpu.memory_space<vmem>>
            %dma_start3A_295 = tpu.memref_squeeze %dma_start3A_294 : memref<1x1x128xi32, #tpu.memory_space<vmem>> -> memref<1x128xi32, #tpu.memory_space<vmem>>
            %dma_start3A_296 = arith.constant 0 : i32
            %dma_start3A_297 = tpu.memref_slice %dma_start3A_295[%run_scoped3A_222, %dma_start3A_296] : memref<1x128xi32, #tpu.memory_space<vmem>> -> memref<1x128xi32, #tpu.memory_space<vmem>>
            %dma_start3A_298 = tpu.memref_squeeze %dma_start3A_297 : memref<1x128xi32, #tpu.memory_space<vmem>> -> memref<128xi32, #tpu.memory_space<vmem>>
            %dma_start3A_299 = arith.constant 0 : i32
            %dma_start3A_300 = arith.constant 0 : i32
            %dma_start3A_301 = tpu.memref_slice %arg2[%dma_start3A_299, %dma_start3A_300] : memref<3376x128xf32, #tpu.memory_space<hbm>> -> memref<3376x128xf32, #tpu.memory_space<hbm>>
            tpu.enqueue_indirect_dma source(%dma_start3A_301 : memref<3376x128xf32, #tpu.memory_space<hbm>>) target(%dma_start3A_291 : memref<128x128xf32, #tpu.memory_space<vmem>>) offsets(%dma_start3A_298 : memref<128xi32, #tpu.memory_space<vmem>>) semaphore(%run_scoped3A_287 : memref<!tpu.dma_semaphore, #tpu.memory_space<semaphore_mem>>)
            %dma_wait3A = arith.constant 0 : i32
            %dma_wait3A_302 = arith.constant 0 : i32
            %dma_wait3A_303 = tpu.memref_slice %run_scoped3A_11[%rem3A_221, %dma_wait3A, %dma_wait3A_302] : memref<2x128x128xf32, #tpu.memory_space<vmem>> -> memref<1x128x128xf32, #tpu.memory_space<vmem>>
            %dma_wait3A_304 = tpu.memref_squeeze %dma_wait3A_303 : memref<1x128x128xf32, #tpu.memory_space<vmem>> -> memref<128x128xf32, #tpu.memory_space<vmem>>
            %dma_wait3A_305 = arith.constant 0 : i32
            %dma_wait3A_306 = arith.constant 0 : i32
            %dma_wait3A_307 = tpu.memref_slice %run_scoped3A[%rem3A_219, %dma_wait3A_305, %dma_wait3A_306] : memref<2x1x128xi32, #tpu.memory_space<vmem>> -> memref<1x1x128xi32, #tpu.memory_space<vmem>>
            %dma_wait3A_308 = tpu.memref_squeeze %dma_wait3A_307 : memref<1x1x128xi32, #tpu.memory_space<vmem>> -> memref<1x128xi32, #tpu.memory_space<vmem>>
            %dma_wait3A_309 = arith.constant 0 : i32
            %dma_wait3A_310 = tpu.memref_slice %dma_wait3A_308[%run_scoped3A_222, %dma_wait3A_309] : memref<1x128xi32, #tpu.memory_space<vmem>> -> memref<1x128xi32, #tpu.memory_space<vmem>>
            %dma_wait3A_311 = tpu.memref_squeeze %dma_wait3A_310 : memref<1x128xi32, #tpu.memory_space<vmem>> -> memref<128xi32, #tpu.memory_space<vmem>>
            %dma_wait3A_312 = arith.constant 0 : i32
            %dma_wait3A_313 = arith.constant 0 : i32
            %dma_wait3A_314 = tpu.memref_slice %arg2[%dma_wait3A_312, %dma_wait3A_313] : memref<3376x128xf32, #tpu.memory_space<hbm>> -> memref<3376x128xf32, #tpu.memory_space<hbm>>
            tpu.wait_indirect_dma semaphore(%run_scoped3A_287 : memref<!tpu.dma_semaphore, #tpu.memory_space<semaphore_mem>>) src(%dma_wait3A_314 : memref<3376x128xf32, #tpu.memory_space<hbm>>) dst(%dma_wait3A_304 : memref<128x128xf32, #tpu.memory_space<vmem>>)
            tpu.yield
          }) : () -> ()
          "tpu.trace_stop"() : () -> ()
          %ne3A_223 = arith.cmpi ne, %add3A_148, %add3A_166 : i32
          %or3A_224 = arith.constant false
          %or3A_225 = arith.ori %or3A_224, %ne3A_223 : i1
          %or3A_226 = arith.ori %or3A_225, %eq3A_147 : i1
          %convert_element_type3A_227 = arith.extui %or3A_226 : i1 to i32
          %cond3A_228 = arith.constant 0 : i32
          %cond3A_229 = arith.cmpi ne, %convert_element_type3A_227, %cond3A_228 : i32
          scf.if %cond3A_229 {
          } else {
          }
          %and3A_230 = arith.constant false
          %and3A_231 = arith.andi %or3A_226, %and3A_230 : i1
          %ne3A_232 = arith.cmpi ne, %add3A_148, %add3A_166 : i32
          %or3A_233 = arith.constant false
          %or3A_234 = arith.ori %or3A_233, %ne3A_232 : i1
          %or3A_235 = arith.constant false
          %or3A_236 = arith.ori %or3A_234, %or3A_235 : i1
          %or3A_237 = arith.ori %or3A_236, %eq3A_147 : i1
          %convert_element_type3A_238 = arith.extui %or3A_237 : i1 to i32
          %cond3A_239 = arith.constant 0 : i32
          %cond3A_240 = arith.cmpi ne, %convert_element_type3A_238, %cond3A_239 : i32
          scf.if %cond3A_240 {
            "tpu.trace_start"() <{level = 10 : i32, message = "ep_copy_out"}> : () -> ()
            %rem3A_287 = arith.constant 2 : i32
            %rem3A_288 = arith.remui %while3A_138, %rem3A_287 : i32
            %mul3A_289 = arith.constant 128 : i32
            %mul3A_290 = arith.muli %mul3A_289, %add3A_148 : i32
            %dma_start3A_291 = arith.constant 0 : i32
            %dma_start3A_292 = arith.constant 0 : i32
            %dma_start3A_293 = tpu.memref_slice %run_scoped3A_11[%rem3A_288, %dma_start3A_291, %dma_start3A_292] : memref<2x128x128xf32, #tpu.memory_space<vmem>> -> memref<1x128x128xf32, #tpu.memory_space<vmem>>
            %dma_start3A_294 = tpu.memref_squeeze %dma_start3A_293 : memref<1x128x128xf32, #tpu.memory_space<vmem>> -> memref<128x128xf32, #tpu.memory_space<vmem>>
            %dma_start3A_295 = arith.constant 0 : i32
            %dma_start3A_296 = tpu.memref_slice %arg4[%mul3A_290, %dma_start3A_295] : memref<896x128xf32, #tpu.memory_space<hbm>> -> memref<128x128xf32, #tpu.memory_space<hbm>>
            %dma_start3A_297 = tpu.memref_slice %run_scoped3A_12[%rem3A_288] : memref<2x!tpu.dma_semaphore, #tpu.memory_space<semaphore_mem>> -> memref<1x!tpu.dma_semaphore, #tpu.memory_space<semaphore_mem>>
            %dma_start3A_298 = tpu.memref_squeeze %dma_start3A_297 : memref<1x!tpu.dma_semaphore, #tpu.memory_space<semaphore_mem>> -> memref<!tpu.dma_semaphore, #tpu.memory_space<semaphore_mem>>
            %dma_start3A_299 = arith.constant 0 : i32
            %dma_start3A_300 = tpu.memref_slice %arg4[%mul3A_290, %dma_start3A_299] : memref<896x128xf32, #tpu.memory_space<hbm>> -> memref<128x128xf32, #tpu.memory_space<hbm>>
            %dma_start3A_301 = arith.constant 0 : i32
            %dma_start3A_302 = arith.constant 0 : i32
            %dma_start3A_303 = tpu.memref_slice %run_scoped3A_11[%rem3A_288, %dma_start3A_301, %dma_start3A_302] : memref<2x128x128xf32, #tpu.memory_space<vmem>> -> memref<1x128x128xf32, #tpu.memory_space<vmem>>
            %dma_start3A_304 = tpu.memref_squeeze %dma_start3A_303 : memref<1x128x128xf32, #tpu.memory_space<vmem>> -> memref<128x128xf32, #tpu.memory_space<vmem>>
            tpu.enqueue_dma source(%dma_start3A_304 : memref<128x128xf32, #tpu.memory_space<vmem>>) target(%dma_start3A_300 : memref<128x128xf32, #tpu.memory_space<hbm>>) target_semaphore(%dma_start3A_298 : memref<!tpu.dma_semaphore, #tpu.memory_space<semaphore_mem>>)
            "tpu.trace_stop"() : () -> ()
          } else {
          }
          %and3A_241 = arith.constant true
          %and3A_242 = arith.andi %or3A_237, %and3A_241 : i1
          %add3A_243 = arith.constant 1 : i32
          %add3A_244 = arith.addi %while3A_138, %add3A_243 : i32
          %select_n3A_245 = arith.select %and3A_242, %add3A_244, %while3A_138 : i32
          %ne3A_246 = arith.cmpi ne, %add3A_148, %add3A_158 : i32
          %or3A_247 = arith.constant false
          %or3A_248 = arith.ori %or3A_247, %ne3A_246 : i1
          %not3A_249 = arith.constant true
          %not3A_250 = arith.xori %eq3A_144, %not3A_249 : i1
          %and3A_251 = arith.andi %or3A_248, %not3A_250 : i1
          %convert_element_type3A_252 = arith.extui %and3A_251 : i1 to i32
          %cond3A_253 = arith.constant 0 : i32
          %cond3A_254 = arith.cmpi ne, %convert_element_type3A_252, %cond3A_253 : i32
          scf.if %cond3A_254 {
          } else {
          }
          %and3A_255 = arith.constant false
          %and3A_256 = arith.andi %and3A_251, %and3A_255 : i1
          %ne3A_257 = arith.cmpi ne, %add3A_148, %add3A_158 : i32
          %or3A_258 = arith.constant false
          %or3A_259 = arith.ori %or3A_258, %ne3A_257 : i1
          %or3A_260 = arith.constant false
          %or3A_261 = arith.ori %or3A_259, %or3A_260 : i1
          %not3A_262 = arith.constant true
          %not3A_263 = arith.xori %eq3A_144, %not3A_262 : i1
          %and3A_264 = arith.andi %or3A_261, %not3A_263 : i1
          %convert_element_type3A_265 = arith.extui %and3A_264 : i1 to i32
          %cond3A_266 = arith.constant 0 : i32
          %cond3A_267 = arith.cmpi ne, %convert_element_type3A_265, %cond3A_266 : i32
          scf.if %cond3A_267 {
            "tpu.trace_start"() <{level = 10 : i32, message = "ep_wait_out"}> : () -> ()
            %rem3A_287 = arith.constant 2 : i32
            %rem3A_288 = arith.remui %while3A_139, %rem3A_287 : i32
            %mul3A_289 = arith.constant 128 : i32
            %mul3A_290 = arith.muli %mul3A_289, %add3A_158 : i32
            %dma_wait3A = arith.constant 0 : i32
            %dma_wait3A_291 = arith.constant 0 : i32
            %dma_wait3A_292 = tpu.memref_slice %run_scoped3A_11[%rem3A_288, %dma_wait3A, %dma_wait3A_291] : memref<2x128x128xf32, #tpu.memory_space<vmem>> -> memref<1x128x128xf32, #tpu.memory_space<vmem>>
            %dma_wait3A_293 = tpu.memref_squeeze %dma_wait3A_292 : memref<1x128x128xf32, #tpu.memory_space<vmem>> -> memref<128x128xf32, #tpu.memory_space<vmem>>
            %dma_wait3A_294 = arith.constant 0 : i32
            %dma_wait3A_295 = tpu.memref_slice %arg4[%mul3A_290, %dma_wait3A_294] : memref<896x128xf32, #tpu.memory_space<hbm>> -> memref<128x128xf32, #tpu.memory_space<hbm>>
            %dma_wait3A_296 = tpu.memref_slice %run_scoped3A_12[%rem3A_288] : memref<2x!tpu.dma_semaphore, #tpu.memory_space<semaphore_mem>> -> memref<1x!tpu.dma_semaphore, #tpu.memory_space<semaphore_mem>>
            %dma_wait3A_297 = tpu.memref_squeeze %dma_wait3A_296 : memref<1x!tpu.dma_semaphore, #tpu.memory_space<semaphore_mem>> -> memref<!tpu.dma_semaphore, #tpu.memory_space<semaphore_mem>>
            %dma_wait3A_298 = arith.constant 0 : i32
            %dma_wait3A_299 = tpu.memref_slice %arg4[%mul3A_290, %dma_wait3A_298] : memref<896x128xf32, #tpu.memory_space<hbm>> -> memref<128x128xf32, #tpu.memory_space<hbm>>
            %dma_wait3A_300 = arith.constant 0 : i32
            %dma_wait3A_301 = arith.constant 0 : i32
            %dma_wait3A_302 = tpu.memref_slice %run_scoped3A_11[%rem3A_288, %dma_wait3A_300, %dma_wait3A_301] : memref<2x128x128xf32, #tpu.memory_space<vmem>> -> memref<1x128x128xf32, #tpu.memory_space<vmem>>
            %dma_wait3A_303 = tpu.memref_squeeze %dma_wait3A_302 : memref<1x128x128xf32, #tpu.memory_space<vmem>> -> memref<128x128xf32, #tpu.memory_space<vmem>>
            tpu.wait_dma2 semaphore(%dma_wait3A_297 : memref<!tpu.dma_semaphore, #tpu.memory_space<semaphore_mem>>) src(%dma_wait3A_303 : memref<128x128xf32, #tpu.memory_space<vmem>>) dst(%dma_wait3A_299 : memref<128x128xf32, #tpu.memory_space<hbm>>)
            "tpu.trace_stop"() : () -> ()
          } else {
          }
          %and3A_268 = arith.constant true
          %and3A_269 = arith.andi %and3A_264, %and3A_268 : i1
          %add3A_270 = arith.constant 1 : i32
          %add3A_271 = arith.addi %while3A_139, %add3A_270 : i32
          %select_n3A_272 = arith.select %and3A_269, %add3A_271, %while3A_139 : i32
          %ne3A_273 = arith.cmpi ne, %add3A_148, %add3A_166 : i32
          %or3A_274 = arith.constant false
          %or3A_275 = arith.ori %or3A_274, %ne3A_273 : i1
          %or3A_276 = arith.ori %or3A_275, %eq3A_147 : i1
          %add3A_277 = arith.constant 1 : i32
          %add3A_278 = arith.addi %while3A_137, %add3A_277 : i32
          %select_n3A_279 = arith.select %or3A_276, %add3A_278, %while3A_137 : i32
          %add3A_280 = arith.constant 1 : i32
          %add3A_281 = arith.addi %while3A_140, %add3A_280 : i32
          %select_n3A_282 = arith.constant true
          %select_n3A_283 = arith.select %select_n3A_282, %add3A_281, %while3A_140 : i32
          %eq3A_284 = arith.cmpi eq, %select_n3A_283, %select_n3A : i32
          %select_n3A_285 = arith.constant 0 : i32
          %select_n3A_286 = arith.select %eq3A_284, %select_n3A_285, %select_n3A_283 : i32
          scf.yield %select_n3A_188, %select_n3A_279, %select_n3A_245, %select_n3A_272, %select_n3A_286 : i32, i32, i32, i32, i32
        }
        %sub3A_84 = arith.constant 1 : i32
        %sub3A_85 = arith.subi %while3A_83#4, %sub3A_84 : i32
        %select_n3A_86 = arith.constant true
        %select_n3A_87 = arith.select %select_n3A_86, %sub3A_85, %while3A_83#4 : i32
        %eq3A_88 = arith.constant -1 : i32
        %eq3A_89 = arith.cmpi eq, %select_n3A_87, %eq3A_88 : i32
        %sub3A_90 = arith.constant 1 : i32
        %sub3A_91 = arith.subi %select_n3A, %sub3A_90 : i32
        %select_n3A_92 = arith.select %eq3A_89, %sub3A_91, %select_n3A_87 : i32
        %sub3A_93 = arith.constant 1 : i32
        %sub3A_94 = arith.subi %mul3A_9, %sub3A_93 : i32
        %mul3A_95 = arith.constant 1 : i32
        %mul3A_96 = arith.muli %mul3A_95, %select_n3A : i32
        %eq3A_97 = arith.constant 0 : i32
        %eq3A_98 = arith.cmpi eq, %sub3A_94, %eq3A_97 : i32
        %sub3A_99 = arith.constant 1 : i32
        %sub3A_100 = arith.subi %mul3A_96, %sub3A_99 : i32
        %eq3A_101 = arith.cmpi eq, %sub3A_94, %sub3A_100 : i32
        %add3A_102 = arith.addi %select_n3A_92, %select_n3A_7 : i32
        %sub3A_103 = arith.constant 1 : i32
        %sub3A_104 = arith.subi %select_n3A_92, %sub3A_103 : i32
        %select_n3A_105 = arith.constant true
        %select_n3A_106 = arith.select %select_n3A_105, %sub3A_104, %select_n3A_92 : i32
        %eq3A_107 = arith.constant -1 : i32
        %eq3A_108 = arith.cmpi eq, %select_n3A_106, %eq3A_107 : i32
        %sub3A_109 = arith.constant 1 : i32
        %sub3A_110 = arith.subi %select_n3A, %sub3A_109 : i32
        %select_n3A_111 = arith.select %eq3A_108, %sub3A_110, %select_n3A_106 : i32
        %add3A_112 = arith.addi %select_n3A_111, %select_n3A_7 : i32
        %add3A_113 = arith.constant 1 : i32
        %add3A_114 = arith.addi %select_n3A_92, %add3A_113 : i32
        %select_n3A_115 = arith.constant true
        %select_n3A_116 = arith.select %select_n3A_115, %add3A_114, %select_n3A_92 : i32
        %eq3A_117 = arith.cmpi eq, %select_n3A_116, %select_n3A : i32
        %select_n3A_118 = arith.constant 0 : i32
        %select_n3A_119 = arith.select %eq3A_117, %select_n3A_118, %select_n3A_116 : i32
        %add3A_120 = arith.addi %select_n3A_119, %select_n3A_7 : i32
        %add3A_121 = arith.constant 1 : i32
        %add3A_122 = arith.addi %select_n3A_119, %add3A_121 : i32
        %select_n3A_123 = arith.constant true
        %select_n3A_124 = arith.select %select_n3A_123, %add3A_122, %select_n3A_119 : i32
        %eq3A_125 = arith.cmpi eq, %select_n3A_124, %select_n3A : i32
        %select_n3A_126 = arith.constant 0 : i32
        %select_n3A_127 = arith.select %eq3A_125, %select_n3A_126, %select_n3A_124 : i32
        %add3A_128 = arith.addi %select_n3A_127, %select_n3A_7 : i32
        %convert_element_type3A_129 = arith.extui %eq3A_101 : i1 to i32
        %cond3A_130 = arith.constant 0 : i32
        %cond3A_131 = arith.cmpi ne, %convert_element_type3A_129, %cond3A_130 : i32
        scf.if %cond3A_131 {
        } else {
        }
        %convert_element_type3A_132 = arith.extui %eq3A_101 : i1 to i32
        %cond3A_133 = arith.constant 0 : i32
        %cond3A_134 = arith.cmpi ne, %convert_element_type3A_132, %cond3A_133 : i32
        scf.if %cond3A_134 {
          "tpu.trace_start"() <{level = 10 : i32, message = "ep_finalize"}> : () -> ()
          %rem3A_135 = arith.constant 2 : i32
          %rem3A_136 = arith.remui %while3A_83#3, %rem3A_135 : i32
          %mul3A_137 = arith.constant 128 : i32
          %mul3A_138 = arith.muli %mul3A_137, %add3A_102 : i32
          %dma_wait3A = arith.constant 0 : i32
          %dma_wait3A_139 = arith.constant 0 : i32
          %dma_wait3A_140 = tpu.memref_slice %run_scoped3A_11[%rem3A_136, %dma_wait3A, %dma_wait3A_139] : memref<2x128x128xf32, #tpu.memory_space<vmem>> -> memref<1x128x128xf32, #tpu.memory_space<vmem>>
          %dma_wait3A_141 = tpu.memref_squeeze %dma_wait3A_140 : memref<1x128x128xf32, #tpu.memory_space<vmem>> -> memref<128x128xf32, #tpu.memory_space<vmem>>
          %dma_wait3A_142 = arith.constant 0 : i32
          %dma_wait3A_143 = tpu.memref_slice %arg4[%mul3A_138, %dma_wait3A_142] : memref<896x128xf32, #tpu.memory_space<hbm>> -> memref<128x128xf32, #tpu.memory_space<hbm>>
          %dma_wait3A_144 = tpu.memref_slice %run_scoped3A_12[%rem3A_136] : memref<2x!tpu.dma_semaphore, #tpu.memory_space<semaphore_mem>> -> memref<1x!tpu.dma_semaphore, #tpu.memory_space<semaphore_mem>>
          %dma_wait3A_145 = tpu.memref_squeeze %dma_wait3A_144 : memref<1x!tpu.dma_semaphore, #tpu.memory_space<semaphore_mem>> -> memref<!tpu.dma_semaphore, #tpu.memory_space<semaphore_mem>>
          %dma_wait3A_146 = arith.constant 0 : i32
          %dma_wait3A_147 = tpu.memref_slice %arg4[%mul3A_138, %dma_wait3A_146] : memref<896x128xf32, #tpu.memory_space<hbm>> -> memref<128x128xf32, #tpu.memory_space<hbm>>
          %dma_wait3A_148 = arith.constant 0 : i32
          %dma_wait3A_149 = arith.constant 0 : i32
          %dma_wait3A_150 = tpu.memref_slice %run_scoped3A_11[%rem3A_136, %dma_wait3A_148, %dma_wait3A_149] : memref<2x128x128xf32, #tpu.memory_space<vmem>> -> memref<1x128x128xf32, #tpu.memory_space<vmem>>
          %dma_wait3A_151 = tpu.memref_squeeze %dma_wait3A_150 : memref<1x128x128xf32, #tpu.memory_space<vmem>> -> memref<128x128xf32, #tpu.memory_space<vmem>>
          tpu.wait_dma2 semaphore(%dma_wait3A_145 : memref<!tpu.dma_semaphore, #tpu.memory_space<semaphore_mem>>) src(%dma_wait3A_151 : memref<128x128xf32, #tpu.memory_space<vmem>>) dst(%dma_wait3A_147 : memref<128x128xf32, #tpu.memory_space<hbm>>)
          "tpu.trace_stop"() : () -> ()
        } else {
        }
      } else {
      }
      tpu.yield
    }) : () -> ()
    return
  }
}

#map = affine_map<(d0, d1) -> (0, 0)>
module attributes {stable_mosaic.version = 14 : i64} {
  func.func @k(%arg0: i32, %arg1: i32, %arg2: memref<896x128xf32, #tpu.memory_space<hbm>>, %arg3: memref<1x896xi32, #tpu.memory_space<hbm>>, %arg4: memref<3376x128xf32, #tpu.memory_space<hbm>>) attributes {dimension_semantics = [#tpu.dimension_semantics<core_parallel>, #tpu.dimension_semantics<subcore_parallel>], iteration_bounds = array<i64: 2, 16>, scalar_prefetch = 0 : i64, scratch_operands = 0 : i64, tpu.core_type = #tpu.core_type<sc_vector_subcore>, window_params = [{transform_indices = #map}, {transform_indices = #map}, {transform_indices = #map}]} {
    %lt3A = arith.constant 7 : i32
    %lt3A_0 = arith.cmpi slt, %arg1, %lt3A : i32
    %jit3A = arith.constant 1 : i32
    %jit3A_1 = arith.constant 0 : i32
    %select_n3A = arith.select %lt3A_0, %jit3A, %jit3A_1 : i32
    %lt3A_2 = arith.constant 7 : i32
    %lt3A_3 = arith.cmpi slt, %arg1, %lt3A_2 : i32
    %mul3A = arith.muli %arg1, %select_n3A : i32
    %mul3A_4 = arith.constant 0 : i32
    %mul3A_5 = arith.muli %arg1, %mul3A_4 : i32
    %add3A = arith.constant 7 : i32
    %add3A_6 = arith.addi %mul3A_5, %add3A : i32
    %select_n3A_7 = arith.select %lt3A_3, %mul3A, %add3A_6 : i32
    %mul3A_8 = arith.constant 1 : i32
    %mul3A_9 = arith.muli %mul3A_8, %select_n3A : i32
    "tpu.region"() ({
      %run_scoped3A = memref.alloca() : memref<2x128x128xf32, #tpu.memory_space<vmem>>
      %run_scoped3A_10 = tpu.sem_alloc : memref<2x!tpu.dma_semaphore, #tpu.memory_space<semaphore_mem>>
      %run_scoped3A_11 = memref.alloca() : memref<2x1x128xi32, #tpu.memory_space<vmem>>
      %run_scoped3A_12 = tpu.sem_alloc : memref<2x!tpu.dma_semaphore, #tpu.memory_space<semaphore_mem>>
      %gt3A = arith.constant 0 : i32
      %gt3A_13 = arith.cmpi sgt, %mul3A_9, %gt3A : i32
      %convert_element_type3A = arith.extui %gt3A_13 : i1 to i32
      %cond3A = arith.constant 0 : i32
      %cond3A_14 = arith.cmpi ne, %convert_element_type3A, %cond3A : i32
      scf.if %cond3A_14 {
        %mul3A_15 = arith.constant 1 : i32
        %mul3A_16 = arith.muli %mul3A_15, %select_n3A : i32
        %sub3A = arith.constant 1 : i32
        %sub3A_17 = arith.subi %mul3A_16, %sub3A : i32
        %eq3A = arith.constant 0 : i32
        %eq3A_18 = arith.cmpi eq, %sub3A_17, %eq3A : i32
        %add3A_19 = arith.constant 0 : i32
        %add3A_20 = arith.addi %add3A_19, %select_n3A_7 : i32
        %select_n3A_21 = arith.constant true
        %select_n3A_22 = arith.constant 0 : i32
        %select_n3A_23 = arith.constant -1 : i32
        %select_n3A_24 = arith.select %select_n3A_21, %select_n3A_23, %select_n3A_22 : i32
        %eq3A_25 = arith.constant -1 : i32
        %eq3A_26 = arith.cmpi eq, %select_n3A_24, %eq3A_25 : i32
        %sub3A_27 = arith.constant 1 : i32
        %sub3A_28 = arith.subi %select_n3A, %sub3A_27 : i32
        %select_n3A_29 = arith.select %eq3A_26, %sub3A_28, %select_n3A_24 : i32
        %add3A_30 = arith.addi %select_n3A_29, %select_n3A_7 : i32
        %select_n3A_31 = arith.constant true
        %select_n3A_32 = arith.constant 0 : i32
        %select_n3A_33 = arith.constant 1 : i32
        %select_n3A_34 = arith.select %select_n3A_31, %select_n3A_33, %select_n3A_32 : i32
        %eq3A_35 = arith.cmpi eq, %select_n3A_34, %select_n3A : i32
        %select_n3A_36 = arith.constant 0 : i32
        %select_n3A_37 = arith.select %eq3A_35, %select_n3A_36, %select_n3A_34 : i32
        %add3A_38 = arith.addi %select_n3A_37, %select_n3A_7 : i32
        %add3A_39 = arith.constant 1 : i32
        %add3A_40 = arith.addi %select_n3A_37, %add3A_39 : i32
        %select_n3A_41 = arith.constant true
        %select_n3A_42 = arith.select %select_n3A_41, %add3A_40, %select_n3A_37 : i32
        %eq3A_43 = arith.cmpi eq, %select_n3A_42, %select_n3A : i32
        %select_n3A_44 = arith.constant 0 : i32
        %select_n3A_45 = arith.select %eq3A_43, %select_n3A_44, %select_n3A_42 : i32
        %add3A_46 = arith.addi %select_n3A_45, %select_n3A_7 : i32
        "tpu.trace_start"() <{level = 10 : i32, message = "ep_initialize_0"}> : () -> ()
        %rem3A = arith.constant 0 : i32
        %rem3A_47 = arith.constant 2 : i32
        %rem3A_48 = arith.remui %rem3A, %rem3A_47 : i32
        %mul3A_49 = arith.constant 128 : i32
        %mul3A_50 = arith.muli %mul3A_49, %add3A_20 : i32
        %dma_start3A = arith.constant 0 : i32
        %dma_start3A_51 = arith.constant 0 : i32
        %dma_start3A_52 = tpu.memref_slice %run_scoped3A[%rem3A_48, %dma_start3A, %dma_start3A_51] : memref<2x128x128xf32, #tpu.memory_space<vmem>> -> memref<1x128x128xf32, #tpu.memory_space<vmem>>
        %dma_start3A_53 = tpu.memref_squeeze %dma_start3A_52 : memref<1x128x128xf32, #tpu.memory_space<vmem>> -> memref<128x128xf32, #tpu.memory_space<vmem>>
        %dma_start3A_54 = arith.constant 0 : i32
        %dma_start3A_55 = tpu.memref_slice %arg2[%mul3A_50, %dma_start3A_54] : memref<896x128xf32, #tpu.memory_space<hbm>> -> memref<128x128xf32, #tpu.memory_space<hbm>>
        %dma_start3A_56 = tpu.memref_slice %run_scoped3A_10[%rem3A_48] : memref<2x!tpu.dma_semaphore, #tpu.memory_space<semaphore_mem>> -> memref<1x!tpu.dma_semaphore, #tpu.memory_space<semaphore_mem>>
        %dma_start3A_57 = tpu.memref_squeeze %dma_start3A_56 : memref<1x!tpu.dma_semaphore, #tpu.memory_space<semaphore_mem>> -> memref<!tpu.dma_semaphore, #tpu.memory_space<semaphore_mem>>
        %dma_start3A_58 = arith.constant 0 : i32
        %dma_start3A_59 = arith.constant 0 : i32
        %dma_start3A_60 = tpu.memref_slice %run_scoped3A[%rem3A_48, %dma_start3A_58, %dma_start3A_59] : memref<2x128x128xf32, #tpu.memory_space<vmem>> -> memref<1x128x128xf32, #tpu.memory_space<vmem>>
        %dma_start3A_61 = tpu.memref_squeeze %dma_start3A_60 : memref<1x128x128xf32, #tpu.memory_space<vmem>> -> memref<128x128xf32, #tpu.memory_space<vmem>>
        %dma_start3A_62 = arith.constant 0 : i32
        %dma_start3A_63 = tpu.memref_slice %arg2[%mul3A_50, %dma_start3A_62] : memref<896x128xf32, #tpu.memory_space<hbm>> -> memref<128x128xf32, #tpu.memory_space<hbm>>
        tpu.enqueue_dma source(%dma_start3A_63 : memref<128x128xf32, #tpu.memory_space<hbm>>) target(%dma_start3A_61 : memref<128x128xf32, #tpu.memory_space<vmem>>) target_semaphore(%dma_start3A_57 : memref<!tpu.dma_semaphore, #tpu.memory_space<semaphore_mem>>)
        %add3A_64 = arith.constant 0 : i32
        %add3A_65 = arith.constant 1 : i32
        %add3A_66 = arith.addi %add3A_64, %add3A_65 : i32
        %select_n3A_67 = arith.constant true
        %select_n3A_68 = arith.constant 0 : i32
        %select_n3A_69 = arith.select %select_n3A_67, %add3A_66, %select_n3A_68 : i32
        %rem3A_70 = arith.constant 0 : i32
        %rem3A_71 = arith.constant 2 : i32
        %rem3A_72 = arith.remui %rem3A_70, %rem3A_71 : i32
        %mul3A_73 = arith.constant 128 : i32
        %mul3A_74 = arith.muli %mul3A_73, %add3A_20 : i32
        %dma_start3A_75 = arith.constant 0 : i32
        %dma_start3A_76 = arith.constant 0 : i32
        %dma_start3A_77 = tpu.memref_slice %run_scoped3A_11[%rem3A_72, %dma_start3A_75, %dma_start3A_76] : memref<2x1x128xi32, #tpu.memory_space<vmem>> -> memref<1x1x128xi32, #tpu.memory_space<vmem>>
        %dma_start3A_78 = tpu.memref_squeeze %dma_start3A_77 : memref<1x1x128xi32, #tpu.memory_space<vmem>> -> memref<1x128xi32, #tpu.memory_space<vmem>>
        %dma_start3A_79 = arith.constant 0 : i32
        %dma_start3A_80 = tpu.memref_slice %arg3[%dma_start3A_79, %mul3A_74] : memref<1x896xi32, #tpu.memory_space<hbm>> -> memref<1x128xi32, #tpu.memory_space<hbm>>
        %dma_start3A_81 = tpu.memref_slice %run_scoped3A_12[%rem3A_72] : memref<2x!tpu.dma_semaphore, #tpu.memory_space<semaphore_mem>> -> memref<1x!tpu.dma_semaphore, #tpu.memory_space<semaphore_mem>>
        %dma_start3A_82 = tpu.memref_squeeze %dma_start3A_81 : memref<1x!tpu.dma_semaphore, #tpu.memory_space<semaphore_mem>> -> memref<!tpu.dma_semaphore, #tpu.memory_space<semaphore_mem>>
        %dma_start3A_83 = arith.constant 0 : i32
        %dma_start3A_84 = arith.constant 0 : i32
        %dma_start3A_85 = tpu.memref_slice %run_scoped3A_11[%rem3A_72, %dma_start3A_83, %dma_start3A_84] : memref<2x1x128xi32, #tpu.memory_space<vmem>> -> memref<1x1x128xi32, #tpu.memory_space<vmem>>
        %dma_start3A_86 = tpu.memref_squeeze %dma_start3A_85 : memref<1x1x128xi32, #tpu.memory_space<vmem>> -> memref<1x128xi32, #tpu.memory_space<vmem>>
        %dma_start3A_87 = arith.constant 0 : i32
        %dma_start3A_88 = tpu.memref_slice %arg3[%dma_start3A_87, %mul3A_74] : memref<1x896xi32, #tpu.memory_space<hbm>> -> memref<1x128xi32, #tpu.memory_space<hbm>>
        tpu.enqueue_dma source(%dma_start3A_88 : memref<1x128xi32, #tpu.memory_space<hbm>>) target(%dma_start3A_86 : memref<1x128xi32, #tpu.memory_space<vmem>>) target_semaphore(%dma_start3A_82 : memref<!tpu.dma_semaphore, #tpu.memory_space<semaphore_mem>>)
        %add3A_89 = arith.constant 0 : i32
        %add3A_90 = arith.constant 1 : i32
        %add3A_91 = arith.addi %add3A_89, %add3A_90 : i32
        %select_n3A_92 = arith.constant true
        %select_n3A_93 = arith.constant 0 : i32
        %select_n3A_94 = arith.select %select_n3A_92, %add3A_91, %select_n3A_93 : i32
        %while3A = arith.constant 0 : i32
        %while3A_95 = arith.constant 0 : i32
        %while3A_96 = arith.constant 0 : i32
        %while3A_97 = arith.constant 0 : i32
        "tpu.trace_stop"() : () -> ()
        %while3A_98 = arith.subi %mul3A_9, %while3A : i32
        %while3A_99 = arith.addi %while3A, %while3A_98 : i32
        %while3A_100 = arith.constant 1 : i32
        %while3A_101 = arith.divsi %while3A_98, %while3A_100 : i32
        %while3A_102 = arith.muli %while3A_101, %while3A_100 : i32
        %while3A_103 = arith.addi %while3A, %while3A_102 : i32
        %while3A_104 = arith.constant 1 : i32
        %while3A_105:5 = scf.for %while3A_159 = %while3A to %while3A_103 step %while3A_104 iter_args(%while3A_160 = %select_n3A_69, %while3A_161 = %while3A_95, %while3A_162 = %select_n3A_94, %while3A_163 = %while3A_96, %while3A_164 = %while3A_97) -> (i32, i32, i32, i32, i32)  : i32 {
          %mul3A_165 = arith.constant 1 : i32
          %mul3A_166 = arith.muli %mul3A_165, %select_n3A : i32
          %eq3A_167 = arith.constant 0 : i32
          %eq3A_168 = arith.cmpi eq, %while3A_159, %eq3A_167 : i32
          %sub3A_169 = arith.constant 1 : i32
          %sub3A_170 = arith.subi %mul3A_166, %sub3A_169 : i32
          %eq3A_171 = arith.cmpi eq, %while3A_159, %sub3A_170 : i32
          %add3A_172 = arith.addi %while3A_164, %select_n3A_7 : i32
          %sub3A_173 = arith.constant 1 : i32
          %sub3A_174 = arith.subi %while3A_164, %sub3A_173 : i32
          %select_n3A_175 = arith.constant true
          %select_n3A_176 = arith.select %select_n3A_175, %sub3A_174, %while3A_164 : i32
          %eq3A_177 = arith.constant -1 : i32
          %eq3A_178 = arith.cmpi eq, %select_n3A_176, %eq3A_177 : i32
          %sub3A_179 = arith.constant 1 : i32
          %sub3A_180 = arith.subi %select_n3A, %sub3A_179 : i32
          %select_n3A_181 = arith.select %eq3A_178, %sub3A_180, %select_n3A_176 : i32
          %add3A_182 = arith.addi %select_n3A_181, %select_n3A_7 : i32
          %add3A_183 = arith.constant 1 : i32
          %add3A_184 = arith.addi %while3A_164, %add3A_183 : i32
          %select_n3A_185 = arith.constant true
          %select_n3A_186 = arith.select %select_n3A_185, %add3A_184, %while3A_164 : i32
          %eq3A_187 = arith.cmpi eq, %select_n3A_186, %select_n3A : i32
          %select_n3A_188 = arith.constant 0 : i32
          %select_n3A_189 = arith.select %eq3A_187, %select_n3A_188, %select_n3A_186 : i32
          %add3A_190 = arith.addi %select_n3A_189, %select_n3A_7 : i32
          %add3A_191 = arith.constant 1 : i32
          %add3A_192 = arith.addi %select_n3A_189, %add3A_191 : i32
          %select_n3A_193 = arith.constant true
          %select_n3A_194 = arith.select %select_n3A_193, %add3A_192, %select_n3A_189 : i32
          %eq3A_195 = arith.cmpi eq, %select_n3A_194, %select_n3A : i32
          %select_n3A_196 = arith.constant 0 : i32
          %select_n3A_197 = arith.select %eq3A_195, %select_n3A_196, %select_n3A_194 : i32
          %add3A_198 = arith.addi %select_n3A_197, %select_n3A_7 : i32
          %ne3A = arith.cmpi ne, %add3A_172, %add3A_190 : i32
          %or3A = arith.constant false
          %or3A_199 = arith.ori %or3A, %ne3A : i1
          %or3A_200 = arith.constant false
          %or3A_201 = arith.ori %or3A_199, %or3A_200 : i1
          %sub3A_202 = arith.constant 2 : i32
          %sub3A_203 = arith.subi %mul3A_166, %sub3A_202 : i32
          %add3A_204 = arith.constant 1 : i32
          %add3A_205 = arith.addi %sub3A_203, %add3A_204 : i32
          %ge3A = arith.cmpi sge, %while3A_159, %add3A_205 : i32
          %not3A = arith.constant true
          %not3A_206 = arith.xori %ge3A, %not3A : i1
          %and3A = arith.andi %or3A_201, %not3A_206 : i1
          %convert_element_type3A_207 = arith.extui %and3A : i1 to i32
          %cond3A_208 = arith.constant 0 : i32
          %cond3A_209 = arith.cmpi ne, %convert_element_type3A_207, %cond3A_208 : i32
          scf.if %cond3A_209 {
            "tpu.trace_start"() <{level = 10 : i32, message = "ep_copy_in"}> : () -> ()
            %rem3A_322 = arith.constant 2 : i32
            %rem3A_323 = arith.remui %while3A_160, %rem3A_322 : i32
            %mul3A_324 = arith.constant 128 : i32
            %mul3A_325 = arith.muli %mul3A_324, %add3A_190 : i32
            %dma_start3A_326 = arith.constant 0 : i32
            %dma_start3A_327 = arith.constant 0 : i32
            %dma_start3A_328 = tpu.memref_slice %run_scoped3A[%rem3A_323, %dma_start3A_326, %dma_start3A_327] : memref<2x128x128xf32, #tpu.memory_space<vmem>> -> memref<1x128x128xf32, #tpu.memory_space<vmem>>
            %dma_start3A_329 = tpu.memref_squeeze %dma_start3A_328 : memref<1x128x128xf32, #tpu.memory_space<vmem>> -> memref<128x128xf32, #tpu.memory_space<vmem>>
            %dma_start3A_330 = arith.constant 0 : i32
            %dma_start3A_331 = tpu.memref_slice %arg2[%mul3A_325, %dma_start3A_330] : memref<896x128xf32, #tpu.memory_space<hbm>> -> memref<128x128xf32, #tpu.memory_space<hbm>>
            %dma_start3A_332 = tpu.memref_slice %run_scoped3A_10[%rem3A_323] : memref<2x!tpu.dma_semaphore, #tpu.memory_space<semaphore_mem>> -> memref<1x!tpu.dma_semaphore, #tpu.memory_space<semaphore_mem>>
            %dma_start3A_333 = tpu.memref_squeeze %dma_start3A_332 : memref<1x!tpu.dma_semaphore, #tpu.memory_space<semaphore_mem>> -> memref<!tpu.dma_semaphore, #tpu.memory_space<semaphore_mem>>
            %dma_start3A_334 = arith.constant 0 : i32
            %dma_start3A_335 = arith.constant 0 : i32
            %dma_start3A_336 = tpu.memref_slice %run_scoped3A[%rem3A_323, %dma_start3A_334, %dma_start3A_335] : memref<2x128x128xf32, #tpu.memory_space<vmem>> -> memref<1x128x128xf32, #tpu.memory_space<vmem>>
            %dma_start3A_337 = tpu.memref_squeeze %dma_start3A_336 : memref<1x128x128xf32, #tpu.memory_space<vmem>> -> memref<128x128xf32, #tpu.memory_space<vmem>>
            %dma_start3A_338 = arith.constant 0 : i32
            %dma_start3A_339 = tpu.memref_slice %arg2[%mul3A_325, %dma_start3A_338] : memref<896x128xf32, #tpu.memory_space<hbm>> -> memref<128x128xf32, #tpu.memory_space<hbm>>
            tpu.enqueue_dma source(%dma_start3A_339 : memref<128x128xf32, #tpu.memory_space<hbm>>) target(%dma_start3A_337 : memref<128x128xf32, #tpu.memory_space<vmem>>) target_semaphore(%dma_start3A_333 : memref<!tpu.dma_semaphore, #tpu.memory_space<semaphore_mem>>)
            "tpu.trace_stop"() : () -> ()
          } else {
          }
          %and3A_210 = arith.constant true
          %and3A_211 = arith.andi %and3A, %and3A_210 : i1
          %add3A_212 = arith.constant 1 : i32
          %add3A_213 = arith.addi %while3A_160, %add3A_212 : i32
          %select_n3A_214 = arith.select %and3A_211, %add3A_213, %while3A_160 : i32
          %ne3A_215 = arith.cmpi ne, %add3A_172, %add3A_190 : i32
          %or3A_216 = arith.constant false
          %or3A_217 = arith.ori %or3A_216, %ne3A_215 : i1
          %sub3A_218 = arith.constant 2 : i32
          %sub3A_219 = arith.subi %mul3A_166, %sub3A_218 : i32
          %add3A_220 = arith.constant 1 : i32
          %add3A_221 = arith.addi %sub3A_219, %add3A_220 : i32
          %ge3A_222 = arith.cmpi sge, %while3A_159, %add3A_221 : i32
          %not3A_223 = arith.constant true
          %not3A_224 = arith.xori %ge3A_222, %not3A_223 : i1
          %and3A_225 = arith.andi %or3A_217, %not3A_224 : i1
          %convert_element_type3A_226 = arith.extui %and3A_225 : i1 to i32
          %cond3A_227 = arith.constant 0 : i32
          %cond3A_228 = arith.cmpi ne, %convert_element_type3A_226, %cond3A_227 : i32
          scf.if %cond3A_228 {
            "tpu.trace_start"() <{level = 10 : i32, message = "ep_copy_in"}> : () -> ()
            %rem3A_322 = arith.constant 2 : i32
            %rem3A_323 = arith.remui %while3A_162, %rem3A_322 : i32
            %mul3A_324 = arith.constant 128 : i32
            %mul3A_325 = arith.muli %mul3A_324, %add3A_190 : i32
            %dma_start3A_326 = arith.constant 0 : i32
            %dma_start3A_327 = arith.constant 0 : i32
            %dma_start3A_328 = tpu.memref_slice %run_scoped3A_11[%rem3A_323, %dma_start3A_326, %dma_start3A_327] : memref<2x1x128xi32, #tpu.memory_space<vmem>> -> memref<1x1x128xi32, #tpu.memory_space<vmem>>
            %dma_start3A_329 = tpu.memref_squeeze %dma_start3A_328 : memref<1x1x128xi32, #tpu.memory_space<vmem>> -> memref<1x128xi32, #tpu.memory_space<vmem>>
            %dma_start3A_330 = arith.constant 0 : i32
            %dma_start3A_331 = tpu.memref_slice %arg3[%dma_start3A_330, %mul3A_325] : memref<1x896xi32, #tpu.memory_space<hbm>> -> memref<1x128xi32, #tpu.memory_space<hbm>>
            %dma_start3A_332 = tpu.memref_slice %run_scoped3A_12[%rem3A_323] : memref<2x!tpu.dma_semaphore, #tpu.memory_space<semaphore_mem>> -> memref<1x!tpu.dma_semaphore, #tpu.memory_space<semaphore_mem>>
            %dma_start3A_333 = tpu.memref_squeeze %dma_start3A_332 : memref<1x!tpu.dma_semaphore, #tpu.memory_space<semaphore_mem>> -> memref<!tpu.dma_semaphore, #tpu.memory_space<semaphore_mem>>
            %dma_start3A_334 = arith.constant 0 : i32
            %dma_start3A_335 = arith.constant 0 : i32
            %dma_start3A_336 = tpu.memref_slice %run_scoped3A_11[%rem3A_323, %dma_start3A_334, %dma_start3A_335] : memref<2x1x128xi32, #tpu.memory_space<vmem>> -> memref<1x1x128xi32, #tpu.memory_space<vmem>>
            %dma_start3A_337 = tpu.memref_squeeze %dma_start3A_336 : memref<1x1x128xi32, #tpu.memory_space<vmem>> -> memref<1x128xi32, #tpu.memory_space<vmem>>
            %dma_start3A_338 = arith.constant 0 : i32
            %dma_start3A_339 = tpu.memref_slice %arg3[%dma_start3A_338, %mul3A_325] : memref<1x896xi32, #tpu.memory_space<hbm>> -> memref<1x128xi32, #tpu.memory_space<hbm>>
            tpu.enqueue_dma source(%dma_start3A_339 : memref<1x128xi32, #tpu.memory_space<hbm>>) target(%dma_start3A_337 : memref<1x128xi32, #tpu.memory_space<vmem>>) target_semaphore(%dma_start3A_333 : memref<!tpu.dma_semaphore, #tpu.memory_space<semaphore_mem>>)
            "tpu.trace_stop"() : () -> ()
          } else {
          }
          %and3A_229 = arith.constant true
          %and3A_230 = arith.andi %and3A_225, %and3A_229 : i1
          %add3A_231 = arith.constant 1 : i32
          %add3A_232 = arith.addi %while3A_162, %add3A_231 : i32
          %select_n3A_233 = arith.select %and3A_230, %add3A_232, %while3A_162 : i32
          %ne3A_234 = arith.cmpi ne, %add3A_172, %add3A_182 : i32
          %or3A_235 = arith.constant false
          %or3A_236 = arith.ori %or3A_235, %ne3A_234 : i1
          %or3A_237 = arith.constant false
          %or3A_238 = arith.ori %or3A_236, %or3A_237 : i1
          %or3A_239 = arith.ori %or3A_238, %eq3A_168 : i1
          %convert_element_type3A_240 = arith.extui %or3A_239 : i1 to i32
          %cond3A_241 = arith.constant 0 : i32
          %cond3A_242 = arith.cmpi ne, %convert_element_type3A_240, %cond3A_241 : i32
          scf.if %cond3A_242 {
            "tpu.trace_start"() <{level = 10 : i32, message = "ep_wait_in"}> : () -> ()
            %mul3A_322 = arith.constant 128 : i32
            %mul3A_323 = arith.muli %mul3A_322, %add3A_172 : i32
            %rem3A_324 = arith.constant 2 : i32
            %rem3A_325 = arith.remui %while3A_161, %rem3A_324 : i32
            %dma_wait3A = arith.constant 0 : i32
            %dma_wait3A_326 = arith.constant 0 : i32
            %dma_wait3A_327 = tpu.memref_slice %run_scoped3A[%rem3A_325, %dma_wait3A, %dma_wait3A_326] : memref<2x128x128xf32, #tpu.memory_space<vmem>> -> memref<1x128x128xf32, #tpu.memory_space<vmem>>
            %dma_wait3A_328 = tpu.memref_squeeze %dma_wait3A_327 : memref<1x128x128xf32, #tpu.memory_space<vmem>> -> memref<128x128xf32, #tpu.memory_space<vmem>>
            %dma_wait3A_329 = arith.constant 0 : i32
            %dma_wait3A_330 = tpu.memref_slice %arg2[%mul3A_323, %dma_wait3A_329] : memref<896x128xf32, #tpu.memory_space<hbm>> -> memref<128x128xf32, #tpu.memory_space<hbm>>
            %dma_wait3A_331 = tpu.memref_slice %run_scoped3A_10[%rem3A_325] : memref<2x!tpu.dma_semaphore, #tpu.memory_space<semaphore_mem>> -> memref<1x!tpu.dma_semaphore, #tpu.memory_space<semaphore_mem>>
            %dma_wait3A_332 = tpu.memref_squeeze %dma_wait3A_331 : memref<1x!tpu.dma_semaphore, #tpu.memory_space<semaphore_mem>> -> memref<!tpu.dma_semaphore, #tpu.memory_space<semaphore_mem>>
            %dma_wait3A_333 = arith.constant 0 : i32
            %dma_wait3A_334 = arith.constant 0 : i32
            %dma_wait3A_335 = tpu.memref_slice %run_scoped3A[%rem3A_325, %dma_wait3A_333, %dma_wait3A_334] : memref<2x128x128xf32, #tpu.memory_space<vmem>> -> memref<1x128x128xf32, #tpu.memory_space<vmem>>
            %dma_wait3A_336 = tpu.memref_squeeze %dma_wait3A_335 : memref<1x128x128xf32, #tpu.memory_space<vmem>> -> memref<128x128xf32, #tpu.memory_space<vmem>>
            %dma_wait3A_337 = arith.constant 0 : i32
            %dma_wait3A_338 = tpu.memref_slice %arg2[%mul3A_323, %dma_wait3A_337] : memref<896x128xf32, #tpu.memory_space<hbm>> -> memref<128x128xf32, #tpu.memory_space<hbm>>
            tpu.wait_dma2 semaphore(%dma_wait3A_332 : memref<!tpu.dma_semaphore, #tpu.memory_space<semaphore_mem>>) src(%dma_wait3A_338 : memref<128x128xf32, #tpu.memory_space<hbm>>) dst(%dma_wait3A_336 : memref<128x128xf32, #tpu.memory_space<vmem>>)
            "tpu.trace_stop"() : () -> ()
          } else {
          }
          %ne3A_243 = arith.cmpi ne, %add3A_172, %add3A_182 : i32
          %or3A_244 = arith.constant false
          %or3A_245 = arith.ori %or3A_244, %ne3A_243 : i1
          %or3A_246 = arith.ori %or3A_245, %eq3A_168 : i1
          %convert_element_type3A_247 = arith.extui %or3A_246 : i1 to i32
          %cond3A_248 = arith.constant 0 : i32
          %cond3A_249 = arith.cmpi ne, %convert_element_type3A_247, %cond3A_248 : i32
          scf.if %cond3A_249 {
            "tpu.trace_start"() <{level = 10 : i32, message = "ep_wait_in"}> : () -> ()
            %mul3A_322 = arith.constant 128 : i32
            %mul3A_323 = arith.muli %mul3A_322, %add3A_172 : i32
            %rem3A_324 = arith.constant 2 : i32
            %rem3A_325 = arith.remui %while3A_163, %rem3A_324 : i32
            %dma_wait3A = arith.constant 0 : i32
            %dma_wait3A_326 = arith.constant 0 : i32
            %dma_wait3A_327 = tpu.memref_slice %run_scoped3A_11[%rem3A_325, %dma_wait3A, %dma_wait3A_326] : memref<2x1x128xi32, #tpu.memory_space<vmem>> -> memref<1x1x128xi32, #tpu.memory_space<vmem>>
            %dma_wait3A_328 = tpu.memref_squeeze %dma_wait3A_327 : memref<1x1x128xi32, #tpu.memory_space<vmem>> -> memref<1x128xi32, #tpu.memory_space<vmem>>
            %dma_wait3A_329 = arith.constant 0 : i32
            %dma_wait3A_330 = tpu.memref_slice %arg3[%dma_wait3A_329, %mul3A_323] : memref<1x896xi32, #tpu.memory_space<hbm>> -> memref<1x128xi32, #tpu.memory_space<hbm>>
            %dma_wait3A_331 = tpu.memref_slice %run_scoped3A_12[%rem3A_325] : memref<2x!tpu.dma_semaphore, #tpu.memory_space<semaphore_mem>> -> memref<1x!tpu.dma_semaphore, #tpu.memory_space<semaphore_mem>>
            %dma_wait3A_332 = tpu.memref_squeeze %dma_wait3A_331 : memref<1x!tpu.dma_semaphore, #tpu.memory_space<semaphore_mem>> -> memref<!tpu.dma_semaphore, #tpu.memory_space<semaphore_mem>>
            %dma_wait3A_333 = arith.constant 0 : i32
            %dma_wait3A_334 = arith.constant 0 : i32
            %dma_wait3A_335 = tpu.memref_slice %run_scoped3A_11[%rem3A_325, %dma_wait3A_333, %dma_wait3A_334] : memref<2x1x128xi32, #tpu.memory_space<vmem>> -> memref<1x1x128xi32, #tpu.memory_space<vmem>>
            %dma_wait3A_336 = tpu.memref_squeeze %dma_wait3A_335 : memref<1x1x128xi32, #tpu.memory_space<vmem>> -> memref<1x128xi32, #tpu.memory_space<vmem>>
            %dma_wait3A_337 = arith.constant 0 : i32
            %dma_wait3A_338 = tpu.memref_slice %arg3[%dma_wait3A_337, %mul3A_323] : memref<1x896xi32, #tpu.memory_space<hbm>> -> memref<1x128xi32, #tpu.memory_space<hbm>>
            tpu.wait_dma2 semaphore(%dma_wait3A_332 : memref<!tpu.dma_semaphore, #tpu.memory_space<semaphore_mem>>) src(%dma_wait3A_338 : memref<1x128xi32, #tpu.memory_space<hbm>>) dst(%dma_wait3A_336 : memref<1x128xi32, #tpu.memory_space<vmem>>)
            "tpu.trace_stop"() : () -> ()
          } else {
          }
          %rem3A_250 = arith.constant 2 : i32
          %rem3A_251 = arith.remui %while3A_161, %rem3A_250 : i32
          %rem3A_252 = arith.constant 2 : i32
          %rem3A_253 = arith.remui %while3A_163, %rem3A_252 : i32
          %run_scoped3A_254 = arith.constant 0 : i32
          "tpu.trace_start"() <{level = 10 : i32, message = "ep_run_kernel"}> : () -> ()
          "tpu.region"() ({
            %run_scoped3A_322 = tpu.sem_alloc : memref<!tpu.dma_semaphore, #tpu.memory_space<semaphore_mem>>
            %dma_start3A_323 = arith.constant 0 : i32
            %dma_start3A_324 = arith.constant 0 : i32
            %dma_start3A_325 = tpu.memref_slice %run_scoped3A[%rem3A_251, %dma_start3A_323, %dma_start3A_324] : memref<2x128x128xf32, #tpu.memory_space<vmem>> -> memref<1x128x128xf32, #tpu.memory_space<vmem>>
            %dma_start3A_326 = tpu.memref_squeeze %dma_start3A_325 : memref<1x128x128xf32, #tpu.memory_space<vmem>> -> memref<128x128xf32, #tpu.memory_space<vmem>>
            %dma_start3A_327 = arith.constant 0 : i32
            %dma_start3A_328 = arith.constant 0 : i32
            %dma_start3A_329 = tpu.memref_slice %run_scoped3A_11[%rem3A_253, %dma_start3A_327, %dma_start3A_328] : memref<2x1x128xi32, #tpu.memory_space<vmem>> -> memref<1x1x128xi32, #tpu.memory_space<vmem>>
            %dma_start3A_330 = tpu.memref_squeeze %dma_start3A_329 : memref<1x1x128xi32, #tpu.memory_space<vmem>> -> memref<1x128xi32, #tpu.memory_space<vmem>>
            %dma_start3A_331 = arith.constant 0 : i32
            %dma_start3A_332 = tpu.memref_slice %dma_start3A_330[%run_scoped3A_254, %dma_start3A_331] : memref<1x128xi32, #tpu.memory_space<vmem>> -> memref<1x128xi32, #tpu.memory_space<vmem>>
            %dma_start3A_333 = tpu.memref_squeeze %dma_start3A_332 : memref<1x128xi32, #tpu.memory_space<vmem>> -> memref<128xi32, #tpu.memory_space<vmem>>
            %dma_start3A_334 = arith.constant 0 : i32
            %dma_start3A_335 = arith.constant 0 : i32
            %dma_start3A_336 = tpu.memref_slice %arg4[%dma_start3A_334, %dma_start3A_335] : memref<3376x128xf32, #tpu.memory_space<hbm>> -> memref<3376x128xf32, #tpu.memory_space<hbm>>
            tpu.enqueue_indirect_dma source(%dma_start3A_326 : memref<128x128xf32, #tpu.memory_space<vmem>>) target(%dma_start3A_336 : memref<3376x128xf32, #tpu.memory_space<hbm>>) offsets(%dma_start3A_333 : memref<128xi32, #tpu.memory_space<vmem>>) semaphore(%run_scoped3A_322 : memref<!tpu.dma_semaphore, #tpu.memory_space<semaphore_mem>>)
            %dma_wait3A = arith.constant 0 : i32
            %dma_wait3A_337 = arith.constant 0 : i32
            %dma_wait3A_338 = tpu.memref_slice %run_scoped3A[%rem3A_251, %dma_wait3A, %dma_wait3A_337] : memref<2x128x128xf32, #tpu.memory_space<vmem>> -> memref<1x128x128xf32, #tpu.memory_space<vmem>>
            %dma_wait3A_339 = tpu.memref_squeeze %dma_wait3A_338 : memref<1x128x128xf32, #tpu.memory_space<vmem>> -> memref<128x128xf32, #tpu.memory_space<vmem>>
            %dma_wait3A_340 = arith.constant 0 : i32
            %dma_wait3A_341 = arith.constant 0 : i32
            %dma_wait3A_342 = tpu.memref_slice %run_scoped3A_11[%rem3A_253, %dma_wait3A_340, %dma_wait3A_341] : memref<2x1x128xi32, #tpu.memory_space<vmem>> -> memref<1x1x128xi32, #tpu.memory_space<vmem>>
            %dma_wait3A_343 = tpu.memref_squeeze %dma_wait3A_342 : memref<1x1x128xi32, #tpu.memory_space<vmem>> -> memref<1x128xi32, #tpu.memory_space<vmem>>
            %dma_wait3A_344 = arith.constant 0 : i32
            %dma_wait3A_345 = tpu.memref_slice %dma_wait3A_343[%run_scoped3A_254, %dma_wait3A_344] : memref<1x128xi32, #tpu.memory_space<vmem>> -> memref<1x128xi32, #tpu.memory_space<vmem>>
            %dma_wait3A_346 = tpu.memref_squeeze %dma_wait3A_345 : memref<1x128xi32, #tpu.memory_space<vmem>> -> memref<128xi32, #tpu.memory_space<vmem>>
            %dma_wait3A_347 = arith.constant 0 : i32
            %dma_wait3A_348 = arith.constant 0 : i32
            %dma_wait3A_349 = tpu.memref_slice %arg4[%dma_wait3A_347, %dma_wait3A_348] : memref<3376x128xf32, #tpu.memory_space<hbm>> -> memref<3376x128xf32, #tpu.memory_space<hbm>>
            tpu.wait_indirect_dma semaphore(%run_scoped3A_322 : memref<!tpu.dma_semaphore, #tpu.memory_space<semaphore_mem>>) src(%dma_wait3A_339 : memref<128x128xf32, #tpu.memory_space<vmem>>) dst(%dma_wait3A_349 : memref<3376x128xf32, #tpu.memory_space<hbm>>)
            tpu.yield
          }) : () -> ()
          "tpu.trace_stop"() : () -> ()
          %ne3A_255 = arith.cmpi ne, %add3A_172, %add3A_190 : i32
          %or3A_256 = arith.constant false
          %or3A_257 = arith.ori %or3A_256, %ne3A_255 : i1
          %or3A_258 = arith.constant false
          %or3A_259 = arith.ori %or3A_257, %or3A_258 : i1
          %or3A_260 = arith.ori %or3A_259, %eq3A_171 : i1
          %convert_element_type3A_261 = arith.extui %or3A_260 : i1 to i32
          %cond3A_262 = arith.constant 0 : i32
          %cond3A_263 = arith.cmpi ne, %convert_element_type3A_261, %cond3A_262 : i32
          scf.if %cond3A_263 {
          } else {
          }
          %and3A_264 = arith.constant false
          %and3A_265 = arith.andi %or3A_260, %and3A_264 : i1
          %ne3A_266 = arith.cmpi ne, %add3A_172, %add3A_190 : i32
          %or3A_267 = arith.constant false
          %or3A_268 = arith.ori %or3A_267, %ne3A_266 : i1
          %or3A_269 = arith.ori %or3A_268, %eq3A_171 : i1
          %convert_element_type3A_270 = arith.extui %or3A_269 : i1 to i32
          %cond3A_271 = arith.constant 0 : i32
          %cond3A_272 = arith.cmpi ne, %convert_element_type3A_270, %cond3A_271 : i32
          scf.if %cond3A_272 {
          } else {
          }
          %and3A_273 = arith.constant false
          %and3A_274 = arith.andi %or3A_269, %and3A_273 : i1
          %ne3A_275 = arith.cmpi ne, %add3A_172, %add3A_182 : i32
          %or3A_276 = arith.constant false
          %or3A_277 = arith.ori %or3A_276, %ne3A_275 : i1
          %or3A_278 = arith.constant false
          %or3A_279 = arith.ori %or3A_277, %or3A_278 : i1
          %not3A_280 = arith.constant true
          %not3A_281 = arith.xori %eq3A_168, %not3A_280 : i1
          %and3A_282 = arith.andi %or3A_279, %not3A_281 : i1
          %convert_element_type3A_283 = arith.extui %and3A_282 : i1 to i32
          %cond3A_284 = arith.constant 0 : i32
          %cond3A_285 = arith.cmpi ne, %convert_element_type3A_283, %cond3A_284 : i32
          scf.if %cond3A_285 {
          } else {
          }
          %and3A_286 = arith.constant false
          %and3A_287 = arith.andi %and3A_282, %and3A_286 : i1
          %ne3A_288 = arith.cmpi ne, %add3A_172, %add3A_182 : i32
          %or3A_289 = arith.constant false
          %or3A_290 = arith.ori %or3A_289, %ne3A_288 : i1
          %not3A_291 = arith.constant true
          %not3A_292 = arith.xori %eq3A_168, %not3A_291 : i1
          %and3A_293 = arith.andi %or3A_290, %not3A_292 : i1
          %convert_element_type3A_294 = arith.extui %and3A_293 : i1 to i32
          %cond3A_295 = arith.constant 0 : i32
          %cond3A_296 = arith.cmpi ne, %convert_element_type3A_294, %cond3A_295 : i32
          scf.if %cond3A_296 {
          } else {
          }
          %and3A_297 = arith.constant false
          %and3A_298 = arith.andi %and3A_293, %and3A_297 : i1
          %ne3A_299 = arith.cmpi ne, %add3A_172, %add3A_190 : i32
          %or3A_300 = arith.constant false
          %or3A_301 = arith.ori %or3A_300, %ne3A_299 : i1
          %or3A_302 = arith.constant false
          %or3A_303 = arith.ori %or3A_301, %or3A_302 : i1
          %or3A_304 = arith.ori %or3A_303, %eq3A_171 : i1
          %add3A_305 = arith.constant 1 : i32
          %add3A_306 = arith.addi %while3A_161, %add3A_305 : i32
          %select_n3A_307 = arith.select %or3A_304, %add3A_306, %while3A_161 : i32
          %ne3A_308 = arith.cmpi ne, %add3A_172, %add3A_190 : i32
          %or3A_309 = arith.constant false
          %or3A_310 = arith.ori %or3A_309, %ne3A_308 : i1
          %or3A_311 = arith.ori %or3A_310, %eq3A_171 : i1
          %add3A_312 = arith.constant 1 : i32
          %add3A_313 = arith.addi %while3A_163, %add3A_312 : i32
          %select_n3A_314 = arith.select %or3A_311, %add3A_313, %while3A_163 : i32
          %add3A_315 = arith.constant 1 : i32
          %add3A_316 = arith.addi %while3A_164, %add3A_315 : i32
          %select_n3A_317 = arith.constant true
          %select_n3A_318 = arith.select %select_n3A_317, %add3A_316, %while3A_164 : i32
          %eq3A_319 = arith.cmpi eq, %select_n3A_318, %select_n3A : i32
          %select_n3A_320 = arith.constant 0 : i32
          %select_n3A_321 = arith.select %eq3A_319, %select_n3A_320, %select_n3A_318 : i32
          scf.yield %select_n3A_214, %select_n3A_307, %select_n3A_233, %select_n3A_314, %select_n3A_321 : i32, i32, i32, i32, i32
        }
        %while3A_106 = arith.constant 1 : i32
        %while3A_107:5 = scf.for %while3A_159 = %while3A_103 to %while3A_99 step %while3A_106 iter_args(%while3A_160 = %while3A_105#0, %while3A_161 = %while3A_105#1, %while3A_162 = %while3A_105#2, %while3A_163 = %while3A_105#3, %while3A_164 = %while3A_105#4) -> (i32, i32, i32, i32, i32)  : i32 {
          %mul3A_165 = arith.constant 1 : i32
          %mul3A_166 = arith.muli %mul3A_165, %select_n3A : i32
          %eq3A_167 = arith.constant 0 : i32
          %eq3A_168 = arith.cmpi eq, %while3A_159, %eq3A_167 : i32
          %sub3A_169 = arith.constant 1 : i32
          %sub3A_170 = arith.subi %mul3A_166, %sub3A_169 : i32
          %eq3A_171 = arith.cmpi eq, %while3A_159, %sub3A_170 : i32
          %add3A_172 = arith.addi %while3A_164, %select_n3A_7 : i32
          %sub3A_173 = arith.constant 1 : i32
          %sub3A_174 = arith.subi %while3A_164, %sub3A_173 : i32
          %select_n3A_175 = arith.constant true
          %select_n3A_176 = arith.select %select_n3A_175, %sub3A_174, %while3A_164 : i32
          %eq3A_177 = arith.constant -1 : i32
          %eq3A_178 = arith.cmpi eq, %select_n3A_176, %eq3A_177 : i32
          %sub3A_179 = arith.constant 1 : i32
          %sub3A_180 = arith.subi %select_n3A, %sub3A_179 : i32
          %select_n3A_181 = arith.select %eq3A_178, %sub3A_180, %select_n3A_176 : i32
          %add3A_182 = arith.addi %select_n3A_181, %select_n3A_7 : i32
          %add3A_183 = arith.constant 1 : i32
          %add3A_184 = arith.addi %while3A_164, %add3A_183 : i32
          %select_n3A_185 = arith.constant true
          %select_n3A_186 = arith.select %select_n3A_185, %add3A_184, %while3A_164 : i32
          %eq3A_187 = arith.cmpi eq, %select_n3A_186, %select_n3A : i32
          %select_n3A_188 = arith.constant 0 : i32
          %select_n3A_189 = arith.select %eq3A_187, %select_n3A_188, %select_n3A_186 : i32
          %add3A_190 = arith.addi %select_n3A_189, %select_n3A_7 : i32
          %add3A_191 = arith.constant 1 : i32
          %add3A_192 = arith.addi %select_n3A_189, %add3A_191 : i32
          %select_n3A_193 = arith.constant true
          %select_n3A_194 = arith.select %select_n3A_193, %add3A_192, %select_n3A_189 : i32
          %eq3A_195 = arith.cmpi eq, %select_n3A_194, %select_n3A : i32
          %select_n3A_196 = arith.constant 0 : i32
          %select_n3A_197 = arith.select %eq3A_195, %select_n3A_196, %select_n3A_194 : i32
          %add3A_198 = arith.addi %select_n3A_197, %select_n3A_7 : i32
          %ne3A = arith.cmpi ne, %add3A_172, %add3A_190 : i32
          %or3A = arith.constant false
          %or3A_199 = arith.ori %or3A, %ne3A : i1
          %or3A_200 = arith.constant false
          %or3A_201 = arith.ori %or3A_199, %or3A_200 : i1
          %sub3A_202 = arith.constant 2 : i32
          %sub3A_203 = arith.subi %mul3A_166, %sub3A_202 : i32
          %add3A_204 = arith.constant 1 : i32
          %add3A_205 = arith.addi %sub3A_203, %add3A_204 : i32
          %ge3A = arith.cmpi sge, %while3A_159, %add3A_205 : i32
          %not3A = arith.constant true
          %not3A_206 = arith.xori %ge3A, %not3A : i1
          %and3A = arith.andi %or3A_201, %not3A_206 : i1
          %convert_element_type3A_207 = arith.extui %and3A : i1 to i32
          %cond3A_208 = arith.constant 0 : i32
          %cond3A_209 = arith.cmpi ne, %convert_element_type3A_207, %cond3A_208 : i32
          scf.if %cond3A_209 {
            "tpu.trace_start"() <{level = 10 : i32, message = "ep_copy_in"}> : () -> ()
            %rem3A_322 = arith.constant 2 : i32
            %rem3A_323 = arith.remui %while3A_160, %rem3A_322 : i32
            %mul3A_324 = arith.constant 128 : i32
            %mul3A_325 = arith.muli %mul3A_324, %add3A_190 : i32
            %dma_start3A_326 = arith.constant 0 : i32
            %dma_start3A_327 = arith.constant 0 : i32
            %dma_start3A_328 = tpu.memref_slice %run_scoped3A[%rem3A_323, %dma_start3A_326, %dma_start3A_327] : memref<2x128x128xf32, #tpu.memory_space<vmem>> -> memref<1x128x128xf32, #tpu.memory_space<vmem>>
            %dma_start3A_329 = tpu.memref_squeeze %dma_start3A_328 : memref<1x128x128xf32, #tpu.memory_space<vmem>> -> memref<128x128xf32, #tpu.memory_space<vmem>>
            %dma_start3A_330 = arith.constant 0 : i32
            %dma_start3A_331 = tpu.memref_slice %arg2[%mul3A_325, %dma_start3A_330] : memref<896x128xf32, #tpu.memory_space<hbm>> -> memref<128x128xf32, #tpu.memory_space<hbm>>
            %dma_start3A_332 = tpu.memref_slice %run_scoped3A_10[%rem3A_323] : memref<2x!tpu.dma_semaphore, #tpu.memory_space<semaphore_mem>> -> memref<1x!tpu.dma_semaphore, #tpu.memory_space<semaphore_mem>>
            %dma_start3A_333 = tpu.memref_squeeze %dma_start3A_332 : memref<1x!tpu.dma_semaphore, #tpu.memory_space<semaphore_mem>> -> memref<!tpu.dma_semaphore, #tpu.memory_space<semaphore_mem>>
            %dma_start3A_334 = arith.constant 0 : i32
            %dma_start3A_335 = arith.constant 0 : i32
            %dma_start3A_336 = tpu.memref_slice %run_scoped3A[%rem3A_323, %dma_start3A_334, %dma_start3A_335] : memref<2x128x128xf32, #tpu.memory_space<vmem>> -> memref<1x128x128xf32, #tpu.memory_space<vmem>>
            %dma_start3A_337 = tpu.memref_squeeze %dma_start3A_336 : memref<1x128x128xf32, #tpu.memory_space<vmem>> -> memref<128x128xf32, #tpu.memory_space<vmem>>
            %dma_start3A_338 = arith.constant 0 : i32
            %dma_start3A_339 = tpu.memref_slice %arg2[%mul3A_325, %dma_start3A_338] : memref<896x128xf32, #tpu.memory_space<hbm>> -> memref<128x128xf32, #tpu.memory_space<hbm>>
            tpu.enqueue_dma source(%dma_start3A_339 : memref<128x128xf32, #tpu.memory_space<hbm>>) target(%dma_start3A_337 : memref<128x128xf32, #tpu.memory_space<vmem>>) target_semaphore(%dma_start3A_333 : memref<!tpu.dma_semaphore, #tpu.memory_space<semaphore_mem>>)
            "tpu.trace_stop"() : () -> ()
          } else {
          }
          %and3A_210 = arith.constant true
          %and3A_211 = arith.andi %and3A, %and3A_210 : i1
          %add3A_212 = arith.constant 1 : i32
          %add3A_213 = arith.addi %while3A_160, %add3A_212 : i32
          %select_n3A_214 = arith.select %and3A_211, %add3A_213, %while3A_160 : i32
          %ne3A_215 = arith.cmpi ne, %add3A_172, %add3A_190 : i32
          %or3A_216 = arith.constant false
          %or3A_217 = arith.ori %or3A_216, %ne3A_215 : i1
          %sub3A_218 = arith.constant 2 : i32
          %sub3A_219 = arith.subi %mul3A_166, %sub3A_218 : i32
          %add3A_220 = arith.constant 1 : i32
          %add3A_221 = arith.addi %sub3A_219, %add3A_220 : i32
          %ge3A_222 = arith.cmpi sge, %while3A_159, %add3A_221 : i32
          %not3A_223 = arith.constant true
          %not3A_224 = arith.xori %ge3A_222, %not3A_223 : i1
          %and3A_225 = arith.andi %or3A_217, %not3A_224 : i1
          %convert_element_type3A_226 = arith.extui %and3A_225 : i1 to i32
          %cond3A_227 = arith.constant 0 : i32
          %cond3A_228 = arith.cmpi ne, %convert_element_type3A_226, %cond3A_227 : i32
          scf.if %cond3A_228 {
            "tpu.trace_start"() <{level = 10 : i32, message = "ep_copy_in"}> : () -> ()
            %rem3A_322 = arith.constant 2 : i32
            %rem3A_323 = arith.remui %while3A_162, %rem3A_322 : i32
            %mul3A_324 = arith.constant 128 : i32
            %mul3A_325 = arith.muli %mul3A_324, %add3A_190 : i32
            %dma_start3A_326 = arith.constant 0 : i32
            %dma_start3A_327 = arith.constant 0 : i32
            %dma_start3A_328 = tpu.memref_slice %run_scoped3A_11[%rem3A_323, %dma_start3A_326, %dma_start3A_327] : memref<2x1x128xi32, #tpu.memory_space<vmem>> -> memref<1x1x128xi32, #tpu.memory_space<vmem>>
            %dma_start3A_329 = tpu.memref_squeeze %dma_start3A_328 : memref<1x1x128xi32, #tpu.memory_space<vmem>> -> memref<1x128xi32, #tpu.memory_space<vmem>>
            %dma_start3A_330 = arith.constant 0 : i32
            %dma_start3A_331 = tpu.memref_slice %arg3[%dma_start3A_330, %mul3A_325] : memref<1x896xi32, #tpu.memory_space<hbm>> -> memref<1x128xi32, #tpu.memory_space<hbm>>
            %dma_start3A_332 = tpu.memref_slice %run_scoped3A_12[%rem3A_323] : memref<2x!tpu.dma_semaphore, #tpu.memory_space<semaphore_mem>> -> memref<1x!tpu.dma_semaphore, #tpu.memory_space<semaphore_mem>>
            %dma_start3A_333 = tpu.memref_squeeze %dma_start3A_332 : memref<1x!tpu.dma_semaphore, #tpu.memory_space<semaphore_mem>> -> memref<!tpu.dma_semaphore, #tpu.memory_space<semaphore_mem>>
            %dma_start3A_334 = arith.constant 0 : i32
            %dma_start3A_335 = arith.constant 0 : i32
            %dma_start3A_336 = tpu.memref_slice %run_scoped3A_11[%rem3A_323, %dma_start3A_334, %dma_start3A_335] : memref<2x1x128xi32, #tpu.memory_space<vmem>> -> memref<1x1x128xi32, #tpu.memory_space<vmem>>
            %dma_start3A_337 = tpu.memref_squeeze %dma_start3A_336 : memref<1x1x128xi32, #tpu.memory_space<vmem>> -> memref<1x128xi32, #tpu.memory_space<vmem>>
            %dma_start3A_338 = arith.constant 0 : i32
            %dma_start3A_339 = tpu.memref_slice %arg3[%dma_start3A_338, %mul3A_325] : memref<1x896xi32, #tpu.memory_space<hbm>> -> memref<1x128xi32, #tpu.memory_space<hbm>>
            tpu.enqueue_dma source(%dma_start3A_339 : memref<1x128xi32, #tpu.memory_space<hbm>>) target(%dma_start3A_337 : memref<1x128xi32, #tpu.memory_space<vmem>>) target_semaphore(%dma_start3A_333 : memref<!tpu.dma_semaphore, #tpu.memory_space<semaphore_mem>>)
            "tpu.trace_stop"() : () -> ()
          } else {
          }
          %and3A_229 = arith.constant true
          %and3A_230 = arith.andi %and3A_225, %and3A_229 : i1
          %add3A_231 = arith.constant 1 : i32
          %add3A_232 = arith.addi %while3A_162, %add3A_231 : i32
          %select_n3A_233 = arith.select %and3A_230, %add3A_232, %while3A_162 : i32
          %ne3A_234 = arith.cmpi ne, %add3A_172, %add3A_182 : i32
          %or3A_235 = arith.constant false
          %or3A_236 = arith.ori %or3A_235, %ne3A_234 : i1
          %or3A_237 = arith.constant false
          %or3A_238 = arith.ori %or3A_236, %or3A_237 : i1
          %or3A_239 = arith.ori %or3A_238, %eq3A_168 : i1
          %convert_element_type3A_240 = arith.extui %or3A_239 : i1 to i32
          %cond3A_241 = arith.constant 0 : i32
          %cond3A_242 = arith.cmpi ne, %convert_element_type3A_240, %cond3A_241 : i32
          scf.if %cond3A_242 {
            "tpu.trace_start"() <{level = 10 : i32, message = "ep_wait_in"}> : () -> ()
            %mul3A_322 = arith.constant 128 : i32
            %mul3A_323 = arith.muli %mul3A_322, %add3A_172 : i32
            %rem3A_324 = arith.constant 2 : i32
            %rem3A_325 = arith.remui %while3A_161, %rem3A_324 : i32
            %dma_wait3A = arith.constant 0 : i32
            %dma_wait3A_326 = arith.constant 0 : i32
            %dma_wait3A_327 = tpu.memref_slice %run_scoped3A[%rem3A_325, %dma_wait3A, %dma_wait3A_326] : memref<2x128x128xf32, #tpu.memory_space<vmem>> -> memref<1x128x128xf32, #tpu.memory_space<vmem>>
            %dma_wait3A_328 = tpu.memref_squeeze %dma_wait3A_327 : memref<1x128x128xf32, #tpu.memory_space<vmem>> -> memref<128x128xf32, #tpu.memory_space<vmem>>
            %dma_wait3A_329 = arith.constant 0 : i32
            %dma_wait3A_330 = tpu.memref_slice %arg2[%mul3A_323, %dma_wait3A_329] : memref<896x128xf32, #tpu.memory_space<hbm>> -> memref<128x128xf32, #tpu.memory_space<hbm>>
            %dma_wait3A_331 = tpu.memref_slice %run_scoped3A_10[%rem3A_325] : memref<2x!tpu.dma_semaphore, #tpu.memory_space<semaphore_mem>> -> memref<1x!tpu.dma_semaphore, #tpu.memory_space<semaphore_mem>>
            %dma_wait3A_332 = tpu.memref_squeeze %dma_wait3A_331 : memref<1x!tpu.dma_semaphore, #tpu.memory_space<semaphore_mem>> -> memref<!tpu.dma_semaphore, #tpu.memory_space<semaphore_mem>>
            %dma_wait3A_333 = arith.constant 0 : i32
            %dma_wait3A_334 = arith.constant 0 : i32
            %dma_wait3A_335 = tpu.memref_slice %run_scoped3A[%rem3A_325, %dma_wait3A_333, %dma_wait3A_334] : memref<2x128x128xf32, #tpu.memory_space<vmem>> -> memref<1x128x128xf32, #tpu.memory_space<vmem>>
            %dma_wait3A_336 = tpu.memref_squeeze %dma_wait3A_335 : memref<1x128x128xf32, #tpu.memory_space<vmem>> -> memref<128x128xf32, #tpu.memory_space<vmem>>
            %dma_wait3A_337 = arith.constant 0 : i32
            %dma_wait3A_338 = tpu.memref_slice %arg2[%mul3A_323, %dma_wait3A_337] : memref<896x128xf32, #tpu.memory_space<hbm>> -> memref<128x128xf32, #tpu.memory_space<hbm>>
            tpu.wait_dma2 semaphore(%dma_wait3A_332 : memref<!tpu.dma_semaphore, #tpu.memory_space<semaphore_mem>>) src(%dma_wait3A_338 : memref<128x128xf32, #tpu.memory_space<hbm>>) dst(%dma_wait3A_336 : memref<128x128xf32, #tpu.memory_space<vmem>>)
            "tpu.trace_stop"() : () -> ()
          } else {
          }
          %ne3A_243 = arith.cmpi ne, %add3A_172, %add3A_182 : i32
          %or3A_244 = arith.constant false
          %or3A_245 = arith.ori %or3A_244, %ne3A_243 : i1
          %or3A_246 = arith.ori %or3A_245, %eq3A_168 : i1
          %convert_element_type3A_247 = arith.extui %or3A_246 : i1 to i32
          %cond3A_248 = arith.constant 0 : i32
          %cond3A_249 = arith.cmpi ne, %convert_element_type3A_247, %cond3A_248 : i32
          scf.if %cond3A_249 {
            "tpu.trace_start"() <{level = 10 : i32, message = "ep_wait_in"}> : () -> ()
            %mul3A_322 = arith.constant 128 : i32
            %mul3A_323 = arith.muli %mul3A_322, %add3A_172 : i32
            %rem3A_324 = arith.constant 2 : i32
            %rem3A_325 = arith.remui %while3A_163, %rem3A_324 : i32
            %dma_wait3A = arith.constant 0 : i32
            %dma_wait3A_326 = arith.constant 0 : i32
            %dma_wait3A_327 = tpu.memref_slice %run_scoped3A_11[%rem3A_325, %dma_wait3A, %dma_wait3A_326] : memref<2x1x128xi32, #tpu.memory_space<vmem>> -> memref<1x1x128xi32, #tpu.memory_space<vmem>>
            %dma_wait3A_328 = tpu.memref_squeeze %dma_wait3A_327 : memref<1x1x128xi32, #tpu.memory_space<vmem>> -> memref<1x128xi32, #tpu.memory_space<vmem>>
            %dma_wait3A_329 = arith.constant 0 : i32
            %dma_wait3A_330 = tpu.memref_slice %arg3[%dma_wait3A_329, %mul3A_323] : memref<1x896xi32, #tpu.memory_space<hbm>> -> memref<1x128xi32, #tpu.memory_space<hbm>>
            %dma_wait3A_331 = tpu.memref_slice %run_scoped3A_12[%rem3A_325] : memref<2x!tpu.dma_semaphore, #tpu.memory_space<semaphore_mem>> -> memref<1x!tpu.dma_semaphore, #tpu.memory_space<semaphore_mem>>
            %dma_wait3A_332 = tpu.memref_squeeze %dma_wait3A_331 : memref<1x!tpu.dma_semaphore, #tpu.memory_space<semaphore_mem>> -> memref<!tpu.dma_semaphore, #tpu.memory_space<semaphore_mem>>
            %dma_wait3A_333 = arith.constant 0 : i32
            %dma_wait3A_334 = arith.constant 0 : i32
            %dma_wait3A_335 = tpu.memref_slice %run_scoped3A_11[%rem3A_325, %dma_wait3A_333, %dma_wait3A_334] : memref<2x1x128xi32, #tpu.memory_space<vmem>> -> memref<1x1x128xi32, #tpu.memory_space<vmem>>
            %dma_wait3A_336 = tpu.memref_squeeze %dma_wait3A_335 : memref<1x1x128xi32, #tpu.memory_space<vmem>> -> memref<1x128xi32, #tpu.memory_space<vmem>>
            %dma_wait3A_337 = arith.constant 0 : i32
            %dma_wait3A_338 = tpu.memref_slice %arg3[%dma_wait3A_337, %mul3A_323] : memref<1x896xi32, #tpu.memory_space<hbm>> -> memref<1x128xi32, #tpu.memory_space<hbm>>
            tpu.wait_dma2 semaphore(%dma_wait3A_332 : memref<!tpu.dma_semaphore, #tpu.memory_space<semaphore_mem>>) src(%dma_wait3A_338 : memref<1x128xi32, #tpu.memory_space<hbm>>) dst(%dma_wait3A_336 : memref<1x128xi32, #tpu.memory_space<vmem>>)
            "tpu.trace_stop"() : () -> ()
          } else {
          }
          %rem3A_250 = arith.constant 2 : i32
          %rem3A_251 = arith.remui %while3A_161, %rem3A_250 : i32
          %rem3A_252 = arith.constant 2 : i32
          %rem3A_253 = arith.remui %while3A_163, %rem3A_252 : i32
          %run_scoped3A_254 = arith.constant 0 : i32
          "tpu.trace_start"() <{level = 10 : i32, message = "ep_run_kernel"}> : () -> ()
          "tpu.region"() ({
            %run_scoped3A_322 = tpu.sem_alloc : memref<!tpu.dma_semaphore, #tpu.memory_space<semaphore_mem>>
            %dma_start3A_323 = arith.constant 0 : i32
            %dma_start3A_324 = arith.constant 0 : i32
            %dma_start3A_325 = tpu.memref_slice %run_scoped3A[%rem3A_251, %dma_start3A_323, %dma_start3A_324] : memref<2x128x128xf32, #tpu.memory_space<vmem>> -> memref<1x128x128xf32, #tpu.memory_space<vmem>>
            %dma_start3A_326 = tpu.memref_squeeze %dma_start3A_325 : memref<1x128x128xf32, #tpu.memory_space<vmem>> -> memref<128x128xf32, #tpu.memory_space<vmem>>
            %dma_start3A_327 = arith.constant 0 : i32
            %dma_start3A_328 = arith.constant 0 : i32
            %dma_start3A_329 = tpu.memref_slice %run_scoped3A_11[%rem3A_253, %dma_start3A_327, %dma_start3A_328] : memref<2x1x128xi32, #tpu.memory_space<vmem>> -> memref<1x1x128xi32, #tpu.memory_space<vmem>>
            %dma_start3A_330 = tpu.memref_squeeze %dma_start3A_329 : memref<1x1x128xi32, #tpu.memory_space<vmem>> -> memref<1x128xi32, #tpu.memory_space<vmem>>
            %dma_start3A_331 = arith.constant 0 : i32
            %dma_start3A_332 = tpu.memref_slice %dma_start3A_330[%run_scoped3A_254, %dma_start3A_331] : memref<1x128xi32, #tpu.memory_space<vmem>> -> memref<1x128xi32, #tpu.memory_space<vmem>>
            %dma_start3A_333 = tpu.memref_squeeze %dma_start3A_332 : memref<1x128xi32, #tpu.memory_space<vmem>> -> memref<128xi32, #tpu.memory_space<vmem>>
            %dma_start3A_334 = arith.constant 0 : i32
            %dma_start3A_335 = arith.constant 0 : i32
            %dma_start3A_336 = tpu.memref_slice %arg4[%dma_start3A_334, %dma_start3A_335] : memref<3376x128xf32, #tpu.memory_space<hbm>> -> memref<3376x128xf32, #tpu.memory_space<hbm>>
            tpu.enqueue_indirect_dma source(%dma_start3A_326 : memref<128x128xf32, #tpu.memory_space<vmem>>) target(%dma_start3A_336 : memref<3376x128xf32, #tpu.memory_space<hbm>>) offsets(%dma_start3A_333 : memref<128xi32, #tpu.memory_space<vmem>>) semaphore(%run_scoped3A_322 : memref<!tpu.dma_semaphore, #tpu.memory_space<semaphore_mem>>)
            %dma_wait3A = arith.constant 0 : i32
            %dma_wait3A_337 = arith.constant 0 : i32
            %dma_wait3A_338 = tpu.memref_slice %run_scoped3A[%rem3A_251, %dma_wait3A, %dma_wait3A_337] : memref<2x128x128xf32, #tpu.memory_space<vmem>> -> memref<1x128x128xf32, #tpu.memory_space<vmem>>
            %dma_wait3A_339 = tpu.memref_squeeze %dma_wait3A_338 : memref<1x128x128xf32, #tpu.memory_space<vmem>> -> memref<128x128xf32, #tpu.memory_space<vmem>>
            %dma_wait3A_340 = arith.constant 0 : i32
            %dma_wait3A_341 = arith.constant 0 : i32
            %dma_wait3A_342 = tpu.memref_slice %run_scoped3A_11[%rem3A_253, %dma_wait3A_340, %dma_wait3A_341] : memref<2x1x128xi32, #tpu.memory_space<vmem>> -> memref<1x1x128xi32, #tpu.memory_space<vmem>>
            %dma_wait3A_343 = tpu.memref_squeeze %dma_wait3A_342 : memref<1x1x128xi32, #tpu.memory_space<vmem>> -> memref<1x128xi32, #tpu.memory_space<vmem>>
            %dma_wait3A_344 = arith.constant 0 : i32
            %dma_wait3A_345 = tpu.memref_slice %dma_wait3A_343[%run_scoped3A_254, %dma_wait3A_344] : memref<1x128xi32, #tpu.memory_space<vmem>> -> memref<1x128xi32, #tpu.memory_space<vmem>>
            %dma_wait3A_346 = tpu.memref_squeeze %dma_wait3A_345 : memref<1x128xi32, #tpu.memory_space<vmem>> -> memref<128xi32, #tpu.memory_space<vmem>>
            %dma_wait3A_347 = arith.constant 0 : i32
            %dma_wait3A_348 = arith.constant 0 : i32
            %dma_wait3A_349 = tpu.memref_slice %arg4[%dma_wait3A_347, %dma_wait3A_348] : memref<3376x128xf32, #tpu.memory_space<hbm>> -> memref<3376x128xf32, #tpu.memory_space<hbm>>
            tpu.wait_indirect_dma semaphore(%run_scoped3A_322 : memref<!tpu.dma_semaphore, #tpu.memory_space<semaphore_mem>>) src(%dma_wait3A_339 : memref<128x128xf32, #tpu.memory_space<vmem>>) dst(%dma_wait3A_349 : memref<3376x128xf32, #tpu.memory_space<hbm>>)
            tpu.yield
          }) : () -> ()
          "tpu.trace_stop"() : () -> ()
          %ne3A_255 = arith.cmpi ne, %add3A_172, %add3A_190 : i32
          %or3A_256 = arith.constant false
          %or3A_257 = arith.ori %or3A_256, %ne3A_255 : i1
          %or3A_258 = arith.constant false
          %or3A_259 = arith.ori %or3A_257, %or3A_258 : i1
          %or3A_260 = arith.ori %or3A_259, %eq3A_171 : i1
          %convert_element_type3A_261 = arith.extui %or3A_260 : i1 to i32
          %cond3A_262 = arith.constant 0 : i32
          %cond3A_263 = arith.cmpi ne, %convert_element_type3A_261, %cond3A_262 : i32
          scf.if %cond3A_263 {
          } else {
          }
          %and3A_264 = arith.constant false
          %and3A_265 = arith.andi %or3A_260, %and3A_264 : i1
          %ne3A_266 = arith.cmpi ne, %add3A_172, %add3A_190 : i32
          %or3A_267 = arith.constant false
          %or3A_268 = arith.ori %or3A_267, %ne3A_266 : i1
          %or3A_269 = arith.ori %or3A_268, %eq3A_171 : i1
          %convert_element_type3A_270 = arith.extui %or3A_269 : i1 to i32
          %cond3A_271 = arith.constant 0 : i32
          %cond3A_272 = arith.cmpi ne, %convert_element_type3A_270, %cond3A_271 : i32
          scf.if %cond3A_272 {
          } else {
          }
          %and3A_273 = arith.constant false
          %and3A_274 = arith.andi %or3A_269, %and3A_273 : i1
          %ne3A_275 = arith.cmpi ne, %add3A_172, %add3A_182 : i32
          %or3A_276 = arith.constant false
          %or3A_277 = arith.ori %or3A_276, %ne3A_275 : i1
          %or3A_278 = arith.constant false
          %or3A_279 = arith.ori %or3A_277, %or3A_278 : i1
          %not3A_280 = arith.constant true
          %not3A_281 = arith.xori %eq3A_168, %not3A_280 : i1
          %and3A_282 = arith.andi %or3A_279, %not3A_281 : i1
          %convert_element_type3A_283 = arith.extui %and3A_282 : i1 to i32
          %cond3A_284 = arith.constant 0 : i32
          %cond3A_285 = arith.cmpi ne, %convert_element_type3A_283, %cond3A_284 : i32
          scf.if %cond3A_285 {
          } else {
          }
          %and3A_286 = arith.constant false
          %and3A_287 = arith.andi %and3A_282, %and3A_286 : i1
          %ne3A_288 = arith.cmpi ne, %add3A_172, %add3A_182 : i32
          %or3A_289 = arith.constant false
          %or3A_290 = arith.ori %or3A_289, %ne3A_288 : i1
          %not3A_291 = arith.constant true
          %not3A_292 = arith.xori %eq3A_168, %not3A_291 : i1
          %and3A_293 = arith.andi %or3A_290, %not3A_292 : i1
          %convert_element_type3A_294 = arith.extui %and3A_293 : i1 to i32
          %cond3A_295 = arith.constant 0 : i32
          %cond3A_296 = arith.cmpi ne, %convert_element_type3A_294, %cond3A_295 : i32
          scf.if %cond3A_296 {
          } else {
          }
          %and3A_297 = arith.constant false
          %and3A_298 = arith.andi %and3A_293, %and3A_297 : i1
          %ne3A_299 = arith.cmpi ne, %add3A_172, %add3A_190 : i32
          %or3A_300 = arith.constant false
          %or3A_301 = arith.ori %or3A_300, %ne3A_299 : i1
          %or3A_302 = arith.constant false
          %or3A_303 = arith.ori %or3A_301, %or3A_302 : i1
          %or3A_304 = arith.ori %or3A_303, %eq3A_171 : i1
          %add3A_305 = arith.constant 1 : i32
          %add3A_306 = arith.addi %while3A_161, %add3A_305 : i32
          %select_n3A_307 = arith.select %or3A_304, %add3A_306, %while3A_161 : i32
          %ne3A_308 = arith.cmpi ne, %add3A_172, %add3A_190 : i32
          %or3A_309 = arith.constant false
          %or3A_310 = arith.ori %or3A_309, %ne3A_308 : i1
          %or3A_311 = arith.ori %or3A_310, %eq3A_171 : i1
          %add3A_312 = arith.constant 1 : i32
          %add3A_313 = arith.addi %while3A_163, %add3A_312 : i32
          %select_n3A_314 = arith.select %or3A_311, %add3A_313, %while3A_163 : i32
          %add3A_315 = arith.constant 1 : i32
          %add3A_316 = arith.addi %while3A_164, %add3A_315 : i32
          %select_n3A_317 = arith.constant true
          %select_n3A_318 = arith.select %select_n3A_317, %add3A_316, %while3A_164 : i32
          %eq3A_319 = arith.cmpi eq, %select_n3A_318, %select_n3A : i32
          %select_n3A_320 = arith.constant 0 : i32
          %select_n3A_321 = arith.select %eq3A_319, %select_n3A_320, %select_n3A_318 : i32
          scf.yield %select_n3A_214, %select_n3A_307, %select_n3A_233, %select_n3A_314, %select_n3A_321 : i32, i32, i32, i32, i32
        }
        %sub3A_108 = arith.constant 1 : i32
        %sub3A_109 = arith.subi %while3A_107#4, %sub3A_108 : i32
        %select_n3A_110 = arith.constant true
        %select_n3A_111 = arith.select %select_n3A_110, %sub3A_109, %while3A_107#4 : i32
        %eq3A_112 = arith.constant -1 : i32
        %eq3A_113 = arith.cmpi eq, %select_n3A_111, %eq3A_112 : i32
        %sub3A_114 = arith.constant 1 : i32
        %sub3A_115 = arith.subi %select_n3A, %sub3A_114 : i32
        %select_n3A_116 = arith.select %eq3A_113, %sub3A_115, %select_n3A_111 : i32
        %sub3A_117 = arith.constant 1 : i32
        %sub3A_118 = arith.subi %mul3A_9, %sub3A_117 : i32
        %mul3A_119 = arith.constant 1 : i32
        %mul3A_120 = arith.muli %mul3A_119, %select_n3A : i32
        %eq3A_121 = arith.constant 0 : i32
        %eq3A_122 = arith.cmpi eq, %sub3A_118, %eq3A_121 : i32
        %sub3A_123 = arith.constant 1 : i32
        %sub3A_124 = arith.subi %mul3A_120, %sub3A_123 : i32
        %eq3A_125 = arith.cmpi eq, %sub3A_118, %sub3A_124 : i32
        %add3A_126 = arith.addi %select_n3A_116, %select_n3A_7 : i32
        %sub3A_127 = arith.constant 1 : i32
        %sub3A_128 = arith.subi %select_n3A_116, %sub3A_127 : i32
        %select_n3A_129 = arith.constant true
        %select_n3A_130 = arith.select %select_n3A_129, %sub3A_128, %select_n3A_116 : i32
        %eq3A_131 = arith.constant -1 : i32
        %eq3A_132 = arith.cmpi eq, %select_n3A_130, %eq3A_131 : i32
        %sub3A_133 = arith.constant 1 : i32
        %sub3A_134 = arith.subi %select_n3A, %sub3A_133 : i32
        %select_n3A_135 = arith.select %eq3A_132, %sub3A_134, %select_n3A_130 : i32
        %add3A_136 = arith.addi %select_n3A_135, %select_n3A_7 : i32
        %add3A_137 = arith.constant 1 : i32
        %add3A_138 = arith.addi %select_n3A_116, %add3A_137 : i32
        %select_n3A_139 = arith.constant true
        %select_n3A_140 = arith.select %select_n3A_139, %add3A_138, %select_n3A_116 : i32
        %eq3A_141 = arith.cmpi eq, %select_n3A_140, %select_n3A : i32
        %select_n3A_142 = arith.constant 0 : i32
        %select_n3A_143 = arith.select %eq3A_141, %select_n3A_142, %select_n3A_140 : i32
        %add3A_144 = arith.addi %select_n3A_143, %select_n3A_7 : i32
        %add3A_145 = arith.constant 1 : i32
        %add3A_146 = arith.addi %select_n3A_143, %add3A_145 : i32
        %select_n3A_147 = arith.constant true
        %select_n3A_148 = arith.select %select_n3A_147, %add3A_146, %select_n3A_143 : i32
        %eq3A_149 = arith.cmpi eq, %select_n3A_148, %select_n3A : i32
        %select_n3A_150 = arith.constant 0 : i32
        %select_n3A_151 = arith.select %eq3A_149, %select_n3A_150, %select_n3A_148 : i32
        %add3A_152 = arith.addi %select_n3A_151, %select_n3A_7 : i32
        %convert_element_type3A_153 = arith.extui %eq3A_125 : i1 to i32
        %cond3A_154 = arith.constant 0 : i32
        %cond3A_155 = arith.cmpi ne, %convert_element_type3A_153, %cond3A_154 : i32
        scf.if %cond3A_155 {
        } else {
        }
        %convert_element_type3A_156 = arith.extui %eq3A_125 : i1 to i32
        %cond3A_157 = arith.constant 0 : i32
        %cond3A_158 = arith.cmpi ne, %convert_element_type3A_156, %cond3A_157 : i32
        scf.if %cond3A_158 {
        } else {
        }
      } else {
      }
      tpu.yield
    }) : () -> ()
    return
  }
}

module attributes {stable_mosaic.version = 14 : i64} {
  func.func @_meta_body(%arg0: memref<896x128xf32, #tpu.memory_space<vmem>>, %arg1: memref<64x96xf32, #tpu.memory_space<vmem>>, %arg2: memref<64x1xf32, #tpu.memory_space<vmem>>, %arg3: memref<1x896xi32, #tpu.memory_space<vmem>>, %arg4: memref<1x153xi32, #tpu.memory_space<vmem>>) attributes {dimension_semantics = [], scalar_prefetch = 0 : i64, scratch_operands = 0 : i64, tpu.core_type = #tpu.core_type<tc>} {
    %get3A = arith.constant 0 : index
    %get3A_0 = arith.constant 0 : index
    %get3A_1 = vector.load %arg1[%get3A, %get3A_0] : memref<64x96xf32, #tpu.memory_space<vmem>>, vector<64x96xf32>
    %get3A_2 = arith.constant 0 : index
    %get3A_3 = arith.constant 0 : index
    %get3A_4 = vector.load %arg0[%get3A_2, %get3A_3] : memref<896x128xf32, #tpu.memory_space<vmem>>, vector<896x96xf32>
    %dot_general3A = arith.constant dense<0.000000e+00> : vector<64x896xf32>
    %dot_general3A_5 = tpu.matmul %get3A_1, %get3A_4, %dot_general3A {dimension_numbers = #tpu.dot_dimension_numbers<[1], [1], [0], [0], [0, 0, 1, 0], [], []>, transpose_lhs_hint = false} : vector<64x96xf32>, vector<896x96xf32>, vector<64x896xf32> -> vector<64x896xf32>
    %get3A_6 = arith.constant 0 : index
    %get3A_7 = arith.constant 0 : index
    %get3A_8 = vector.load %arg2[%get3A_6, %get3A_7] : memref<64x1xf32, #tpu.memory_space<vmem>>, vector<64x1xf32>
    %add3A = vector.broadcast %get3A_8 : vector<64x1xf32> to vector<64x896xf32>
    %add3A_9 = arith.addf %dot_general3A_5, %add3A : vector<64x896xf32>
    %reduce_max3A = arith.constant dense<0xFF800000> : vector<896xf32>
    %reduce_max3A_10 = vector.multi_reduction <maximumf>, %add3A_9, %reduce_max3A [0] : vector<64x896xf32> to vector<896xf32>
    %broadcast_in_dim3A = vector.shape_cast %reduce_max3A_10 : vector<896xf32> to vector<1x896xf32>
    %iota3A = tpu.iota {dimensions = array<i32: 0>} : vector<64x896xi32>
    %ge3A = vector.broadcast %broadcast_in_dim3A : vector<1x896xf32> to vector<64x896xf32>
    %ge3A_11 = arith.cmpf oge, %add3A_9, %ge3A : vector<64x896xf32>
    %jit3A = arith.constant 64 : i32
    %broadcast_in_dim3A_12 = vector.broadcast %jit3A : i32 to vector<64x896xi32>
    %select_n3A = arith.select %ge3A_11, %iota3A, %broadcast_in_dim3A_12 : vector<64x896xi1>, vector<64x896xi32>
    %reduce_min3A = arith.constant dense<2147483647> : vector<896xi32>
    %reduce_min3A_13 = vector.multi_reduction <minsi>, %select_n3A, %reduce_min3A [0] : vector<64x896xi32> to vector<896xi32>
    %broadcast_in_dim3A_14 = vector.shape_cast %reduce_min3A_13 : vector<896xi32> to vector<1x896xi32>
    %iota3A_15 = tpu.iota {dimensions = array<i32: 1>} : vector<64x896xi32>
    %eq3A = vector.broadcast %broadcast_in_dim3A_14 : vector<1x896xi32> to vector<64x896xi32>
    %eq3A_16 = arith.cmpi eq, %iota3A, %eq3A : vector<64x896xi32>
    %lt3A = arith.constant 784 : i32
    %lt3A_17 = vector.broadcast %lt3A : i32 to vector<64x896xi32>
    %lt3A_18 = arith.cmpi slt, %iota3A_15, %lt3A_17 : vector<64x896xi32>
    %and3A = arith.andi %eq3A_16, %lt3A_18 : vector<64x896xi1>
    %convert_element_type3A = arith.extui %and3A : vector<64x896xi1> to vector<64x896xi32>
    %convert_element_type3A_19 = arith.sitofp %convert_element_type3A : vector<64x896xi32> to vector<64x896xf32>
    %iota3A_20 = tpu.iota {dimensions = array<i32: 0>} : vector<896x896xi32>
    %iota3A_21 = tpu.iota {dimensions = array<i32: 1>} : vector<896x896xi32>
    %lt3A_22 = arith.cmpi slt, %iota3A_20, %iota3A_21 : vector<896x896xi32>
    %convert_element_type3A_23 = arith.extui %lt3A_22 : vector<896x896xi1> to vector<896x896xi32>
    %convert_element_type3A_24 = arith.sitofp %convert_element_type3A_23 : vector<896x896xi32> to vector<896x896xf32>
    %dot_general3A_25 = arith.constant dense<0.000000e+00> : vector<64x896xf32>
    %dot_general3A_26 = tpu.matmul %convert_element_type3A_19, %convert_element_type3A_24, %dot_general3A_25 {dimension_numbers = #tpu.dot_dimension_numbers<[1], [0], [0], [1], [0, 0, 1, 1], [], []>, transpose_lhs_hint = false} : vector<64x896xf32>, vector<896x896xf32>, vector<64x896xf32> -> vector<64x896xf32>
    %mul3A = arith.mulf %convert_element_type3A_19, %dot_general3A_26 : vector<64x896xf32>
    %reduce_sum3A = arith.constant dense<0.000000e+00> : vector<896xf32>
    %reduce_sum3A_27 = vector.multi_reduction <add>, %mul3A, %reduce_sum3A [0] : vector<64x896xf32> to vector<896xf32>
    %broadcast_in_dim3A_28 = vector.shape_cast %reduce_sum3A_27 : vector<896xf32> to vector<1x896xf32>
    %reduce_sum3A_29 = arith.constant dense<0.000000e+00> : vector<64xf32>
    %reduce_sum3A_30 = vector.multi_reduction <add>, %convert_element_type3A_19, %reduce_sum3A_29 [1] : vector<64x896xf32> to vector<64xf32>
    %broadcast_in_dim3A_31 = vector.shape_cast %reduce_sum3A_30 : vector<64xf32> to vector<64x1xf32>
    %sub3A = arith.constant 3.200000e+01 : f32
    %sub3A_32 = vector.broadcast %sub3A : f32 to vector<64x1xf32>
    %sub3A_33 = arith.subf %broadcast_in_dim3A_31, %sub3A_32 : vector<64x1xf32>
    %max3A = arith.constant 0.000000e+00 : f32
    %max3A_34 = vector.broadcast %max3A : f32 to vector<64x1xf32>
    %max3A_35 = arith.maximumf %sub3A_33, %max3A_34 : vector<64x1xf32>
    %add3A_36 = arith.constant 7.000000e+00 : f32
    %add3A_37 = vector.broadcast %add3A_36 : f32 to vector<64x1xf32>
    %add3A_38 = arith.addf %max3A_35, %add3A_37 : vector<64x1xf32>
    %mul3A_39 = arith.constant 1.250000e-01 : f32
    %mul3A_40 = vector.broadcast %mul3A_39 : f32 to vector<64x1xf32>
    %mul3A_41 = arith.mulf %add3A_38, %mul3A_40 : vector<64x1xf32>
    %floor3A = math.floor %mul3A_41 : vector<64x1xf32>
    %mul3A_42 = arith.constant 8.000000e+00 : f32
    %mul3A_43 = vector.broadcast %mul3A_42 : f32 to vector<64x1xf32>
    %mul3A_44 = arith.mulf %floor3A, %mul3A_43 : vector<64x1xf32>
    %iota3A_45 = tpu.iota {dimensions = array<i32: 0>} : vector<64x64xi32>
    %iota3A_46 = tpu.iota {dimensions = array<i32: 1>} : vector<64x64xi32>
    %lt3A_47 = arith.cmpi slt, %iota3A_46, %iota3A_45 : vector<64x64xi32>
    %convert_element_type3A_48 = arith.extui %lt3A_47 : vector<64x64xi1> to vector<64x64xi32>
    %convert_element_type3A_49 = arith.sitofp %convert_element_type3A_48 : vector<64x64xi32> to vector<64x64xf32>
    %dot_general3A_50 = arith.constant dense<0.000000e+00> : vector<64x1xf32>
    %dot_general3A_51 = tpu.matmul %convert_element_type3A_49, %mul3A_44, %dot_general3A_50 {dimension_numbers = #tpu.dot_dimension_numbers<[1], [0], [0], [1], [0, 0, 1, 1], [], []>, transpose_lhs_hint = false} : vector<64x64xf32>, vector<64x1xf32>, vector<64x1xf32> -> vector<64x1xf32>
    %mul3A_52 = vector.broadcast %dot_general3A_51 : vector<64x1xf32> to vector<64x896xf32>
    %mul3A_53 = arith.mulf %convert_element_type3A_19, %mul3A_52 : vector<64x896xf32>
    %reduce_sum3A_54 = arith.constant dense<0.000000e+00> : vector<896xf32>
    %reduce_sum3A_55 = vector.multi_reduction <add>, %mul3A_53, %reduce_sum3A_54 [0] : vector<64x896xf32> to vector<896xf32>
    %broadcast_in_dim3A_56 = vector.shape_cast %reduce_sum3A_55 : vector<896xf32> to vector<1x896xf32>
    %convert_element_type3A_57 = arith.sitofp %iota3A : vector<64x896xi32> to vector<64x896xf32>
    %mul3A_58 = arith.mulf %convert_element_type3A_19, %convert_element_type3A_57 : vector<64x896xf32>
    %reduce_sum3A_59 = arith.constant dense<0.000000e+00> : vector<896xf32>
    %reduce_sum3A_60 = vector.multi_reduction <add>, %mul3A_58, %reduce_sum3A_59 [0] : vector<64x896xf32> to vector<896xf32>
    %broadcast_in_dim3A_61 = vector.shape_cast %reduce_sum3A_60 : vector<896xf32> to vector<1x896xf32>
    %mul3A_62 = arith.constant 3.200000e+01 : f32
    %mul3A_63 = vector.broadcast %mul3A_62 : f32 to vector<1x896xf32>
    %mul3A_64 = arith.mulf %broadcast_in_dim3A_61, %mul3A_63 : vector<1x896xf32>
    %add3A_65 = arith.addf %mul3A_64, %broadcast_in_dim3A_28 : vector<1x896xf32>
    %add3A_66 = arith.constant 2.048000e+03 : f32
    %add3A_67 = vector.broadcast %add3A_66 : f32 to vector<1x896xf32>
    %add3A_68 = arith.addf %add3A_67, %broadcast_in_dim3A_56 : vector<1x896xf32>
    %add3A_69 = arith.addf %add3A_68, %broadcast_in_dim3A_28 : vector<1x896xf32>
    %sub3A_70 = arith.constant 3.200000e+01 : f32
    %sub3A_71 = vector.broadcast %sub3A_70 : f32 to vector<1x896xf32>
    %sub3A_72 = arith.subf %add3A_69, %sub3A_71 : vector<1x896xf32>
    %lt3A_73 = arith.constant 3.200000e+01 : f32
    %lt3A_74 = vector.broadcast %lt3A_73 : f32 to vector<1x896xf32>
    %lt3A_75 = arith.cmpf olt, %broadcast_in_dim3A_28, %lt3A_74 : vector<1x896xf32>
    %select_n3A_76 = arith.select %lt3A_75, %add3A_65, %sub3A_72 : vector<1x896xi1>, vector<1x896xf32>
    %convert_element_type3A_77 = arith.fptosi %select_n3A_76 : vector<1x896xf32> to vector<1x896xi32>
    %iota3A_78 = tpu.iota {dimensions = array<i32: 1>} : vector<1x896xi32>
    %lt3A_79 = arith.constant 784 : i32
    %lt3A_80 = vector.broadcast %lt3A_79 : i32 to vector<1x896xi32>
    %lt3A_81 = arith.cmpi slt, %iota3A_78, %lt3A_80 : vector<1x896xi32>
    %add3A_82 = arith.constant 3264 : i32
    %add3A_83 = vector.broadcast %add3A_82 : i32 to vector<1x896xi32>
    %add3A_84 = arith.addi %add3A_83, %iota3A_78 : vector<1x896xi32>
    %sub3A_85 = arith.constant 784 : i32
    %sub3A_86 = vector.broadcast %sub3A_85 : i32 to vector<1x896xi32>
    %sub3A_87 = arith.subi %add3A_84, %sub3A_86 : vector<1x896xi32>
    %select_n3A_88 = arith.select %lt3A_81, %convert_element_type3A_77, %sub3A_87 : vector<1x896xi1>, vector<1x896xi32>
    %swap3A = arith.constant 0 : index
    %swap3A_89 = arith.constant 0 : index
    %swap3A_90 = vector.load %arg3[%swap3A, %swap3A_89] : memref<1x896xi32, #tpu.memory_space<vmem>>, vector<1x896xi32>
    tpu.vector_store %arg3[%swap3A, %swap3A_89], %select_n3A_88 {strides = array<i32>} : memref<1x896xi32, #tpu.memory_space<vmem>>, vector<1x896xi32>,
    %add3A_91 = arith.addf %dot_general3A_51, %mul3A_44 : vector<64x1xf32>
    %convert_element_type3A_92 = arith.fptosi %add3A_91 : vector<64x1xf32> to vector<64x1xi32>
    %iota3A_93 = tpu.iota {dimensions = array<i32: 1>} : vector<64x152xi32>
    %mul3A_94 = arith.constant 8 : i32
    %mul3A_95 = vector.broadcast %mul3A_94 : i32 to vector<64x152xi32>
    %mul3A_96 = arith.muli %iota3A_93, %mul3A_95 : vector<64x152xi32>
    %le3A = vector.broadcast %convert_element_type3A_92 : vector<64x1xi32> to vector<64x152xi32>
    %le3A_97 = arith.cmpi sle, %le3A, %mul3A_96 : vector<64x152xi32>
    %convert_element_type3A_98 = arith.extui %le3A_97 : vector<64x152xi1> to vector<64x152xi32>
    %reduce_sum3A_99 = arith.constant dense<0> : vector<152xi32>
    %reduce_sum3A_100 = vector.multi_reduction <add>, %convert_element_type3A_98, %reduce_sum3A_99 [0] : vector<64x152xi32> to vector<152xi32>
    %broadcast_in_dim3A_101 = vector.shape_cast %reduce_sum3A_100 : vector<152xi32> to vector<1x152xi32>
    %min3A = arith.constant 63 : i32
    %min3A_102 = vector.broadcast %min3A : i32 to vector<1x152xi32>
    %min3A_103 = arith.minsi %broadcast_in_dim3A_101, %min3A_102 : vector<1x152xi32>
    %reduce_sum3A_104 = arith.constant dense<0.000000e+00> : vector<1xf32>
    %reduce_sum3A_105 = vector.multi_reduction <add>, %mul3A_44, %reduce_sum3A_104 [0] : vector<64x1xf32> to vector<1xf32>
    %broadcast_in_dim3A_106 = vector.shape_cast %reduce_sum3A_105 : vector<1xf32> to vector<1x1xf32>
    %convert_element_type3A_107 = arith.fptosi %broadcast_in_dim3A_106 : vector<1x1xf32> to vector<1x1xi32>
    %jit3A_108 = arith.constant 8 : i32
    %div3A = vector.broadcast %jit3A_108 : i32 to vector<1x1xi32>
    %div3A_109 = arith.divsi %convert_element_type3A_107, %div3A : vector<1x1xi32>
    %sign3A = arith.constant 0 : i32
    %sign3A_110 = vector.broadcast %sign3A : i32 to vector<1x1xi32>
    %sign3A_111 = arith.cmpi sgt, %convert_element_type3A_107, %sign3A_110 : vector<1x1xi32>
    %sign3A_112 = arith.extui %sign3A_111 : vector<1x1xi1> to vector<1x1xi32>
    %sign3A_113 = arith.constant 0 : i32
    %sign3A_114 = vector.broadcast %sign3A_113 : i32 to vector<1x1xi32>
    %sign3A_115 = arith.cmpi slt, %convert_element_type3A_107, %sign3A_114 : vector<1x1xi32>
    %sign3A_116 = arith.extui %sign3A_115 : vector<1x1xi1> to vector<1x1xi32>
    %sign3A_117 = arith.subi %sign3A_112, %sign3A_116 : vector<1x1xi32>
    %sign3A_118 = arith.constant 0 : i32
    %sign3A_119 = arith.cmpi sgt, %jit3A_108, %sign3A_118 : i32
    %sign3A_120 = arith.extui %sign3A_119 : i1 to i32
    %sign3A_121 = arith.constant 0 : i32
    %sign3A_122 = arith.cmpi slt, %jit3A_108, %sign3A_121 : i32
    %sign3A_123 = arith.extui %sign3A_122 : i1 to i32
    %sign3A_124 = arith.subi %sign3A_120, %sign3A_123 : i32
    %ne3A = vector.broadcast %sign3A_124 : i32 to vector<1x1xi32>
    %ne3A_125 = arith.cmpi ne, %sign3A_117, %ne3A : vector<1x1xi32>
    %rem3A = vector.broadcast %jit3A_108 : i32 to vector<1x1xi32>
    %rem3A_126 = arith.remsi %convert_element_type3A_107, %rem3A : vector<1x1xi32>
    %ne3A_127 = arith.constant 0 : i32
    %ne3A_128 = vector.broadcast %ne3A_127 : i32 to vector<1x1xi32>
    %ne3A_129 = arith.cmpi ne, %rem3A_126, %ne3A_128 : vector<1x1xi32>
    %and3A_130 = arith.andi %ne3A_125, %ne3A_129 : vector<1x1xi1>
    %sub3A_131 = arith.constant 1 : i32
    %sub3A_132 = vector.broadcast %sub3A_131 : i32 to vector<1x1xi32>
    %sub3A_133 = arith.subi %div3A_109, %sub3A_132 : vector<1x1xi32>
    %select_n3A_134 = arith.select %and3A_130, %sub3A_133, %div3A_109 : vector<1x1xi1>, vector<1x1xi32>
    %iota3A_135 = tpu.iota {dimensions = array<i32: 1>} : vector<1x153xi32>
    %lt3A_136 = arith.constant 152 : i32
    %lt3A_137 = vector.broadcast %lt3A_136 : i32 to vector<1x153xi32>
    %lt3A_138 = arith.cmpi slt, %iota3A_135, %lt3A_137 : vector<1x153xi32>
    %jit3A_139 = arith.constant 0 : i32
    %pad3A = vector.broadcast %jit3A_139 : i32 to vector<1x1xi32>
    %pad3A_140 = tpu.concatenate %min3A_103, %pad3A in 1 : vector<1x152xi32>, vector<1x1xi32> -> vector<1x153xi32>
    %broadcast_in_dim3A_141 = vector.shape_cast %select_n3A_134 : vector<1x1xi32> to vector<1x1xi32>
    %broadcast_in_dim3A_142 = vector.broadcast %broadcast_in_dim3A_141 : vector<1x1xi32> to vector<1x153xi32>
    %select_n3A_143 = arith.select %lt3A_138, %pad3A_140, %broadcast_in_dim3A_142 : vector<1x153xi1>, vector<1x153xi32>
    %swap3A_144 = arith.constant 0 : index
    %swap3A_145 = arith.constant 0 : index
    %swap3A_146 = vector.load %arg4[%swap3A_144, %swap3A_145] : memref<1x153xi32, #tpu.memory_space<vmem>>, vector<1x153xi32>
    tpu.vector_store %arg4[%swap3A_144, %swap3A_145], %select_n3A_143 {strides = array<i32>} : memref<1x153xi32, #tpu.memory_space<vmem>>, vector<1x153xi32>,
    return
  }
}

module attributes {stable_mosaic.version = 14 : i64} {
  func.func @_expert_body(%arg0: i32, %arg1: memref<1x153xi32, #tpu.memory_space<smem>>, %arg2: memref<3376x128xf32, #tpu.memory_space<vmem>>, %arg3: memref<64x96x192xbf16, #tpu.memory_space<vmem>>, %arg4: memref<64x1x192xf32, #tpu.memory_space<vmem>>, %arg5: memref<64x192x96xbf16, #tpu.memory_space<vmem>>, %arg6: memref<64x1x96xf32, #tpu.memory_space<vmem>>, %arg7: memref<1x1xf32, #tpu.memory_space<vmem>>, %arg8: memref<3376x128xf32, #tpu.memory_space<vmem>>, %arg9: memref<2048x192xf32, #tpu.memory_space<vmem>>) attributes {dimension_semantics = [#tpu.dimension_semantics<arbitrary>], iteration_bounds = array<i64: 1>, scalar_prefetch = 1 : i64, scratch_operands = 1 : i64, tpu.core_type = #tpu.core_type<tc>, window_params = [{pipeline_mode = #tpu.pipeline_mode<synchronous>, transform_indices = @transform_0, window_bounds = array<i64: 3376, 128>}, {pipeline_mode = #tpu.pipeline_mode<synchronous>, transform_indices = @transform_1, window_bounds = array<i64: 64, 96, 192>}, {pipeline_mode = #tpu.pipeline_mode<synchronous>, transform_indices = @transform_2, window_bounds = array<i64: 64, 1, 192>}, {pipeline_mode = #tpu.pipeline_mode<synchronous>, transform_indices = @transform_3, window_bounds = array<i64: 64, 192, 96>}, {pipeline_mode = #tpu.pipeline_mode<synchronous>, transform_indices = @transform_4, window_bounds = array<i64: 64, 1, 96>}, {pipeline_mode = #tpu.pipeline_mode<synchronous>, transform_indices = @transform_5, window_bounds = array<i64: 1, 1>}, {pipeline_mode = #tpu.pipeline_mode<synchronous>, transform_indices = @transform_6, window_bounds = array<i64: 3376, 128>}]} {
    %get3A = arith.constant 0 : index
    %get3A_0 = arith.constant 0 : index
    %get3A_1 = vector.load %arg7[%get3A, %get3A_0] : memref<1x1xf32, #tpu.memory_space<vmem>>, vector<1x1xf32>
    %get3A_2 = vector.extract %get3A_1[0, 0] : f32 from vector<1x1xf32>
    %get3A_3 = arith.constant 0 : index
    %get3A_4 = arith.constant 0 : index
    %get3A_5 = vector.load %arg2[%get3A_3, %get3A_4] : memref<3376x128xf32, #tpu.memory_space<vmem>>, vector<32x96xf32>
    %convert_element_type3A = arith.truncf %get3A_5 : vector<32x96xf32> to vector<32x96xbf16>
    %get3A_6 = arith.constant 0 : index
    %get3A_7 = arith.constant 0 : index
    %get3A_8 = arith.constant 0 : index
    %get3A_9 = vector.load %arg3[%get3A_6, %get3A_7, %get3A_8] : memref<64x96x192xbf16, #tpu.memory_space<vmem>>, vector<1x96x192xbf16>
    %get3A_10 = vector.shape_cast %get3A_9 : vector<1x96x192xbf16> to vector<96x192xbf16>
    %dot_general3A = arith.constant dense<0.000000e+00> : vector<32x192xf32>
    %dot_general3A_11 = tpu.matmul %convert_element_type3A, %get3A_10, %dot_general3A {dimension_numbers = #tpu.dot_dimension_numbers<[1], [0], [0], [1], [0, 0, 1, 1], [], []>, transpose_lhs_hint = false} : vector<32x96xbf16>, vector<96x192xbf16>, vector<32x192xf32> -> vector<32x192xf32>
    %get3A_12 = arith.constant 0 : index
    %get3A_13 = arith.constant 0 : index
    %get3A_14 = arith.constant 0 : index
    %get3A_15 = vector.load %arg4[%get3A_12, %get3A_13, %get3A_14] : memref<64x1x192xf32, #tpu.memory_space<vmem>>, vector<1x1x192xf32>
    %get3A_16 = vector.shape_cast %get3A_15 : vector<1x1x192xf32> to vector<1x192xf32>
    %add3A = vector.broadcast %get3A_16 : vector<1x192xf32> to vector<32x192xf32>
    %add3A_17 = arith.addf %dot_general3A_11, %add3A : vector<32x192xf32>
    %swap3A = arith.constant 0 : index
    %swap3A_18 = arith.constant 0 : index
    %swap3A_19 = vector.load %arg9[%swap3A, %swap3A_18] : memref<2048x192xf32, #tpu.memory_space<vmem>>, vector<32x192xf32>
    tpu.vector_store %arg9[%swap3A, %swap3A_18], %add3A_17 {strides = array<i32>} : memref<2048x192xf32, #tpu.memory_space<vmem>>, vector<32x192xf32>,
    %get3A_20 = arith.constant 32 : index
    %get3A_21 = arith.constant 0 : index
    %get3A_22 = vector.load %arg2[%get3A_20, %get3A_21] : memref<3376x128xf32, #tpu.memory_space<vmem>>, vector<32x96xf32>
    %convert_element_type3A_23 = arith.truncf %get3A_22 : vector<32x96xf32> to vector<32x96xbf16>
    %get3A_24 = arith.constant 1 : index
    %get3A_25 = arith.constant 0 : index
    %get3A_26 = arith.constant 0 : index
    %get3A_27 = vector.load %arg3[%get3A_24, %get3A_25, %get3A_26] : memref<64x96x192xbf16, #tpu.memory_space<vmem>>, vector<1x96x192xbf16>
    %get3A_28 = vector.shape_cast %get3A_27 : vector<1x96x192xbf16> to vector<96x192xbf16>
    %dot_general3A_29 = arith.constant dense<0.000000e+00> : vector<32x192xf32>
    %dot_general3A_30 = tpu.matmul %convert_element_type3A_23, %get3A_28, %dot_general3A_29 {dimension_numbers = #tpu.dot_dimension_numbers<[1], [0], [0], [1], [0, 0, 1, 1], [], []>, transpose_lhs_hint = false} : vector<32x96xbf16>, vector<96x192xbf16>, vector<32x192xf32> -> vector<32x192xf32>
    %get3A_31 = arith.constant 1 : index
    %get3A_32 = arith.constant 0 : index
    %get3A_33 = arith.constant 0 : index
    %get3A_34 = vector.load %arg4[%get3A_31, %get3A_32, %get3A_33] : memref<64x1x192xf32, #tpu.memory_space<vmem>>, vector<1x1x192xf32>
    %get3A_35 = vector.shape_cast %get3A_34 : vector<1x1x192xf32> to vector<1x192xf32>
    %add3A_36 = vector.broadcast %get3A_35 : vector<1x192xf32> to vector<32x192xf32>
    %add3A_37 = arith.addf %dot_general3A_30, %add3A_36 : vector<32x192xf32>
    %swap3A_38 = arith.constant 32 : index
    %swap3A_39 = arith.constant 0 : index
    %swap3A_40 = vector.load %arg9[%swap3A_38, %swap3A_39] : memref<2048x192xf32, #tpu.memory_space<vmem>>, vector<32x192xf32>
    tpu.vector_store %arg9[%swap3A_38, %swap3A_39], %add3A_37 {strides = array<i32>} : memref<2048x192xf32, #tpu.memory_space<vmem>>, vector<32x192xf32>,
    %get3A_41 = arith.constant 64 : index
    %get3A_42 = arith.constant 0 : index
    %get3A_43 = vector.load %arg2[%get3A_41, %get3A_42] : memref<3376x128xf32, #tpu.memory_space<vmem>>, vector<32x96xf32>
    %convert_element_type3A_44 = arith.truncf %get3A_43 : vector<32x96xf32> to vector<32x96xbf16>
    %get3A_45 = arith.constant 2 : index
    %get3A_46 = arith.constant 0 : index
    %get3A_47 = arith.constant 0 : index
    %get3A_48 = vector.load %arg3[%get3A_45, %get3A_46, %get3A_47] : memref<64x96x192xbf16, #tpu.memory_space<vmem>>, vector<1x96x192xbf16>
    %get3A_49 = vector.shape_cast %get3A_48 : vector<1x96x192xbf16> to vector<96x192xbf16>
    %dot_general3A_50 = arith.constant dense<0.000000e+00> : vector<32x192xf32>
    %dot_general3A_51 = tpu.matmul %convert_element_type3A_44, %get3A_49, %dot_general3A_50 {dimension_numbers = #tpu.dot_dimension_numbers<[1], [0], [0], [1], [0, 0, 1, 1], [], []>, transpose_lhs_hint = false} : vector<32x96xbf16>, vector<96x192xbf16>, vector<32x192xf32> -> vector<32x192xf32>
    %get3A_52 = arith.constant 2 : index
    %get3A_53 = arith.constant 0 : index
    %get3A_54 = arith.constant 0 : index
    %get3A_55 = vector.load %arg4[%get3A_52, %get3A_53, %get3A_54] : memref<64x1x192xf32, #tpu.memory_space<vmem>>, vector<1x1x192xf32>
    %get3A_56 = vector.shape_cast %get3A_55 : vector<1x1x192xf32> to vector<1x192xf32>
    %add3A_57 = vector.broadcast %get3A_56 : vector<1x192xf32> to vector<32x192xf32>
    %add3A_58 = arith.addf %dot_general3A_51, %add3A_57 : vector<32x192xf32>
    %swap3A_59 = arith.constant 64 : index
    %swap3A_60 = arith.constant 0 : index
    %swap3A_61 = vector.load %arg9[%swap3A_59, %swap3A_60] : memref<2048x192xf32, #tpu.memory_space<vmem>>, vector<32x192xf32>
    tpu.vector_store %arg9[%swap3A_59, %swap3A_60], %add3A_58 {strides = array<i32>} : memref<2048x192xf32, #tpu.memory_space<vmem>>, vector<32x192xf32>,
    %get3A_62 = arith.constant 96 : index
    %get3A_63 = arith.constant 0 : index
    %get3A_64 = vector.load %arg2[%get3A_62, %get3A_63] : memref<3376x128xf32, #tpu.memory_space<vmem>>, vector<32x96xf32>
    %convert_element_type3A_65 = arith.truncf %get3A_64 : vector<32x96xf32> to vector<32x96xbf16>
    %get3A_66 = arith.constant 3 : index
    %get3A_67 = arith.constant 0 : index
    %get3A_68 = arith.constant 0 : index
    %get3A_69 = vector.load %arg3[%get3A_66, %get3A_67, %get3A_68] : memref<64x96x192xbf16, #tpu.memory_space<vmem>>, vector<1x96x192xbf16>
    %get3A_70 = vector.shape_cast %get3A_69 : vector<1x96x192xbf16> to vector<96x192xbf16>
    %dot_general3A_71 = arith.constant dense<0.000000e+00> : vector<32x192xf32>
    %dot_general3A_72 = tpu.matmul %convert_element_type3A_65, %get3A_70, %dot_general3A_71 {dimension_numbers = #tpu.dot_dimension_numbers<[1], [0], [0], [1], [0, 0, 1, 1], [], []>, transpose_lhs_hint = false} : vector<32x96xbf16>, vector<96x192xbf16>, vector<32x192xf32> -> vector<32x192xf32>
    %get3A_73 = arith.constant 3 : index
    %get3A_74 = arith.constant 0 : index
    %get3A_75 = arith.constant 0 : index
    %get3A_76 = vector.load %arg4[%get3A_73, %get3A_74, %get3A_75] : memref<64x1x192xf32, #tpu.memory_space<vmem>>, vector<1x1x192xf32>
    %get3A_77 = vector.shape_cast %get3A_76 : vector<1x1x192xf32> to vector<1x192xf32>
    %add3A_78 = vector.broadcast %get3A_77 : vector<1x192xf32> to vector<32x192xf32>
    %add3A_79 = arith.addf %dot_general3A_72, %add3A_78 : vector<32x192xf32>
    %swap3A_80 = arith.constant 96 : index
    %swap3A_81 = arith.constant 0 : index
    %swap3A_82 = vector.load %arg9[%swap3A_80, %swap3A_81] : memref<2048x192xf32, #tpu.memory_space<vmem>>, vector<32x192xf32>
    tpu.vector_store %arg9[%swap3A_80, %swap3A_81], %add3A_79 {strides = array<i32>} : memref<2048x192xf32, #tpu.memory_space<vmem>>, vector<32x192xf32>,
    %get3A_83 = arith.constant 128 : index
    %get3A_84 = arith.constant 0 : index
    %get3A_85 = vector.load %arg2[%get3A_83, %get3A_84] : memref<3376x128xf32, #tpu.memory_space<vmem>>, vector<32x96xf32>
    %convert_element_type3A_86 = arith.truncf %get3A_85 : vector<32x96xf32> to vector<32x96xbf16>
    %get3A_87 = arith.constant 4 : index
    %get3A_88 = arith.constant 0 : index
    %get3A_89 = arith.constant 0 : index
    %get3A_90 = vector.load %arg3[%get3A_87, %get3A_88, %get3A_89] : memref<64x96x192xbf16, #tpu.memory_space<vmem>>, vector<1x96x192xbf16>
    %get3A_91 = vector.shape_cast %get3A_90 : vector<1x96x192xbf16> to vector<96x192xbf16>
    %dot_general3A_92 = arith.constant dense<0.000000e+00> : vector<32x192xf32>
    %dot_general3A_93 = tpu.matmul %convert_element_type3A_86, %get3A_91, %dot_general3A_92 {dimension_numbers = #tpu.dot_dimension_numbers<[1], [0], [0], [1], [0, 0, 1, 1], [], []>, transpose_lhs_hint = false} : vector<32x96xbf16>, vector<96x192xbf16>, vector<32x192xf32> -> vector<32x192xf32>
    %get3A_94 = arith.constant 4 : index
    %get3A_95 = arith.constant 0 : index
    %get3A_96 = arith.constant 0 : index
    %get3A_97 = vector.load %arg4[%get3A_94, %get3A_95, %get3A_96] : memref<64x1x192xf32, #tpu.memory_space<vmem>>, vector<1x1x192xf32>
    %get3A_98 = vector.shape_cast %get3A_97 : vector<1x1x192xf32> to vector<1x192xf32>
    %add3A_99 = vector.broadcast %get3A_98 : vector<1x192xf32> to vector<32x192xf32>
    %add3A_100 = arith.addf %dot_general3A_93, %add3A_99 : vector<32x192xf32>
    %swap3A_101 = arith.constant 128 : index
    %swap3A_102 = arith.constant 0 : index
    %swap3A_103 = vector.load %arg9[%swap3A_101, %swap3A_102] : memref<2048x192xf32, #tpu.memory_space<vmem>>, vector<32x192xf32>
    tpu.vector_store %arg9[%swap3A_101, %swap3A_102], %add3A_100 {strides = array<i32>} : memref<2048x192xf32, #tpu.memory_space<vmem>>, vector<32x192xf32>,
    %get3A_104 = arith.constant 160 : index
    %get3A_105 = arith.constant 0 : index
    %get3A_106 = vector.load %arg2[%get3A_104, %get3A_105] : memref<3376x128xf32, #tpu.memory_space<vmem>>, vector<32x96xf32>
    %convert_element_type3A_107 = arith.truncf %get3A_106 : vector<32x96xf32> to vector<32x96xbf16>
    %get3A_108 = arith.constant 5 : index
    %get3A_109 = arith.constant 0 : index
    %get3A_110 = arith.constant 0 : index
    %get3A_111 = vector.load %arg3[%get3A_108, %get3A_109, %get3A_110] : memref<64x96x192xbf16, #tpu.memory_space<vmem>>, vector<1x96x192xbf16>
    %get3A_112 = vector.shape_cast %get3A_111 : vector<1x96x192xbf16> to vector<96x192xbf16>
    %dot_general3A_113 = arith.constant dense<0.000000e+00> : vector<32x192xf32>
    %dot_general3A_114 = tpu.matmul %convert_element_type3A_107, %get3A_112, %dot_general3A_113 {dimension_numbers = #tpu.dot_dimension_numbers<[1], [0], [0], [1], [0, 0, 1, 1], [], []>, transpose_lhs_hint = false} : vector<32x96xbf16>, vector<96x192xbf16>, vector<32x192xf32> -> vector<32x192xf32>
    %get3A_115 = arith.constant 5 : index
    %get3A_116 = arith.constant 0 : index
    %get3A_117 = arith.constant 0 : index
    %get3A_118 = vector.load %arg4[%get3A_115, %get3A_116, %get3A_117] : memref<64x1x192xf32, #tpu.memory_space<vmem>>, vector<1x1x192xf32>
    %get3A_119 = vector.shape_cast %get3A_118 : vector<1x1x192xf32> to vector<1x192xf32>
    %add3A_120 = vector.broadcast %get3A_119 : vector<1x192xf32> to vector<32x192xf32>
    %add3A_121 = arith.addf %dot_general3A_114, %add3A_120 : vector<32x192xf32>
    %swap3A_122 = arith.constant 160 : index
    %swap3A_123 = arith.constant 0 : index
    %swap3A_124 = vector.load %arg9[%swap3A_122, %swap3A_123] : memref<2048x192xf32, #tpu.memory_space<vmem>>, vector<32x192xf32>
    tpu.vector_store %arg9[%swap3A_122, %swap3A_123], %add3A_121 {strides = array<i32>} : memref<2048x192xf32, #tpu.memory_space<vmem>>, vector<32x192xf32>,
    %get3A_125 = arith.constant 192 : index
    %get3A_126 = arith.constant 0 : index
    %get3A_127 = vector.load %arg2[%get3A_125, %get3A_126] : memref<3376x128xf32, #tpu.memory_space<vmem>>, vector<32x96xf32>
    %convert_element_type3A_128 = arith.truncf %get3A_127 : vector<32x96xf32> to vector<32x96xbf16>
    %get3A_129 = arith.constant 6 : index
    %get3A_130 = arith.constant 0 : index
    %get3A_131 = arith.constant 0 : index
    %get3A_132 = vector.load %arg3[%get3A_129, %get3A_130, %get3A_131] : memref<64x96x192xbf16, #tpu.memory_space<vmem>>, vector<1x96x192xbf16>
    %get3A_133 = vector.shape_cast %get3A_132 : vector<1x96x192xbf16> to vector<96x192xbf16>
    %dot_general3A_134 = arith.constant dense<0.000000e+00> : vector<32x192xf32>
    %dot_general3A_135 = tpu.matmul %convert_element_type3A_128, %get3A_133, %dot_general3A_134 {dimension_numbers = #tpu.dot_dimension_numbers<[1], [0], [0], [1], [0, 0, 1, 1], [], []>, transpose_lhs_hint = false} : vector<32x96xbf16>, vector<96x192xbf16>, vector<32x192xf32> -> vector<32x192xf32>
    %get3A_136 = arith.constant 6 : index
    %get3A_137 = arith.constant 0 : index
    %get3A_138 = arith.constant 0 : index
    %get3A_139 = vector.load %arg4[%get3A_136, %get3A_137, %get3A_138] : memref<64x1x192xf32, #tpu.memory_space<vmem>>, vector<1x1x192xf32>
    %get3A_140 = vector.shape_cast %get3A_139 : vector<1x1x192xf32> to vector<1x192xf32>
    %add3A_141 = vector.broadcast %get3A_140 : vector<1x192xf32> to vector<32x192xf32>
    %add3A_142 = arith.addf %dot_general3A_135, %add3A_141 : vector<32x192xf32>
    %swap3A_143 = arith.constant 192 : index
    %swap3A_144 = arith.constant 0 : index
    %swap3A_145 = vector.load %arg9[%swap3A_143, %swap3A_144] : memref<2048x192xf32, #tpu.memory_space<vmem>>, vector<32x192xf32>
    tpu.vector_store %arg9[%swap3A_143, %swap3A_144], %add3A_142 {strides = array<i32>} : memref<2048x192xf32, #tpu.memory_space<vmem>>, vector<32x192xf32>,
    %get3A_146 = arith.constant 224 : index
    %get3A_147 = arith.constant 0 : index
    %get3A_148 = vector.load %arg2[%get3A_146, %get3A_147] : memref<3376x128xf32, #tpu.memory_space<vmem>>, vector<32x96xf32>
    %convert_element_type3A_149 = arith.truncf %get3A_148 : vector<32x96xf32> to vector<32x96xbf16>
    %get3A_150 = arith.constant 7 : index
    %get3A_151 = arith.constant 0 : index
    %get3A_152 = arith.constant 0 : index
    %get3A_153 = vector.load %arg3[%get3A_150, %get3A_151, %get3A_152] : memref<64x96x192xbf16, #tpu.memory_space<vmem>>, vector<1x96x192xbf16>
    %get3A_154 = vector.shape_cast %get3A_153 : vector<1x96x192xbf16> to vector<96x192xbf16>
    %dot_general3A_155 = arith.constant dense<0.000000e+00> : vector<32x192xf32>
    %dot_general3A_156 = tpu.matmul %convert_element_type3A_149, %get3A_154, %dot_general3A_155 {dimension_numbers = #tpu.dot_dimension_numbers<[1], [0], [0], [1], [0, 0, 1, 1], [], []>, transpose_lhs_hint = false} : vector<32x96xbf16>, vector<96x192xbf16>, vector<32x192xf32> -> vector<32x192xf32>
    %get3A_157 = arith.constant 7 : index
    %get3A_158 = arith.constant 0 : index
    %get3A_159 = arith.constant 0 : index
    %get3A_160 = vector.load %arg4[%get3A_157, %get3A_158, %get3A_159] : memref<64x1x192xf32, #tpu.memory_space<vmem>>, vector<1x1x192xf32>
    %get3A_161 = vector.shape_cast %get3A_160 : vector<1x1x192xf32> to vector<1x192xf32>
    %add3A_162 = vector.broadcast %get3A_161 : vector<1x192xf32> to vector<32x192xf32>
    %add3A_163 = arith.addf %dot_general3A_156, %add3A_162 : vector<32x192xf32>
    %swap3A_164 = arith.constant 224 : index
    %swap3A_165 = arith.constant 0 : index
    %swap3A_166 = vector.load %arg9[%swap3A_164, %swap3A_165] : memref<2048x192xf32, #tpu.memory_space<vmem>>, vector<32x192xf32>
    tpu.vector_store %arg9[%swap3A_164, %swap3A_165], %add3A_163 {strides = array<i32>} : memref<2048x192xf32, #tpu.memory_space<vmem>>, vector<32x192xf32>,
    %get3A_167 = arith.constant 256 : index
    %get3A_168 = arith.constant 0 : index
    %get3A_169 = vector.load %arg2[%get3A_167, %get3A_168] : memref<3376x128xf32, #tpu.memory_space<vmem>>, vector<32x96xf32>
    %convert_element_type3A_170 = arith.truncf %get3A_169 : vector<32x96xf32> to vector<32x96xbf16>
    %get3A_171 = arith.constant 8 : index
    %get3A_172 = arith.constant 0 : index
    %get3A_173 = arith.constant 0 : index
    %get3A_174 = vector.load %arg3[%get3A_171, %get3A_172, %get3A_173] : memref<64x96x192xbf16, #tpu.memory_space<vmem>>, vector<1x96x192xbf16>
    %get3A_175 = vector.shape_cast %get3A_174 : vector<1x96x192xbf16> to vector<96x192xbf16>
    %dot_general3A_176 = arith.constant dense<0.000000e+00> : vector<32x192xf32>
    %dot_general3A_177 = tpu.matmul %convert_element_type3A_170, %get3A_175, %dot_general3A_176 {dimension_numbers = #tpu.dot_dimension_numbers<[1], [0], [0], [1], [0, 0, 1, 1], [], []>, transpose_lhs_hint = false} : vector<32x96xbf16>, vector<96x192xbf16>, vector<32x192xf32> -> vector<32x192xf32>
    %get3A_178 = arith.constant 8 : index
    %get3A_179 = arith.constant 0 : index
    %get3A_180 = arith.constant 0 : index
    %get3A_181 = vector.load %arg4[%get3A_178, %get3A_179, %get3A_180] : memref<64x1x192xf32, #tpu.memory_space<vmem>>, vector<1x1x192xf32>
    %get3A_182 = vector.shape_cast %get3A_181 : vector<1x1x192xf32> to vector<1x192xf32>
    %add3A_183 = vector.broadcast %get3A_182 : vector<1x192xf32> to vector<32x192xf32>
    %add3A_184 = arith.addf %dot_general3A_177, %add3A_183 : vector<32x192xf32>
    %swap3A_185 = arith.constant 256 : index
    %swap3A_186 = arith.constant 0 : index
    %swap3A_187 = vector.load %arg9[%swap3A_185, %swap3A_186] : memref<2048x192xf32, #tpu.memory_space<vmem>>, vector<32x192xf32>
    tpu.vector_store %arg9[%swap3A_185, %swap3A_186], %add3A_184 {strides = array<i32>} : memref<2048x192xf32, #tpu.memory_space<vmem>>, vector<32x192xf32>,
    %get3A_188 = arith.constant 288 : index
    %get3A_189 = arith.constant 0 : index
    %get3A_190 = vector.load %arg2[%get3A_188, %get3A_189] : memref<3376x128xf32, #tpu.memory_space<vmem>>, vector<32x96xf32>
    %convert_element_type3A_191 = arith.truncf %get3A_190 : vector<32x96xf32> to vector<32x96xbf16>
    %get3A_192 = arith.constant 9 : index
    %get3A_193 = arith.constant 0 : index
    %get3A_194 = arith.constant 0 : index
    %get3A_195 = vector.load %arg3[%get3A_192, %get3A_193, %get3A_194] : memref<64x96x192xbf16, #tpu.memory_space<vmem>>, vector<1x96x192xbf16>
    %get3A_196 = vector.shape_cast %get3A_195 : vector<1x96x192xbf16> to vector<96x192xbf16>
    %dot_general3A_197 = arith.constant dense<0.000000e+00> : vector<32x192xf32>
    %dot_general3A_198 = tpu.matmul %convert_element_type3A_191, %get3A_196, %dot_general3A_197 {dimension_numbers = #tpu.dot_dimension_numbers<[1], [0], [0], [1], [0, 0, 1, 1], [], []>, transpose_lhs_hint = false} : vector<32x96xbf16>, vector<96x192xbf16>, vector<32x192xf32> -> vector<32x192xf32>
    %get3A_199 = arith.constant 9 : index
    %get3A_200 = arith.constant 0 : index
    %get3A_201 = arith.constant 0 : index
    %get3A_202 = vector.load %arg4[%get3A_199, %get3A_200, %get3A_201] : memref<64x1x192xf32, #tpu.memory_space<vmem>>, vector<1x1x192xf32>
    %get3A_203 = vector.shape_cast %get3A_202 : vector<1x1x192xf32> to vector<1x192xf32>
    %add3A_204 = vector.broadcast %get3A_203 : vector<1x192xf32> to vector<32x192xf32>
    %add3A_205 = arith.addf %dot_general3A_198, %add3A_204 : vector<32x192xf32>
    %swap3A_206 = arith.constant 288 : index
    %swap3A_207 = arith.constant 0 : index
    %swap3A_208 = vector.load %arg9[%swap3A_206, %swap3A_207] : memref<2048x192xf32, #tpu.memory_space<vmem>>, vector<32x192xf32>
    tpu.vector_store %arg9[%swap3A_206, %swap3A_207], %add3A_205 {strides = array<i32>} : memref<2048x192xf32, #tpu.memory_space<vmem>>, vector<32x192xf32>,
    %get3A_209 = arith.constant 320 : index
    %get3A_210 = arith.constant 0 : index
    %get3A_211 = vector.load %arg2[%get3A_209, %get3A_210] : memref<3376x128xf32, #tpu.memory_space<vmem>>, vector<32x96xf32>
    %convert_element_type3A_212 = arith.truncf %get3A_211 : vector<32x96xf32> to vector<32x96xbf16>
    %get3A_213 = arith.constant 10 : index
    %get3A_214 = arith.constant 0 : index
    %get3A_215 = arith.constant 0 : index
    %get3A_216 = vector.load %arg3[%get3A_213, %get3A_214, %get3A_215] : memref<64x96x192xbf16, #tpu.memory_space<vmem>>, vector<1x96x192xbf16>
    %get3A_217 = vector.shape_cast %get3A_216 : vector<1x96x192xbf16> to vector<96x192xbf16>
    %dot_general3A_218 = arith.constant dense<0.000000e+00> : vector<32x192xf32>
    %dot_general3A_219 = tpu.matmul %convert_element_type3A_212, %get3A_217, %dot_general3A_218 {dimension_numbers = #tpu.dot_dimension_numbers<[1], [0], [0], [1], [0, 0, 1, 1], [], []>, transpose_lhs_hint = false} : vector<32x96xbf16>, vector<96x192xbf16>, vector<32x192xf32> -> vector<32x192xf32>
    %get3A_220 = arith.constant 10 : index
    %get3A_221 = arith.constant 0 : index
    %get3A_222 = arith.constant 0 : index
    %get3A_223 = vector.load %arg4[%get3A_220, %get3A_221, %get3A_222] : memref<64x1x192xf32, #tpu.memory_space<vmem>>, vector<1x1x192xf32>
    %get3A_224 = vector.shape_cast %get3A_223 : vector<1x1x192xf32> to vector<1x192xf32>
    %add3A_225 = vector.broadcast %get3A_224 : vector<1x192xf32> to vector<32x192xf32>
    %add3A_226 = arith.addf %dot_general3A_219, %add3A_225 : vector<32x192xf32>
    %swap3A_227 = arith.constant 320 : index
    %swap3A_228 = arith.constant 0 : index
    %swap3A_229 = vector.load %arg9[%swap3A_227, %swap3A_228] : memref<2048x192xf32, #tpu.memory_space<vmem>>, vector<32x192xf32>
    tpu.vector_store %arg9[%swap3A_227, %swap3A_228], %add3A_226 {strides = array<i32>} : memref<2048x192xf32, #tpu.memory_space<vmem>>, vector<32x192xf32>,
    %get3A_230 = arith.constant 352 : index
    %get3A_231 = arith.constant 0 : index
    %get3A_232 = vector.load %arg2[%get3A_230, %get3A_231] : memref<3376x128xf32, #tpu.memory_space<vmem>>, vector<32x96xf32>
    %convert_element_type3A_233 = arith.truncf %get3A_232 : vector<32x96xf32> to vector<32x96xbf16>
    %get3A_234 = arith.constant 11 : index
    %get3A_235 = arith.constant 0 : index
    %get3A_236 = arith.constant 0 : index
    %get3A_237 = vector.load %arg3[%get3A_234, %get3A_235, %get3A_236] : memref<64x96x192xbf16, #tpu.memory_space<vmem>>, vector<1x96x192xbf16>
    %get3A_238 = vector.shape_cast %get3A_237 : vector<1x96x192xbf16> to vector<96x192xbf16>
    %dot_general3A_239 = arith.constant dense<0.000000e+00> : vector<32x192xf32>
    %dot_general3A_240 = tpu.matmul %convert_element_type3A_233, %get3A_238, %dot_general3A_239 {dimension_numbers = #tpu.dot_dimension_numbers<[1], [0], [0], [1], [0, 0, 1, 1], [], []>, transpose_lhs_hint = false} : vector<32x96xbf16>, vector<96x192xbf16>, vector<32x192xf32> -> vector<32x192xf32>
    %get3A_241 = arith.constant 11 : index
    %get3A_242 = arith.constant 0 : index
    %get3A_243 = arith.constant 0 : index
    %get3A_244 = vector.load %arg4[%get3A_241, %get3A_242, %get3A_243] : memref<64x1x192xf32, #tpu.memory_space<vmem>>, vector<1x1x192xf32>
    %get3A_245 = vector.shape_cast %get3A_244 : vector<1x1x192xf32> to vector<1x192xf32>
    %add3A_246 = vector.broadcast %get3A_245 : vector<1x192xf32> to vector<32x192xf32>
    %add3A_247 = arith.addf %dot_general3A_240, %add3A_246 : vector<32x192xf32>
    %swap3A_248 = arith.constant 352 : index
    %swap3A_249 = arith.constant 0 : index
    %swap3A_250 = vector.load %arg9[%swap3A_248, %swap3A_249] : memref<2048x192xf32, #tpu.memory_space<vmem>>, vector<32x192xf32>
    tpu.vector_store %arg9[%swap3A_248, %swap3A_249], %add3A_247 {strides = array<i32>} : memref<2048x192xf32, #tpu.memory_space<vmem>>, vector<32x192xf32>,
    %get3A_251 = arith.constant 384 : index
    %get3A_252 = arith.constant 0 : index
    %get3A_253 = vector.load %arg2[%get3A_251, %get3A_252] : memref<3376x128xf32, #tpu.memory_space<vmem>>, vector<32x96xf32>
    %convert_element_type3A_254 = arith.truncf %get3A_253 : vector<32x96xf32> to vector<32x96xbf16>
    %get3A_255 = arith.constant 12 : index
    %get3A_256 = arith.constant 0 : index
    %get3A_257 = arith.constant 0 : index
    %get3A_258 = vector.load %arg3[%get3A_255, %get3A_256, %get3A_257] : memref<64x96x192xbf16, #tpu.memory_space<vmem>>, vector<1x96x192xbf16>
    %get3A_259 = vector.shape_cast %get3A_258 : vector<1x96x192xbf16> to vector<96x192xbf16>
    %dot_general3A_260 = arith.constant dense<0.000000e+00> : vector<32x192xf32>
    %dot_general3A_261 = tpu.matmul %convert_element_type3A_254, %get3A_259, %dot_general3A_260 {dimension_numbers = #tpu.dot_dimension_numbers<[1], [0], [0], [1], [0, 0, 1, 1], [], []>, transpose_lhs_hint = false} : vector<32x96xbf16>, vector<96x192xbf16>, vector<32x192xf32> -> vector<32x192xf32>
    %get3A_262 = arith.constant 12 : index
    %get3A_263 = arith.constant 0 : index
    %get3A_264 = arith.constant 0 : index
    %get3A_265 = vector.load %arg4[%get3A_262, %get3A_263, %get3A_264] : memref<64x1x192xf32, #tpu.memory_space<vmem>>, vector<1x1x192xf32>
    %get3A_266 = vector.shape_cast %get3A_265 : vector<1x1x192xf32> to vector<1x192xf32>
    %add3A_267 = vector.broadcast %get3A_266 : vector<1x192xf32> to vector<32x192xf32>
    %add3A_268 = arith.addf %dot_general3A_261, %add3A_267 : vector<32x192xf32>
    %swap3A_269 = arith.constant 384 : index
    %swap3A_270 = arith.constant 0 : index
    %swap3A_271 = vector.load %arg9[%swap3A_269, %swap3A_270] : memref<2048x192xf32, #tpu.memory_space<vmem>>, vector<32x192xf32>
    tpu.vector_store %arg9[%swap3A_269, %swap3A_270], %add3A_268 {strides = array<i32>} : memref<2048x192xf32, #tpu.memory_space<vmem>>, vector<32x192xf32>,
    %get3A_272 = arith.constant 416 : index
    %get3A_273 = arith.constant 0 : index
    %get3A_274 = vector.load %arg2[%get3A_272, %get3A_273] : memref<3376x128xf32, #tpu.memory_space<vmem>>, vector<32x96xf32>
    %convert_element_type3A_275 = arith.truncf %get3A_274 : vector<32x96xf32> to vector<32x96xbf16>
    %get3A_276 = arith.constant 13 : index
    %get3A_277 = arith.constant 0 : index
    %get3A_278 = arith.constant 0 : index
    %get3A_279 = vector.load %arg3[%get3A_276, %get3A_277, %get3A_278] : memref<64x96x192xbf16, #tpu.memory_space<vmem>>, vector<1x96x192xbf16>
    %get3A_280 = vector.shape_cast %get3A_279 : vector<1x96x192xbf16> to vector<96x192xbf16>
    %dot_general3A_281 = arith.constant dense<0.000000e+00> : vector<32x192xf32>
    %dot_general3A_282 = tpu.matmul %convert_element_type3A_275, %get3A_280, %dot_general3A_281 {dimension_numbers = #tpu.dot_dimension_numbers<[1], [0], [0], [1], [0, 0, 1, 1], [], []>, transpose_lhs_hint = false} : vector<32x96xbf16>, vector<96x192xbf16>, vector<32x192xf32> -> vector<32x192xf32>
    %get3A_283 = arith.constant 13 : index
    %get3A_284 = arith.constant 0 : index
    %get3A_285 = arith.constant 0 : index
    %get3A_286 = vector.load %arg4[%get3A_283, %get3A_284, %get3A_285] : memref<64x1x192xf32, #tpu.memory_space<vmem>>, vector<1x1x192xf32>
    %get3A_287 = vector.shape_cast %get3A_286 : vector<1x1x192xf32> to vector<1x192xf32>
    %add3A_288 = vector.broadcast %get3A_287 : vector<1x192xf32> to vector<32x192xf32>
    %add3A_289 = arith.addf %dot_general3A_282, %add3A_288 : vector<32x192xf32>
    %swap3A_290 = arith.constant 416 : index
    %swap3A_291 = arith.constant 0 : index
    %swap3A_292 = vector.load %arg9[%swap3A_290, %swap3A_291] : memref<2048x192xf32, #tpu.memory_space<vmem>>, vector<32x192xf32>
    tpu.vector_store %arg9[%swap3A_290, %swap3A_291], %add3A_289 {strides = array<i32>} : memref<2048x192xf32, #tpu.memory_space<vmem>>, vector<32x192xf32>,
    %get3A_293 = arith.constant 448 : index
    %get3A_294 = arith.constant 0 : index
    %get3A_295 = vector.load %arg2[%get3A_293, %get3A_294] : memref<3376x128xf32, #tpu.memory_space<vmem>>, vector<32x96xf32>
    %convert_element_type3A_296 = arith.truncf %get3A_295 : vector<32x96xf32> to vector<32x96xbf16>
    %get3A_297 = arith.constant 14 : index
    %get3A_298 = arith.constant 0 : index
    %get3A_299 = arith.constant 0 : index
    %get3A_300 = vector.load %arg3[%get3A_297, %get3A_298, %get3A_299] : memref<64x96x192xbf16, #tpu.memory_space<vmem>>, vector<1x96x192xbf16>
    %get3A_301 = vector.shape_cast %get3A_300 : vector<1x96x192xbf16> to vector<96x192xbf16>
    %dot_general3A_302 = arith.constant dense<0.000000e+00> : vector<32x192xf32>
    %dot_general3A_303 = tpu.matmul %convert_element_type3A_296, %get3A_301, %dot_general3A_302 {dimension_numbers = #tpu.dot_dimension_numbers<[1], [0], [0], [1], [0, 0, 1, 1], [], []>, transpose_lhs_hint = false} : vector<32x96xbf16>, vector<96x192xbf16>, vector<32x192xf32> -> vector<32x192xf32>
    %get3A_304 = arith.constant 14 : index
    %get3A_305 = arith.constant 0 : index
    %get3A_306 = arith.constant 0 : index
    %get3A_307 = vector.load %arg4[%get3A_304, %get3A_305, %get3A_306] : memref<64x1x192xf32, #tpu.memory_space<vmem>>, vector<1x1x192xf32>
    %get3A_308 = vector.shape_cast %get3A_307 : vector<1x1x192xf32> to vector<1x192xf32>
    %add3A_309 = vector.broadcast %get3A_308 : vector<1x192xf32> to vector<32x192xf32>
    %add3A_310 = arith.addf %dot_general3A_303, %add3A_309 : vector<32x192xf32>
    %swap3A_311 = arith.constant 448 : index
    %swap3A_312 = arith.constant 0 : index
    %swap3A_313 = vector.load %arg9[%swap3A_311, %swap3A_312] : memref<2048x192xf32, #tpu.memory_space<vmem>>, vector<32x192xf32>
    tpu.vector_store %arg9[%swap3A_311, %swap3A_312], %add3A_310 {strides = array<i32>} : memref<2048x192xf32, #tpu.memory_space<vmem>>, vector<32x192xf32>,
    %get3A_314 = arith.constant 480 : index
    %get3A_315 = arith.constant 0 : index
    %get3A_316 = vector.load %arg2[%get3A_314, %get3A_315] : memref<3376x128xf32, #tpu.memory_space<vmem>>, vector<32x96xf32>
    %convert_element_type3A_317 = arith.truncf %get3A_316 : vector<32x96xf32> to vector<32x96xbf16>
    %get3A_318 = arith.constant 15 : index
    %get3A_319 = arith.constant 0 : index
    %get3A_320 = arith.constant 0 : index
    %get3A_321 = vector.load %arg3[%get3A_318, %get3A_319, %get3A_320] : memref<64x96x192xbf16, #tpu.memory_space<vmem>>, vector<1x96x192xbf16>
    %get3A_322 = vector.shape_cast %get3A_321 : vector<1x96x192xbf16> to vector<96x192xbf16>
    %dot_general3A_323 = arith.constant dense<0.000000e+00> : vector<32x192xf32>
    %dot_general3A_324 = tpu.matmul %convert_element_type3A_317, %get3A_322, %dot_general3A_323 {dimension_numbers = #tpu.dot_dimension_numbers<[1], [0], [0], [1], [0, 0, 1, 1], [], []>, transpose_lhs_hint = false} : vector<32x96xbf16>, vector<96x192xbf16>, vector<32x192xf32> -> vector<32x192xf32>
    %get3A_325 = arith.constant 15 : index
    %get3A_326 = arith.constant 0 : index
    %get3A_327 = arith.constant 0 : index
    %get3A_328 = vector.load %arg4[%get3A_325, %get3A_326, %get3A_327] : memref<64x1x192xf32, #tpu.memory_space<vmem>>, vector<1x1x192xf32>
    %get3A_329 = vector.shape_cast %get3A_328 : vector<1x1x192xf32> to vector<1x192xf32>
    %add3A_330 = vector.broadcast %get3A_329 : vector<1x192xf32> to vector<32x192xf32>
    %add3A_331 = arith.addf %dot_general3A_324, %add3A_330 : vector<32x192xf32>
    %swap3A_332 = arith.constant 480 : index
    %swap3A_333 = arith.constant 0 : index
    %swap3A_334 = vector.load %arg9[%swap3A_332, %swap3A_333] : memref<2048x192xf32, #tpu.memory_space<vmem>>, vector<32x192xf32>
    tpu.vector_store %arg9[%swap3A_332, %swap3A_333], %add3A_331 {strides = array<i32>} : memref<2048x192xf32, #tpu.memory_space<vmem>>, vector<32x192xf32>,
    %get3A_335 = arith.constant 512 : index
    %get3A_336 = arith.constant 0 : index
    %get3A_337 = vector.load %arg2[%get3A_335, %get3A_336] : memref<3376x128xf32, #tpu.memory_space<vmem>>, vector<32x96xf32>
    %convert_element_type3A_338 = arith.truncf %get3A_337 : vector<32x96xf32> to vector<32x96xbf16>
    %get3A_339 = arith.constant 16 : index
    %get3A_340 = arith.constant 0 : index
    %get3A_341 = arith.constant 0 : index
    %get3A_342 = vector.load %arg3[%get3A_339, %get3A_340, %get3A_341] : memref<64x96x192xbf16, #tpu.memory_space<vmem>>, vector<1x96x192xbf16>
    %get3A_343 = vector.shape_cast %get3A_342 : vector<1x96x192xbf16> to vector<96x192xbf16>
    %dot_general3A_344 = arith.constant dense<0.000000e+00> : vector<32x192xf32>
    %dot_general3A_345 = tpu.matmul %convert_element_type3A_338, %get3A_343, %dot_general3A_344 {dimension_numbers = #tpu.dot_dimension_numbers<[1], [0], [0], [1], [0, 0, 1, 1], [], []>, transpose_lhs_hint = false} : vector<32x96xbf16>, vector<96x192xbf16>, vector<32x192xf32> -> vector<32x192xf32>
    %get3A_346 = arith.constant 16 : index
    %get3A_347 = arith.constant 0 : index
    %get3A_348 = arith.constant 0 : index
    %get3A_349 = vector.load %arg4[%get3A_346, %get3A_347, %get3A_348] : memref<64x1x192xf32, #tpu.memory_space<vmem>>, vector<1x1x192xf32>
    %get3A_350 = vector.shape_cast %get3A_349 : vector<1x1x192xf32> to vector<1x192xf32>
    %add3A_351 = vector.broadcast %get3A_350 : vector<1x192xf32> to vector<32x192xf32>
    %add3A_352 = arith.addf %dot_general3A_345, %add3A_351 : vector<32x192xf32>
    %swap3A_353 = arith.constant 512 : index
    %swap3A_354 = arith.constant 0 : index
    %swap3A_355 = vector.load %arg9[%swap3A_353, %swap3A_354] : memref<2048x192xf32, #tpu.memory_space<vmem>>, vector<32x192xf32>
    tpu.vector_store %arg9[%swap3A_353, %swap3A_354], %add3A_352 {strides = array<i32>} : memref<2048x192xf32, #tpu.memory_space<vmem>>, vector<32x192xf32>,
    %get3A_356 = arith.constant 544 : index
    %get3A_357 = arith.constant 0 : index
    %get3A_358 = vector.load %arg2[%get3A_356, %get3A_357] : memref<3376x128xf32, #tpu.memory_space<vmem>>, vector<32x96xf32>
    %convert_element_type3A_359 = arith.truncf %get3A_358 : vector<32x96xf32> to vector<32x96xbf16>
    %get3A_360 = arith.constant 17 : index
    %get3A_361 = arith.constant 0 : index
    %get3A_362 = arith.constant 0 : index
    %get3A_363 = vector.load %arg3[%get3A_360, %get3A_361, %get3A_362] : memref<64x96x192xbf16, #tpu.memory_space<vmem>>, vector<1x96x192xbf16>
    %get3A_364 = vector.shape_cast %get3A_363 : vector<1x96x192xbf16> to vector<96x192xbf16>
    %dot_general3A_365 = arith.constant dense<0.000000e+00> : vector<32x192xf32>
    %dot_general3A_366 = tpu.matmul %convert_element_type3A_359, %get3A_364, %dot_general3A_365 {dimension_numbers = #tpu.dot_dimension_numbers<[1], [0], [0], [1], [0, 0, 1, 1], [], []>, transpose_lhs_hint = false} : vector<32x96xbf16>, vector<96x192xbf16>, vector<32x192xf32> -> vector<32x192xf32>
    %get3A_367 = arith.constant 17 : index
    %get3A_368 = arith.constant 0 : index
    %get3A_369 = arith.constant 0 : index
    %get3A_370 = vector.load %arg4[%get3A_367, %get3A_368, %get3A_369] : memref<64x1x192xf32, #tpu.memory_space<vmem>>, vector<1x1x192xf32>
    %get3A_371 = vector.shape_cast %get3A_370 : vector<1x1x192xf32> to vector<1x192xf32>
    %add3A_372 = vector.broadcast %get3A_371 : vector<1x192xf32> to vector<32x192xf32>
    %add3A_373 = arith.addf %dot_general3A_366, %add3A_372 : vector<32x192xf32>
    %swap3A_374 = arith.constant 544 : index
    %swap3A_375 = arith.constant 0 : index
    %swap3A_376 = vector.load %arg9[%swap3A_374, %swap3A_375] : memref<2048x192xf32, #tpu.memory_space<vmem>>, vector<32x192xf32>
    tpu.vector_store %arg9[%swap3A_374, %swap3A_375], %add3A_373 {strides = array<i32>} : memref<2048x192xf32, #tpu.memory_space<vmem>>, vector<32x192xf32>,
    %get3A_377 = arith.constant 576 : index
    %get3A_378 = arith.constant 0 : index
    %get3A_379 = vector.load %arg2[%get3A_377, %get3A_378] : memref<3376x128xf32, #tpu.memory_space<vmem>>, vector<32x96xf32>
    %convert_element_type3A_380 = arith.truncf %get3A_379 : vector<32x96xf32> to vector<32x96xbf16>
    %get3A_381 = arith.constant 18 : index
    %get3A_382 = arith.constant 0 : index
    %get3A_383 = arith.constant 0 : index
    %get3A_384 = vector.load %arg3[%get3A_381, %get3A_382, %get3A_383] : memref<64x96x192xbf16, #tpu.memory_space<vmem>>, vector<1x96x192xbf16>
    %get3A_385 = vector.shape_cast %get3A_384 : vector<1x96x192xbf16> to vector<96x192xbf16>
    %dot_general3A_386 = arith.constant dense<0.000000e+00> : vector<32x192xf32>
    %dot_general3A_387 = tpu.matmul %convert_element_type3A_380, %get3A_385, %dot_general3A_386 {dimension_numbers = #tpu.dot_dimension_numbers<[1], [0], [0], [1], [0, 0, 1, 1], [], []>, transpose_lhs_hint = false} : vector<32x96xbf16>, vector<96x192xbf16>, vector<32x192xf32> -> vector<32x192xf32>
    %get3A_388 = arith.constant 18 : index
    %get3A_389 = arith.constant 0 : index
    %get3A_390 = arith.constant 0 : index
    %get3A_391 = vector.load %arg4[%get3A_388, %get3A_389, %get3A_390] : memref<64x1x192xf32, #tpu.memory_space<vmem>>, vector<1x1x192xf32>
    %get3A_392 = vector.shape_cast %get3A_391 : vector<1x1x192xf32> to vector<1x192xf32>
    %add3A_393 = vector.broadcast %get3A_392 : vector<1x192xf32> to vector<32x192xf32>
    %add3A_394 = arith.addf %dot_general3A_387, %add3A_393 : vector<32x192xf32>
    %swap3A_395 = arith.constant 576 : index
    %swap3A_396 = arith.constant 0 : index
    %swap3A_397 = vector.load %arg9[%swap3A_395, %swap3A_396] : memref<2048x192xf32, #tpu.memory_space<vmem>>, vector<32x192xf32>
    tpu.vector_store %arg9[%swap3A_395, %swap3A_396], %add3A_394 {strides = array<i32>} : memref<2048x192xf32, #tpu.memory_space<vmem>>, vector<32x192xf32>,
    %get3A_398 = arith.constant 608 : index
    %get3A_399 = arith.constant 0 : index
    %get3A_400 = vector.load %arg2[%get3A_398, %get3A_399] : memref<3376x128xf32, #tpu.memory_space<vmem>>, vector<32x96xf32>
    %convert_element_type3A_401 = arith.truncf %get3A_400 : vector<32x96xf32> to vector<32x96xbf16>
    %get3A_402 = arith.constant 19 : index
    %get3A_403 = arith.constant 0 : index
    %get3A_404 = arith.constant 0 : index
    %get3A_405 = vector.load %arg3[%get3A_402, %get3A_403, %get3A_404] : memref<64x96x192xbf16, #tpu.memory_space<vmem>>, vector<1x96x192xbf16>
    %get3A_406 = vector.shape_cast %get3A_405 : vector<1x96x192xbf16> to vector<96x192xbf16>
    %dot_general3A_407 = arith.constant dense<0.000000e+00> : vector<32x192xf32>
    %dot_general3A_408 = tpu.matmul %convert_element_type3A_401, %get3A_406, %dot_general3A_407 {dimension_numbers = #tpu.dot_dimension_numbers<[1], [0], [0], [1], [0, 0, 1, 1], [], []>, transpose_lhs_hint = false} : vector<32x96xbf16>, vector<96x192xbf16>, vector<32x192xf32> -> vector<32x192xf32>
    %get3A_409 = arith.constant 19 : index
    %get3A_410 = arith.constant 0 : index
    %get3A_411 = arith.constant 0 : index
    %get3A_412 = vector.load %arg4[%get3A_409, %get3A_410, %get3A_411] : memref<64x1x192xf32, #tpu.memory_space<vmem>>, vector<1x1x192xf32>
    %get3A_413 = vector.shape_cast %get3A_412 : vector<1x1x192xf32> to vector<1x192xf32>
    %add3A_414 = vector.broadcast %get3A_413 : vector<1x192xf32> to vector<32x192xf32>
    %add3A_415 = arith.addf %dot_general3A_408, %add3A_414 : vector<32x192xf32>
    %swap3A_416 = arith.constant 608 : index
    %swap3A_417 = arith.constant 0 : index
    %swap3A_418 = vector.load %arg9[%swap3A_416, %swap3A_417] : memref<2048x192xf32, #tpu.memory_space<vmem>>, vector<32x192xf32>
    tpu.vector_store %arg9[%swap3A_416, %swap3A_417], %add3A_415 {strides = array<i32>} : memref<2048x192xf32, #tpu.memory_space<vmem>>, vector<32x192xf32>,
    %get3A_419 = arith.constant 640 : index
    %get3A_420 = arith.constant 0 : index
    %get3A_421 = vector.load %arg2[%get3A_419, %get3A_420] : memref<3376x128xf32, #tpu.memory_space<vmem>>, vector<32x96xf32>
    %convert_element_type3A_422 = arith.truncf %get3A_421 : vector<32x96xf32> to vector<32x96xbf16>
    %get3A_423 = arith.constant 20 : index
    %get3A_424 = arith.constant 0 : index
    %get3A_425 = arith.constant 0 : index
    %get3A_426 = vector.load %arg3[%get3A_423, %get3A_424, %get3A_425] : memref<64x96x192xbf16, #tpu.memory_space<vmem>>, vector<1x96x192xbf16>
    %get3A_427 = vector.shape_cast %get3A_426 : vector<1x96x192xbf16> to vector<96x192xbf16>
    %dot_general3A_428 = arith.constant dense<0.000000e+00> : vector<32x192xf32>
    %dot_general3A_429 = tpu.matmul %convert_element_type3A_422, %get3A_427, %dot_general3A_428 {dimension_numbers = #tpu.dot_dimension_numbers<[1], [0], [0], [1], [0, 0, 1, 1], [], []>, transpose_lhs_hint = false} : vector<32x96xbf16>, vector<96x192xbf16>, vector<32x192xf32> -> vector<32x192xf32>
    %get3A_430 = arith.constant 20 : index
    %get3A_431 = arith.constant 0 : index
    %get3A_432 = arith.constant 0 : index
    %get3A_433 = vector.load %arg4[%get3A_430, %get3A_431, %get3A_432] : memref<64x1x192xf32, #tpu.memory_space<vmem>>, vector<1x1x192xf32>
    %get3A_434 = vector.shape_cast %get3A_433 : vector<1x1x192xf32> to vector<1x192xf32>
    %add3A_435 = vector.broadcast %get3A_434 : vector<1x192xf32> to vector<32x192xf32>
    %add3A_436 = arith.addf %dot_general3A_429, %add3A_435 : vector<32x192xf32>
    %swap3A_437 = arith.constant 640 : index
    %swap3A_438 = arith.constant 0 : index
    %swap3A_439 = vector.load %arg9[%swap3A_437, %swap3A_438] : memref<2048x192xf32, #tpu.memory_space<vmem>>, vector<32x192xf32>
    tpu.vector_store %arg9[%swap3A_437, %swap3A_438], %add3A_436 {strides = array<i32>} : memref<2048x192xf32, #tpu.memory_space<vmem>>, vector<32x192xf32>,
    %get3A_440 = arith.constant 672 : index
    %get3A_441 = arith.constant 0 : index
    %get3A_442 = vector.load %arg2[%get3A_440, %get3A_441] : memref<3376x128xf32, #tpu.memory_space<vmem>>, vector<32x96xf32>
    %convert_element_type3A_443 = arith.truncf %get3A_442 : vector<32x96xf32> to vector<32x96xbf16>
    %get3A_444 = arith.constant 21 : index
    %get3A_445 = arith.constant 0 : index
    %get3A_446 = arith.constant 0 : index
    %get3A_447 = vector.load %arg3[%get3A_444, %get3A_445, %get3A_446] : memref<64x96x192xbf16, #tpu.memory_space<vmem>>, vector<1x96x192xbf16>
    %get3A_448 = vector.shape_cast %get3A_447 : vector<1x96x192xbf16> to vector<96x192xbf16>
    %dot_general3A_449 = arith.constant dense<0.000000e+00> : vector<32x192xf32>
    %dot_general3A_450 = tpu.matmul %convert_element_type3A_443, %get3A_448, %dot_general3A_449 {dimension_numbers = #tpu.dot_dimension_numbers<[1], [0], [0], [1], [0, 0, 1, 1], [], []>, transpose_lhs_hint = false} : vector<32x96xbf16>, vector<96x192xbf16>, vector<32x192xf32> -> vector<32x192xf32>
    %get3A_451 = arith.constant 21 : index
    %get3A_452 = arith.constant 0 : index
    %get3A_453 = arith.constant 0 : index
    %get3A_454 = vector.load %arg4[%get3A_451, %get3A_452, %get3A_453] : memref<64x1x192xf32, #tpu.memory_space<vmem>>, vector<1x1x192xf32>
    %get3A_455 = vector.shape_cast %get3A_454 : vector<1x1x192xf32> to vector<1x192xf32>
    %add3A_456 = vector.broadcast %get3A_455 : vector<1x192xf32> to vector<32x192xf32>
    %add3A_457 = arith.addf %dot_general3A_450, %add3A_456 : vector<32x192xf32>
    %swap3A_458 = arith.constant 672 : index
    %swap3A_459 = arith.constant 0 : index
    %swap3A_460 = vector.load %arg9[%swap3A_458, %swap3A_459] : memref<2048x192xf32, #tpu.memory_space<vmem>>, vector<32x192xf32>
    tpu.vector_store %arg9[%swap3A_458, %swap3A_459], %add3A_457 {strides = array<i32>} : memref<2048x192xf32, #tpu.memory_space<vmem>>, vector<32x192xf32>,
    %get3A_461 = arith.constant 704 : index
    %get3A_462 = arith.constant 0 : index
    %get3A_463 = vector.load %arg2[%get3A_461, %get3A_462] : memref<3376x128xf32, #tpu.memory_space<vmem>>, vector<32x96xf32>
    %convert_element_type3A_464 = arith.truncf %get3A_463 : vector<32x96xf32> to vector<32x96xbf16>
    %get3A_465 = arith.constant 22 : index
    %get3A_466 = arith.constant 0 : index
    %get3A_467 = arith.constant 0 : index
    %get3A_468 = vector.load %arg3[%get3A_465, %get3A_466, %get3A_467] : memref<64x96x192xbf16, #tpu.memory_space<vmem>>, vector<1x96x192xbf16>
    %get3A_469 = vector.shape_cast %get3A_468 : vector<1x96x192xbf16> to vector<96x192xbf16>
    %dot_general3A_470 = arith.constant dense<0.000000e+00> : vector<32x192xf32>
    %dot_general3A_471 = tpu.matmul %convert_element_type3A_464, %get3A_469, %dot_general3A_470 {dimension_numbers = #tpu.dot_dimension_numbers<[1], [0], [0], [1], [0, 0, 1, 1], [], []>, transpose_lhs_hint = false} : vector<32x96xbf16>, vector<96x192xbf16>, vector<32x192xf32> -> vector<32x192xf32>
    %get3A_472 = arith.constant 22 : index
    %get3A_473 = arith.constant 0 : index
    %get3A_474 = arith.constant 0 : index
    %get3A_475 = vector.load %arg4[%get3A_472, %get3A_473, %get3A_474] : memref<64x1x192xf32, #tpu.memory_space<vmem>>, vector<1x1x192xf32>
    %get3A_476 = vector.shape_cast %get3A_475 : vector<1x1x192xf32> to vector<1x192xf32>
    %add3A_477 = vector.broadcast %get3A_476 : vector<1x192xf32> to vector<32x192xf32>
    %add3A_478 = arith.addf %dot_general3A_471, %add3A_477 : vector<32x192xf32>
    %swap3A_479 = arith.constant 704 : index
    %swap3A_480 = arith.constant 0 : index
    %swap3A_481 = vector.load %arg9[%swap3A_479, %swap3A_480] : memref<2048x192xf32, #tpu.memory_space<vmem>>, vector<32x192xf32>
    tpu.vector_store %arg9[%swap3A_479, %swap3A_480], %add3A_478 {strides = array<i32>} : memref<2048x192xf32, #tpu.memory_space<vmem>>, vector<32x192xf32>,
    %get3A_482 = arith.constant 736 : index
    %get3A_483 = arith.constant 0 : index
    %get3A_484 = vector.load %arg2[%get3A_482, %get3A_483] : memref<3376x128xf32, #tpu.memory_space<vmem>>, vector<32x96xf32>
    %convert_element_type3A_485 = arith.truncf %get3A_484 : vector<32x96xf32> to vector<32x96xbf16>
    %get3A_486 = arith.constant 23 : index
    %get3A_487 = arith.constant 0 : index
    %get3A_488 = arith.constant 0 : index
    %get3A_489 = vector.load %arg3[%get3A_486, %get3A_487, %get3A_488] : memref<64x96x192xbf16, #tpu.memory_space<vmem>>, vector<1x96x192xbf16>
    %get3A_490 = vector.shape_cast %get3A_489 : vector<1x96x192xbf16> to vector<96x192xbf16>
    %dot_general3A_491 = arith.constant dense<0.000000e+00> : vector<32x192xf32>
    %dot_general3A_492 = tpu.matmul %convert_element_type3A_485, %get3A_490, %dot_general3A_491 {dimension_numbers = #tpu.dot_dimension_numbers<[1], [0], [0], [1], [0, 0, 1, 1], [], []>, transpose_lhs_hint = false} : vector<32x96xbf16>, vector<96x192xbf16>, vector<32x192xf32> -> vector<32x192xf32>
    %get3A_493 = arith.constant 23 : index
    %get3A_494 = arith.constant 0 : index
    %get3A_495 = arith.constant 0 : index
    %get3A_496 = vector.load %arg4[%get3A_493, %get3A_494, %get3A_495] : memref<64x1x192xf32, #tpu.memory_space<vmem>>, vector<1x1x192xf32>
    %get3A_497 = vector.shape_cast %get3A_496 : vector<1x1x192xf32> to vector<1x192xf32>
    %add3A_498 = vector.broadcast %get3A_497 : vector<1x192xf32> to vector<32x192xf32>
    %add3A_499 = arith.addf %dot_general3A_492, %add3A_498 : vector<32x192xf32>
    %swap3A_500 = arith.constant 736 : index
    %swap3A_501 = arith.constant 0 : index
    %swap3A_502 = vector.load %arg9[%swap3A_500, %swap3A_501] : memref<2048x192xf32, #tpu.memory_space<vmem>>, vector<32x192xf32>
    tpu.vector_store %arg9[%swap3A_500, %swap3A_501], %add3A_499 {strides = array<i32>} : memref<2048x192xf32, #tpu.memory_space<vmem>>, vector<32x192xf32>,
    %get3A_503 = arith.constant 768 : index
    %get3A_504 = arith.constant 0 : index
    %get3A_505 = vector.load %arg2[%get3A_503, %get3A_504] : memref<3376x128xf32, #tpu.memory_space<vmem>>, vector<32x96xf32>
    %convert_element_type3A_506 = arith.truncf %get3A_505 : vector<32x96xf32> to vector<32x96xbf16>
    %get3A_507 = arith.constant 24 : index
    %get3A_508 = arith.constant 0 : index
    %get3A_509 = arith.constant 0 : index
    %get3A_510 = vector.load %arg3[%get3A_507, %get3A_508, %get3A_509] : memref<64x96x192xbf16, #tpu.memory_space<vmem>>, vector<1x96x192xbf16>
    %get3A_511 = vector.shape_cast %get3A_510 : vector<1x96x192xbf16> to vector<96x192xbf16>
    %dot_general3A_512 = arith.constant dense<0.000000e+00> : vector<32x192xf32>
    %dot_general3A_513 = tpu.matmul %convert_element_type3A_506, %get3A_511, %dot_general3A_512 {dimension_numbers = #tpu.dot_dimension_numbers<[1], [0], [0], [1], [0, 0, 1, 1], [], []>, transpose_lhs_hint = false} : vector<32x96xbf16>, vector<96x192xbf16>, vector<32x192xf32> -> vector<32x192xf32>
    %get3A_514 = arith.constant 24 : index
    %get3A_515 = arith.constant 0 : index
    %get3A_516 = arith.constant 0 : index
    %get3A_517 = vector.load %arg4[%get3A_514, %get3A_515, %get3A_516] : memref<64x1x192xf32, #tpu.memory_space<vmem>>, vector<1x1x192xf32>
    %get3A_518 = vector.shape_cast %get3A_517 : vector<1x1x192xf32> to vector<1x192xf32>
    %add3A_519 = vector.broadcast %get3A_518 : vector<1x192xf32> to vector<32x192xf32>
    %add3A_520 = arith.addf %dot_general3A_513, %add3A_519 : vector<32x192xf32>
    %swap3A_521 = arith.constant 768 : index
    %swap3A_522 = arith.constant 0 : index
    %swap3A_523 = vector.load %arg9[%swap3A_521, %swap3A_522] : memref<2048x192xf32, #tpu.memory_space<vmem>>, vector<32x192xf32>
    tpu.vector_store %arg9[%swap3A_521, %swap3A_522], %add3A_520 {strides = array<i32>} : memref<2048x192xf32, #tpu.memory_space<vmem>>, vector<32x192xf32>,
    %get3A_524 = arith.constant 800 : index
    %get3A_525 = arith.constant 0 : index
    %get3A_526 = vector.load %arg2[%get3A_524, %get3A_525] : memref<3376x128xf32, #tpu.memory_space<vmem>>, vector<32x96xf32>
    %convert_element_type3A_527 = arith.truncf %get3A_526 : vector<32x96xf32> to vector<32x96xbf16>
    %get3A_528 = arith.constant 25 : index
    %get3A_529 = arith.constant 0 : index
    %get3A_530 = arith.constant 0 : index
    %get3A_531 = vector.load %arg3[%get3A_528, %get3A_529, %get3A_530] : memref<64x96x192xbf16, #tpu.memory_space<vmem>>, vector<1x96x192xbf16>
    %get3A_532 = vector.shape_cast %get3A_531 : vector<1x96x192xbf16> to vector<96x192xbf16>
    %dot_general3A_533 = arith.constant dense<0.000000e+00> : vector<32x192xf32>
    %dot_general3A_534 = tpu.matmul %convert_element_type3A_527, %get3A_532, %dot_general3A_533 {dimension_numbers = #tpu.dot_dimension_numbers<[1], [0], [0], [1], [0, 0, 1, 1], [], []>, transpose_lhs_hint = false} : vector<32x96xbf16>, vector<96x192xbf16>, vector<32x192xf32> -> vector<32x192xf32>
    %get3A_535 = arith.constant 25 : index
    %get3A_536 = arith.constant 0 : index
    %get3A_537 = arith.constant 0 : index
    %get3A_538 = vector.load %arg4[%get3A_535, %get3A_536, %get3A_537] : memref<64x1x192xf32, #tpu.memory_space<vmem>>, vector<1x1x192xf32>
    %get3A_539 = vector.shape_cast %get3A_538 : vector<1x1x192xf32> to vector<1x192xf32>
    %add3A_540 = vector.broadcast %get3A_539 : vector<1x192xf32> to vector<32x192xf32>
    %add3A_541 = arith.addf %dot_general3A_534, %add3A_540 : vector<32x192xf32>
    %swap3A_542 = arith.constant 800 : index
    %swap3A_543 = arith.constant 0 : index
    %swap3A_544 = vector.load %arg9[%swap3A_542, %swap3A_543] : memref<2048x192xf32, #tpu.memory_space<vmem>>, vector<32x192xf32>
    tpu.vector_store %arg9[%swap3A_542, %swap3A_543], %add3A_541 {strides = array<i32>} : memref<2048x192xf32, #tpu.memory_space<vmem>>, vector<32x192xf32>,
    %get3A_545 = arith.constant 832 : index
    %get3A_546 = arith.constant 0 : index
    %get3A_547 = vector.load %arg2[%get3A_545, %get3A_546] : memref<3376x128xf32, #tpu.memory_space<vmem>>, vector<32x96xf32>
    %convert_element_type3A_548 = arith.truncf %get3A_547 : vector<32x96xf32> to vector<32x96xbf16>
    %get3A_549 = arith.constant 26 : index
    %get3A_550 = arith.constant 0 : index
    %get3A_551 = arith.constant 0 : index
    %get3A_552 = vector.load %arg3[%get3A_549, %get3A_550, %get3A_551] : memref<64x96x192xbf16, #tpu.memory_space<vmem>>, vector<1x96x192xbf16>
    %get3A_553 = vector.shape_cast %get3A_552 : vector<1x96x192xbf16> to vector<96x192xbf16>
    %dot_general3A_554 = arith.constant dense<0.000000e+00> : vector<32x192xf32>
    %dot_general3A_555 = tpu.matmul %convert_element_type3A_548, %get3A_553, %dot_general3A_554 {dimension_numbers = #tpu.dot_dimension_numbers<[1], [0], [0], [1], [0, 0, 1, 1], [], []>, transpose_lhs_hint = false} : vector<32x96xbf16>, vector<96x192xbf16>, vector<32x192xf32> -> vector<32x192xf32>
    %get3A_556 = arith.constant 26 : index
    %get3A_557 = arith.constant 0 : index
    %get3A_558 = arith.constant 0 : index
    %get3A_559 = vector.load %arg4[%get3A_556, %get3A_557, %get3A_558] : memref<64x1x192xf32, #tpu.memory_space<vmem>>, vector<1x1x192xf32>
    %get3A_560 = vector.shape_cast %get3A_559 : vector<1x1x192xf32> to vector<1x192xf32>
    %add3A_561 = vector.broadcast %get3A_560 : vector<1x192xf32> to vector<32x192xf32>
    %add3A_562 = arith.addf %dot_general3A_555, %add3A_561 : vector<32x192xf32>
    %swap3A_563 = arith.constant 832 : index
    %swap3A_564 = arith.constant 0 : index
    %swap3A_565 = vector.load %arg9[%swap3A_563, %swap3A_564] : memref<2048x192xf32, #tpu.memory_space<vmem>>, vector<32x192xf32>
    tpu.vector_store %arg9[%swap3A_563, %swap3A_564], %add3A_562 {strides = array<i32>} : memref<2048x192xf32, #tpu.memory_space<vmem>>, vector<32x192xf32>,
    %get3A_566 = arith.constant 864 : index
    %get3A_567 = arith.constant 0 : index
    %get3A_568 = vector.load %arg2[%get3A_566, %get3A_567] : memref<3376x128xf32, #tpu.memory_space<vmem>>, vector<32x96xf32>
    %convert_element_type3A_569 = arith.truncf %get3A_568 : vector<32x96xf32> to vector<32x96xbf16>
    %get3A_570 = arith.constant 27 : index
    %get3A_571 = arith.constant 0 : index
    %get3A_572 = arith.constant 0 : index
    %get3A_573 = vector.load %arg3[%get3A_570, %get3A_571, %get3A_572] : memref<64x96x192xbf16, #tpu.memory_space<vmem>>, vector<1x96x192xbf16>
    %get3A_574 = vector.shape_cast %get3A_573 : vector<1x96x192xbf16> to vector<96x192xbf16>
    %dot_general3A_575 = arith.constant dense<0.000000e+00> : vector<32x192xf32>
    %dot_general3A_576 = tpu.matmul %convert_element_type3A_569, %get3A_574, %dot_general3A_575 {dimension_numbers = #tpu.dot_dimension_numbers<[1], [0], [0], [1], [0, 0, 1, 1], [], []>, transpose_lhs_hint = false} : vector<32x96xbf16>, vector<96x192xbf16>, vector<32x192xf32> -> vector<32x192xf32>
    %get3A_577 = arith.constant 27 : index
    %get3A_578 = arith.constant 0 : index
    %get3A_579 = arith.constant 0 : index
    %get3A_580 = vector.load %arg4[%get3A_577, %get3A_578, %get3A_579] : memref<64x1x192xf32, #tpu.memory_space<vmem>>, vector<1x1x192xf32>
    %get3A_581 = vector.shape_cast %get3A_580 : vector<1x1x192xf32> to vector<1x192xf32>
    %add3A_582 = vector.broadcast %get3A_581 : vector<1x192xf32> to vector<32x192xf32>
    %add3A_583 = arith.addf %dot_general3A_576, %add3A_582 : vector<32x192xf32>
    %swap3A_584 = arith.constant 864 : index
    %swap3A_585 = arith.constant 0 : index
    %swap3A_586 = vector.load %arg9[%swap3A_584, %swap3A_585] : memref<2048x192xf32, #tpu.memory_space<vmem>>, vector<32x192xf32>
    tpu.vector_store %arg9[%swap3A_584, %swap3A_585], %add3A_583 {strides = array<i32>} : memref<2048x192xf32, #tpu.memory_space<vmem>>, vector<32x192xf32>,
    %get3A_587 = arith.constant 896 : index
    %get3A_588 = arith.constant 0 : index
    %get3A_589 = vector.load %arg2[%get3A_587, %get3A_588] : memref<3376x128xf32, #tpu.memory_space<vmem>>, vector<32x96xf32>
    %convert_element_type3A_590 = arith.truncf %get3A_589 : vector<32x96xf32> to vector<32x96xbf16>
    %get3A_591 = arith.constant 28 : index
    %get3A_592 = arith.constant 0 : index
    %get3A_593 = arith.constant 0 : index
    %get3A_594 = vector.load %arg3[%get3A_591, %get3A_592, %get3A_593] : memref<64x96x192xbf16, #tpu.memory_space<vmem>>, vector<1x96x192xbf16>
    %get3A_595 = vector.shape_cast %get3A_594 : vector<1x96x192xbf16> to vector<96x192xbf16>
    %dot_general3A_596 = arith.constant dense<0.000000e+00> : vector<32x192xf32>
    %dot_general3A_597 = tpu.matmul %convert_element_type3A_590, %get3A_595, %dot_general3A_596 {dimension_numbers = #tpu.dot_dimension_numbers<[1], [0], [0], [1], [0, 0, 1, 1], [], []>, transpose_lhs_hint = false} : vector<32x96xbf16>, vector<96x192xbf16>, vector<32x192xf32> -> vector<32x192xf32>
    %get3A_598 = arith.constant 28 : index
    %get3A_599 = arith.constant 0 : index
    %get3A_600 = arith.constant 0 : index
    %get3A_601 = vector.load %arg4[%get3A_598, %get3A_599, %get3A_600] : memref<64x1x192xf32, #tpu.memory_space<vmem>>, vector<1x1x192xf32>
    %get3A_602 = vector.shape_cast %get3A_601 : vector<1x1x192xf32> to vector<1x192xf32>
    %add3A_603 = vector.broadcast %get3A_602 : vector<1x192xf32> to vector<32x192xf32>
    %add3A_604 = arith.addf %dot_general3A_597, %add3A_603 : vector<32x192xf32>
    %swap3A_605 = arith.constant 896 : index
    %swap3A_606 = arith.constant 0 : index
    %swap3A_607 = vector.load %arg9[%swap3A_605, %swap3A_606] : memref<2048x192xf32, #tpu.memory_space<vmem>>, vector<32x192xf32>
    tpu.vector_store %arg9[%swap3A_605, %swap3A_606], %add3A_604 {strides = array<i32>} : memref<2048x192xf32, #tpu.memory_space<vmem>>, vector<32x192xf32>,
    %get3A_608 = arith.constant 928 : index
    %get3A_609 = arith.constant 0 : index
    %get3A_610 = vector.load %arg2[%get3A_608, %get3A_609] : memref<3376x128xf32, #tpu.memory_space<vmem>>, vector<32x96xf32>
    %convert_element_type3A_611 = arith.truncf %get3A_610 : vector<32x96xf32> to vector<32x96xbf16>
    %get3A_612 = arith.constant 29 : index
    %get3A_613 = arith.constant 0 : index
    %get3A_614 = arith.constant 0 : index
    %get3A_615 = vector.load %arg3[%get3A_612, %get3A_613, %get3A_614] : memref<64x96x192xbf16, #tpu.memory_space<vmem>>, vector<1x96x192xbf16>
    %get3A_616 = vector.shape_cast %get3A_615 : vector<1x96x192xbf16> to vector<96x192xbf16>
    %dot_general3A_617 = arith.constant dense<0.000000e+00> : vector<32x192xf32>
    %dot_general3A_618 = tpu.matmul %convert_element_type3A_611, %get3A_616, %dot_general3A_617 {dimension_numbers = #tpu.dot_dimension_numbers<[1], [0], [0], [1], [0, 0, 1, 1], [], []>, transpose_lhs_hint = false} : vector<32x96xbf16>, vector<96x192xbf16>, vector<32x192xf32> -> vector<32x192xf32>
    %get3A_619 = arith.constant 29 : index
    %get3A_620 = arith.constant 0 : index
    %get3A_621 = arith.constant 0 : index
    %get3A_622 = vector.load %arg4[%get3A_619, %get3A_620, %get3A_621] : memref<64x1x192xf32, #tpu.memory_space<vmem>>, vector<1x1x192xf32>
    %get3A_623 = vector.shape_cast %get3A_622 : vector<1x1x192xf32> to vector<1x192xf32>
    %add3A_624 = vector.broadcast %get3A_623 : vector<1x192xf32> to vector<32x192xf32>
    %add3A_625 = arith.addf %dot_general3A_618, %add3A_624 : vector<32x192xf32>
    %swap3A_626 = arith.constant 928 : index
    %swap3A_627 = arith.constant 0 : index
    %swap3A_628 = vector.load %arg9[%swap3A_626, %swap3A_627] : memref<2048x192xf32, #tpu.memory_space<vmem>>, vector<32x192xf32>
    tpu.vector_store %arg9[%swap3A_626, %swap3A_627], %add3A_625 {strides = array<i32>} : memref<2048x192xf32, #tpu.memory_space<vmem>>, vector<32x192xf32>,
    %get3A_629 = arith.constant 960 : index
    %get3A_630 = arith.constant 0 : index
    %get3A_631 = vector.load %arg2[%get3A_629, %get3A_630] : memref<3376x128xf32, #tpu.memory_space<vmem>>, vector<32x96xf32>
    %convert_element_type3A_632 = arith.truncf %get3A_631 : vector<32x96xf32> to vector<32x96xbf16>
    %get3A_633 = arith.constant 30 : index
    %get3A_634 = arith.constant 0 : index
    %get3A_635 = arith.constant 0 : index
    %get3A_636 = vector.load %arg3[%get3A_633, %get3A_634, %get3A_635] : memref<64x96x192xbf16, #tpu.memory_space<vmem>>, vector<1x96x192xbf16>
    %get3A_637 = vector.shape_cast %get3A_636 : vector<1x96x192xbf16> to vector<96x192xbf16>
    %dot_general3A_638 = arith.constant dense<0.000000e+00> : vector<32x192xf32>
    %dot_general3A_639 = tpu.matmul %convert_element_type3A_632, %get3A_637, %dot_general3A_638 {dimension_numbers = #tpu.dot_dimension_numbers<[1], [0], [0], [1], [0, 0, 1, 1], [], []>, transpose_lhs_hint = false} : vector<32x96xbf16>, vector<96x192xbf16>, vector<32x192xf32> -> vector<32x192xf32>
    %get3A_640 = arith.constant 30 : index
    %get3A_641 = arith.constant 0 : index
    %get3A_642 = arith.constant 0 : index
    %get3A_643 = vector.load %arg4[%get3A_640, %get3A_641, %get3A_642] : memref<64x1x192xf32, #tpu.memory_space<vmem>>, vector<1x1x192xf32>
    %get3A_644 = vector.shape_cast %get3A_643 : vector<1x1x192xf32> to vector<1x192xf32>
    %add3A_645 = vector.broadcast %get3A_644 : vector<1x192xf32> to vector<32x192xf32>
    %add3A_646 = arith.addf %dot_general3A_639, %add3A_645 : vector<32x192xf32>
    %swap3A_647 = arith.constant 960 : index
    %swap3A_648 = arith.constant 0 : index
    %swap3A_649 = vector.load %arg9[%swap3A_647, %swap3A_648] : memref<2048x192xf32, #tpu.memory_space<vmem>>, vector<32x192xf32>
    tpu.vector_store %arg9[%swap3A_647, %swap3A_648], %add3A_646 {strides = array<i32>} : memref<2048x192xf32, #tpu.memory_space<vmem>>, vector<32x192xf32>,
    %get3A_650 = arith.constant 992 : index
    %get3A_651 = arith.constant 0 : index
    %get3A_652 = vector.load %arg2[%get3A_650, %get3A_651] : memref<3376x128xf32, #tpu.memory_space<vmem>>, vector<32x96xf32>
    %convert_element_type3A_653 = arith.truncf %get3A_652 : vector<32x96xf32> to vector<32x96xbf16>
    %get3A_654 = arith.constant 31 : index
    %get3A_655 = arith.constant 0 : index
    %get3A_656 = arith.constant 0 : index
    %get3A_657 = vector.load %arg3[%get3A_654, %get3A_655, %get3A_656] : memref<64x96x192xbf16, #tpu.memory_space<vmem>>, vector<1x96x192xbf16>
    %get3A_658 = vector.shape_cast %get3A_657 : vector<1x96x192xbf16> to vector<96x192xbf16>
    %dot_general3A_659 = arith.constant dense<0.000000e+00> : vector<32x192xf32>
    %dot_general3A_660 = tpu.matmul %convert_element_type3A_653, %get3A_658, %dot_general3A_659 {dimension_numbers = #tpu.dot_dimension_numbers<[1], [0], [0], [1], [0, 0, 1, 1], [], []>, transpose_lhs_hint = false} : vector<32x96xbf16>, vector<96x192xbf16>, vector<32x192xf32> -> vector<32x192xf32>
    %get3A_661 = arith.constant 31 : index
    %get3A_662 = arith.constant 0 : index
    %get3A_663 = arith.constant 0 : index
    %get3A_664 = vector.load %arg4[%get3A_661, %get3A_662, %get3A_663] : memref<64x1x192xf32, #tpu.memory_space<vmem>>, vector<1x1x192xf32>
    %get3A_665 = vector.shape_cast %get3A_664 : vector<1x1x192xf32> to vector<1x192xf32>
    %add3A_666 = vector.broadcast %get3A_665 : vector<1x192xf32> to vector<32x192xf32>
    %add3A_667 = arith.addf %dot_general3A_660, %add3A_666 : vector<32x192xf32>
    %swap3A_668 = arith.constant 992 : index
    %swap3A_669 = arith.constant 0 : index
    %swap3A_670 = vector.load %arg9[%swap3A_668, %swap3A_669] : memref<2048x192xf32, #tpu.memory_space<vmem>>, vector<32x192xf32>
    tpu.vector_store %arg9[%swap3A_668, %swap3A_669], %add3A_667 {strides = array<i32>} : memref<2048x192xf32, #tpu.memory_space<vmem>>, vector<32x192xf32>,
    %get3A_671 = arith.constant 1024 : index
    %get3A_672 = arith.constant 0 : index
    %get3A_673 = vector.load %arg2[%get3A_671, %get3A_672] : memref<3376x128xf32, #tpu.memory_space<vmem>>, vector<32x96xf32>
    %convert_element_type3A_674 = arith.truncf %get3A_673 : vector<32x96xf32> to vector<32x96xbf16>
    %get3A_675 = arith.constant 32 : index
    %get3A_676 = arith.constant 0 : index
    %get3A_677 = arith.constant 0 : index
    %get3A_678 = vector.load %arg3[%get3A_675, %get3A_676, %get3A_677] : memref<64x96x192xbf16, #tpu.memory_space<vmem>>, vector<1x96x192xbf16>
    %get3A_679 = vector.shape_cast %get3A_678 : vector<1x96x192xbf16> to vector<96x192xbf16>
    %dot_general3A_680 = arith.constant dense<0.000000e+00> : vector<32x192xf32>
    %dot_general3A_681 = tpu.matmul %convert_element_type3A_674, %get3A_679, %dot_general3A_680 {dimension_numbers = #tpu.dot_dimension_numbers<[1], [0], [0], [1], [0, 0, 1, 1], [], []>, transpose_lhs_hint = false} : vector<32x96xbf16>, vector<96x192xbf16>, vector<32x192xf32> -> vector<32x192xf32>
    %get3A_682 = arith.constant 32 : index
    %get3A_683 = arith.constant 0 : index
    %get3A_684 = arith.constant 0 : index
    %get3A_685 = vector.load %arg4[%get3A_682, %get3A_683, %get3A_684] : memref<64x1x192xf32, #tpu.memory_space<vmem>>, vector<1x1x192xf32>
    %get3A_686 = vector.shape_cast %get3A_685 : vector<1x1x192xf32> to vector<1x192xf32>
    %add3A_687 = vector.broadcast %get3A_686 : vector<1x192xf32> to vector<32x192xf32>
    %add3A_688 = arith.addf %dot_general3A_681, %add3A_687 : vector<32x192xf32>
    %swap3A_689 = arith.constant 1024 : index
    %swap3A_690 = arith.constant 0 : index
    %swap3A_691 = vector.load %arg9[%swap3A_689, %swap3A_690] : memref<2048x192xf32, #tpu.memory_space<vmem>>, vector<32x192xf32>
    tpu.vector_store %arg9[%swap3A_689, %swap3A_690], %add3A_688 {strides = array<i32>} : memref<2048x192xf32, #tpu.memory_space<vmem>>, vector<32x192xf32>,
    %get3A_692 = arith.constant 1056 : index
    %get3A_693 = arith.constant 0 : index
    %get3A_694 = vector.load %arg2[%get3A_692, %get3A_693] : memref<3376x128xf32, #tpu.memory_space<vmem>>, vector<32x96xf32>
    %convert_element_type3A_695 = arith.truncf %get3A_694 : vector<32x96xf32> to vector<32x96xbf16>
    %get3A_696 = arith.constant 33 : index
    %get3A_697 = arith.constant 0 : index
    %get3A_698 = arith.constant 0 : index
    %get3A_699 = vector.load %arg3[%get3A_696, %get3A_697, %get3A_698] : memref<64x96x192xbf16, #tpu.memory_space<vmem>>, vector<1x96x192xbf16>
    %get3A_700 = vector.shape_cast %get3A_699 : vector<1x96x192xbf16> to vector<96x192xbf16>
    %dot_general3A_701 = arith.constant dense<0.000000e+00> : vector<32x192xf32>
    %dot_general3A_702 = tpu.matmul %convert_element_type3A_695, %get3A_700, %dot_general3A_701 {dimension_numbers = #tpu.dot_dimension_numbers<[1], [0], [0], [1], [0, 0, 1, 1], [], []>, transpose_lhs_hint = false} : vector<32x96xbf16>, vector<96x192xbf16>, vector<32x192xf32> -> vector<32x192xf32>
    %get3A_703 = arith.constant 33 : index
    %get3A_704 = arith.constant 0 : index
    %get3A_705 = arith.constant 0 : index
    %get3A_706 = vector.load %arg4[%get3A_703, %get3A_704, %get3A_705] : memref<64x1x192xf32, #tpu.memory_space<vmem>>, vector<1x1x192xf32>
    %get3A_707 = vector.shape_cast %get3A_706 : vector<1x1x192xf32> to vector<1x192xf32>
    %add3A_708 = vector.broadcast %get3A_707 : vector<1x192xf32> to vector<32x192xf32>
    %add3A_709 = arith.addf %dot_general3A_702, %add3A_708 : vector<32x192xf32>
    %swap3A_710 = arith.constant 1056 : index
    %swap3A_711 = arith.constant 0 : index
    %swap3A_712 = vector.load %arg9[%swap3A_710, %swap3A_711] : memref<2048x192xf32, #tpu.memory_space<vmem>>, vector<32x192xf32>
    tpu.vector_store %arg9[%swap3A_710, %swap3A_711], %add3A_709 {strides = array<i32>} : memref<2048x192xf32, #tpu.memory_space<vmem>>, vector<32x192xf32>,
    %get3A_713 = arith.constant 1088 : index
    %get3A_714 = arith.constant 0 : index
    %get3A_715 = vector.load %arg2[%get3A_713, %get3A_714] : memref<3376x128xf32, #tpu.memory_space<vmem>>, vector<32x96xf32>
    %convert_element_type3A_716 = arith.truncf %get3A_715 : vector<32x96xf32> to vector<32x96xbf16>
    %get3A_717 = arith.constant 34 : index
    %get3A_718 = arith.constant 0 : index
    %get3A_719 = arith.constant 0 : index
    %get3A_720 = vector.load %arg3[%get3A_717, %get3A_718, %get3A_719] : memref<64x96x192xbf16, #tpu.memory_space<vmem>>, vector<1x96x192xbf16>
    %get3A_721 = vector.shape_cast %get3A_720 : vector<1x96x192xbf16> to vector<96x192xbf16>
    %dot_general3A_722 = arith.constant dense<0.000000e+00> : vector<32x192xf32>
    %dot_general3A_723 = tpu.matmul %convert_element_type3A_716, %get3A_721, %dot_general3A_722 {dimension_numbers = #tpu.dot_dimension_numbers<[1], [0], [0], [1], [0, 0, 1, 1], [], []>, transpose_lhs_hint = false} : vector<32x96xbf16>, vector<96x192xbf16>, vector<32x192xf32> -> vector<32x192xf32>
    %get3A_724 = arith.constant 34 : index
    %get3A_725 = arith.constant 0 : index
    %get3A_726 = arith.constant 0 : index
    %get3A_727 = vector.load %arg4[%get3A_724, %get3A_725, %get3A_726] : memref<64x1x192xf32, #tpu.memory_space<vmem>>, vector<1x1x192xf32>
    %get3A_728 = vector.shape_cast %get3A_727 : vector<1x1x192xf32> to vector<1x192xf32>
    %add3A_729 = vector.broadcast %get3A_728 : vector<1x192xf32> to vector<32x192xf32>
    %add3A_730 = arith.addf %dot_general3A_723, %add3A_729 : vector<32x192xf32>
    %swap3A_731 = arith.constant 1088 : index
    %swap3A_732 = arith.constant 0 : index
    %swap3A_733 = vector.load %arg9[%swap3A_731, %swap3A_732] : memref<2048x192xf32, #tpu.memory_space<vmem>>, vector<32x192xf32>
    tpu.vector_store %arg9[%swap3A_731, %swap3A_732], %add3A_730 {strides = array<i32>} : memref<2048x192xf32, #tpu.memory_space<vmem>>, vector<32x192xf32>,
    %get3A_734 = arith.constant 1120 : index
    %get3A_735 = arith.constant 0 : index
    %get3A_736 = vector.load %arg2[%get3A_734, %get3A_735] : memref<3376x128xf32, #tpu.memory_space<vmem>>, vector<32x96xf32>
    %convert_element_type3A_737 = arith.truncf %get3A_736 : vector<32x96xf32> to vector<32x96xbf16>
    %get3A_738 = arith.constant 35 : index
    %get3A_739 = arith.constant 0 : index
    %get3A_740 = arith.constant 0 : index
    %get3A_741 = vector.load %arg3[%get3A_738, %get3A_739, %get3A_740] : memref<64x96x192xbf16, #tpu.memory_space<vmem>>, vector<1x96x192xbf16>
    %get3A_742 = vector.shape_cast %get3A_741 : vector<1x96x192xbf16> to vector<96x192xbf16>
    %dot_general3A_743 = arith.constant dense<0.000000e+00> : vector<32x192xf32>
    %dot_general3A_744 = tpu.matmul %convert_element_type3A_737, %get3A_742, %dot_general3A_743 {dimension_numbers = #tpu.dot_dimension_numbers<[1], [0], [0], [1], [0, 0, 1, 1], [], []>, transpose_lhs_hint = false} : vector<32x96xbf16>, vector<96x192xbf16>, vector<32x192xf32> -> vector<32x192xf32>
    %get3A_745 = arith.constant 35 : index
    %get3A_746 = arith.constant 0 : index
    %get3A_747 = arith.constant 0 : index
    %get3A_748 = vector.load %arg4[%get3A_745, %get3A_746, %get3A_747] : memref<64x1x192xf32, #tpu.memory_space<vmem>>, vector<1x1x192xf32>
    %get3A_749 = vector.shape_cast %get3A_748 : vector<1x1x192xf32> to vector<1x192xf32>
    %add3A_750 = vector.broadcast %get3A_749 : vector<1x192xf32> to vector<32x192xf32>
    %add3A_751 = arith.addf %dot_general3A_744, %add3A_750 : vector<32x192xf32>
    %swap3A_752 = arith.constant 1120 : index
    %swap3A_753 = arith.constant 0 : index
    %swap3A_754 = vector.load %arg9[%swap3A_752, %swap3A_753] : memref<2048x192xf32, #tpu.memory_space<vmem>>, vector<32x192xf32>
    tpu.vector_store %arg9[%swap3A_752, %swap3A_753], %add3A_751 {strides = array<i32>} : memref<2048x192xf32, #tpu.memory_space<vmem>>, vector<32x192xf32>,
    %get3A_755 = arith.constant 1152 : index
    %get3A_756 = arith.constant 0 : index
    %get3A_757 = vector.load %arg2[%get3A_755, %get3A_756] : memref<3376x128xf32, #tpu.memory_space<vmem>>, vector<32x96xf32>
    %convert_element_type3A_758 = arith.truncf %get3A_757 : vector<32x96xf32> to vector<32x96xbf16>
    %get3A_759 = arith.constant 36 : index
    %get3A_760 = arith.constant 0 : index
    %get3A_761 = arith.constant 0 : index
    %get3A_762 = vector.load %arg3[%get3A_759, %get3A_760, %get3A_761] : memref<64x96x192xbf16, #tpu.memory_space<vmem>>, vector<1x96x192xbf16>
    %get3A_763 = vector.shape_cast %get3A_762 : vector<1x96x192xbf16> to vector<96x192xbf16>
    %dot_general3A_764 = arith.constant dense<0.000000e+00> : vector<32x192xf32>
    %dot_general3A_765 = tpu.matmul %convert_element_type3A_758, %get3A_763, %dot_general3A_764 {dimension_numbers = #tpu.dot_dimension_numbers<[1], [0], [0], [1], [0, 0, 1, 1], [], []>, transpose_lhs_hint = false} : vector<32x96xbf16>, vector<96x192xbf16>, vector<32x192xf32> -> vector<32x192xf32>
    %get3A_766 = arith.constant 36 : index
    %get3A_767 = arith.constant 0 : index
    %get3A_768 = arith.constant 0 : index
    %get3A_769 = vector.load %arg4[%get3A_766, %get3A_767, %get3A_768] : memref<64x1x192xf32, #tpu.memory_space<vmem>>, vector<1x1x192xf32>
    %get3A_770 = vector.shape_cast %get3A_769 : vector<1x1x192xf32> to vector<1x192xf32>
    %add3A_771 = vector.broadcast %get3A_770 : vector<1x192xf32> to vector<32x192xf32>
    %add3A_772 = arith.addf %dot_general3A_765, %add3A_771 : vector<32x192xf32>
    %swap3A_773 = arith.constant 1152 : index
    %swap3A_774 = arith.constant 0 : index
    %swap3A_775 = vector.load %arg9[%swap3A_773, %swap3A_774] : memref<2048x192xf32, #tpu.memory_space<vmem>>, vector<32x192xf32>
    tpu.vector_store %arg9[%swap3A_773, %swap3A_774], %add3A_772 {strides = array<i32>} : memref<2048x192xf32, #tpu.memory_space<vmem>>, vector<32x192xf32>,
    %get3A_776 = arith.constant 1184 : index
    %get3A_777 = arith.constant 0 : index
    %get3A_778 = vector.load %arg2[%get3A_776, %get3A_777] : memref<3376x128xf32, #tpu.memory_space<vmem>>, vector<32x96xf32>
    %convert_element_type3A_779 = arith.truncf %get3A_778 : vector<32x96xf32> to vector<32x96xbf16>
    %get3A_780 = arith.constant 37 : index
    %get3A_781 = arith.constant 0 : index
    %get3A_782 = arith.constant 0 : index
    %get3A_783 = vector.load %arg3[%get3A_780, %get3A_781, %get3A_782] : memref<64x96x192xbf16, #tpu.memory_space<vmem>>, vector<1x96x192xbf16>
    %get3A_784 = vector.shape_cast %get3A_783 : vector<1x96x192xbf16> to vector<96x192xbf16>
    %dot_general3A_785 = arith.constant dense<0.000000e+00> : vector<32x192xf32>
    %dot_general3A_786 = tpu.matmul %convert_element_type3A_779, %get3A_784, %dot_general3A_785 {dimension_numbers = #tpu.dot_dimension_numbers<[1], [0], [0], [1], [0, 0, 1, 1], [], []>, transpose_lhs_hint = false} : vector<32x96xbf16>, vector<96x192xbf16>, vector<32x192xf32> -> vector<32x192xf32>
    %get3A_787 = arith.constant 37 : index
    %get3A_788 = arith.constant 0 : index
    %get3A_789 = arith.constant 0 : index
    %get3A_790 = vector.load %arg4[%get3A_787, %get3A_788, %get3A_789] : memref<64x1x192xf32, #tpu.memory_space<vmem>>, vector<1x1x192xf32>
    %get3A_791 = vector.shape_cast %get3A_790 : vector<1x1x192xf32> to vector<1x192xf32>
    %add3A_792 = vector.broadcast %get3A_791 : vector<1x192xf32> to vector<32x192xf32>
    %add3A_793 = arith.addf %dot_general3A_786, %add3A_792 : vector<32x192xf32>
    %swap3A_794 = arith.constant 1184 : index
    %swap3A_795 = arith.constant 0 : index
    %swap3A_796 = vector.load %arg9[%swap3A_794, %swap3A_795] : memref<2048x192xf32, #tpu.memory_space<vmem>>, vector<32x192xf32>
    tpu.vector_store %arg9[%swap3A_794, %swap3A_795], %add3A_793 {strides = array<i32>} : memref<2048x192xf32, #tpu.memory_space<vmem>>, vector<32x192xf32>,
    %get3A_797 = arith.constant 1216 : index
    %get3A_798 = arith.constant 0 : index
    %get3A_799 = vector.load %arg2[%get3A_797, %get3A_798] : memref<3376x128xf32, #tpu.memory_space<vmem>>, vector<32x96xf32>
    %convert_element_type3A_800 = arith.truncf %get3A_799 : vector<32x96xf32> to vector<32x96xbf16>
    %get3A_801 = arith.constant 38 : index
    %get3A_802 = arith.constant 0 : index
    %get3A_803 = arith.constant 0 : index
    %get3A_804 = vector.load %arg3[%get3A_801, %get3A_802, %get3A_803] : memref<64x96x192xbf16, #tpu.memory_space<vmem>>, vector<1x96x192xbf16>
    %get3A_805 = vector.shape_cast %get3A_804 : vector<1x96x192xbf16> to vector<96x192xbf16>
    %dot_general3A_806 = arith.constant dense<0.000000e+00> : vector<32x192xf32>
    %dot_general3A_807 = tpu.matmul %convert_element_type3A_800, %get3A_805, %dot_general3A_806 {dimension_numbers = #tpu.dot_dimension_numbers<[1], [0], [0], [1], [0, 0, 1, 1], [], []>, transpose_lhs_hint = false} : vector<32x96xbf16>, vector<96x192xbf16>, vector<32x192xf32> -> vector<32x192xf32>
    %get3A_808 = arith.constant 38 : index
    %get3A_809 = arith.constant 0 : index
    %get3A_810 = arith.constant 0 : index
    %get3A_811 = vector.load %arg4[%get3A_808, %get3A_809, %get3A_810] : memref<64x1x192xf32, #tpu.memory_space<vmem>>, vector<1x1x192xf32>
    %get3A_812 = vector.shape_cast %get3A_811 : vector<1x1x192xf32> to vector<1x192xf32>
    %add3A_813 = vector.broadcast %get3A_812 : vector<1x192xf32> to vector<32x192xf32>
    %add3A_814 = arith.addf %dot_general3A_807, %add3A_813 : vector<32x192xf32>
    %swap3A_815 = arith.constant 1216 : index
    %swap3A_816 = arith.constant 0 : index
    %swap3A_817 = vector.load %arg9[%swap3A_815, %swap3A_816] : memref<2048x192xf32, #tpu.memory_space<vmem>>, vector<32x192xf32>
    tpu.vector_store %arg9[%swap3A_815, %swap3A_816], %add3A_814 {strides = array<i32>} : memref<2048x192xf32, #tpu.memory_space<vmem>>, vector<32x192xf32>,
    %get3A_818 = arith.constant 1248 : index
    %get3A_819 = arith.constant 0 : index
    %get3A_820 = vector.load %arg2[%get3A_818, %get3A_819] : memref<3376x128xf32, #tpu.memory_space<vmem>>, vector<32x96xf32>
    %convert_element_type3A_821 = arith.truncf %get3A_820 : vector<32x96xf32> to vector<32x96xbf16>
    %get3A_822 = arith.constant 39 : index
    %get3A_823 = arith.constant 0 : index
    %get3A_824 = arith.constant 0 : index
    %get3A_825 = vector.load %arg3[%get3A_822, %get3A_823, %get3A_824] : memref<64x96x192xbf16, #tpu.memory_space<vmem>>, vector<1x96x192xbf16>
    %get3A_826 = vector.shape_cast %get3A_825 : vector<1x96x192xbf16> to vector<96x192xbf16>
    %dot_general3A_827 = arith.constant dense<0.000000e+00> : vector<32x192xf32>
    %dot_general3A_828 = tpu.matmul %convert_element_type3A_821, %get3A_826, %dot_general3A_827 {dimension_numbers = #tpu.dot_dimension_numbers<[1], [0], [0], [1], [0, 0, 1, 1], [], []>, transpose_lhs_hint = false} : vector<32x96xbf16>, vector<96x192xbf16>, vector<32x192xf32> -> vector<32x192xf32>
    %get3A_829 = arith.constant 39 : index
    %get3A_830 = arith.constant 0 : index
    %get3A_831 = arith.constant 0 : index
    %get3A_832 = vector.load %arg4[%get3A_829, %get3A_830, %get3A_831] : memref<64x1x192xf32, #tpu.memory_space<vmem>>, vector<1x1x192xf32>
    %get3A_833 = vector.shape_cast %get3A_832 : vector<1x1x192xf32> to vector<1x192xf32>
    %add3A_834 = vector.broadcast %get3A_833 : vector<1x192xf32> to vector<32x192xf32>
    %add3A_835 = arith.addf %dot_general3A_828, %add3A_834 : vector<32x192xf32>
    %swap3A_836 = arith.constant 1248 : index
    %swap3A_837 = arith.constant 0 : index
    %swap3A_838 = vector.load %arg9[%swap3A_836, %swap3A_837] : memref<2048x192xf32, #tpu.memory_space<vmem>>, vector<32x192xf32>
    tpu.vector_store %arg9[%swap3A_836, %swap3A_837], %add3A_835 {strides = array<i32>} : memref<2048x192xf32, #tpu.memory_space<vmem>>, vector<32x192xf32>,
    %get3A_839 = arith.constant 1280 : index
    %get3A_840 = arith.constant 0 : index
    %get3A_841 = vector.load %arg2[%get3A_839, %get3A_840] : memref<3376x128xf32, #tpu.memory_space<vmem>>, vector<32x96xf32>
    %convert_element_type3A_842 = arith.truncf %get3A_841 : vector<32x96xf32> to vector<32x96xbf16>
    %get3A_843 = arith.constant 40 : index
    %get3A_844 = arith.constant 0 : index
    %get3A_845 = arith.constant 0 : index
    %get3A_846 = vector.load %arg3[%get3A_843, %get3A_844, %get3A_845] : memref<64x96x192xbf16, #tpu.memory_space<vmem>>, vector<1x96x192xbf16>
    %get3A_847 = vector.shape_cast %get3A_846 : vector<1x96x192xbf16> to vector<96x192xbf16>
    %dot_general3A_848 = arith.constant dense<0.000000e+00> : vector<32x192xf32>
    %dot_general3A_849 = tpu.matmul %convert_element_type3A_842, %get3A_847, %dot_general3A_848 {dimension_numbers = #tpu.dot_dimension_numbers<[1], [0], [0], [1], [0, 0, 1, 1], [], []>, transpose_lhs_hint = false} : vector<32x96xbf16>, vector<96x192xbf16>, vector<32x192xf32> -> vector<32x192xf32>
    %get3A_850 = arith.constant 40 : index
    %get3A_851 = arith.constant 0 : index
    %get3A_852 = arith.constant 0 : index
    %get3A_853 = vector.load %arg4[%get3A_850, %get3A_851, %get3A_852] : memref<64x1x192xf32, #tpu.memory_space<vmem>>, vector<1x1x192xf32>
    %get3A_854 = vector.shape_cast %get3A_853 : vector<1x1x192xf32> to vector<1x192xf32>
    %add3A_855 = vector.broadcast %get3A_854 : vector<1x192xf32> to vector<32x192xf32>
    %add3A_856 = arith.addf %dot_general3A_849, %add3A_855 : vector<32x192xf32>
    %swap3A_857 = arith.constant 1280 : index
    %swap3A_858 = arith.constant 0 : index
    %swap3A_859 = vector.load %arg9[%swap3A_857, %swap3A_858] : memref<2048x192xf32, #tpu.memory_space<vmem>>, vector<32x192xf32>
    tpu.vector_store %arg9[%swap3A_857, %swap3A_858], %add3A_856 {strides = array<i32>} : memref<2048x192xf32, #tpu.memory_space<vmem>>, vector<32x192xf32>,
    %get3A_860 = arith.constant 1312 : index
    %get3A_861 = arith.constant 0 : index
    %get3A_862 = vector.load %arg2[%get3A_860, %get3A_861] : memref<3376x128xf32, #tpu.memory_space<vmem>>, vector<32x96xf32>
    %convert_element_type3A_863 = arith.truncf %get3A_862 : vector<32x96xf32> to vector<32x96xbf16>
    %get3A_864 = arith.constant 41 : index
    %get3A_865 = arith.constant 0 : index
    %get3A_866 = arith.constant 0 : index
    %get3A_867 = vector.load %arg3[%get3A_864, %get3A_865, %get3A_866] : memref<64x96x192xbf16, #tpu.memory_space<vmem>>, vector<1x96x192xbf16>
    %get3A_868 = vector.shape_cast %get3A_867 : vector<1x96x192xbf16> to vector<96x192xbf16>
    %dot_general3A_869 = arith.constant dense<0.000000e+00> : vector<32x192xf32>
    %dot_general3A_870 = tpu.matmul %convert_element_type3A_863, %get3A_868, %dot_general3A_869 {dimension_numbers = #tpu.dot_dimension_numbers<[1], [0], [0], [1], [0, 0, 1, 1], [], []>, transpose_lhs_hint = false} : vector<32x96xbf16>, vector<96x192xbf16>, vector<32x192xf32> -> vector<32x192xf32>
    %get3A_871 = arith.constant 41 : index
    %get3A_872 = arith.constant 0 : index
    %get3A_873 = arith.constant 0 : index
    %get3A_874 = vector.load %arg4[%get3A_871, %get3A_872, %get3A_873] : memref<64x1x192xf32, #tpu.memory_space<vmem>>, vector<1x1x192xf32>
    %get3A_875 = vector.shape_cast %get3A_874 : vector<1x1x192xf32> to vector<1x192xf32>
    %add3A_876 = vector.broadcast %get3A_875 : vector<1x192xf32> to vector<32x192xf32>
    %add3A_877 = arith.addf %dot_general3A_870, %add3A_876 : vector<32x192xf32>
    %swap3A_878 = arith.constant 1312 : index
    %swap3A_879 = arith.constant 0 : index
    %swap3A_880 = vector.load %arg9[%swap3A_878, %swap3A_879] : memref<2048x192xf32, #tpu.memory_space<vmem>>, vector<32x192xf32>
    tpu.vector_store %arg9[%swap3A_878, %swap3A_879], %add3A_877 {strides = array<i32>} : memref<2048x192xf32, #tpu.memory_space<vmem>>, vector<32x192xf32>,
    %get3A_881 = arith.constant 1344 : index
    %get3A_882 = arith.constant 0 : index
    %get3A_883 = vector.load %arg2[%get3A_881, %get3A_882] : memref<3376x128xf32, #tpu.memory_space<vmem>>, vector<32x96xf32>
    %convert_element_type3A_884 = arith.truncf %get3A_883 : vector<32x96xf32> to vector<32x96xbf16>
    %get3A_885 = arith.constant 42 : index
    %get3A_886 = arith.constant 0 : index
    %get3A_887 = arith.constant 0 : index
    %get3A_888 = vector.load %arg3[%get3A_885, %get3A_886, %get3A_887] : memref<64x96x192xbf16, #tpu.memory_space<vmem>>, vector<1x96x192xbf16>
    %get3A_889 = vector.shape_cast %get3A_888 : vector<1x96x192xbf16> to vector<96x192xbf16>
    %dot_general3A_890 = arith.constant dense<0.000000e+00> : vector<32x192xf32>
    %dot_general3A_891 = tpu.matmul %convert_element_type3A_884, %get3A_889, %dot_general3A_890 {dimension_numbers = #tpu.dot_dimension_numbers<[1], [0], [0], [1], [0, 0, 1, 1], [], []>, transpose_lhs_hint = false} : vector<32x96xbf16>, vector<96x192xbf16>, vector<32x192xf32> -> vector<32x192xf32>
    %get3A_892 = arith.constant 42 : index
    %get3A_893 = arith.constant 0 : index
    %get3A_894 = arith.constant 0 : index
    %get3A_895 = vector.load %arg4[%get3A_892, %get3A_893, %get3A_894] : memref<64x1x192xf32, #tpu.memory_space<vmem>>, vector<1x1x192xf32>
    %get3A_896 = vector.shape_cast %get3A_895 : vector<1x1x192xf32> to vector<1x192xf32>
    %add3A_897 = vector.broadcast %get3A_896 : vector<1x192xf32> to vector<32x192xf32>
    %add3A_898 = arith.addf %dot_general3A_891, %add3A_897 : vector<32x192xf32>
    %swap3A_899 = arith.constant 1344 : index
    %swap3A_900 = arith.constant 0 : index
    %swap3A_901 = vector.load %arg9[%swap3A_899, %swap3A_900] : memref<2048x192xf32, #tpu.memory_space<vmem>>, vector<32x192xf32>
    tpu.vector_store %arg9[%swap3A_899, %swap3A_900], %add3A_898 {strides = array<i32>} : memref<2048x192xf32, #tpu.memory_space<vmem>>, vector<32x192xf32>,
    %get3A_902 = arith.constant 1376 : index
    %get3A_903 = arith.constant 0 : index
    %get3A_904 = vector.load %arg2[%get3A_902, %get3A_903] : memref<3376x128xf32, #tpu.memory_space<vmem>>, vector<32x96xf32>
    %convert_element_type3A_905 = arith.truncf %get3A_904 : vector<32x96xf32> to vector<32x96xbf16>
    %get3A_906 = arith.constant 43 : index
    %get3A_907 = arith.constant 0 : index
    %get3A_908 = arith.constant 0 : index
    %get3A_909 = vector.load %arg3[%get3A_906, %get3A_907, %get3A_908] : memref<64x96x192xbf16, #tpu.memory_space<vmem>>, vector<1x96x192xbf16>
    %get3A_910 = vector.shape_cast %get3A_909 : vector<1x96x192xbf16> to vector<96x192xbf16>
    %dot_general3A_911 = arith.constant dense<0.000000e+00> : vector<32x192xf32>
    %dot_general3A_912 = tpu.matmul %convert_element_type3A_905, %get3A_910, %dot_general3A_911 {dimension_numbers = #tpu.dot_dimension_numbers<[1], [0], [0], [1], [0, 0, 1, 1], [], []>, transpose_lhs_hint = false} : vector<32x96xbf16>, vector<96x192xbf16>, vector<32x192xf32> -> vector<32x192xf32>
    %get3A_913 = arith.constant 43 : index
    %get3A_914 = arith.constant 0 : index
    %get3A_915 = arith.constant 0 : index
    %get3A_916 = vector.load %arg4[%get3A_913, %get3A_914, %get3A_915] : memref<64x1x192xf32, #tpu.memory_space<vmem>>, vector<1x1x192xf32>
    %get3A_917 = vector.shape_cast %get3A_916 : vector<1x1x192xf32> to vector<1x192xf32>
    %add3A_918 = vector.broadcast %get3A_917 : vector<1x192xf32> to vector<32x192xf32>
    %add3A_919 = arith.addf %dot_general3A_912, %add3A_918 : vector<32x192xf32>
    %swap3A_920 = arith.constant 1376 : index
    %swap3A_921 = arith.constant 0 : index
    %swap3A_922 = vector.load %arg9[%swap3A_920, %swap3A_921] : memref<2048x192xf32, #tpu.memory_space<vmem>>, vector<32x192xf32>
    tpu.vector_store %arg9[%swap3A_920, %swap3A_921], %add3A_919 {strides = array<i32>} : memref<2048x192xf32, #tpu.memory_space<vmem>>, vector<32x192xf32>,
    %get3A_923 = arith.constant 1408 : index
    %get3A_924 = arith.constant 0 : index
    %get3A_925 = vector.load %arg2[%get3A_923, %get3A_924] : memref<3376x128xf32, #tpu.memory_space<vmem>>, vector<32x96xf32>
    %convert_element_type3A_926 = arith.truncf %get3A_925 : vector<32x96xf32> to vector<32x96xbf16>
    %get3A_927 = arith.constant 44 : index
    %get3A_928 = arith.constant 0 : index
    %get3A_929 = arith.constant 0 : index
    %get3A_930 = vector.load %arg3[%get3A_927, %get3A_928, %get3A_929] : memref<64x96x192xbf16, #tpu.memory_space<vmem>>, vector<1x96x192xbf16>
    %get3A_931 = vector.shape_cast %get3A_930 : vector<1x96x192xbf16> to vector<96x192xbf16>
    %dot_general3A_932 = arith.constant dense<0.000000e+00> : vector<32x192xf32>
    %dot_general3A_933 = tpu.matmul %convert_element_type3A_926, %get3A_931, %dot_general3A_932 {dimension_numbers = #tpu.dot_dimension_numbers<[1], [0], [0], [1], [0, 0, 1, 1], [], []>, transpose_lhs_hint = false} : vector<32x96xbf16>, vector<96x192xbf16>, vector<32x192xf32> -> vector<32x192xf32>
    %get3A_934 = arith.constant 44 : index
    %get3A_935 = arith.constant 0 : index
    %get3A_936 = arith.constant 0 : index
    %get3A_937 = vector.load %arg4[%get3A_934, %get3A_935, %get3A_936] : memref<64x1x192xf32, #tpu.memory_space<vmem>>, vector<1x1x192xf32>
    %get3A_938 = vector.shape_cast %get3A_937 : vector<1x1x192xf32> to vector<1x192xf32>
    %add3A_939 = vector.broadcast %get3A_938 : vector<1x192xf32> to vector<32x192xf32>
    %add3A_940 = arith.addf %dot_general3A_933, %add3A_939 : vector<32x192xf32>
    %swap3A_941 = arith.constant 1408 : index
    %swap3A_942 = arith.constant 0 : index
    %swap3A_943 = vector.load %arg9[%swap3A_941, %swap3A_942] : memref<2048x192xf32, #tpu.memory_space<vmem>>, vector<32x192xf32>
    tpu.vector_store %arg9[%swap3A_941, %swap3A_942], %add3A_940 {strides = array<i32>} : memref<2048x192xf32, #tpu.memory_space<vmem>>, vector<32x192xf32>,
    %get3A_944 = arith.constant 1440 : index
    %get3A_945 = arith.constant 0 : index
    %get3A_946 = vector.load %arg2[%get3A_944, %get3A_945] : memref<3376x128xf32, #tpu.memory_space<vmem>>, vector<32x96xf32>
    %convert_element_type3A_947 = arith.truncf %get3A_946 : vector<32x96xf32> to vector<32x96xbf16>
    %get3A_948 = arith.constant 45 : index
    %get3A_949 = arith.constant 0 : index
    %get3A_950 = arith.constant 0 : index
    %get3A_951 = vector.load %arg3[%get3A_948, %get3A_949, %get3A_950] : memref<64x96x192xbf16, #tpu.memory_space<vmem>>, vector<1x96x192xbf16>
    %get3A_952 = vector.shape_cast %get3A_951 : vector<1x96x192xbf16> to vector<96x192xbf16>
    %dot_general3A_953 = arith.constant dense<0.000000e+00> : vector<32x192xf32>
    %dot_general3A_954 = tpu.matmul %convert_element_type3A_947, %get3A_952, %dot_general3A_953 {dimension_numbers = #tpu.dot_dimension_numbers<[1], [0], [0], [1], [0, 0, 1, 1], [], []>, transpose_lhs_hint = false} : vector<32x96xbf16>, vector<96x192xbf16>, vector<32x192xf32> -> vector<32x192xf32>
    %get3A_955 = arith.constant 45 : index
    %get3A_956 = arith.constant 0 : index
    %get3A_957 = arith.constant 0 : index
    %get3A_958 = vector.load %arg4[%get3A_955, %get3A_956, %get3A_957] : memref<64x1x192xf32, #tpu.memory_space<vmem>>, vector<1x1x192xf32>
    %get3A_959 = vector.shape_cast %get3A_958 : vector<1x1x192xf32> to vector<1x192xf32>
    %add3A_960 = vector.broadcast %get3A_959 : vector<1x192xf32> to vector<32x192xf32>
    %add3A_961 = arith.addf %dot_general3A_954, %add3A_960 : vector<32x192xf32>
    %swap3A_962 = arith.constant 1440 : index
    %swap3A_963 = arith.constant 0 : index
    %swap3A_964 = vector.load %arg9[%swap3A_962, %swap3A_963] : memref<2048x192xf32, #tpu.memory_space<vmem>>, vector<32x192xf32>
    tpu.vector_store %arg9[%swap3A_962, %swap3A_963], %add3A_961 {strides = array<i32>} : memref<2048x192xf32, #tpu.memory_space<vmem>>, vector<32x192xf32>,
    %get3A_965 = arith.constant 1472 : index
    %get3A_966 = arith.constant 0 : index
    %get3A_967 = vector.load %arg2[%get3A_965, %get3A_966] : memref<3376x128xf32, #tpu.memory_space<vmem>>, vector<32x96xf32>
    %convert_element_type3A_968 = arith.truncf %get3A_967 : vector<32x96xf32> to vector<32x96xbf16>
    %get3A_969 = arith.constant 46 : index
    %get3A_970 = arith.constant 0 : index
    %get3A_971 = arith.constant 0 : index
    %get3A_972 = vector.load %arg3[%get3A_969, %get3A_970, %get3A_971] : memref<64x96x192xbf16, #tpu.memory_space<vmem>>, vector<1x96x192xbf16>
    %get3A_973 = vector.shape_cast %get3A_972 : vector<1x96x192xbf16> to vector<96x192xbf16>
    %dot_general3A_974 = arith.constant dense<0.000000e+00> : vector<32x192xf32>
    %dot_general3A_975 = tpu.matmul %convert_element_type3A_968, %get3A_973, %dot_general3A_974 {dimension_numbers = #tpu.dot_dimension_numbers<[1], [0], [0], [1], [0, 0, 1, 1], [], []>, transpose_lhs_hint = false} : vector<32x96xbf16>, vector<96x192xbf16>, vector<32x192xf32> -> vector<32x192xf32>
    %get3A_976 = arith.constant 46 : index
    %get3A_977 = arith.constant 0 : index
    %get3A_978 = arith.constant 0 : index
    %get3A_979 = vector.load %arg4[%get3A_976, %get3A_977, %get3A_978] : memref<64x1x192xf32, #tpu.memory_space<vmem>>, vector<1x1x192xf32>
    %get3A_980 = vector.shape_cast %get3A_979 : vector<1x1x192xf32> to vector<1x192xf32>
    %add3A_981 = vector.broadcast %get3A_980 : vector<1x192xf32> to vector<32x192xf32>
    %add3A_982 = arith.addf %dot_general3A_975, %add3A_981 : vector<32x192xf32>
    %swap3A_983 = arith.constant 1472 : index
    %swap3A_984 = arith.constant 0 : index
    %swap3A_985 = vector.load %arg9[%swap3A_983, %swap3A_984] : memref<2048x192xf32, #tpu.memory_space<vmem>>, vector<32x192xf32>
    tpu.vector_store %arg9[%swap3A_983, %swap3A_984], %add3A_982 {strides = array<i32>} : memref<2048x192xf32, #tpu.memory_space<vmem>>, vector<32x192xf32>,
    %get3A_986 = arith.constant 1504 : index
    %get3A_987 = arith.constant 0 : index
    %get3A_988 = vector.load %arg2[%get3A_986, %get3A_987] : memref<3376x128xf32, #tpu.memory_space<vmem>>, vector<32x96xf32>
    %convert_element_type3A_989 = arith.truncf %get3A_988 : vector<32x96xf32> to vector<32x96xbf16>
    %get3A_990 = arith.constant 47 : index
    %get3A_991 = arith.constant 0 : index
    %get3A_992 = arith.constant 0 : index
    %get3A_993 = vector.load %arg3[%get3A_990, %get3A_991, %get3A_992] : memref<64x96x192xbf16, #tpu.memory_space<vmem>>, vector<1x96x192xbf16>
    %get3A_994 = vector.shape_cast %get3A_993 : vector<1x96x192xbf16> to vector<96x192xbf16>
    %dot_general3A_995 = arith.constant dense<0.000000e+00> : vector<32x192xf32>
    %dot_general3A_996 = tpu.matmul %convert_element_type3A_989, %get3A_994, %dot_general3A_995 {dimension_numbers = #tpu.dot_dimension_numbers<[1], [0], [0], [1], [0, 0, 1, 1], [], []>, transpose_lhs_hint = false} : vector<32x96xbf16>, vector<96x192xbf16>, vector<32x192xf32> -> vector<32x192xf32>
    %get3A_997 = arith.constant 47 : index
    %get3A_998 = arith.constant 0 : index
    %get3A_999 = arith.constant 0 : index
    %get3A_1000 = vector.load %arg4[%get3A_997, %get3A_998, %get3A_999] : memref<64x1x192xf32, #tpu.memory_space<vmem>>, vector<1x1x192xf32>
    %get3A_1001 = vector.shape_cast %get3A_1000 : vector<1x1x192xf32> to vector<1x192xf32>
    %add3A_1002 = vector.broadcast %get3A_1001 : vector<1x192xf32> to vector<32x192xf32>
    %add3A_1003 = arith.addf %dot_general3A_996, %add3A_1002 : vector<32x192xf32>
    %swap3A_1004 = arith.constant 1504 : index
    %swap3A_1005 = arith.constant 0 : index
    %swap3A_1006 = vector.load %arg9[%swap3A_1004, %swap3A_1005] : memref<2048x192xf32, #tpu.memory_space<vmem>>, vector<32x192xf32>
    tpu.vector_store %arg9[%swap3A_1004, %swap3A_1005], %add3A_1003 {strides = array<i32>} : memref<2048x192xf32, #tpu.memory_space<vmem>>, vector<32x192xf32>,
    %get3A_1007 = arith.constant 1536 : index
    %get3A_1008 = arith.constant 0 : index
    %get3A_1009 = vector.load %arg2[%get3A_1007, %get3A_1008] : memref<3376x128xf32, #tpu.memory_space<vmem>>, vector<32x96xf32>
    %convert_element_type3A_1010 = arith.truncf %get3A_1009 : vector<32x96xf32> to vector<32x96xbf16>
    %get3A_1011 = arith.constant 48 : index
    %get3A_1012 = arith.constant 0 : index
    %get3A_1013 = arith.constant 0 : index
    %get3A_1014 = vector.load %arg3[%get3A_1011, %get3A_1012, %get3A_1013] : memref<64x96x192xbf16, #tpu.memory_space<vmem>>, vector<1x96x192xbf16>
    %get3A_1015 = vector.shape_cast %get3A_1014 : vector<1x96x192xbf16> to vector<96x192xbf16>
    %dot_general3A_1016 = arith.constant dense<0.000000e+00> : vector<32x192xf32>
    %dot_general3A_1017 = tpu.matmul %convert_element_type3A_1010, %get3A_1015, %dot_general3A_1016 {dimension_numbers = #tpu.dot_dimension_numbers<[1], [0], [0], [1], [0, 0, 1, 1], [], []>, transpose_lhs_hint = false} : vector<32x96xbf16>, vector<96x192xbf16>, vector<32x192xf32> -> vector<32x192xf32>
    %get3A_1018 = arith.constant 48 : index
    %get3A_1019 = arith.constant 0 : index
    %get3A_1020 = arith.constant 0 : index
    %get3A_1021 = vector.load %arg4[%get3A_1018, %get3A_1019, %get3A_1020] : memref<64x1x192xf32, #tpu.memory_space<vmem>>, vector<1x1x192xf32>
    %get3A_1022 = vector.shape_cast %get3A_1021 : vector<1x1x192xf32> to vector<1x192xf32>
    %add3A_1023 = vector.broadcast %get3A_1022 : vector<1x192xf32> to vector<32x192xf32>
    %add3A_1024 = arith.addf %dot_general3A_1017, %add3A_1023 : vector<32x192xf32>
    %swap3A_1025 = arith.constant 1536 : index
    %swap3A_1026 = arith.constant 0 : index
    %swap3A_1027 = vector.load %arg9[%swap3A_1025, %swap3A_1026] : memref<2048x192xf32, #tpu.memory_space<vmem>>, vector<32x192xf32>
    tpu.vector_store %arg9[%swap3A_1025, %swap3A_1026], %add3A_1024 {strides = array<i32>} : memref<2048x192xf32, #tpu.memory_space<vmem>>, vector<32x192xf32>,
    %get3A_1028 = arith.constant 1568 : index
    %get3A_1029 = arith.constant 0 : index
    %get3A_1030 = vector.load %arg2[%get3A_1028, %get3A_1029] : memref<3376x128xf32, #tpu.memory_space<vmem>>, vector<32x96xf32>
    %convert_element_type3A_1031 = arith.truncf %get3A_1030 : vector<32x96xf32> to vector<32x96xbf16>
    %get3A_1032 = arith.constant 49 : index
    %get3A_1033 = arith.constant 0 : index
    %get3A_1034 = arith.constant 0 : index
    %get3A_1035 = vector.load %arg3[%get3A_1032, %get3A_1033, %get3A_1034] : memref<64x96x192xbf16, #tpu.memory_space<vmem>>, vector<1x96x192xbf16>
    %get3A_1036 = vector.shape_cast %get3A_1035 : vector<1x96x192xbf16> to vector<96x192xbf16>
    %dot_general3A_1037 = arith.constant dense<0.000000e+00> : vector<32x192xf32>
    %dot_general3A_1038 = tpu.matmul %convert_element_type3A_1031, %get3A_1036, %dot_general3A_1037 {dimension_numbers = #tpu.dot_dimension_numbers<[1], [0], [0], [1], [0, 0, 1, 1], [], []>, transpose_lhs_hint = false} : vector<32x96xbf16>, vector<96x192xbf16>, vector<32x192xf32> -> vector<32x192xf32>
    %get3A_1039 = arith.constant 49 : index
    %get3A_1040 = arith.constant 0 : index
    %get3A_1041 = arith.constant 0 : index
    %get3A_1042 = vector.load %arg4[%get3A_1039, %get3A_1040, %get3A_1041] : memref<64x1x192xf32, #tpu.memory_space<vmem>>, vector<1x1x192xf32>
    %get3A_1043 = vector.shape_cast %get3A_1042 : vector<1x1x192xf32> to vector<1x192xf32>
    %add3A_1044 = vector.broadcast %get3A_1043 : vector<1x192xf32> to vector<32x192xf32>
    %add3A_1045 = arith.addf %dot_general3A_1038, %add3A_1044 : vector<32x192xf32>
    %swap3A_1046 = arith.constant 1568 : index
    %swap3A_1047 = arith.constant 0 : index
    %swap3A_1048 = vector.load %arg9[%swap3A_1046, %swap3A_1047] : memref<2048x192xf32, #tpu.memory_space<vmem>>, vector<32x192xf32>
    tpu.vector_store %arg9[%swap3A_1046, %swap3A_1047], %add3A_1045 {strides = array<i32>} : memref<2048x192xf32, #tpu.memory_space<vmem>>, vector<32x192xf32>,
    %get3A_1049 = arith.constant 1600 : index
    %get3A_1050 = arith.constant 0 : index
    %get3A_1051 = vector.load %arg2[%get3A_1049, %get3A_1050] : memref<3376x128xf32, #tpu.memory_space<vmem>>, vector<32x96xf32>
    %convert_element_type3A_1052 = arith.truncf %get3A_1051 : vector<32x96xf32> to vector<32x96xbf16>
    %get3A_1053 = arith.constant 50 : index
    %get3A_1054 = arith.constant 0 : index
    %get3A_1055 = arith.constant 0 : index
    %get3A_1056 = vector.load %arg3[%get3A_1053, %get3A_1054, %get3A_1055] : memref<64x96x192xbf16, #tpu.memory_space<vmem>>, vector<1x96x192xbf16>
    %get3A_1057 = vector.shape_cast %get3A_1056 : vector<1x96x192xbf16> to vector<96x192xbf16>
    %dot_general3A_1058 = arith.constant dense<0.000000e+00> : vector<32x192xf32>
    %dot_general3A_1059 = tpu.matmul %convert_element_type3A_1052, %get3A_1057, %dot_general3A_1058 {dimension_numbers = #tpu.dot_dimension_numbers<[1], [0], [0], [1], [0, 0, 1, 1], [], []>, transpose_lhs_hint = false} : vector<32x96xbf16>, vector<96x192xbf16>, vector<32x192xf32> -> vector<32x192xf32>
    %get3A_1060 = arith.constant 50 : index
    %get3A_1061 = arith.constant 0 : index
    %get3A_1062 = arith.constant 0 : index
    %get3A_1063 = vector.load %arg4[%get3A_1060, %get3A_1061, %get3A_1062] : memref<64x1x192xf32, #tpu.memory_space<vmem>>, vector<1x1x192xf32>
    %get3A_1064 = vector.shape_cast %get3A_1063 : vector<1x1x192xf32> to vector<1x192xf32>
    %add3A_1065 = vector.broadcast %get3A_1064 : vector<1x192xf32> to vector<32x192xf32>
    %add3A_1066 = arith.addf %dot_general3A_1059, %add3A_1065 : vector<32x192xf32>
    %swap3A_1067 = arith.constant 1600 : index
    %swap3A_1068 = arith.constant 0 : index
    %swap3A_1069 = vector.load %arg9[%swap3A_1067, %swap3A_1068] : memref<2048x192xf32, #tpu.memory_space<vmem>>, vector<32x192xf32>
    tpu.vector_store %arg9[%swap3A_1067, %swap3A_1068], %add3A_1066 {strides = array<i32>} : memref<2048x192xf32, #tpu.memory_space<vmem>>, vector<32x192xf32>,
    %get3A_1070 = arith.constant 1632 : index
    %get3A_1071 = arith.constant 0 : index
    %get3A_1072 = vector.load %arg2[%get3A_1070, %get3A_1071] : memref<3376x128xf32, #tpu.memory_space<vmem>>, vector<32x96xf32>
    %convert_element_type3A_1073 = arith.truncf %get3A_1072 : vector<32x96xf32> to vector<32x96xbf16>
    %get3A_1074 = arith.constant 51 : index
    %get3A_1075 = arith.constant 0 : index
    %get3A_1076 = arith.constant 0 : index
    %get3A_1077 = vector.load %arg3[%get3A_1074, %get3A_1075, %get3A_1076] : memref<64x96x192xbf16, #tpu.memory_space<vmem>>, vector<1x96x192xbf16>
    %get3A_1078 = vector.shape_cast %get3A_1077 : vector<1x96x192xbf16> to vector<96x192xbf16>
    %dot_general3A_1079 = arith.constant dense<0.000000e+00> : vector<32x192xf32>
    %dot_general3A_1080 = tpu.matmul %convert_element_type3A_1073, %get3A_1078, %dot_general3A_1079 {dimension_numbers = #tpu.dot_dimension_numbers<[1], [0], [0], [1], [0, 0, 1, 1], [], []>, transpose_lhs_hint = false} : vector<32x96xbf16>, vector<96x192xbf16>, vector<32x192xf32> -> vector<32x192xf32>
    %get3A_1081 = arith.constant 51 : index
    %get3A_1082 = arith.constant 0 : index
    %get3A_1083 = arith.constant 0 : index
    %get3A_1084 = vector.load %arg4[%get3A_1081, %get3A_1082, %get3A_1083] : memref<64x1x192xf32, #tpu.memory_space<vmem>>, vector<1x1x192xf32>
    %get3A_1085 = vector.shape_cast %get3A_1084 : vector<1x1x192xf32> to vector<1x192xf32>
    %add3A_1086 = vector.broadcast %get3A_1085 : vector<1x192xf32> to vector<32x192xf32>
    %add3A_1087 = arith.addf %dot_general3A_1080, %add3A_1086 : vector<32x192xf32>
    %swap3A_1088 = arith.constant 1632 : index
    %swap3A_1089 = arith.constant 0 : index
    %swap3A_1090 = vector.load %arg9[%swap3A_1088, %swap3A_1089] : memref<2048x192xf32, #tpu.memory_space<vmem>>, vector<32x192xf32>
    tpu.vector_store %arg9[%swap3A_1088, %swap3A_1089], %add3A_1087 {strides = array<i32>} : memref<2048x192xf32, #tpu.memory_space<vmem>>, vector<32x192xf32>,
    %get3A_1091 = arith.constant 1664 : index
    %get3A_1092 = arith.constant 0 : index
    %get3A_1093 = vector.load %arg2[%get3A_1091, %get3A_1092] : memref<3376x128xf32, #tpu.memory_space<vmem>>, vector<32x96xf32>
    %convert_element_type3A_1094 = arith.truncf %get3A_1093 : vector<32x96xf32> to vector<32x96xbf16>
    %get3A_1095 = arith.constant 52 : index
    %get3A_1096 = arith.constant 0 : index
    %get3A_1097 = arith.constant 0 : index
    %get3A_1098 = vector.load %arg3[%get3A_1095, %get3A_1096, %get3A_1097] : memref<64x96x192xbf16, #tpu.memory_space<vmem>>, vector<1x96x192xbf16>
    %get3A_1099 = vector.shape_cast %get3A_1098 : vector<1x96x192xbf16> to vector<96x192xbf16>
    %dot_general3A_1100 = arith.constant dense<0.000000e+00> : vector<32x192xf32>
    %dot_general3A_1101 = tpu.matmul %convert_element_type3A_1094, %get3A_1099, %dot_general3A_1100 {dimension_numbers = #tpu.dot_dimension_numbers<[1], [0], [0], [1], [0, 0, 1, 1], [], []>, transpose_lhs_hint = false} : vector<32x96xbf16>, vector<96x192xbf16>, vector<32x192xf32> -> vector<32x192xf32>
    %get3A_1102 = arith.constant 52 : index
    %get3A_1103 = arith.constant 0 : index
    %get3A_1104 = arith.constant 0 : index
    %get3A_1105 = vector.load %arg4[%get3A_1102, %get3A_1103, %get3A_1104] : memref<64x1x192xf32, #tpu.memory_space<vmem>>, vector<1x1x192xf32>
    %get3A_1106 = vector.shape_cast %get3A_1105 : vector<1x1x192xf32> to vector<1x192xf32>
    %add3A_1107 = vector.broadcast %get3A_1106 : vector<1x192xf32> to vector<32x192xf32>
    %add3A_1108 = arith.addf %dot_general3A_1101, %add3A_1107 : vector<32x192xf32>
    %swap3A_1109 = arith.constant 1664 : index
    %swap3A_1110 = arith.constant 0 : index
    %swap3A_1111 = vector.load %arg9[%swap3A_1109, %swap3A_1110] : memref<2048x192xf32, #tpu.memory_space<vmem>>, vector<32x192xf32>
    tpu.vector_store %arg9[%swap3A_1109, %swap3A_1110], %add3A_1108 {strides = array<i32>} : memref<2048x192xf32, #tpu.memory_space<vmem>>, vector<32x192xf32>,
    %get3A_1112 = arith.constant 1696 : index
    %get3A_1113 = arith.constant 0 : index
    %get3A_1114 = vector.load %arg2[%get3A_1112, %get3A_1113] : memref<3376x128xf32, #tpu.memory_space<vmem>>, vector<32x96xf32>
    %convert_element_type3A_1115 = arith.truncf %get3A_1114 : vector<32x96xf32> to vector<32x96xbf16>
    %get3A_1116 = arith.constant 53 : index
    %get3A_1117 = arith.constant 0 : index
    %get3A_1118 = arith.constant 0 : index
    %get3A_1119 = vector.load %arg3[%get3A_1116, %get3A_1117, %get3A_1118] : memref<64x96x192xbf16, #tpu.memory_space<vmem>>, vector<1x96x192xbf16>
    %get3A_1120 = vector.shape_cast %get3A_1119 : vector<1x96x192xbf16> to vector<96x192xbf16>
    %dot_general3A_1121 = arith.constant dense<0.000000e+00> : vector<32x192xf32>
    %dot_general3A_1122 = tpu.matmul %convert_element_type3A_1115, %get3A_1120, %dot_general3A_1121 {dimension_numbers = #tpu.dot_dimension_numbers<[1], [0], [0], [1], [0, 0, 1, 1], [], []>, transpose_lhs_hint = false} : vector<32x96xbf16>, vector<96x192xbf16>, vector<32x192xf32> -> vector<32x192xf32>
    %get3A_1123 = arith.constant 53 : index
    %get3A_1124 = arith.constant 0 : index
    %get3A_1125 = arith.constant 0 : index
    %get3A_1126 = vector.load %arg4[%get3A_1123, %get3A_1124, %get3A_1125] : memref<64x1x192xf32, #tpu.memory_space<vmem>>, vector<1x1x192xf32>
    %get3A_1127 = vector.shape_cast %get3A_1126 : vector<1x1x192xf32> to vector<1x192xf32>
    %add3A_1128 = vector.broadcast %get3A_1127 : vector<1x192xf32> to vector<32x192xf32>
    %add3A_1129 = arith.addf %dot_general3A_1122, %add3A_1128 : vector<32x192xf32>
    %swap3A_1130 = arith.constant 1696 : index
    %swap3A_1131 = arith.constant 0 : index
    %swap3A_1132 = vector.load %arg9[%swap3A_1130, %swap3A_1131] : memref<2048x192xf32, #tpu.memory_space<vmem>>, vector<32x192xf32>
    tpu.vector_store %arg9[%swap3A_1130, %swap3A_1131], %add3A_1129 {strides = array<i32>} : memref<2048x192xf32, #tpu.memory_space<vmem>>, vector<32x192xf32>,
    %get3A_1133 = arith.constant 1728 : index
    %get3A_1134 = arith.constant 0 : index
    %get3A_1135 = vector.load %arg2[%get3A_1133, %get3A_1134] : memref<3376x128xf32, #tpu.memory_space<vmem>>, vector<32x96xf32>
    %convert_element_type3A_1136 = arith.truncf %get3A_1135 : vector<32x96xf32> to vector<32x96xbf16>
    %get3A_1137 = arith.constant 54 : index
    %get3A_1138 = arith.constant 0 : index
    %get3A_1139 = arith.constant 0 : index
    %get3A_1140 = vector.load %arg3[%get3A_1137, %get3A_1138, %get3A_1139] : memref<64x96x192xbf16, #tpu.memory_space<vmem>>, vector<1x96x192xbf16>
    %get3A_1141 = vector.shape_cast %get3A_1140 : vector<1x96x192xbf16> to vector<96x192xbf16>
    %dot_general3A_1142 = arith.constant dense<0.000000e+00> : vector<32x192xf32>
    %dot_general3A_1143 = tpu.matmul %convert_element_type3A_1136, %get3A_1141, %dot_general3A_1142 {dimension_numbers = #tpu.dot_dimension_numbers<[1], [0], [0], [1], [0, 0, 1, 1], [], []>, transpose_lhs_hint = false} : vector<32x96xbf16>, vector<96x192xbf16>, vector<32x192xf32> -> vector<32x192xf32>
    %get3A_1144 = arith.constant 54 : index
    %get3A_1145 = arith.constant 0 : index
    %get3A_1146 = arith.constant 0 : index
    %get3A_1147 = vector.load %arg4[%get3A_1144, %get3A_1145, %get3A_1146] : memref<64x1x192xf32, #tpu.memory_space<vmem>>, vector<1x1x192xf32>
    %get3A_1148 = vector.shape_cast %get3A_1147 : vector<1x1x192xf32> to vector<1x192xf32>
    %add3A_1149 = vector.broadcast %get3A_1148 : vector<1x192xf32> to vector<32x192xf32>
    %add3A_1150 = arith.addf %dot_general3A_1143, %add3A_1149 : vector<32x192xf32>
    %swap3A_1151 = arith.constant 1728 : index
    %swap3A_1152 = arith.constant 0 : index
    %swap3A_1153 = vector.load %arg9[%swap3A_1151, %swap3A_1152] : memref<2048x192xf32, #tpu.memory_space<vmem>>, vector<32x192xf32>
    tpu.vector_store %arg9[%swap3A_1151, %swap3A_1152], %add3A_1150 {strides = array<i32>} : memref<2048x192xf32, #tpu.memory_space<vmem>>, vector<32x192xf32>,
    %get3A_1154 = arith.constant 1760 : index
    %get3A_1155 = arith.constant 0 : index
    %get3A_1156 = vector.load %arg2[%get3A_1154, %get3A_1155] : memref<3376x128xf32, #tpu.memory_space<vmem>>, vector<32x96xf32>
    %convert_element_type3A_1157 = arith.truncf %get3A_1156 : vector<32x96xf32> to vector<32x96xbf16>
    %get3A_1158 = arith.constant 55 : index
    %get3A_1159 = arith.constant 0 : index
    %get3A_1160 = arith.constant 0 : index
    %get3A_1161 = vector.load %arg3[%get3A_1158, %get3A_1159, %get3A_1160] : memref<64x96x192xbf16, #tpu.memory_space<vmem>>, vector<1x96x192xbf16>
    %get3A_1162 = vector.shape_cast %get3A_1161 : vector<1x96x192xbf16> to vector<96x192xbf16>
    %dot_general3A_1163 = arith.constant dense<0.000000e+00> : vector<32x192xf32>
    %dot_general3A_1164 = tpu.matmul %convert_element_type3A_1157, %get3A_1162, %dot_general3A_1163 {dimension_numbers = #tpu.dot_dimension_numbers<[1], [0], [0], [1], [0, 0, 1, 1], [], []>, transpose_lhs_hint = false} : vector<32x96xbf16>, vector<96x192xbf16>, vector<32x192xf32> -> vector<32x192xf32>
    %get3A_1165 = arith.constant 55 : index
    %get3A_1166 = arith.constant 0 : index
    %get3A_1167 = arith.constant 0 : index
    %get3A_1168 = vector.load %arg4[%get3A_1165, %get3A_1166, %get3A_1167] : memref<64x1x192xf32, #tpu.memory_space<vmem>>, vector<1x1x192xf32>
    %get3A_1169 = vector.shape_cast %get3A_1168 : vector<1x1x192xf32> to vector<1x192xf32>
    %add3A_1170 = vector.broadcast %get3A_1169 : vector<1x192xf32> to vector<32x192xf32>
    %add3A_1171 = arith.addf %dot_general3A_1164, %add3A_1170 : vector<32x192xf32>
    %swap3A_1172 = arith.constant 1760 : index
    %swap3A_1173 = arith.constant 0 : index
    %swap3A_1174 = vector.load %arg9[%swap3A_1172, %swap3A_1173] : memref<2048x192xf32, #tpu.memory_space<vmem>>, vector<32x192xf32>
    tpu.vector_store %arg9[%swap3A_1172, %swap3A_1173], %add3A_1171 {strides = array<i32>} : memref<2048x192xf32, #tpu.memory_space<vmem>>, vector<32x192xf32>,
    %get3A_1175 = arith.constant 1792 : index
    %get3A_1176 = arith.constant 0 : index
    %get3A_1177 = vector.load %arg2[%get3A_1175, %get3A_1176] : memref<3376x128xf32, #tpu.memory_space<vmem>>, vector<32x96xf32>
    %convert_element_type3A_1178 = arith.truncf %get3A_1177 : vector<32x96xf32> to vector<32x96xbf16>
    %get3A_1179 = arith.constant 56 : index
    %get3A_1180 = arith.constant 0 : index
    %get3A_1181 = arith.constant 0 : index
    %get3A_1182 = vector.load %arg3[%get3A_1179, %get3A_1180, %get3A_1181] : memref<64x96x192xbf16, #tpu.memory_space<vmem>>, vector<1x96x192xbf16>
    %get3A_1183 = vector.shape_cast %get3A_1182 : vector<1x96x192xbf16> to vector<96x192xbf16>
    %dot_general3A_1184 = arith.constant dense<0.000000e+00> : vector<32x192xf32>
    %dot_general3A_1185 = tpu.matmul %convert_element_type3A_1178, %get3A_1183, %dot_general3A_1184 {dimension_numbers = #tpu.dot_dimension_numbers<[1], [0], [0], [1], [0, 0, 1, 1], [], []>, transpose_lhs_hint = false} : vector<32x96xbf16>, vector<96x192xbf16>, vector<32x192xf32> -> vector<32x192xf32>
    %get3A_1186 = arith.constant 56 : index
    %get3A_1187 = arith.constant 0 : index
    %get3A_1188 = arith.constant 0 : index
    %get3A_1189 = vector.load %arg4[%get3A_1186, %get3A_1187, %get3A_1188] : memref<64x1x192xf32, #tpu.memory_space<vmem>>, vector<1x1x192xf32>
    %get3A_1190 = vector.shape_cast %get3A_1189 : vector<1x1x192xf32> to vector<1x192xf32>
    %add3A_1191 = vector.broadcast %get3A_1190 : vector<1x192xf32> to vector<32x192xf32>
    %add3A_1192 = arith.addf %dot_general3A_1185, %add3A_1191 : vector<32x192xf32>
    %swap3A_1193 = arith.constant 1792 : index
    %swap3A_1194 = arith.constant 0 : index
    %swap3A_1195 = vector.load %arg9[%swap3A_1193, %swap3A_1194] : memref<2048x192xf32, #tpu.memory_space<vmem>>, vector<32x192xf32>
    tpu.vector_store %arg9[%swap3A_1193, %swap3A_1194], %add3A_1192 {strides = array<i32>} : memref<2048x192xf32, #tpu.memory_space<vmem>>, vector<32x192xf32>,
    %get3A_1196 = arith.constant 1824 : index
    %get3A_1197 = arith.constant 0 : index
    %get3A_1198 = vector.load %arg2[%get3A_1196, %get3A_1197] : memref<3376x128xf32, #tpu.memory_space<vmem>>, vector<32x96xf32>
    %convert_element_type3A_1199 = arith.truncf %get3A_1198 : vector<32x96xf32> to vector<32x96xbf16>
    %get3A_1200 = arith.constant 57 : index
    %get3A_1201 = arith.constant 0 : index
    %get3A_1202 = arith.constant 0 : index
    %get3A_1203 = vector.load %arg3[%get3A_1200, %get3A_1201, %get3A_1202] : memref<64x96x192xbf16, #tpu.memory_space<vmem>>, vector<1x96x192xbf16>
    %get3A_1204 = vector.shape_cast %get3A_1203 : vector<1x96x192xbf16> to vector<96x192xbf16>
    %dot_general3A_1205 = arith.constant dense<0.000000e+00> : vector<32x192xf32>
    %dot_general3A_1206 = tpu.matmul %convert_element_type3A_1199, %get3A_1204, %dot_general3A_1205 {dimension_numbers = #tpu.dot_dimension_numbers<[1], [0], [0], [1], [0, 0, 1, 1], [], []>, transpose_lhs_hint = false} : vector<32x96xbf16>, vector<96x192xbf16>, vector<32x192xf32> -> vector<32x192xf32>
    %get3A_1207 = arith.constant 57 : index
    %get3A_1208 = arith.constant 0 : index
    %get3A_1209 = arith.constant 0 : index
    %get3A_1210 = vector.load %arg4[%get3A_1207, %get3A_1208, %get3A_1209] : memref<64x1x192xf32, #tpu.memory_space<vmem>>, vector<1x1x192xf32>
    %get3A_1211 = vector.shape_cast %get3A_1210 : vector<1x1x192xf32> to vector<1x192xf32>
    %add3A_1212 = vector.broadcast %get3A_1211 : vector<1x192xf32> to vector<32x192xf32>
    %add3A_1213 = arith.addf %dot_general3A_1206, %add3A_1212 : vector<32x192xf32>
    %swap3A_1214 = arith.constant 1824 : index
    %swap3A_1215 = arith.constant 0 : index
    %swap3A_1216 = vector.load %arg9[%swap3A_1214, %swap3A_1215] : memref<2048x192xf32, #tpu.memory_space<vmem>>, vector<32x192xf32>
    tpu.vector_store %arg9[%swap3A_1214, %swap3A_1215], %add3A_1213 {strides = array<i32>} : memref<2048x192xf32, #tpu.memory_space<vmem>>, vector<32x192xf32>,
    %get3A_1217 = arith.constant 1856 : index
    %get3A_1218 = arith.constant 0 : index
    %get3A_1219 = vector.load %arg2[%get3A_1217, %get3A_1218] : memref<3376x128xf32, #tpu.memory_space<vmem>>, vector<32x96xf32>
    %convert_element_type3A_1220 = arith.truncf %get3A_1219 : vector<32x96xf32> to vector<32x96xbf16>
    %get3A_1221 = arith.constant 58 : index
    %get3A_1222 = arith.constant 0 : index
    %get3A_1223 = arith.constant 0 : index
    %get3A_1224 = vector.load %arg3[%get3A_1221, %get3A_1222, %get3A_1223] : memref<64x96x192xbf16, #tpu.memory_space<vmem>>, vector<1x96x192xbf16>
    %get3A_1225 = vector.shape_cast %get3A_1224 : vector<1x96x192xbf16> to vector<96x192xbf16>
    %dot_general3A_1226 = arith.constant dense<0.000000e+00> : vector<32x192xf32>
    %dot_general3A_1227 = tpu.matmul %convert_element_type3A_1220, %get3A_1225, %dot_general3A_1226 {dimension_numbers = #tpu.dot_dimension_numbers<[1], [0], [0], [1], [0, 0, 1, 1], [], []>, transpose_lhs_hint = false} : vector<32x96xbf16>, vector<96x192xbf16>, vector<32x192xf32> -> vector<32x192xf32>
    %get3A_1228 = arith.constant 58 : index
    %get3A_1229 = arith.constant 0 : index
    %get3A_1230 = arith.constant 0 : index
    %get3A_1231 = vector.load %arg4[%get3A_1228, %get3A_1229, %get3A_1230] : memref<64x1x192xf32, #tpu.memory_space<vmem>>, vector<1x1x192xf32>
    %get3A_1232 = vector.shape_cast %get3A_1231 : vector<1x1x192xf32> to vector<1x192xf32>
    %add3A_1233 = vector.broadcast %get3A_1232 : vector<1x192xf32> to vector<32x192xf32>
    %add3A_1234 = arith.addf %dot_general3A_1227, %add3A_1233 : vector<32x192xf32>
    %swap3A_1235 = arith.constant 1856 : index
    %swap3A_1236 = arith.constant 0 : index
    %swap3A_1237 = vector.load %arg9[%swap3A_1235, %swap3A_1236] : memref<2048x192xf32, #tpu.memory_space<vmem>>, vector<32x192xf32>
    tpu.vector_store %arg9[%swap3A_1235, %swap3A_1236], %add3A_1234 {strides = array<i32>} : memref<2048x192xf32, #tpu.memory_space<vmem>>, vector<32x192xf32>,
    %get3A_1238 = arith.constant 1888 : index
    %get3A_1239 = arith.constant 0 : index
    %get3A_1240 = vector.load %arg2[%get3A_1238, %get3A_1239] : memref<3376x128xf32, #tpu.memory_space<vmem>>, vector<32x96xf32>
    %convert_element_type3A_1241 = arith.truncf %get3A_1240 : vector<32x96xf32> to vector<32x96xbf16>
    %get3A_1242 = arith.constant 59 : index
    %get3A_1243 = arith.constant 0 : index
    %get3A_1244 = arith.constant 0 : index
    %get3A_1245 = vector.load %arg3[%get3A_1242, %get3A_1243, %get3A_1244] : memref<64x96x192xbf16, #tpu.memory_space<vmem>>, vector<1x96x192xbf16>
    %get3A_1246 = vector.shape_cast %get3A_1245 : vector<1x96x192xbf16> to vector<96x192xbf16>
    %dot_general3A_1247 = arith.constant dense<0.000000e+00> : vector<32x192xf32>
    %dot_general3A_1248 = tpu.matmul %convert_element_type3A_1241, %get3A_1246, %dot_general3A_1247 {dimension_numbers = #tpu.dot_dimension_numbers<[1], [0], [0], [1], [0, 0, 1, 1], [], []>, transpose_lhs_hint = false} : vector<32x96xbf16>, vector<96x192xbf16>, vector<32x192xf32> -> vector<32x192xf32>
    %get3A_1249 = arith.constant 59 : index
    %get3A_1250 = arith.constant 0 : index
    %get3A_1251 = arith.constant 0 : index
    %get3A_1252 = vector.load %arg4[%get3A_1249, %get3A_1250, %get3A_1251] : memref<64x1x192xf32, #tpu.memory_space<vmem>>, vector<1x1x192xf32>
    %get3A_1253 = vector.shape_cast %get3A_1252 : vector<1x1x192xf32> to vector<1x192xf32>
    %add3A_1254 = vector.broadcast %get3A_1253 : vector<1x192xf32> to vector<32x192xf32>
    %add3A_1255 = arith.addf %dot_general3A_1248, %add3A_1254 : vector<32x192xf32>
    %swap3A_1256 = arith.constant 1888 : index
    %swap3A_1257 = arith.constant 0 : index
    %swap3A_1258 = vector.load %arg9[%swap3A_1256, %swap3A_1257] : memref<2048x192xf32, #tpu.memory_space<vmem>>, vector<32x192xf32>
    tpu.vector_store %arg9[%swap3A_1256, %swap3A_1257], %add3A_1255 {strides = array<i32>} : memref<2048x192xf32, #tpu.memory_space<vmem>>, vector<32x192xf32>,
    %get3A_1259 = arith.constant 1920 : index
    %get3A_1260 = arith.constant 0 : index
    %get3A_1261 = vector.load %arg2[%get3A_1259, %get3A_1260] : memref<3376x128xf32, #tpu.memory_space<vmem>>, vector<32x96xf32>
    %convert_element_type3A_1262 = arith.truncf %get3A_1261 : vector<32x96xf32> to vector<32x96xbf16>
    %get3A_1263 = arith.constant 60 : index
    %get3A_1264 = arith.constant 0 : index
    %get3A_1265 = arith.constant 0 : index
    %get3A_1266 = vector.load %arg3[%get3A_1263, %get3A_1264, %get3A_1265] : memref<64x96x192xbf16, #tpu.memory_space<vmem>>, vector<1x96x192xbf16>
    %get3A_1267 = vector.shape_cast %get3A_1266 : vector<1x96x192xbf16> to vector<96x192xbf16>
    %dot_general3A_1268 = arith.constant dense<0.000000e+00> : vector<32x192xf32>
    %dot_general3A_1269 = tpu.matmul %convert_element_type3A_1262, %get3A_1267, %dot_general3A_1268 {dimension_numbers = #tpu.dot_dimension_numbers<[1], [0], [0], [1], [0, 0, 1, 1], [], []>, transpose_lhs_hint = false} : vector<32x96xbf16>, vector<96x192xbf16>, vector<32x192xf32> -> vector<32x192xf32>
    %get3A_1270 = arith.constant 60 : index
    %get3A_1271 = arith.constant 0 : index
    %get3A_1272 = arith.constant 0 : index
    %get3A_1273 = vector.load %arg4[%get3A_1270, %get3A_1271, %get3A_1272] : memref<64x1x192xf32, #tpu.memory_space<vmem>>, vector<1x1x192xf32>
    %get3A_1274 = vector.shape_cast %get3A_1273 : vector<1x1x192xf32> to vector<1x192xf32>
    %add3A_1275 = vector.broadcast %get3A_1274 : vector<1x192xf32> to vector<32x192xf32>
    %add3A_1276 = arith.addf %dot_general3A_1269, %add3A_1275 : vector<32x192xf32>
    %swap3A_1277 = arith.constant 1920 : index
    %swap3A_1278 = arith.constant 0 : index
    %swap3A_1279 = vector.load %arg9[%swap3A_1277, %swap3A_1278] : memref<2048x192xf32, #tpu.memory_space<vmem>>, vector<32x192xf32>
    tpu.vector_store %arg9[%swap3A_1277, %swap3A_1278], %add3A_1276 {strides = array<i32>} : memref<2048x192xf32, #tpu.memory_space<vmem>>, vector<32x192xf32>,
    %get3A_1280 = arith.constant 1952 : index
    %get3A_1281 = arith.constant 0 : index
    %get3A_1282 = vector.load %arg2[%get3A_1280, %get3A_1281] : memref<3376x128xf32, #tpu.memory_space<vmem>>, vector<32x96xf32>
    %convert_element_type3A_1283 = arith.truncf %get3A_1282 : vector<32x96xf32> to vector<32x96xbf16>
    %get3A_1284 = arith.constant 61 : index
    %get3A_1285 = arith.constant 0 : index
    %get3A_1286 = arith.constant 0 : index
    %get3A_1287 = vector.load %arg3[%get3A_1284, %get3A_1285, %get3A_1286] : memref<64x96x192xbf16, #tpu.memory_space<vmem>>, vector<1x96x192xbf16>
    %get3A_1288 = vector.shape_cast %get3A_1287 : vector<1x96x192xbf16> to vector<96x192xbf16>
    %dot_general3A_1289 = arith.constant dense<0.000000e+00> : vector<32x192xf32>
    %dot_general3A_1290 = tpu.matmul %convert_element_type3A_1283, %get3A_1288, %dot_general3A_1289 {dimension_numbers = #tpu.dot_dimension_numbers<[1], [0], [0], [1], [0, 0, 1, 1], [], []>, transpose_lhs_hint = false} : vector<32x96xbf16>, vector<96x192xbf16>, vector<32x192xf32> -> vector<32x192xf32>
    %get3A_1291 = arith.constant 61 : index
    %get3A_1292 = arith.constant 0 : index
    %get3A_1293 = arith.constant 0 : index
    %get3A_1294 = vector.load %arg4[%get3A_1291, %get3A_1292, %get3A_1293] : memref<64x1x192xf32, #tpu.memory_space<vmem>>, vector<1x1x192xf32>
    %get3A_1295 = vector.shape_cast %get3A_1294 : vector<1x1x192xf32> to vector<1x192xf32>
    %add3A_1296 = vector.broadcast %get3A_1295 : vector<1x192xf32> to vector<32x192xf32>
    %add3A_1297 = arith.addf %dot_general3A_1290, %add3A_1296 : vector<32x192xf32>
    %swap3A_1298 = arith.constant 1952 : index
    %swap3A_1299 = arith.constant 0 : index
    %swap3A_1300 = vector.load %arg9[%swap3A_1298, %swap3A_1299] : memref<2048x192xf32, #tpu.memory_space<vmem>>, vector<32x192xf32>
    tpu.vector_store %arg9[%swap3A_1298, %swap3A_1299], %add3A_1297 {strides = array<i32>} : memref<2048x192xf32, #tpu.memory_space<vmem>>, vector<32x192xf32>,
    %get3A_1301 = arith.constant 1984 : index
    %get3A_1302 = arith.constant 0 : index
    %get3A_1303 = vector.load %arg2[%get3A_1301, %get3A_1302] : memref<3376x128xf32, #tpu.memory_space<vmem>>, vector<32x96xf32>
    %convert_element_type3A_1304 = arith.truncf %get3A_1303 : vector<32x96xf32> to vector<32x96xbf16>
    %get3A_1305 = arith.constant 62 : index
    %get3A_1306 = arith.constant 0 : index
    %get3A_1307 = arith.constant 0 : index
    %get3A_1308 = vector.load %arg3[%get3A_1305, %get3A_1306, %get3A_1307] : memref<64x96x192xbf16, #tpu.memory_space<vmem>>, vector<1x96x192xbf16>
    %get3A_1309 = vector.shape_cast %get3A_1308 : vector<1x96x192xbf16> to vector<96x192xbf16>
    %dot_general3A_1310 = arith.constant dense<0.000000e+00> : vector<32x192xf32>
    %dot_general3A_1311 = tpu.matmul %convert_element_type3A_1304, %get3A_1309, %dot_general3A_1310 {dimension_numbers = #tpu.dot_dimension_numbers<[1], [0], [0], [1], [0, 0, 1, 1], [], []>, transpose_lhs_hint = false} : vector<32x96xbf16>, vector<96x192xbf16>, vector<32x192xf32> -> vector<32x192xf32>
    %get3A_1312 = arith.constant 62 : index
    %get3A_1313 = arith.constant 0 : index
    %get3A_1314 = arith.constant 0 : index
    %get3A_1315 = vector.load %arg4[%get3A_1312, %get3A_1313, %get3A_1314] : memref<64x1x192xf32, #tpu.memory_space<vmem>>, vector<1x1x192xf32>
    %get3A_1316 = vector.shape_cast %get3A_1315 : vector<1x1x192xf32> to vector<1x192xf32>
    %add3A_1317 = vector.broadcast %get3A_1316 : vector<1x192xf32> to vector<32x192xf32>
    %add3A_1318 = arith.addf %dot_general3A_1311, %add3A_1317 : vector<32x192xf32>
    %swap3A_1319 = arith.constant 1984 : index
    %swap3A_1320 = arith.constant 0 : index
    %swap3A_1321 = vector.load %arg9[%swap3A_1319, %swap3A_1320] : memref<2048x192xf32, #tpu.memory_space<vmem>>, vector<32x192xf32>
    tpu.vector_store %arg9[%swap3A_1319, %swap3A_1320], %add3A_1318 {strides = array<i32>} : memref<2048x192xf32, #tpu.memory_space<vmem>>, vector<32x192xf32>,
    %get3A_1322 = arith.constant 2016 : index
    %get3A_1323 = arith.constant 0 : index
    %get3A_1324 = vector.load %arg2[%get3A_1322, %get3A_1323] : memref<3376x128xf32, #tpu.memory_space<vmem>>, vector<32x96xf32>
    %convert_element_type3A_1325 = arith.truncf %get3A_1324 : vector<32x96xf32> to vector<32x96xbf16>
    %get3A_1326 = arith.constant 63 : index
    %get3A_1327 = arith.constant 0 : index
    %get3A_1328 = arith.constant 0 : index
    %get3A_1329 = vector.load %arg3[%get3A_1326, %get3A_1327, %get3A_1328] : memref<64x96x192xbf16, #tpu.memory_space<vmem>>, vector<1x96x192xbf16>
    %get3A_1330 = vector.shape_cast %get3A_1329 : vector<1x96x192xbf16> to vector<96x192xbf16>
    %dot_general3A_1331 = arith.constant dense<0.000000e+00> : vector<32x192xf32>
    %dot_general3A_1332 = tpu.matmul %convert_element_type3A_1325, %get3A_1330, %dot_general3A_1331 {dimension_numbers = #tpu.dot_dimension_numbers<[1], [0], [0], [1], [0, 0, 1, 1], [], []>, transpose_lhs_hint = false} : vector<32x96xbf16>, vector<96x192xbf16>, vector<32x192xf32> -> vector<32x192xf32>
    %get3A_1333 = arith.constant 63 : index
    %get3A_1334 = arith.constant 0 : index
    %get3A_1335 = arith.constant 0 : index
    %get3A_1336 = vector.load %arg4[%get3A_1333, %get3A_1334, %get3A_1335] : memref<64x1x192xf32, #tpu.memory_space<vmem>>, vector<1x1x192xf32>
    %get3A_1337 = vector.shape_cast %get3A_1336 : vector<1x1x192xf32> to vector<1x192xf32>
    %add3A_1338 = vector.broadcast %get3A_1337 : vector<1x192xf32> to vector<32x192xf32>
    %add3A_1339 = arith.addf %dot_general3A_1332, %add3A_1338 : vector<32x192xf32>
    %swap3A_1340 = arith.constant 2016 : index
    %swap3A_1341 = arith.constant 0 : index
    %swap3A_1342 = vector.load %arg9[%swap3A_1340, %swap3A_1341] : memref<2048x192xf32, #tpu.memory_space<vmem>>, vector<32x192xf32>
    tpu.vector_store %arg9[%swap3A_1340, %swap3A_1341], %add3A_1339 {strides = array<i32>} : memref<2048x192xf32, #tpu.memory_space<vmem>>, vector<32x192xf32>,
    %get3A_1343 = arith.constant 0 : index
    %get3A_1344 = arith.constant 0 : index
    %get3A_1345 = vector.load %arg9[%get3A_1343, %get3A_1344] : memref<2048x192xf32, #tpu.memory_space<vmem>>, vector<2048x192xf32>
    %mul3A = arith.constant 5.000000e-01 : f32
    %mul3A_1346 = vector.broadcast %mul3A : f32 to vector<2048x192xf32>
    %mul3A_1347 = arith.mulf %mul3A_1346, %get3A_1345 : vector<2048x192xf32>
    %mul3A_1348 = arith.constant 0.707106769 : f32
    %mul3A_1349 = vector.broadcast %mul3A_1348 : f32 to vector<2048x192xf32>
    %mul3A_1350 = arith.mulf %get3A_1345, %mul3A_1349 : vector<2048x192xf32>
    %erf3A = math.erf %mul3A_1350 : vector<2048x192xf32>
    %add3A_1351 = arith.constant 1.000000e+00 : f32
    %add3A_1352 = vector.broadcast %add3A_1351 : f32 to vector<2048x192xf32>
    %add3A_1353 = arith.addf %add3A_1352, %erf3A : vector<2048x192xf32>
    %mul3A_1354 = arith.mulf %mul3A_1347, %add3A_1353 : vector<2048x192xf32>
    %convert_element_type3A_1355 = arith.truncf %mul3A_1354 : vector<2048x192xf32> to vector<2048x192xbf16>
    %convert_element_type3A_1356 = arith.extf %convert_element_type3A_1355 : vector<2048x192xbf16> to vector<2048x192xf32>
    %swap3A_1357 = arith.constant 0 : index
    %swap3A_1358 = arith.constant 0 : index
    %swap3A_1359 = vector.load %arg9[%swap3A_1357, %swap3A_1358] : memref<2048x192xf32, #tpu.memory_space<vmem>>, vector<2048x192xf32>
    tpu.vector_store %arg9[%swap3A_1357, %swap3A_1358], %convert_element_type3A_1356 {strides = array<i32>} : memref<2048x192xf32, #tpu.memory_space<vmem>>, vector<2048x192xf32>,
    %get3A_1360 = arith.constant 0 : index
    %get3A_1361 = arith.constant 0 : index
    %get3A_1362 = vector.load %arg2[%get3A_1360, %get3A_1361] : memref<3376x128xf32, #tpu.memory_space<vmem>>, vector<32x96xf32>
    %get3A_1363 = arith.constant 0 : index
    %get3A_1364 = arith.constant 0 : index
    %get3A_1365 = vector.load %arg9[%get3A_1363, %get3A_1364] : memref<2048x192xf32, #tpu.memory_space<vmem>>, vector<32x192xf32>
    %convert_element_type3A_1366 = arith.truncf %get3A_1365 : vector<32x192xf32> to vector<32x192xbf16>
    %get3A_1367 = arith.constant 0 : index
    %get3A_1368 = arith.constant 0 : index
    %get3A_1369 = arith.constant 0 : index
    %get3A_1370 = vector.load %arg5[%get3A_1367, %get3A_1368, %get3A_1369] : memref<64x192x96xbf16, #tpu.memory_space<vmem>>, vector<1x192x96xbf16>
    %get3A_1371 = vector.shape_cast %get3A_1370 : vector<1x192x96xbf16> to vector<192x96xbf16>
    %dot_general3A_1372 = arith.constant dense<0.000000e+00> : vector<32x96xf32>
    %dot_general3A_1373 = tpu.matmul %convert_element_type3A_1366, %get3A_1371, %dot_general3A_1372 {dimension_numbers = #tpu.dot_dimension_numbers<[1], [0], [0], [1], [0, 0, 1, 1], [], []>, transpose_lhs_hint = false} : vector<32x192xbf16>, vector<192x96xbf16>, vector<32x96xf32> -> vector<32x96xf32>
    %get3A_1374 = arith.constant 0 : index
    %get3A_1375 = arith.constant 0 : index
    %get3A_1376 = arith.constant 0 : index
    %get3A_1377 = vector.load %arg6[%get3A_1374, %get3A_1375, %get3A_1376] : memref<64x1x96xf32, #tpu.memory_space<vmem>>, vector<1x1x96xf32>
    %get3A_1378 = vector.shape_cast %get3A_1377 : vector<1x1x96xf32> to vector<1x96xf32>
    %add3A_1379 = vector.broadcast %get3A_1378 : vector<1x96xf32> to vector<32x96xf32>
    %add3A_1380 = arith.addf %dot_general3A_1373, %add3A_1379 : vector<32x96xf32>
    %mul3A_1381 = vector.broadcast %get3A_2 : f32 to vector<32x96xf32>
    %mul3A_1382 = arith.mulf %mul3A_1381, %add3A_1380 : vector<32x96xf32>
    %add3A_1383 = arith.addf %get3A_1362, %mul3A_1382 : vector<32x96xf32>
    %swap3A_1384 = arith.constant 0 : index
    %swap3A_1385 = arith.constant 0 : index
    %swap3A_1386 = vector.load %arg8[%swap3A_1384, %swap3A_1385] : memref<3376x128xf32, #tpu.memory_space<vmem>>, vector<32x96xf32>
    tpu.vector_store %arg8[%swap3A_1384, %swap3A_1385], %add3A_1383 {strides = array<i32>} : memref<3376x128xf32, #tpu.memory_space<vmem>>, vector<32x96xf32>,
    %get3A_1387 = arith.constant 32 : index
    %get3A_1388 = arith.constant 0 : index
    %get3A_1389 = vector.load %arg2[%get3A_1387, %get3A_1388] : memref<3376x128xf32, #tpu.memory_space<vmem>>, vector<32x96xf32>
    %get3A_1390 = arith.constant 32 : index
    %get3A_1391 = arith.constant 0 : index
    %get3A_1392 = vector.load %arg9[%get3A_1390, %get3A_1391] : memref<2048x192xf32, #tpu.memory_space<vmem>>, vector<32x192xf32>
    %convert_element_type3A_1393 = arith.truncf %get3A_1392 : vector<32x192xf32> to vector<32x192xbf16>
    %get3A_1394 = arith.constant 1 : index
    %get3A_1395 = arith.constant 0 : index
    %get3A_1396 = arith.constant 0 : index
    %get3A_1397 = vector.load %arg5[%get3A_1394, %get3A_1395, %get3A_1396] : memref<64x192x96xbf16, #tpu.memory_space<vmem>>, vector<1x192x96xbf16>
    %get3A_1398 = vector.shape_cast %get3A_1397 : vector<1x192x96xbf16> to vector<192x96xbf16>
    %dot_general3A_1399 = arith.constant dense<0.000000e+00> : vector<32x96xf32>
    %dot_general3A_1400 = tpu.matmul %convert_element_type3A_1393, %get3A_1398, %dot_general3A_1399 {dimension_numbers = #tpu.dot_dimension_numbers<[1], [0], [0], [1], [0, 0, 1, 1], [], []>, transpose_lhs_hint = false} : vector<32x192xbf16>, vector<192x96xbf16>, vector<32x96xf32> -> vector<32x96xf32>
    %get3A_1401 = arith.constant 1 : index
    %get3A_1402 = arith.constant 0 : index
    %get3A_1403 = arith.constant 0 : index
    %get3A_1404 = vector.load %arg6[%get3A_1401, %get3A_1402, %get3A_1403] : memref<64x1x96xf32, #tpu.memory_space<vmem>>, vector<1x1x96xf32>
    %get3A_1405 = vector.shape_cast %get3A_1404 : vector<1x1x96xf32> to vector<1x96xf32>
    %add3A_1406 = vector.broadcast %get3A_1405 : vector<1x96xf32> to vector<32x96xf32>
    %add3A_1407 = arith.addf %dot_general3A_1400, %add3A_1406 : vector<32x96xf32>
    %mul3A_1408 = vector.broadcast %get3A_2 : f32 to vector<32x96xf32>
    %mul3A_1409 = arith.mulf %mul3A_1408, %add3A_1407 : vector<32x96xf32>
    %add3A_1410 = arith.addf %get3A_1389, %mul3A_1409 : vector<32x96xf32>
    %swap3A_1411 = arith.constant 32 : index
    %swap3A_1412 = arith.constant 0 : index
    %swap3A_1413 = vector.load %arg8[%swap3A_1411, %swap3A_1412] : memref<3376x128xf32, #tpu.memory_space<vmem>>, vector<32x96xf32>
    tpu.vector_store %arg8[%swap3A_1411, %swap3A_1412], %add3A_1410 {strides = array<i32>} : memref<3376x128xf32, #tpu.memory_space<vmem>>, vector<32x96xf32>,
    %get3A_1414 = arith.constant 64 : index
    %get3A_1415 = arith.constant 0 : index
    %get3A_1416 = vector.load %arg2[%get3A_1414, %get3A_1415] : memref<3376x128xf32, #tpu.memory_space<vmem>>, vector<32x96xf32>
    %get3A_1417 = arith.constant 64 : index
    %get3A_1418 = arith.constant 0 : index
    %get3A_1419 = vector.load %arg9[%get3A_1417, %get3A_1418] : memref<2048x192xf32, #tpu.memory_space<vmem>>, vector<32x192xf32>
    %convert_element_type3A_1420 = arith.truncf %get3A_1419 : vector<32x192xf32> to vector<32x192xbf16>
    %get3A_1421 = arith.constant 2 : index
    %get3A_1422 = arith.constant 0 : index
    %get3A_1423 = arith.constant 0 : index
    %get3A_1424 = vector.load %arg5[%get3A_1421, %get3A_1422, %get3A_1423] : memref<64x192x96xbf16, #tpu.memory_space<vmem>>, vector<1x192x96xbf16>
    %get3A_1425 = vector.shape_cast %get3A_1424 : vector<1x192x96xbf16> to vector<192x96xbf16>
    %dot_general3A_1426 = arith.constant dense<0.000000e+00> : vector<32x96xf32>
    %dot_general3A_1427 = tpu.matmul %convert_element_type3A_1420, %get3A_1425, %dot_general3A_1426 {dimension_numbers = #tpu.dot_dimension_numbers<[1], [0], [0], [1], [0, 0, 1, 1], [], []>, transpose_lhs_hint = false} : vector<32x192xbf16>, vector<192x96xbf16>, vector<32x96xf32> -> vector<32x96xf32>
    %get3A_1428 = arith.constant 2 : index
    %get3A_1429 = arith.constant 0 : index
    %get3A_1430 = arith.constant 0 : index
    %get3A_1431 = vector.load %arg6[%get3A_1428, %get3A_1429, %get3A_1430] : memref<64x1x96xf32, #tpu.memory_space<vmem>>, vector<1x1x96xf32>
    %get3A_1432 = vector.shape_cast %get3A_1431 : vector<1x1x96xf32> to vector<1x96xf32>
    %add3A_1433 = vector.broadcast %get3A_1432 : vector<1x96xf32> to vector<32x96xf32>
    %add3A_1434 = arith.addf %dot_general3A_1427, %add3A_1433 : vector<32x96xf32>
    %mul3A_1435 = vector.broadcast %get3A_2 : f32 to vector<32x96xf32>
    %mul3A_1436 = arith.mulf %mul3A_1435, %add3A_1434 : vector<32x96xf32>
    %add3A_1437 = arith.addf %get3A_1416, %mul3A_1436 : vector<32x96xf32>
    %swap3A_1438 = arith.constant 64 : index
    %swap3A_1439 = arith.constant 0 : index
    %swap3A_1440 = vector.load %arg8[%swap3A_1438, %swap3A_1439] : memref<3376x128xf32, #tpu.memory_space<vmem>>, vector<32x96xf32>
    tpu.vector_store %arg8[%swap3A_1438, %swap3A_1439], %add3A_1437 {strides = array<i32>} : memref<3376x128xf32, #tpu.memory_space<vmem>>, vector<32x96xf32>,
    %get3A_1441 = arith.constant 96 : index
    %get3A_1442 = arith.constant 0 : index
    %get3A_1443 = vector.load %arg2[%get3A_1441, %get3A_1442] : memref<3376x128xf32, #tpu.memory_space<vmem>>, vector<32x96xf32>
    %get3A_1444 = arith.constant 96 : index
    %get3A_1445 = arith.constant 0 : index
    %get3A_1446 = vector.load %arg9[%get3A_1444, %get3A_1445] : memref<2048x192xf32, #tpu.memory_space<vmem>>, vector<32x192xf32>
    %convert_element_type3A_1447 = arith.truncf %get3A_1446 : vector<32x192xf32> to vector<32x192xbf16>
    %get3A_1448 = arith.constant 3 : index
    %get3A_1449 = arith.constant 0 : index
    %get3A_1450 = arith.constant 0 : index
    %get3A_1451 = vector.load %arg5[%get3A_1448, %get3A_1449, %get3A_1450] : memref<64x192x96xbf16, #tpu.memory_space<vmem>>, vector<1x192x96xbf16>
    %get3A_1452 = vector.shape_cast %get3A_1451 : vector<1x192x96xbf16> to vector<192x96xbf16>
    %dot_general3A_1453 = arith.constant dense<0.000000e+00> : vector<32x96xf32>
    %dot_general3A_1454 = tpu.matmul %convert_element_type3A_1447, %get3A_1452, %dot_general3A_1453 {dimension_numbers = #tpu.dot_dimension_numbers<[1], [0], [0], [1], [0, 0, 1, 1], [], []>, transpose_lhs_hint = false} : vector<32x192xbf16>, vector<192x96xbf16>, vector<32x96xf32> -> vector<32x96xf32>
    %get3A_1455 = arith.constant 3 : index
    %get3A_1456 = arith.constant 0 : index
    %get3A_1457 = arith.constant 0 : index
    %get3A_1458 = vector.load %arg6[%get3A_1455, %get3A_1456, %get3A_1457] : memref<64x1x96xf32, #tpu.memory_space<vmem>>, vector<1x1x96xf32>
    %get3A_1459 = vector.shape_cast %get3A_1458 : vector<1x1x96xf32> to vector<1x96xf32>
    %add3A_1460 = vector.broadcast %get3A_1459 : vector<1x96xf32> to vector<32x96xf32>
    %add3A_1461 = arith.addf %dot_general3A_1454, %add3A_1460 : vector<32x96xf32>
    %mul3A_1462 = vector.broadcast %get3A_2 : f32 to vector<32x96xf32>
    %mul3A_1463 = arith.mulf %mul3A_1462, %add3A_1461 : vector<32x96xf32>
    %add3A_1464 = arith.addf %get3A_1443, %mul3A_1463 : vector<32x96xf32>
    %swap3A_1465 = arith.constant 96 : index
    %swap3A_1466 = arith.constant 0 : index
    %swap3A_1467 = vector.load %arg8[%swap3A_1465, %swap3A_1466] : memref<3376x128xf32, #tpu.memory_space<vmem>>, vector<32x96xf32>
    tpu.vector_store %arg8[%swap3A_1465, %swap3A_1466], %add3A_1464 {strides = array<i32>} : memref<3376x128xf32, #tpu.memory_space<vmem>>, vector<32x96xf32>,
    %get3A_1468 = arith.constant 128 : index
    %get3A_1469 = arith.constant 0 : index
    %get3A_1470 = vector.load %arg2[%get3A_1468, %get3A_1469] : memref<3376x128xf32, #tpu.memory_space<vmem>>, vector<32x96xf32>
    %get3A_1471 = arith.constant 128 : index
    %get3A_1472 = arith.constant 0 : index
    %get3A_1473 = vector.load %arg9[%get3A_1471, %get3A_1472] : memref<2048x192xf32, #tpu.memory_space<vmem>>, vector<32x192xf32>
    %convert_element_type3A_1474 = arith.truncf %get3A_1473 : vector<32x192xf32> to vector<32x192xbf16>
    %get3A_1475 = arith.constant 4 : index
    %get3A_1476 = arith.constant 0 : index
    %get3A_1477 = arith.constant 0 : index
    %get3A_1478 = vector.load %arg5[%get3A_1475, %get3A_1476, %get3A_1477] : memref<64x192x96xbf16, #tpu.memory_space<vmem>>, vector<1x192x96xbf16>
    %get3A_1479 = vector.shape_cast %get3A_1478 : vector<1x192x96xbf16> to vector<192x96xbf16>
    %dot_general3A_1480 = arith.constant dense<0.000000e+00> : vector<32x96xf32>
    %dot_general3A_1481 = tpu.matmul %convert_element_type3A_1474, %get3A_1479, %dot_general3A_1480 {dimension_numbers = #tpu.dot_dimension_numbers<[1], [0], [0], [1], [0, 0, 1, 1], [], []>, transpose_lhs_hint = false} : vector<32x192xbf16>, vector<192x96xbf16>, vector<32x96xf32> -> vector<32x96xf32>
    %get3A_1482 = arith.constant 4 : index
    %get3A_1483 = arith.constant 0 : index
    %get3A_1484 = arith.constant 0 : index
    %get3A_1485 = vector.load %arg6[%get3A_1482, %get3A_1483, %get3A_1484] : memref<64x1x96xf32, #tpu.memory_space<vmem>>, vector<1x1x96xf32>
    %get3A_1486 = vector.shape_cast %get3A_1485 : vector<1x1x96xf32> to vector<1x96xf32>
    %add3A_1487 = vector.broadcast %get3A_1486 : vector<1x96xf32> to vector<32x96xf32>
    %add3A_1488 = arith.addf %dot_general3A_1481, %add3A_1487 : vector<32x96xf32>
    %mul3A_1489 = vector.broadcast %get3A_2 : f32 to vector<32x96xf32>
    %mul3A_1490 = arith.mulf %mul3A_1489, %add3A_1488 : vector<32x96xf32>
    %add3A_1491 = arith.addf %get3A_1470, %mul3A_1490 : vector<32x96xf32>
    %swap3A_1492 = arith.constant 128 : index
    %swap3A_1493 = arith.constant 0 : index
    %swap3A_1494 = vector.load %arg8[%swap3A_1492, %swap3A_1493] : memref<3376x128xf32, #tpu.memory_space<vmem>>, vector<32x96xf32>
    tpu.vector_store %arg8[%swap3A_1492, %swap3A_1493], %add3A_1491 {strides = array<i32>} : memref<3376x128xf32, #tpu.memory_space<vmem>>, vector<32x96xf32>,
    %get3A_1495 = arith.constant 160 : index
    %get3A_1496 = arith.constant 0 : index
    %get3A_1497 = vector.load %arg2[%get3A_1495, %get3A_1496] : memref<3376x128xf32, #tpu.memory_space<vmem>>, vector<32x96xf32>
    %get3A_1498 = arith.constant 160 : index
    %get3A_1499 = arith.constant 0 : index
    %get3A_1500 = vector.load %arg9[%get3A_1498, %get3A_1499] : memref<2048x192xf32, #tpu.memory_space<vmem>>, vector<32x192xf32>
    %convert_element_type3A_1501 = arith.truncf %get3A_1500 : vector<32x192xf32> to vector<32x192xbf16>
    %get3A_1502 = arith.constant 5 : index
    %get3A_1503 = arith.constant 0 : index
    %get3A_1504 = arith.constant 0 : index
    %get3A_1505 = vector.load %arg5[%get3A_1502, %get3A_1503, %get3A_1504] : memref<64x192x96xbf16, #tpu.memory_space<vmem>>, vector<1x192x96xbf16>
    %get3A_1506 = vector.shape_cast %get3A_1505 : vector<1x192x96xbf16> to vector<192x96xbf16>
    %dot_general3A_1507 = arith.constant dense<0.000000e+00> : vector<32x96xf32>
    %dot_general3A_1508 = tpu.matmul %convert_element_type3A_1501, %get3A_1506, %dot_general3A_1507 {dimension_numbers = #tpu.dot_dimension_numbers<[1], [0], [0], [1], [0, 0, 1, 1], [], []>, transpose_lhs_hint = false} : vector<32x192xbf16>, vector<192x96xbf16>, vector<32x96xf32> -> vector<32x96xf32>
    %get3A_1509 = arith.constant 5 : index
    %get3A_1510 = arith.constant 0 : index
    %get3A_1511 = arith.constant 0 : index
    %get3A_1512 = vector.load %arg6[%get3A_1509, %get3A_1510, %get3A_1511] : memref<64x1x96xf32, #tpu.memory_space<vmem>>, vector<1x1x96xf32>
    %get3A_1513 = vector.shape_cast %get3A_1512 : vector<1x1x96xf32> to vector<1x96xf32>
    %add3A_1514 = vector.broadcast %get3A_1513 : vector<1x96xf32> to vector<32x96xf32>
    %add3A_1515 = arith.addf %dot_general3A_1508, %add3A_1514 : vector<32x96xf32>
    %mul3A_1516 = vector.broadcast %get3A_2 : f32 to vector<32x96xf32>
    %mul3A_1517 = arith.mulf %mul3A_1516, %add3A_1515 : vector<32x96xf32>
    %add3A_1518 = arith.addf %get3A_1497, %mul3A_1517 : vector<32x96xf32>
    %swap3A_1519 = arith.constant 160 : index
    %swap3A_1520 = arith.constant 0 : index
    %swap3A_1521 = vector.load %arg8[%swap3A_1519, %swap3A_1520] : memref<3376x128xf32, #tpu.memory_space<vmem>>, vector<32x96xf32>
    tpu.vector_store %arg8[%swap3A_1519, %swap3A_1520], %add3A_1518 {strides = array<i32>} : memref<3376x128xf32, #tpu.memory_space<vmem>>, vector<32x96xf32>,
    %get3A_1522 = arith.constant 192 : index
    %get3A_1523 = arith.constant 0 : index
    %get3A_1524 = vector.load %arg2[%get3A_1522, %get3A_1523] : memref<3376x128xf32, #tpu.memory_space<vmem>>, vector<32x96xf32>
    %get3A_1525 = arith.constant 192 : index
    %get3A_1526 = arith.constant 0 : index
    %get3A_1527 = vector.load %arg9[%get3A_1525, %get3A_1526] : memref<2048x192xf32, #tpu.memory_space<vmem>>, vector<32x192xf32>
    %convert_element_type3A_1528 = arith.truncf %get3A_1527 : vector<32x192xf32> to vector<32x192xbf16>
    %get3A_1529 = arith.constant 6 : index
    %get3A_1530 = arith.constant 0 : index
    %get3A_1531 = arith.constant 0 : index
    %get3A_1532 = vector.load %arg5[%get3A_1529, %get3A_1530, %get3A_1531] : memref<64x192x96xbf16, #tpu.memory_space<vmem>>, vector<1x192x96xbf16>
    %get3A_1533 = vector.shape_cast %get3A_1532 : vector<1x192x96xbf16> to vector<192x96xbf16>
    %dot_general3A_1534 = arith.constant dense<0.000000e+00> : vector<32x96xf32>
    %dot_general3A_1535 = tpu.matmul %convert_element_type3A_1528, %get3A_1533, %dot_general3A_1534 {dimension_numbers = #tpu.dot_dimension_numbers<[1], [0], [0], [1], [0, 0, 1, 1], [], []>, transpose_lhs_hint = false} : vector<32x192xbf16>, vector<192x96xbf16>, vector<32x96xf32> -> vector<32x96xf32>
    %get3A_1536 = arith.constant 6 : index
    %get3A_1537 = arith.constant 0 : index
    %get3A_1538 = arith.constant 0 : index
    %get3A_1539 = vector.load %arg6[%get3A_1536, %get3A_1537, %get3A_1538] : memref<64x1x96xf32, #tpu.memory_space<vmem>>, vector<1x1x96xf32>
    %get3A_1540 = vector.shape_cast %get3A_1539 : vector<1x1x96xf32> to vector<1x96xf32>
    %add3A_1541 = vector.broadcast %get3A_1540 : vector<1x96xf32> to vector<32x96xf32>
    %add3A_1542 = arith.addf %dot_general3A_1535, %add3A_1541 : vector<32x96xf32>
    %mul3A_1543 = vector.broadcast %get3A_2 : f32 to vector<32x96xf32>
    %mul3A_1544 = arith.mulf %mul3A_1543, %add3A_1542 : vector<32x96xf32>
    %add3A_1545 = arith.addf %get3A_1524, %mul3A_1544 : vector<32x96xf32>
    %swap3A_1546 = arith.constant 192 : index
    %swap3A_1547 = arith.constant 0 : index
    %swap3A_1548 = vector.load %arg8[%swap3A_1546, %swap3A_1547] : memref<3376x128xf32, #tpu.memory_space<vmem>>, vector<32x96xf32>
    tpu.vector_store %arg8[%swap3A_1546, %swap3A_1547], %add3A_1545 {strides = array<i32>} : memref<3376x128xf32, #tpu.memory_space<vmem>>, vector<32x96xf32>,
    %get3A_1549 = arith.constant 224 : index
    %get3A_1550 = arith.constant 0 : index
    %get3A_1551 = vector.load %arg2[%get3A_1549, %get3A_1550] : memref<3376x128xf32, #tpu.memory_space<vmem>>, vector<32x96xf32>
    %get3A_1552 = arith.constant 224 : index
    %get3A_1553 = arith.constant 0 : index
    %get3A_1554 = vector.load %arg9[%get3A_1552, %get3A_1553] : memref<2048x192xf32, #tpu.memory_space<vmem>>, vector<32x192xf32>
    %convert_element_type3A_1555 = arith.truncf %get3A_1554 : vector<32x192xf32> to vector<32x192xbf16>
    %get3A_1556 = arith.constant 7 : index
    %get3A_1557 = arith.constant 0 : index
    %get3A_1558 = arith.constant 0 : index
    %get3A_1559 = vector.load %arg5[%get3A_1556, %get3A_1557, %get3A_1558] : memref<64x192x96xbf16, #tpu.memory_space<vmem>>, vector<1x192x96xbf16>
    %get3A_1560 = vector.shape_cast %get3A_1559 : vector<1x192x96xbf16> to vector<192x96xbf16>
    %dot_general3A_1561 = arith.constant dense<0.000000e+00> : vector<32x96xf32>
    %dot_general3A_1562 = tpu.matmul %convert_element_type3A_1555, %get3A_1560, %dot_general3A_1561 {dimension_numbers = #tpu.dot_dimension_numbers<[1], [0], [0], [1], [0, 0, 1, 1], [], []>, transpose_lhs_hint = false} : vector<32x192xbf16>, vector<192x96xbf16>, vector<32x96xf32> -> vector<32x96xf32>
    %get3A_1563 = arith.constant 7 : index
    %get3A_1564 = arith.constant 0 : index
    %get3A_1565 = arith.constant 0 : index
    %get3A_1566 = vector.load %arg6[%get3A_1563, %get3A_1564, %get3A_1565] : memref<64x1x96xf32, #tpu.memory_space<vmem>>, vector<1x1x96xf32>
    %get3A_1567 = vector.shape_cast %get3A_1566 : vector<1x1x96xf32> to vector<1x96xf32>
    %add3A_1568 = vector.broadcast %get3A_1567 : vector<1x96xf32> to vector<32x96xf32>
    %add3A_1569 = arith.addf %dot_general3A_1562, %add3A_1568 : vector<32x96xf32>
    %mul3A_1570 = vector.broadcast %get3A_2 : f32 to vector<32x96xf32>
    %mul3A_1571 = arith.mulf %mul3A_1570, %add3A_1569 : vector<32x96xf32>
    %add3A_1572 = arith.addf %get3A_1551, %mul3A_1571 : vector<32x96xf32>
    %swap3A_1573 = arith.constant 224 : index
    %swap3A_1574 = arith.constant 0 : index
    %swap3A_1575 = vector.load %arg8[%swap3A_1573, %swap3A_1574] : memref<3376x128xf32, #tpu.memory_space<vmem>>, vector<32x96xf32>
    tpu.vector_store %arg8[%swap3A_1573, %swap3A_1574], %add3A_1572 {strides = array<i32>} : memref<3376x128xf32, #tpu.memory_space<vmem>>, vector<32x96xf32>,
    %get3A_1576 = arith.constant 256 : index
    %get3A_1577 = arith.constant 0 : index
    %get3A_1578 = vector.load %arg2[%get3A_1576, %get3A_1577] : memref<3376x128xf32, #tpu.memory_space<vmem>>, vector<32x96xf32>
    %get3A_1579 = arith.constant 256 : index
    %get3A_1580 = arith.constant 0 : index
    %get3A_1581 = vector.load %arg9[%get3A_1579, %get3A_1580] : memref<2048x192xf32, #tpu.memory_space<vmem>>, vector<32x192xf32>
    %convert_element_type3A_1582 = arith.truncf %get3A_1581 : vector<32x192xf32> to vector<32x192xbf16>
    %get3A_1583 = arith.constant 8 : index
    %get3A_1584 = arith.constant 0 : index
    %get3A_1585 = arith.constant 0 : index
    %get3A_1586 = vector.load %arg5[%get3A_1583, %get3A_1584, %get3A_1585] : memref<64x192x96xbf16, #tpu.memory_space<vmem>>, vector<1x192x96xbf16>
    %get3A_1587 = vector.shape_cast %get3A_1586 : vector<1x192x96xbf16> to vector<192x96xbf16>
    %dot_general3A_1588 = arith.constant dense<0.000000e+00> : vector<32x96xf32>
    %dot_general3A_1589 = tpu.matmul %convert_element_type3A_1582, %get3A_1587, %dot_general3A_1588 {dimension_numbers = #tpu.dot_dimension_numbers<[1], [0], [0], [1], [0, 0, 1, 1], [], []>, transpose_lhs_hint = false} : vector<32x192xbf16>, vector<192x96xbf16>, vector<32x96xf32> -> vector<32x96xf32>
    %get3A_1590 = arith.constant 8 : index
    %get3A_1591 = arith.constant 0 : index
    %get3A_1592 = arith.constant 0 : index
    %get3A_1593 = vector.load %arg6[%get3A_1590, %get3A_1591, %get3A_1592] : memref<64x1x96xf32, #tpu.memory_space<vmem>>, vector<1x1x96xf32>
    %get3A_1594 = vector.shape_cast %get3A_1593 : vector<1x1x96xf32> to vector<1x96xf32>
    %add3A_1595 = vector.broadcast %get3A_1594 : vector<1x96xf32> to vector<32x96xf32>
    %add3A_1596 = arith.addf %dot_general3A_1589, %add3A_1595 : vector<32x96xf32>
    %mul3A_1597 = vector.broadcast %get3A_2 : f32 to vector<32x96xf32>
    %mul3A_1598 = arith.mulf %mul3A_1597, %add3A_1596 : vector<32x96xf32>
    %add3A_1599 = arith.addf %get3A_1578, %mul3A_1598 : vector<32x96xf32>
    %swap3A_1600 = arith.constant 256 : index
    %swap3A_1601 = arith.constant 0 : index
    %swap3A_1602 = vector.load %arg8[%swap3A_1600, %swap3A_1601] : memref<3376x128xf32, #tpu.memory_space<vmem>>, vector<32x96xf32>
    tpu.vector_store %arg8[%swap3A_1600, %swap3A_1601], %add3A_1599 {strides = array<i32>} : memref<3376x128xf32, #tpu.memory_space<vmem>>, vector<32x96xf32>,
    %get3A_1603 = arith.constant 288 : index
    %get3A_1604 = arith.constant 0 : index
    %get3A_1605 = vector.load %arg2[%get3A_1603, %get3A_1604] : memref<3376x128xf32, #tpu.memory_space<vmem>>, vector<32x96xf32>
    %get3A_1606 = arith.constant 288 : index
    %get3A_1607 = arith.constant 0 : index
    %get3A_1608 = vector.load %arg9[%get3A_1606, %get3A_1607] : memref<2048x192xf32, #tpu.memory_space<vmem>>, vector<32x192xf32>
    %convert_element_type3A_1609 = arith.truncf %get3A_1608 : vector<32x192xf32> to vector<32x192xbf16>
    %get3A_1610 = arith.constant 9 : index
    %get3A_1611 = arith.constant 0 : index
    %get3A_1612 = arith.constant 0 : index
    %get3A_1613 = vector.load %arg5[%get3A_1610, %get3A_1611, %get3A_1612] : memref<64x192x96xbf16, #tpu.memory_space<vmem>>, vector<1x192x96xbf16>
    %get3A_1614 = vector.shape_cast %get3A_1613 : vector<1x192x96xbf16> to vector<192x96xbf16>
    %dot_general3A_1615 = arith.constant dense<0.000000e+00> : vector<32x96xf32>
    %dot_general3A_1616 = tpu.matmul %convert_element_type3A_1609, %get3A_1614, %dot_general3A_1615 {dimension_numbers = #tpu.dot_dimension_numbers<[1], [0], [0], [1], [0, 0, 1, 1], [], []>, transpose_lhs_hint = false} : vector<32x192xbf16>, vector<192x96xbf16>, vector<32x96xf32> -> vector<32x96xf32>
    %get3A_1617 = arith.constant 9 : index
    %get3A_1618 = arith.constant 0 : index
    %get3A_1619 = arith.constant 0 : index
    %get3A_1620 = vector.load %arg6[%get3A_1617, %get3A_1618, %get3A_1619] : memref<64x1x96xf32, #tpu.memory_space<vmem>>, vector<1x1x96xf32>
    %get3A_1621 = vector.shape_cast %get3A_1620 : vector<1x1x96xf32> to vector<1x96xf32>
    %add3A_1622 = vector.broadcast %get3A_1621 : vector<1x96xf32> to vector<32x96xf32>
    %add3A_1623 = arith.addf %dot_general3A_1616, %add3A_1622 : vector<32x96xf32>
    %mul3A_1624 = vector.broadcast %get3A_2 : f32 to vector<32x96xf32>
    %mul3A_1625 = arith.mulf %mul3A_1624, %add3A_1623 : vector<32x96xf32>
    %add3A_1626 = arith.addf %get3A_1605, %mul3A_1625 : vector<32x96xf32>
    %swap3A_1627 = arith.constant 288 : index
    %swap3A_1628 = arith.constant 0 : index
    %swap3A_1629 = vector.load %arg8[%swap3A_1627, %swap3A_1628] : memref<3376x128xf32, #tpu.memory_space<vmem>>, vector<32x96xf32>
    tpu.vector_store %arg8[%swap3A_1627, %swap3A_1628], %add3A_1626 {strides = array<i32>} : memref<3376x128xf32, #tpu.memory_space<vmem>>, vector<32x96xf32>,
    %get3A_1630 = arith.constant 320 : index
    %get3A_1631 = arith.constant 0 : index
    %get3A_1632 = vector.load %arg2[%get3A_1630, %get3A_1631] : memref<3376x128xf32, #tpu.memory_space<vmem>>, vector<32x96xf32>
    %get3A_1633 = arith.constant 320 : index
    %get3A_1634 = arith.constant 0 : index
    %get3A_1635 = vector.load %arg9[%get3A_1633, %get3A_1634] : memref<2048x192xf32, #tpu.memory_space<vmem>>, vector<32x192xf32>
    %convert_element_type3A_1636 = arith.truncf %get3A_1635 : vector<32x192xf32> to vector<32x192xbf16>
    %get3A_1637 = arith.constant 10 : index
    %get3A_1638 = arith.constant 0 : index
    %get3A_1639 = arith.constant 0 : index
    %get3A_1640 = vector.load %arg5[%get3A_1637, %get3A_1638, %get3A_1639] : memref<64x192x96xbf16, #tpu.memory_space<vmem>>, vector<1x192x96xbf16>
    %get3A_1641 = vector.shape_cast %get3A_1640 : vector<1x192x96xbf16> to vector<192x96xbf16>
    %dot_general3A_1642 = arith.constant dense<0.000000e+00> : vector<32x96xf32>
    %dot_general3A_1643 = tpu.matmul %convert_element_type3A_1636, %get3A_1641, %dot_general3A_1642 {dimension_numbers = #tpu.dot_dimension_numbers<[1], [0], [0], [1], [0, 0, 1, 1], [], []>, transpose_lhs_hint = false} : vector<32x192xbf16>, vector<192x96xbf16>, vector<32x96xf32> -> vector<32x96xf32>
    %get3A_1644 = arith.constant 10 : index
    %get3A_1645 = arith.constant 0 : index
    %get3A_1646 = arith.constant 0 : index
    %get3A_1647 = vector.load %arg6[%get3A_1644, %get3A_1645, %get3A_1646] : memref<64x1x96xf32, #tpu.memory_space<vmem>>, vector<1x1x96xf32>
    %get3A_1648 = vector.shape_cast %get3A_1647 : vector<1x1x96xf32> to vector<1x96xf32>
    %add3A_1649 = vector.broadcast %get3A_1648 : vector<1x96xf32> to vector<32x96xf32>
    %add3A_1650 = arith.addf %dot_general3A_1643, %add3A_1649 : vector<32x96xf32>
    %mul3A_1651 = vector.broadcast %get3A_2 : f32 to vector<32x96xf32>
    %mul3A_1652 = arith.mulf %mul3A_1651, %add3A_1650 : vector<32x96xf32>
    %add3A_1653 = arith.addf %get3A_1632, %mul3A_1652 : vector<32x96xf32>
    %swap3A_1654 = arith.constant 320 : index
    %swap3A_1655 = arith.constant 0 : index
    %swap3A_1656 = vector.load %arg8[%swap3A_1654, %swap3A_1655] : memref<3376x128xf32, #tpu.memory_space<vmem>>, vector<32x96xf32>
    tpu.vector_store %arg8[%swap3A_1654, %swap3A_1655], %add3A_1653 {strides = array<i32>} : memref<3376x128xf32, #tpu.memory_space<vmem>>, vector<32x96xf32>,
    %get3A_1657 = arith.constant 352 : index
    %get3A_1658 = arith.constant 0 : index
    %get3A_1659 = vector.load %arg2[%get3A_1657, %get3A_1658] : memref<3376x128xf32, #tpu.memory_space<vmem>>, vector<32x96xf32>
    %get3A_1660 = arith.constant 352 : index
    %get3A_1661 = arith.constant 0 : index
    %get3A_1662 = vector.load %arg9[%get3A_1660, %get3A_1661] : memref<2048x192xf32, #tpu.memory_space<vmem>>, vector<32x192xf32>
    %convert_element_type3A_1663 = arith.truncf %get3A_1662 : vector<32x192xf32> to vector<32x192xbf16>
    %get3A_1664 = arith.constant 11 : index
    %get3A_1665 = arith.constant 0 : index
    %get3A_1666 = arith.constant 0 : index
    %get3A_1667 = vector.load %arg5[%get3A_1664, %get3A_1665, %get3A_1666] : memref<64x192x96xbf16, #tpu.memory_space<vmem>>, vector<1x192x96xbf16>
    %get3A_1668 = vector.shape_cast %get3A_1667 : vector<1x192x96xbf16> to vector<192x96xbf16>
    %dot_general3A_1669 = arith.constant dense<0.000000e+00> : vector<32x96xf32>
    %dot_general3A_1670 = tpu.matmul %convert_element_type3A_1663, %get3A_1668, %dot_general3A_1669 {dimension_numbers = #tpu.dot_dimension_numbers<[1], [0], [0], [1], [0, 0, 1, 1], [], []>, transpose_lhs_hint = false} : vector<32x192xbf16>, vector<192x96xbf16>, vector<32x96xf32> -> vector<32x96xf32>
    %get3A_1671 = arith.constant 11 : index
    %get3A_1672 = arith.constant 0 : index
    %get3A_1673 = arith.constant 0 : index
    %get3A_1674 = vector.load %arg6[%get3A_1671, %get3A_1672, %get3A_1673] : memref<64x1x96xf32, #tpu.memory_space<vmem>>, vector<1x1x96xf32>
    %get3A_1675 = vector.shape_cast %get3A_1674 : vector<1x1x96xf32> to vector<1x96xf32>
    %add3A_1676 = vector.broadcast %get3A_1675 : vector<1x96xf32> to vector<32x96xf32>
    %add3A_1677 = arith.addf %dot_general3A_1670, %add3A_1676 : vector<32x96xf32>
    %mul3A_1678 = vector.broadcast %get3A_2 : f32 to vector<32x96xf32>
    %mul3A_1679 = arith.mulf %mul3A_1678, %add3A_1677 : vector<32x96xf32>
    %add3A_1680 = arith.addf %get3A_1659, %mul3A_1679 : vector<32x96xf32>
    %swap3A_1681 = arith.constant 352 : index
    %swap3A_1682 = arith.constant 0 : index
    %swap3A_1683 = vector.load %arg8[%swap3A_1681, %swap3A_1682] : memref<3376x128xf32, #tpu.memory_space<vmem>>, vector<32x96xf32>
    tpu.vector_store %arg8[%swap3A_1681, %swap3A_1682], %add3A_1680 {strides = array<i32>} : memref<3376x128xf32, #tpu.memory_space<vmem>>, vector<32x96xf32>,
    %get3A_1684 = arith.constant 384 : index
    %get3A_1685 = arith.constant 0 : index
    %get3A_1686 = vector.load %arg2[%get3A_1684, %get3A_1685] : memref<3376x128xf32, #tpu.memory_space<vmem>>, vector<32x96xf32>
    %get3A_1687 = arith.constant 384 : index
    %get3A_1688 = arith.constant 0 : index
    %get3A_1689 = vector.load %arg9[%get3A_1687, %get3A_1688] : memref<2048x192xf32, #tpu.memory_space<vmem>>, vector<32x192xf32>
    %convert_element_type3A_1690 = arith.truncf %get3A_1689 : vector<32x192xf32> to vector<32x192xbf16>
    %get3A_1691 = arith.constant 12 : index
    %get3A_1692 = arith.constant 0 : index
    %get3A_1693 = arith.constant 0 : index
    %get3A_1694 = vector.load %arg5[%get3A_1691, %get3A_1692, %get3A_1693] : memref<64x192x96xbf16, #tpu.memory_space<vmem>>, vector<1x192x96xbf16>
    %get3A_1695 = vector.shape_cast %get3A_1694 : vector<1x192x96xbf16> to vector<192x96xbf16>
    %dot_general3A_1696 = arith.constant dense<0.000000e+00> : vector<32x96xf32>
    %dot_general3A_1697 = tpu.matmul %convert_element_type3A_1690, %get3A_1695, %dot_general3A_1696 {dimension_numbers = #tpu.dot_dimension_numbers<[1], [0], [0], [1], [0, 0, 1, 1], [], []>, transpose_lhs_hint = false} : vector<32x192xbf16>, vector<192x96xbf16>, vector<32x96xf32> -> vector<32x96xf32>
    %get3A_1698 = arith.constant 12 : index
    %get3A_1699 = arith.constant 0 : index
    %get3A_1700 = arith.constant 0 : index
    %get3A_1701 = vector.load %arg6[%get3A_1698, %get3A_1699, %get3A_1700] : memref<64x1x96xf32, #tpu.memory_space<vmem>>, vector<1x1x96xf32>
    %get3A_1702 = vector.shape_cast %get3A_1701 : vector<1x1x96xf32> to vector<1x96xf32>
    %add3A_1703 = vector.broadcast %get3A_1702 : vector<1x96xf32> to vector<32x96xf32>
    %add3A_1704 = arith.addf %dot_general3A_1697, %add3A_1703 : vector<32x96xf32>
    %mul3A_1705 = vector.broadcast %get3A_2 : f32 to vector<32x96xf32>
    %mul3A_1706 = arith.mulf %mul3A_1705, %add3A_1704 : vector<32x96xf32>
    %add3A_1707 = arith.addf %get3A_1686, %mul3A_1706 : vector<32x96xf32>
    %swap3A_1708 = arith.constant 384 : index
    %swap3A_1709 = arith.constant 0 : index
    %swap3A_1710 = vector.load %arg8[%swap3A_1708, %swap3A_1709] : memref<3376x128xf32, #tpu.memory_space<vmem>>, vector<32x96xf32>
    tpu.vector_store %arg8[%swap3A_1708, %swap3A_1709], %add3A_1707 {strides = array<i32>} : memref<3376x128xf32, #tpu.memory_space<vmem>>, vector<32x96xf32>,
    %get3A_1711 = arith.constant 416 : index
    %get3A_1712 = arith.constant 0 : index
    %get3A_1713 = vector.load %arg2[%get3A_1711, %get3A_1712] : memref<3376x128xf32, #tpu.memory_space<vmem>>, vector<32x96xf32>
    %get3A_1714 = arith.constant 416 : index
    %get3A_1715 = arith.constant 0 : index
    %get3A_1716 = vector.load %arg9[%get3A_1714, %get3A_1715] : memref<2048x192xf32, #tpu.memory_space<vmem>>, vector<32x192xf32>
    %convert_element_type3A_1717 = arith.truncf %get3A_1716 : vector<32x192xf32> to vector<32x192xbf16>
    %get3A_1718 = arith.constant 13 : index
    %get3A_1719 = arith.constant 0 : index
    %get3A_1720 = arith.constant 0 : index
    %get3A_1721 = vector.load %arg5[%get3A_1718, %get3A_1719, %get3A_1720] : memref<64x192x96xbf16, #tpu.memory_space<vmem>>, vector<1x192x96xbf16>
    %get3A_1722 = vector.shape_cast %get3A_1721 : vector<1x192x96xbf16> to vector<192x96xbf16>
    %dot_general3A_1723 = arith.constant dense<0.000000e+00> : vector<32x96xf32>
    %dot_general3A_1724 = tpu.matmul %convert_element_type3A_1717, %get3A_1722, %dot_general3A_1723 {dimension_numbers = #tpu.dot_dimension_numbers<[1], [0], [0], [1], [0, 0, 1, 1], [], []>, transpose_lhs_hint = false} : vector<32x192xbf16>, vector<192x96xbf16>, vector<32x96xf32> -> vector<32x96xf32>
    %get3A_1725 = arith.constant 13 : index
    %get3A_1726 = arith.constant 0 : index
    %get3A_1727 = arith.constant 0 : index
    %get3A_1728 = vector.load %arg6[%get3A_1725, %get3A_1726, %get3A_1727] : memref<64x1x96xf32, #tpu.memory_space<vmem>>, vector<1x1x96xf32>
    %get3A_1729 = vector.shape_cast %get3A_1728 : vector<1x1x96xf32> to vector<1x96xf32>
    %add3A_1730 = vector.broadcast %get3A_1729 : vector<1x96xf32> to vector<32x96xf32>
    %add3A_1731 = arith.addf %dot_general3A_1724, %add3A_1730 : vector<32x96xf32>
    %mul3A_1732 = vector.broadcast %get3A_2 : f32 to vector<32x96xf32>
    %mul3A_1733 = arith.mulf %mul3A_1732, %add3A_1731 : vector<32x96xf32>
    %add3A_1734 = arith.addf %get3A_1713, %mul3A_1733 : vector<32x96xf32>
    %swap3A_1735 = arith.constant 416 : index
    %swap3A_1736 = arith.constant 0 : index
    %swap3A_1737 = vector.load %arg8[%swap3A_1735, %swap3A_1736] : memref<3376x128xf32, #tpu.memory_space<vmem>>, vector<32x96xf32>
    tpu.vector_store %arg8[%swap3A_1735, %swap3A_1736], %add3A_1734 {strides = array<i32>} : memref<3376x128xf32, #tpu.memory_space<vmem>>, vector<32x96xf32>,
    %get3A_1738 = arith.constant 448 : index
    %get3A_1739 = arith.constant 0 : index
    %get3A_1740 = vector.load %arg2[%get3A_1738, %get3A_1739] : memref<3376x128xf32, #tpu.memory_space<vmem>>, vector<32x96xf32>
    %get3A_1741 = arith.constant 448 : index
    %get3A_1742 = arith.constant 0 : index
    %get3A_1743 = vector.load %arg9[%get3A_1741, %get3A_1742] : memref<2048x192xf32, #tpu.memory_space<vmem>>, vector<32x192xf32>
    %convert_element_type3A_1744 = arith.truncf %get3A_1743 : vector<32x192xf32> to vector<32x192xbf16>
    %get3A_1745 = arith.constant 14 : index
    %get3A_1746 = arith.constant 0 : index
    %get3A_1747 = arith.constant 0 : index
    %get3A_1748 = vector.load %arg5[%get3A_1745, %get3A_1746, %get3A_1747] : memref<64x192x96xbf16, #tpu.memory_space<vmem>>, vector<1x192x96xbf16>
    %get3A_1749 = vector.shape_cast %get3A_1748 : vector<1x192x96xbf16> to vector<192x96xbf16>
    %dot_general3A_1750 = arith.constant dense<0.000000e+00> : vector<32x96xf32>
    %dot_general3A_1751 = tpu.matmul %convert_element_type3A_1744, %get3A_1749, %dot_general3A_1750 {dimension_numbers = #tpu.dot_dimension_numbers<[1], [0], [0], [1], [0, 0, 1, 1], [], []>, transpose_lhs_hint = false} : vector<32x192xbf16>, vector<192x96xbf16>, vector<32x96xf32> -> vector<32x96xf32>
    %get3A_1752 = arith.constant 14 : index
    %get3A_1753 = arith.constant 0 : index
    %get3A_1754 = arith.constant 0 : index
    %get3A_1755 = vector.load %arg6[%get3A_1752, %get3A_1753, %get3A_1754] : memref<64x1x96xf32, #tpu.memory_space<vmem>>, vector<1x1x96xf32>
    %get3A_1756 = vector.shape_cast %get3A_1755 : vector<1x1x96xf32> to vector<1x96xf32>
    %add3A_1757 = vector.broadcast %get3A_1756 : vector<1x96xf32> to vector<32x96xf32>
    %add3A_1758 = arith.addf %dot_general3A_1751, %add3A_1757 : vector<32x96xf32>
    %mul3A_1759 = vector.broadcast %get3A_2 : f32 to vector<32x96xf32>
    %mul3A_1760 = arith.mulf %mul3A_1759, %add3A_1758 : vector<32x96xf32>
    %add3A_1761 = arith.addf %get3A_1740, %mul3A_1760 : vector<32x96xf32>
    %swap3A_1762 = arith.constant 448 : index
    %swap3A_1763 = arith.constant 0 : index
    %swap3A_1764 = vector.load %arg8[%swap3A_1762, %swap3A_1763] : memref<3376x128xf32, #tpu.memory_space<vmem>>, vector<32x96xf32>
    tpu.vector_store %arg8[%swap3A_1762, %swap3A_1763], %add3A_1761 {strides = array<i32>} : memref<3376x128xf32, #tpu.memory_space<vmem>>, vector<32x96xf32>,
    %get3A_1765 = arith.constant 480 : index
    %get3A_1766 = arith.constant 0 : index
    %get3A_1767 = vector.load %arg2[%get3A_1765, %get3A_1766] : memref<3376x128xf32, #tpu.memory_space<vmem>>, vector<32x96xf32>
    %get3A_1768 = arith.constant 480 : index
    %get3A_1769 = arith.constant 0 : index
    %get3A_1770 = vector.load %arg9[%get3A_1768, %get3A_1769] : memref<2048x192xf32, #tpu.memory_space<vmem>>, vector<32x192xf32>
    %convert_element_type3A_1771 = arith.truncf %get3A_1770 : vector<32x192xf32> to vector<32x192xbf16>
    %get3A_1772 = arith.constant 15 : index
    %get3A_1773 = arith.constant 0 : index
    %get3A_1774 = arith.constant 0 : index
    %get3A_1775 = vector.load %arg5[%get3A_1772, %get3A_1773, %get3A_1774] : memref<64x192x96xbf16, #tpu.memory_space<vmem>>, vector<1x192x96xbf16>
    %get3A_1776 = vector.shape_cast %get3A_1775 : vector<1x192x96xbf16> to vector<192x96xbf16>
    %dot_general3A_1777 = arith.constant dense<0.000000e+00> : vector<32x96xf32>
    %dot_general3A_1778 = tpu.matmul %convert_element_type3A_1771, %get3A_1776, %dot_general3A_1777 {dimension_numbers = #tpu.dot_dimension_numbers<[1], [0], [0], [1], [0, 0, 1, 1], [], []>, transpose_lhs_hint = false} : vector<32x192xbf16>, vector<192x96xbf16>, vector<32x96xf32> -> vector<32x96xf32>
    %get3A_1779 = arith.constant 15 : index
    %get3A_1780 = arith.constant 0 : index
    %get3A_1781 = arith.constant 0 : index
    %get3A_1782 = vector.load %arg6[%get3A_1779, %get3A_1780, %get3A_1781] : memref<64x1x96xf32, #tpu.memory_space<vmem>>, vector<1x1x96xf32>
    %get3A_1783 = vector.shape_cast %get3A_1782 : vector<1x1x96xf32> to vector<1x96xf32>
    %add3A_1784 = vector.broadcast %get3A_1783 : vector<1x96xf32> to vector<32x96xf32>
    %add3A_1785 = arith.addf %dot_general3A_1778, %add3A_1784 : vector<32x96xf32>
    %mul3A_1786 = vector.broadcast %get3A_2 : f32 to vector<32x96xf32>
    %mul3A_1787 = arith.mulf %mul3A_1786, %add3A_1785 : vector<32x96xf32>
    %add3A_1788 = arith.addf %get3A_1767, %mul3A_1787 : vector<32x96xf32>
    %swap3A_1789 = arith.constant 480 : index
    %swap3A_1790 = arith.constant 0 : index
    %swap3A_1791 = vector.load %arg8[%swap3A_1789, %swap3A_1790] : memref<3376x128xf32, #tpu.memory_space<vmem>>, vector<32x96xf32>
    tpu.vector_store %arg8[%swap3A_1789, %swap3A_1790], %add3A_1788 {strides = array<i32>} : memref<3376x128xf32, #tpu.memory_space<vmem>>, vector<32x96xf32>,
    %get3A_1792 = arith.constant 512 : index
    %get3A_1793 = arith.constant 0 : index
    %get3A_1794 = vector.load %arg2[%get3A_1792, %get3A_1793] : memref<3376x128xf32, #tpu.memory_space<vmem>>, vector<32x96xf32>
    %get3A_1795 = arith.constant 512 : index
    %get3A_1796 = arith.constant 0 : index
    %get3A_1797 = vector.load %arg9[%get3A_1795, %get3A_1796] : memref<2048x192xf32, #tpu.memory_space<vmem>>, vector<32x192xf32>
    %convert_element_type3A_1798 = arith.truncf %get3A_1797 : vector<32x192xf32> to vector<32x192xbf16>
    %get3A_1799 = arith.constant 16 : index
    %get3A_1800 = arith.constant 0 : index
    %get3A_1801 = arith.constant 0 : index
    %get3A_1802 = vector.load %arg5[%get3A_1799, %get3A_1800, %get3A_1801] : memref<64x192x96xbf16, #tpu.memory_space<vmem>>, vector<1x192x96xbf16>
    %get3A_1803 = vector.shape_cast %get3A_1802 : vector<1x192x96xbf16> to vector<192x96xbf16>
    %dot_general3A_1804 = arith.constant dense<0.000000e+00> : vector<32x96xf32>
    %dot_general3A_1805 = tpu.matmul %convert_element_type3A_1798, %get3A_1803, %dot_general3A_1804 {dimension_numbers = #tpu.dot_dimension_numbers<[1], [0], [0], [1], [0, 0, 1, 1], [], []>, transpose_lhs_hint = false} : vector<32x192xbf16>, vector<192x96xbf16>, vector<32x96xf32> -> vector<32x96xf32>
    %get3A_1806 = arith.constant 16 : index
    %get3A_1807 = arith.constant 0 : index
    %get3A_1808 = arith.constant 0 : index
    %get3A_1809 = vector.load %arg6[%get3A_1806, %get3A_1807, %get3A_1808] : memref<64x1x96xf32, #tpu.memory_space<vmem>>, vector<1x1x96xf32>
    %get3A_1810 = vector.shape_cast %get3A_1809 : vector<1x1x96xf32> to vector<1x96xf32>
    %add3A_1811 = vector.broadcast %get3A_1810 : vector<1x96xf32> to vector<32x96xf32>
    %add3A_1812 = arith.addf %dot_general3A_1805, %add3A_1811 : vector<32x96xf32>
    %mul3A_1813 = vector.broadcast %get3A_2 : f32 to vector<32x96xf32>
    %mul3A_1814 = arith.mulf %mul3A_1813, %add3A_1812 : vector<32x96xf32>
    %add3A_1815 = arith.addf %get3A_1794, %mul3A_1814 : vector<32x96xf32>
    %swap3A_1816 = arith.constant 512 : index
    %swap3A_1817 = arith.constant 0 : index
    %swap3A_1818 = vector.load %arg8[%swap3A_1816, %swap3A_1817] : memref<3376x128xf32, #tpu.memory_space<vmem>>, vector<32x96xf32>
    tpu.vector_store %arg8[%swap3A_1816, %swap3A_1817], %add3A_1815 {strides = array<i32>} : memref<3376x128xf32, #tpu.memory_space<vmem>>, vector<32x96xf32>,
    %get3A_1819 = arith.constant 544 : index
    %get3A_1820 = arith.constant 0 : index
    %get3A_1821 = vector.load %arg2[%get3A_1819, %get3A_1820] : memref<3376x128xf32, #tpu.memory_space<vmem>>, vector<32x96xf32>
    %get3A_1822 = arith.constant 544 : index
    %get3A_1823 = arith.constant 0 : index
    %get3A_1824 = vector.load %arg9[%get3A_1822, %get3A_1823] : memref<2048x192xf32, #tpu.memory_space<vmem>>, vector<32x192xf32>
    %convert_element_type3A_1825 = arith.truncf %get3A_1824 : vector<32x192xf32> to vector<32x192xbf16>
    %get3A_1826 = arith.constant 17 : index
    %get3A_1827 = arith.constant 0 : index
    %get3A_1828 = arith.constant 0 : index
    %get3A_1829 = vector.load %arg5[%get3A_1826, %get3A_1827, %get3A_1828] : memref<64x192x96xbf16, #tpu.memory_space<vmem>>, vector<1x192x96xbf16>
    %get3A_1830 = vector.shape_cast %get3A_1829 : vector<1x192x96xbf16> to vector<192x96xbf16>
    %dot_general3A_1831 = arith.constant dense<0.000000e+00> : vector<32x96xf32>
    %dot_general3A_1832 = tpu.matmul %convert_element_type3A_1825, %get3A_1830, %dot_general3A_1831 {dimension_numbers = #tpu.dot_dimension_numbers<[1], [0], [0], [1], [0, 0, 1, 1], [], []>, transpose_lhs_hint = false} : vector<32x192xbf16>, vector<192x96xbf16>, vector<32x96xf32> -> vector<32x96xf32>
    %get3A_1833 = arith.constant 17 : index
    %get3A_1834 = arith.constant 0 : index
    %get3A_1835 = arith.constant 0 : index
    %get3A_1836 = vector.load %arg6[%get3A_1833, %get3A_1834, %get3A_1835] : memref<64x1x96xf32, #tpu.memory_space<vmem>>, vector<1x1x96xf32>
    %get3A_1837 = vector.shape_cast %get3A_1836 : vector<1x1x96xf32> to vector<1x96xf32>
    %add3A_1838 = vector.broadcast %get3A_1837 : vector<1x96xf32> to vector<32x96xf32>
    %add3A_1839 = arith.addf %dot_general3A_1832, %add3A_1838 : vector<32x96xf32>
    %mul3A_1840 = vector.broadcast %get3A_2 : f32 to vector<32x96xf32>
    %mul3A_1841 = arith.mulf %mul3A_1840, %add3A_1839 : vector<32x96xf32>
    %add3A_1842 = arith.addf %get3A_1821, %mul3A_1841 : vector<32x96xf32>
    %swap3A_1843 = arith.constant 544 : index
    %swap3A_1844 = arith.constant 0 : index
    %swap3A_1845 = vector.load %arg8[%swap3A_1843, %swap3A_1844] : memref<3376x128xf32, #tpu.memory_space<vmem>>, vector<32x96xf32>
    tpu.vector_store %arg8[%swap3A_1843, %swap3A_1844], %add3A_1842 {strides = array<i32>} : memref<3376x128xf32, #tpu.memory_space<vmem>>, vector<32x96xf32>,
    %get3A_1846 = arith.constant 576 : index
    %get3A_1847 = arith.constant 0 : index
    %get3A_1848 = vector.load %arg2[%get3A_1846, %get3A_1847] : memref<3376x128xf32, #tpu.memory_space<vmem>>, vector<32x96xf32>
    %get3A_1849 = arith.constant 576 : index
    %get3A_1850 = arith.constant 0 : index
    %get3A_1851 = vector.load %arg9[%get3A_1849, %get3A_1850] : memref<2048x192xf32, #tpu.memory_space<vmem>>, vector<32x192xf32>
    %convert_element_type3A_1852 = arith.truncf %get3A_1851 : vector<32x192xf32> to vector<32x192xbf16>
    %get3A_1853 = arith.constant 18 : index
    %get3A_1854 = arith.constant 0 : index
    %get3A_1855 = arith.constant 0 : index
    %get3A_1856 = vector.load %arg5[%get3A_1853, %get3A_1854, %get3A_1855] : memref<64x192x96xbf16, #tpu.memory_space<vmem>>, vector<1x192x96xbf16>
    %get3A_1857 = vector.shape_cast %get3A_1856 : vector<1x192x96xbf16> to vector<192x96xbf16>
    %dot_general3A_1858 = arith.constant dense<0.000000e+00> : vector<32x96xf32>
    %dot_general3A_1859 = tpu.matmul %convert_element_type3A_1852, %get3A_1857, %dot_general3A_1858 {dimension_numbers = #tpu.dot_dimension_numbers<[1], [0], [0], [1], [0, 0, 1, 1], [], []>, transpose_lhs_hint = false} : vector<32x192xbf16>, vector<192x96xbf16>, vector<32x96xf32> -> vector<32x96xf32>
    %get3A_1860 = arith.constant 18 : index
    %get3A_1861 = arith.constant 0 : index
    %get3A_1862 = arith.constant 0 : index
    %get3A_1863 = vector.load %arg6[%get3A_1860, %get3A_1861, %get3A_1862] : memref<64x1x96xf32, #tpu.memory_space<vmem>>, vector<1x1x96xf32>
    %get3A_1864 = vector.shape_cast %get3A_1863 : vector<1x1x96xf32> to vector<1x96xf32>
    %add3A_1865 = vector.broadcast %get3A_1864 : vector<1x96xf32> to vector<32x96xf32>
    %add3A_1866 = arith.addf %dot_general3A_1859, %add3A_1865 : vector<32x96xf32>
    %mul3A_1867 = vector.broadcast %get3A_2 : f32 to vector<32x96xf32>
    %mul3A_1868 = arith.mulf %mul3A_1867, %add3A_1866 : vector<32x96xf32>
    %add3A_1869 = arith.addf %get3A_1848, %mul3A_1868 : vector<32x96xf32>
    %swap3A_1870 = arith.constant 576 : index
    %swap3A_1871 = arith.constant 0 : index
    %swap3A_1872 = vector.load %arg8[%swap3A_1870, %swap3A_1871] : memref<3376x128xf32, #tpu.memory_space<vmem>>, vector<32x96xf32>
    tpu.vector_store %arg8[%swap3A_1870, %swap3A_1871], %add3A_1869 {strides = array<i32>} : memref<3376x128xf32, #tpu.memory_space<vmem>>, vector<32x96xf32>,
    %get3A_1873 = arith.constant 608 : index
    %get3A_1874 = arith.constant 0 : index
    %get3A_1875 = vector.load %arg2[%get3A_1873, %get3A_1874] : memref<3376x128xf32, #tpu.memory_space<vmem>>, vector<32x96xf32>
    %get3A_1876 = arith.constant 608 : index
    %get3A_1877 = arith.constant 0 : index
    %get3A_1878 = vector.load %arg9[%get3A_1876, %get3A_1877] : memref<2048x192xf32, #tpu.memory_space<vmem>>, vector<32x192xf32>
    %convert_element_type3A_1879 = arith.truncf %get3A_1878 : vector<32x192xf32> to vector<32x192xbf16>
    %get3A_1880 = arith.constant 19 : index
    %get3A_1881 = arith.constant 0 : index
    %get3A_1882 = arith.constant 0 : index
    %get3A_1883 = vector.load %arg5[%get3A_1880, %get3A_1881, %get3A_1882] : memref<64x192x96xbf16, #tpu.memory_space<vmem>>, vector<1x192x96xbf16>
    %get3A_1884 = vector.shape_cast %get3A_1883 : vector<1x192x96xbf16> to vector<192x96xbf16>
    %dot_general3A_1885 = arith.constant dense<0.000000e+00> : vector<32x96xf32>
    %dot_general3A_1886 = tpu.matmul %convert_element_type3A_1879, %get3A_1884, %dot_general3A_1885 {dimension_numbers = #tpu.dot_dimension_numbers<[1], [0], [0], [1], [0, 0, 1, 1], [], []>, transpose_lhs_hint = false} : vector<32x192xbf16>, vector<192x96xbf16>, vector<32x96xf32> -> vector<32x96xf32>
    %get3A_1887 = arith.constant 19 : index
    %get3A_1888 = arith.constant 0 : index
    %get3A_1889 = arith.constant 0 : index
    %get3A_1890 = vector.load %arg6[%get3A_1887, %get3A_1888, %get3A_1889] : memref<64x1x96xf32, #tpu.memory_space<vmem>>, vector<1x1x96xf32>
    %get3A_1891 = vector.shape_cast %get3A_1890 : vector<1x1x96xf32> to vector<1x96xf32>
    %add3A_1892 = vector.broadcast %get3A_1891 : vector<1x96xf32> to vector<32x96xf32>
    %add3A_1893 = arith.addf %dot_general3A_1886, %add3A_1892 : vector<32x96xf32>
    %mul3A_1894 = vector.broadcast %get3A_2 : f32 to vector<32x96xf32>
    %mul3A_1895 = arith.mulf %mul3A_1894, %add3A_1893 : vector<32x96xf32>
    %add3A_1896 = arith.addf %get3A_1875, %mul3A_1895 : vector<32x96xf32>
    %swap3A_1897 = arith.constant 608 : index
    %swap3A_1898 = arith.constant 0 : index
    %swap3A_1899 = vector.load %arg8[%swap3A_1897, %swap3A_1898] : memref<3376x128xf32, #tpu.memory_space<vmem>>, vector<32x96xf32>
    tpu.vector_store %arg8[%swap3A_1897, %swap3A_1898], %add3A_1896 {strides = array<i32>} : memref<3376x128xf32, #tpu.memory_space<vmem>>, vector<32x96xf32>,
    %get3A_1900 = arith.constant 640 : index
    %get3A_1901 = arith.constant 0 : index
    %get3A_1902 = vector.load %arg2[%get3A_1900, %get3A_1901] : memref<3376x128xf32, #tpu.memory_space<vmem>>, vector<32x96xf32>
    %get3A_1903 = arith.constant 640 : index
    %get3A_1904 = arith.constant 0 : index
    %get3A_1905 = vector.load %arg9[%get3A_1903, %get3A_1904] : memref<2048x192xf32, #tpu.memory_space<vmem>>, vector<32x192xf32>
    %convert_element_type3A_1906 = arith.truncf %get3A_1905 : vector<32x192xf32> to vector<32x192xbf16>
    %get3A_1907 = arith.constant 20 : index
    %get3A_1908 = arith.constant 0 : index
    %get3A_1909 = arith.constant 0 : index
    %get3A_1910 = vector.load %arg5[%get3A_1907, %get3A_1908, %get3A_1909] : memref<64x192x96xbf16, #tpu.memory_space<vmem>>, vector<1x192x96xbf16>
    %get3A_1911 = vector.shape_cast %get3A_1910 : vector<1x192x96xbf16> to vector<192x96xbf16>
    %dot_general3A_1912 = arith.constant dense<0.000000e+00> : vector<32x96xf32>
    %dot_general3A_1913 = tpu.matmul %convert_element_type3A_1906, %get3A_1911, %dot_general3A_1912 {dimension_numbers = #tpu.dot_dimension_numbers<[1], [0], [0], [1], [0, 0, 1, 1], [], []>, transpose_lhs_hint = false} : vector<32x192xbf16>, vector<192x96xbf16>, vector<32x96xf32> -> vector<32x96xf32>
    %get3A_1914 = arith.constant 20 : index
    %get3A_1915 = arith.constant 0 : index
    %get3A_1916 = arith.constant 0 : index
    %get3A_1917 = vector.load %arg6[%get3A_1914, %get3A_1915, %get3A_1916] : memref<64x1x96xf32, #tpu.memory_space<vmem>>, vector<1x1x96xf32>
    %get3A_1918 = vector.shape_cast %get3A_1917 : vector<1x1x96xf32> to vector<1x96xf32>
    %add3A_1919 = vector.broadcast %get3A_1918 : vector<1x96xf32> to vector<32x96xf32>
    %add3A_1920 = arith.addf %dot_general3A_1913, %add3A_1919 : vector<32x96xf32>
    %mul3A_1921 = vector.broadcast %get3A_2 : f32 to vector<32x96xf32>
    %mul3A_1922 = arith.mulf %mul3A_1921, %add3A_1920 : vector<32x96xf32>
    %add3A_1923 = arith.addf %get3A_1902, %mul3A_1922 : vector<32x96xf32>
    %swap3A_1924 = arith.constant 640 : index
    %swap3A_1925 = arith.constant 0 : index
    %swap3A_1926 = vector.load %arg8[%swap3A_1924, %swap3A_1925] : memref<3376x128xf32, #tpu.memory_space<vmem>>, vector<32x96xf32>
    tpu.vector_store %arg8[%swap3A_1924, %swap3A_1925], %add3A_1923 {strides = array<i32>} : memref<3376x128xf32, #tpu.memory_space<vmem>>, vector<32x96xf32>,
    %get3A_1927 = arith.constant 672 : index
    %get3A_1928 = arith.constant 0 : index
    %get3A_1929 = vector.load %arg2[%get3A_1927, %get3A_1928] : memref<3376x128xf32, #tpu.memory_space<vmem>>, vector<32x96xf32>
    %get3A_1930 = arith.constant 672 : index
    %get3A_1931 = arith.constant 0 : index
    %get3A_1932 = vector.load %arg9[%get3A_1930, %get3A_1931] : memref<2048x192xf32, #tpu.memory_space<vmem>>, vector<32x192xf32>
    %convert_element_type3A_1933 = arith.truncf %get3A_1932 : vector<32x192xf32> to vector<32x192xbf16>
    %get3A_1934 = arith.constant 21 : index
    %get3A_1935 = arith.constant 0 : index
    %get3A_1936 = arith.constant 0 : index
    %get3A_1937 = vector.load %arg5[%get3A_1934, %get3A_1935, %get3A_1936] : memref<64x192x96xbf16, #tpu.memory_space<vmem>>, vector<1x192x96xbf16>
    %get3A_1938 = vector.shape_cast %get3A_1937 : vector<1x192x96xbf16> to vector<192x96xbf16>
    %dot_general3A_1939 = arith.constant dense<0.000000e+00> : vector<32x96xf32>
    %dot_general3A_1940 = tpu.matmul %convert_element_type3A_1933, %get3A_1938, %dot_general3A_1939 {dimension_numbers = #tpu.dot_dimension_numbers<[1], [0], [0], [1], [0, 0, 1, 1], [], []>, transpose_lhs_hint = false} : vector<32x192xbf16>, vector<192x96xbf16>, vector<32x96xf32> -> vector<32x96xf32>
    %get3A_1941 = arith.constant 21 : index
    %get3A_1942 = arith.constant 0 : index
    %get3A_1943 = arith.constant 0 : index
    %get3A_1944 = vector.load %arg6[%get3A_1941, %get3A_1942, %get3A_1943] : memref<64x1x96xf32, #tpu.memory_space<vmem>>, vector<1x1x96xf32>
    %get3A_1945 = vector.shape_cast %get3A_1944 : vector<1x1x96xf32> to vector<1x96xf32>
    %add3A_1946 = vector.broadcast %get3A_1945 : vector<1x96xf32> to vector<32x96xf32>
    %add3A_1947 = arith.addf %dot_general3A_1940, %add3A_1946 : vector<32x96xf32>
    %mul3A_1948 = vector.broadcast %get3A_2 : f32 to vector<32x96xf32>
    %mul3A_1949 = arith.mulf %mul3A_1948, %add3A_1947 : vector<32x96xf32>
    %add3A_1950 = arith.addf %get3A_1929, %mul3A_1949 : vector<32x96xf32>
    %swap3A_1951 = arith.constant 672 : index
    %swap3A_1952 = arith.constant 0 : index
    %swap3A_1953 = vector.load %arg8[%swap3A_1951, %swap3A_1952] : memref<3376x128xf32, #tpu.memory_space<vmem>>, vector<32x96xf32>
    tpu.vector_store %arg8[%swap3A_1951, %swap3A_1952], %add3A_1950 {strides = array<i32>} : memref<3376x128xf32, #tpu.memory_space<vmem>>, vector<32x96xf32>,
    %get3A_1954 = arith.constant 704 : index
    %get3A_1955 = arith.constant 0 : index
    %get3A_1956 = vector.load %arg2[%get3A_1954, %get3A_1955] : memref<3376x128xf32, #tpu.memory_space<vmem>>, vector<32x96xf32>
    %get3A_1957 = arith.constant 704 : index
    %get3A_1958 = arith.constant 0 : index
    %get3A_1959 = vector.load %arg9[%get3A_1957, %get3A_1958] : memref<2048x192xf32, #tpu.memory_space<vmem>>, vector<32x192xf32>
    %convert_element_type3A_1960 = arith.truncf %get3A_1959 : vector<32x192xf32> to vector<32x192xbf16>
    %get3A_1961 = arith.constant 22 : index
    %get3A_1962 = arith.constant 0 : index
    %get3A_1963 = arith.constant 0 : index
    %get3A_1964 = vector.load %arg5[%get3A_1961, %get3A_1962, %get3A_1963] : memref<64x192x96xbf16, #tpu.memory_space<vmem>>, vector<1x192x96xbf16>
    %get3A_1965 = vector.shape_cast %get3A_1964 : vector<1x192x96xbf16> to vector<192x96xbf16>
    %dot_general3A_1966 = arith.constant dense<0.000000e+00> : vector<32x96xf32>
    %dot_general3A_1967 = tpu.matmul %convert_element_type3A_1960, %get3A_1965, %dot_general3A_1966 {dimension_numbers = #tpu.dot_dimension_numbers<[1], [0], [0], [1], [0, 0, 1, 1], [], []>, transpose_lhs_hint = false} : vector<32x192xbf16>, vector<192x96xbf16>, vector<32x96xf32> -> vector<32x96xf32>
    %get3A_1968 = arith.constant 22 : index
    %get3A_1969 = arith.constant 0 : index
    %get3A_1970 = arith.constant 0 : index
    %get3A_1971 = vector.load %arg6[%get3A_1968, %get3A_1969, %get3A_1970] : memref<64x1x96xf32, #tpu.memory_space<vmem>>, vector<1x1x96xf32>
    %get3A_1972 = vector.shape_cast %get3A_1971 : vector<1x1x96xf32> to vector<1x96xf32>
    %add3A_1973 = vector.broadcast %get3A_1972 : vector<1x96xf32> to vector<32x96xf32>
    %add3A_1974 = arith.addf %dot_general3A_1967, %add3A_1973 : vector<32x96xf32>
    %mul3A_1975 = vector.broadcast %get3A_2 : f32 to vector<32x96xf32>
    %mul3A_1976 = arith.mulf %mul3A_1975, %add3A_1974 : vector<32x96xf32>
    %add3A_1977 = arith.addf %get3A_1956, %mul3A_1976 : vector<32x96xf32>
    %swap3A_1978 = arith.constant 704 : index
    %swap3A_1979 = arith.constant 0 : index
    %swap3A_1980 = vector.load %arg8[%swap3A_1978, %swap3A_1979] : memref<3376x128xf32, #tpu.memory_space<vmem>>, vector<32x96xf32>
    tpu.vector_store %arg8[%swap3A_1978, %swap3A_1979], %add3A_1977 {strides = array<i32>} : memref<3376x128xf32, #tpu.memory_space<vmem>>, vector<32x96xf32>,
    %get3A_1981 = arith.constant 736 : index
    %get3A_1982 = arith.constant 0 : index
    %get3A_1983 = vector.load %arg2[%get3A_1981, %get3A_1982] : memref<3376x128xf32, #tpu.memory_space<vmem>>, vector<32x96xf32>
    %get3A_1984 = arith.constant 736 : index
    %get3A_1985 = arith.constant 0 : index
    %get3A_1986 = vector.load %arg9[%get3A_1984, %get3A_1985] : memref<2048x192xf32, #tpu.memory_space<vmem>>, vector<32x192xf32>
    %convert_element_type3A_1987 = arith.truncf %get3A_1986 : vector<32x192xf32> to vector<32x192xbf16>
    %get3A_1988 = arith.constant 23 : index
    %get3A_1989 = arith.constant 0 : index
    %get3A_1990 = arith.constant 0 : index
    %get3A_1991 = vector.load %arg5[%get3A_1988, %get3A_1989, %get3A_1990] : memref<64x192x96xbf16, #tpu.memory_space<vmem>>, vector<1x192x96xbf16>
    %get3A_1992 = vector.shape_cast %get3A_1991 : vector<1x192x96xbf16> to vector<192x96xbf16>
    %dot_general3A_1993 = arith.constant dense<0.000000e+00> : vector<32x96xf32>
    %dot_general3A_1994 = tpu.matmul %convert_element_type3A_1987, %get3A_1992, %dot_general3A_1993 {dimension_numbers = #tpu.dot_dimension_numbers<[1], [0], [0], [1], [0, 0, 1, 1], [], []>, transpose_lhs_hint = false} : vector<32x192xbf16>, vector<192x96xbf16>, vector<32x96xf32> -> vector<32x96xf32>
    %get3A_1995 = arith.constant 23 : index
    %get3A_1996 = arith.constant 0 : index
    %get3A_1997 = arith.constant 0 : index
    %get3A_1998 = vector.load %arg6[%get3A_1995, %get3A_1996, %get3A_1997] : memref<64x1x96xf32, #tpu.memory_space<vmem>>, vector<1x1x96xf32>
    %get3A_1999 = vector.shape_cast %get3A_1998 : vector<1x1x96xf32> to vector<1x96xf32>
    %add3A_2000 = vector.broadcast %get3A_1999 : vector<1x96xf32> to vector<32x96xf32>
    %add3A_2001 = arith.addf %dot_general3A_1994, %add3A_2000 : vector<32x96xf32>
    %mul3A_2002 = vector.broadcast %get3A_2 : f32 to vector<32x96xf32>
    %mul3A_2003 = arith.mulf %mul3A_2002, %add3A_2001 : vector<32x96xf32>
    %add3A_2004 = arith.addf %get3A_1983, %mul3A_2003 : vector<32x96xf32>
    %swap3A_2005 = arith.constant 736 : index
    %swap3A_2006 = arith.constant 0 : index
    %swap3A_2007 = vector.load %arg8[%swap3A_2005, %swap3A_2006] : memref<3376x128xf32, #tpu.memory_space<vmem>>, vector<32x96xf32>
    tpu.vector_store %arg8[%swap3A_2005, %swap3A_2006], %add3A_2004 {strides = array<i32>} : memref<3376x128xf32, #tpu.memory_space<vmem>>, vector<32x96xf32>,
    %get3A_2008 = arith.constant 768 : index
    %get3A_2009 = arith.constant 0 : index
    %get3A_2010 = vector.load %arg2[%get3A_2008, %get3A_2009] : memref<3376x128xf32, #tpu.memory_space<vmem>>, vector<32x96xf32>
    %get3A_2011 = arith.constant 768 : index
    %get3A_2012 = arith.constant 0 : index
    %get3A_2013 = vector.load %arg9[%get3A_2011, %get3A_2012] : memref<2048x192xf32, #tpu.memory_space<vmem>>, vector<32x192xf32>
    %convert_element_type3A_2014 = arith.truncf %get3A_2013 : vector<32x192xf32> to vector<32x192xbf16>
    %get3A_2015 = arith.constant 24 : index
    %get3A_2016 = arith.constant 0 : index
    %get3A_2017 = arith.constant 0 : index
    %get3A_2018 = vector.load %arg5[%get3A_2015, %get3A_2016, %get3A_2017] : memref<64x192x96xbf16, #tpu.memory_space<vmem>>, vector<1x192x96xbf16>
    %get3A_2019 = vector.shape_cast %get3A_2018 : vector<1x192x96xbf16> to vector<192x96xbf16>
    %dot_general3A_2020 = arith.constant dense<0.000000e+00> : vector<32x96xf32>
    %dot_general3A_2021 = tpu.matmul %convert_element_type3A_2014, %get3A_2019, %dot_general3A_2020 {dimension_numbers = #tpu.dot_dimension_numbers<[1], [0], [0], [1], [0, 0, 1, 1], [], []>, transpose_lhs_hint = false} : vector<32x192xbf16>, vector<192x96xbf16>, vector<32x96xf32> -> vector<32x96xf32>
    %get3A_2022 = arith.constant 24 : index
    %get3A_2023 = arith.constant 0 : index
    %get3A_2024 = arith.constant 0 : index
    %get3A_2025 = vector.load %arg6[%get3A_2022, %get3A_2023, %get3A_2024] : memref<64x1x96xf32, #tpu.memory_space<vmem>>, vector<1x1x96xf32>
    %get3A_2026 = vector.shape_cast %get3A_2025 : vector<1x1x96xf32> to vector<1x96xf32>
    %add3A_2027 = vector.broadcast %get3A_2026 : vector<1x96xf32> to vector<32x96xf32>
    %add3A_2028 = arith.addf %dot_general3A_2021, %add3A_2027 : vector<32x96xf32>
    %mul3A_2029 = vector.broadcast %get3A_2 : f32 to vector<32x96xf32>
    %mul3A_2030 = arith.mulf %mul3A_2029, %add3A_2028 : vector<32x96xf32>
    %add3A_2031 = arith.addf %get3A_2010, %mul3A_2030 : vector<32x96xf32>
    %swap3A_2032 = arith.constant 768 : index
    %swap3A_2033 = arith.constant 0 : index
    %swap3A_2034 = vector.load %arg8[%swap3A_2032, %swap3A_2033] : memref<3376x128xf32, #tpu.memory_space<vmem>>, vector<32x96xf32>
    tpu.vector_store %arg8[%swap3A_2032, %swap3A_2033], %add3A_2031 {strides = array<i32>} : memref<3376x128xf32, #tpu.memory_space<vmem>>, vector<32x96xf32>,
    %get3A_2035 = arith.constant 800 : index
    %get3A_2036 = arith.constant 0 : index
    %get3A_2037 = vector.load %arg2[%get3A_2035, %get3A_2036] : memref<3376x128xf32, #tpu.memory_space<vmem>>, vector<32x96xf32>
    %get3A_2038 = arith.constant 800 : index
    %get3A_2039 = arith.constant 0 : index
    %get3A_2040 = vector.load %arg9[%get3A_2038, %get3A_2039] : memref<2048x192xf32, #tpu.memory_space<vmem>>, vector<32x192xf32>
    %convert_element_type3A_2041 = arith.truncf %get3A_2040 : vector<32x192xf32> to vector<32x192xbf16>
    %get3A_2042 = arith.constant 25 : index
    %get3A_2043 = arith.constant 0 : index
    %get3A_2044 = arith.constant 0 : index
    %get3A_2045 = vector.load %arg5[%get3A_2042, %get3A_2043, %get3A_2044] : memref<64x192x96xbf16, #tpu.memory_space<vmem>>, vector<1x192x96xbf16>
    %get3A_2046 = vector.shape_cast %get3A_2045 : vector<1x192x96xbf16> to vector<192x96xbf16>
    %dot_general3A_2047 = arith.constant dense<0.000000e+00> : vector<32x96xf32>
    %dot_general3A_2048 = tpu.matmul %convert_element_type3A_2041, %get3A_2046, %dot_general3A_2047 {dimension_numbers = #tpu.dot_dimension_numbers<[1], [0], [0], [1], [0, 0, 1, 1], [], []>, transpose_lhs_hint = false} : vector<32x192xbf16>, vector<192x96xbf16>, vector<32x96xf32> -> vector<32x96xf32>
    %get3A_2049 = arith.constant 25 : index
    %get3A_2050 = arith.constant 0 : index
    %get3A_2051 = arith.constant 0 : index
    %get3A_2052 = vector.load %arg6[%get3A_2049, %get3A_2050, %get3A_2051] : memref<64x1x96xf32, #tpu.memory_space<vmem>>, vector<1x1x96xf32>
    %get3A_2053 = vector.shape_cast %get3A_2052 : vector<1x1x96xf32> to vector<1x96xf32>
    %add3A_2054 = vector.broadcast %get3A_2053 : vector<1x96xf32> to vector<32x96xf32>
    %add3A_2055 = arith.addf %dot_general3A_2048, %add3A_2054 : vector<32x96xf32>
    %mul3A_2056 = vector.broadcast %get3A_2 : f32 to vector<32x96xf32>
    %mul3A_2057 = arith.mulf %mul3A_2056, %add3A_2055 : vector<32x96xf32>
    %add3A_2058 = arith.addf %get3A_2037, %mul3A_2057 : vector<32x96xf32>
    %swap3A_2059 = arith.constant 800 : index
    %swap3A_2060 = arith.constant 0 : index
    %swap3A_2061 = vector.load %arg8[%swap3A_2059, %swap3A_2060] : memref<3376x128xf32, #tpu.memory_space<vmem>>, vector<32x96xf32>
    tpu.vector_store %arg8[%swap3A_2059, %swap3A_2060], %add3A_2058 {strides = array<i32>} : memref<3376x128xf32, #tpu.memory_space<vmem>>, vector<32x96xf32>,
    %get3A_2062 = arith.constant 832 : index
    %get3A_2063 = arith.constant 0 : index
    %get3A_2064 = vector.load %arg2[%get3A_2062, %get3A_2063] : memref<3376x128xf32, #tpu.memory_space<vmem>>, vector<32x96xf32>
    %get3A_2065 = arith.constant 832 : index
    %get3A_2066 = arith.constant 0 : index
    %get3A_2067 = vector.load %arg9[%get3A_2065, %get3A_2066] : memref<2048x192xf32, #tpu.memory_space<vmem>>, vector<32x192xf32>
    %convert_element_type3A_2068 = arith.truncf %get3A_2067 : vector<32x192xf32> to vector<32x192xbf16>
    %get3A_2069 = arith.constant 26 : index
    %get3A_2070 = arith.constant 0 : index
    %get3A_2071 = arith.constant 0 : index
    %get3A_2072 = vector.load %arg5[%get3A_2069, %get3A_2070, %get3A_2071] : memref<64x192x96xbf16, #tpu.memory_space<vmem>>, vector<1x192x96xbf16>
    %get3A_2073 = vector.shape_cast %get3A_2072 : vector<1x192x96xbf16> to vector<192x96xbf16>
    %dot_general3A_2074 = arith.constant dense<0.000000e+00> : vector<32x96xf32>
    %dot_general3A_2075 = tpu.matmul %convert_element_type3A_2068, %get3A_2073, %dot_general3A_2074 {dimension_numbers = #tpu.dot_dimension_numbers<[1], [0], [0], [1], [0, 0, 1, 1], [], []>, transpose_lhs_hint = false} : vector<32x192xbf16>, vector<192x96xbf16>, vector<32x96xf32> -> vector<32x96xf32>
    %get3A_2076 = arith.constant 26 : index
    %get3A_2077 = arith.constant 0 : index
    %get3A_2078 = arith.constant 0 : index
    %get3A_2079 = vector.load %arg6[%get3A_2076, %get3A_2077, %get3A_2078] : memref<64x1x96xf32, #tpu.memory_space<vmem>>, vector<1x1x96xf32>
    %get3A_2080 = vector.shape_cast %get3A_2079 : vector<1x1x96xf32> to vector<1x96xf32>
    %add3A_2081 = vector.broadcast %get3A_2080 : vector<1x96xf32> to vector<32x96xf32>
    %add3A_2082 = arith.addf %dot_general3A_2075, %add3A_2081 : vector<32x96xf32>
    %mul3A_2083 = vector.broadcast %get3A_2 : f32 to vector<32x96xf32>
    %mul3A_2084 = arith.mulf %mul3A_2083, %add3A_2082 : vector<32x96xf32>
    %add3A_2085 = arith.addf %get3A_2064, %mul3A_2084 : vector<32x96xf32>
    %swap3A_2086 = arith.constant 832 : index
    %swap3A_2087 = arith.constant 0 : index
    %swap3A_2088 = vector.load %arg8[%swap3A_2086, %swap3A_2087] : memref<3376x128xf32, #tpu.memory_space<vmem>>, vector<32x96xf32>
    tpu.vector_store %arg8[%swap3A_2086, %swap3A_2087], %add3A_2085 {strides = array<i32>} : memref<3376x128xf32, #tpu.memory_space<vmem>>, vector<32x96xf32>,
    %get3A_2089 = arith.constant 864 : index
    %get3A_2090 = arith.constant 0 : index
    %get3A_2091 = vector.load %arg2[%get3A_2089, %get3A_2090] : memref<3376x128xf32, #tpu.memory_space<vmem>>, vector<32x96xf32>
    %get3A_2092 = arith.constant 864 : index
    %get3A_2093 = arith.constant 0 : index
    %get3A_2094 = vector.load %arg9[%get3A_2092, %get3A_2093] : memref<2048x192xf32, #tpu.memory_space<vmem>>, vector<32x192xf32>
    %convert_element_type3A_2095 = arith.truncf %get3A_2094 : vector<32x192xf32> to vector<32x192xbf16>
    %get3A_2096 = arith.constant 27 : index
    %get3A_2097 = arith.constant 0 : index
    %get3A_2098 = arith.constant 0 : index
    %get3A_2099 = vector.load %arg5[%get3A_2096, %get3A_2097, %get3A_2098] : memref<64x192x96xbf16, #tpu.memory_space<vmem>>, vector<1x192x96xbf16>
    %get3A_2100 = vector.shape_cast %get3A_2099 : vector<1x192x96xbf16> to vector<192x96xbf16>
    %dot_general3A_2101 = arith.constant dense<0.000000e+00> : vector<32x96xf32>
    %dot_general3A_2102 = tpu.matmul %convert_element_type3A_2095, %get3A_2100, %dot_general3A_2101 {dimension_numbers = #tpu.dot_dimension_numbers<[1], [0], [0], [1], [0, 0, 1, 1], [], []>, transpose_lhs_hint = false} : vector<32x192xbf16>, vector<192x96xbf16>, vector<32x96xf32> -> vector<32x96xf32>
    %get3A_2103 = arith.constant 27 : index
    %get3A_2104 = arith.constant 0 : index
    %get3A_2105 = arith.constant 0 : index
    %get3A_2106 = vector.load %arg6[%get3A_2103, %get3A_2104, %get3A_2105] : memref<64x1x96xf32, #tpu.memory_space<vmem>>, vector<1x1x96xf32>
    %get3A_2107 = vector.shape_cast %get3A_2106 : vector<1x1x96xf32> to vector<1x96xf32>
    %add3A_2108 = vector.broadcast %get3A_2107 : vector<1x96xf32> to vector<32x96xf32>
    %add3A_2109 = arith.addf %dot_general3A_2102, %add3A_2108 : vector<32x96xf32>
    %mul3A_2110 = vector.broadcast %get3A_2 : f32 to vector<32x96xf32>
    %mul3A_2111 = arith.mulf %mul3A_2110, %add3A_2109 : vector<32x96xf32>
    %add3A_2112 = arith.addf %get3A_2091, %mul3A_2111 : vector<32x96xf32>
    %swap3A_2113 = arith.constant 864 : index
    %swap3A_2114 = arith.constant 0 : index
    %swap3A_2115 = vector.load %arg8[%swap3A_2113, %swap3A_2114] : memref<3376x128xf32, #tpu.memory_space<vmem>>, vector<32x96xf32>
    tpu.vector_store %arg8[%swap3A_2113, %swap3A_2114], %add3A_2112 {strides = array<i32>} : memref<3376x128xf32, #tpu.memory_space<vmem>>, vector<32x96xf32>,
    %get3A_2116 = arith.constant 896 : index
    %get3A_2117 = arith.constant 0 : index
    %get3A_2118 = vector.load %arg2[%get3A_2116, %get3A_2117] : memref<3376x128xf32, #tpu.memory_space<vmem>>, vector<32x96xf32>
    %get3A_2119 = arith.constant 896 : index
    %get3A_2120 = arith.constant 0 : index
    %get3A_2121 = vector.load %arg9[%get3A_2119, %get3A_2120] : memref<2048x192xf32, #tpu.memory_space<vmem>>, vector<32x192xf32>
    %convert_element_type3A_2122 = arith.truncf %get3A_2121 : vector<32x192xf32> to vector<32x192xbf16>
    %get3A_2123 = arith.constant 28 : index
    %get3A_2124 = arith.constant 0 : index
    %get3A_2125 = arith.constant 0 : index
    %get3A_2126 = vector.load %arg5[%get3A_2123, %get3A_2124, %get3A_2125] : memref<64x192x96xbf16, #tpu.memory_space<vmem>>, vector<1x192x96xbf16>
    %get3A_2127 = vector.shape_cast %get3A_2126 : vector<1x192x96xbf16> to vector<192x96xbf16>
    %dot_general3A_2128 = arith.constant dense<0.000000e+00> : vector<32x96xf32>
    %dot_general3A_2129 = tpu.matmul %convert_element_type3A_2122, %get3A_2127, %dot_general3A_2128 {dimension_numbers = #tpu.dot_dimension_numbers<[1], [0], [0], [1], [0, 0, 1, 1], [], []>, transpose_lhs_hint = false} : vector<32x192xbf16>, vector<192x96xbf16>, vector<32x96xf32> -> vector<32x96xf32>
    %get3A_2130 = arith.constant 28 : index
    %get3A_2131 = arith.constant 0 : index
    %get3A_2132 = arith.constant 0 : index
    %get3A_2133 = vector.load %arg6[%get3A_2130, %get3A_2131, %get3A_2132] : memref<64x1x96xf32, #tpu.memory_space<vmem>>, vector<1x1x96xf32>
    %get3A_2134 = vector.shape_cast %get3A_2133 : vector<1x1x96xf32> to vector<1x96xf32>
    %add3A_2135 = vector.broadcast %get3A_2134 : vector<1x96xf32> to vector<32x96xf32>
    %add3A_2136 = arith.addf %dot_general3A_2129, %add3A_2135 : vector<32x96xf32>
    %mul3A_2137 = vector.broadcast %get3A_2 : f32 to vector<32x96xf32>
    %mul3A_2138 = arith.mulf %mul3A_2137, %add3A_2136 : vector<32x96xf32>
    %add3A_2139 = arith.addf %get3A_2118, %mul3A_2138 : vector<32x96xf32>
    %swap3A_2140 = arith.constant 896 : index
    %swap3A_2141 = arith.constant 0 : index
    %swap3A_2142 = vector.load %arg8[%swap3A_2140, %swap3A_2141] : memref<3376x128xf32, #tpu.memory_space<vmem>>, vector<32x96xf32>
    tpu.vector_store %arg8[%swap3A_2140, %swap3A_2141], %add3A_2139 {strides = array<i32>} : memref<3376x128xf32, #tpu.memory_space<vmem>>, vector<32x96xf32>,
    %get3A_2143 = arith.constant 928 : index
    %get3A_2144 = arith.constant 0 : index
    %get3A_2145 = vector.load %arg2[%get3A_2143, %get3A_2144] : memref<3376x128xf32, #tpu.memory_space<vmem>>, vector<32x96xf32>
    %get3A_2146 = arith.constant 928 : index
    %get3A_2147 = arith.constant 0 : index
    %get3A_2148 = vector.load %arg9[%get3A_2146, %get3A_2147] : memref<2048x192xf32, #tpu.memory_space<vmem>>, vector<32x192xf32>
    %convert_element_type3A_2149 = arith.truncf %get3A_2148 : vector<32x192xf32> to vector<32x192xbf16>
    %get3A_2150 = arith.constant 29 : index
    %get3A_2151 = arith.constant 0 : index
    %get3A_2152 = arith.constant 0 : index
    %get3A_2153 = vector.load %arg5[%get3A_2150, %get3A_2151, %get3A_2152] : memref<64x192x96xbf16, #tpu.memory_space<vmem>>, vector<1x192x96xbf16>
    %get3A_2154 = vector.shape_cast %get3A_2153 : vector<1x192x96xbf16> to vector<192x96xbf16>
    %dot_general3A_2155 = arith.constant dense<0.000000e+00> : vector<32x96xf32>
    %dot_general3A_2156 = tpu.matmul %convert_element_type3A_2149, %get3A_2154, %dot_general3A_2155 {dimension_numbers = #tpu.dot_dimension_numbers<[1], [0], [0], [1], [0, 0, 1, 1], [], []>, transpose_lhs_hint = false} : vector<32x192xbf16>, vector<192x96xbf16>, vector<32x96xf32> -> vector<32x96xf32>
    %get3A_2157 = arith.constant 29 : index
    %get3A_2158 = arith.constant 0 : index
    %get3A_2159 = arith.constant 0 : index
    %get3A_2160 = vector.load %arg6[%get3A_2157, %get3A_2158, %get3A_2159] : memref<64x1x96xf32, #tpu.memory_space<vmem>>, vector<1x1x96xf32>
    %get3A_2161 = vector.shape_cast %get3A_2160 : vector<1x1x96xf32> to vector<1x96xf32>
    %add3A_2162 = vector.broadcast %get3A_2161 : vector<1x96xf32> to vector<32x96xf32>
    %add3A_2163 = arith.addf %dot_general3A_2156, %add3A_2162 : vector<32x96xf32>
    %mul3A_2164 = vector.broadcast %get3A_2 : f32 to vector<32x96xf32>
    %mul3A_2165 = arith.mulf %mul3A_2164, %add3A_2163 : vector<32x96xf32>
    %add3A_2166 = arith.addf %get3A_2145, %mul3A_2165 : vector<32x96xf32>
    %swap3A_2167 = arith.constant 928 : index
    %swap3A_2168 = arith.constant 0 : index
    %swap3A_2169 = vector.load %arg8[%swap3A_2167, %swap3A_2168] : memref<3376x128xf32, #tpu.memory_space<vmem>>, vector<32x96xf32>
    tpu.vector_store %arg8[%swap3A_2167, %swap3A_2168], %add3A_2166 {strides = array<i32>} : memref<3376x128xf32, #tpu.memory_space<vmem>>, vector<32x96xf32>,
    %get3A_2170 = arith.constant 960 : index
    %get3A_2171 = arith.constant 0 : index
    %get3A_2172 = vector.load %arg2[%get3A_2170, %get3A_2171] : memref<3376x128xf32, #tpu.memory_space<vmem>>, vector<32x96xf32>
    %get3A_2173 = arith.constant 960 : index
    %get3A_2174 = arith.constant 0 : index
    %get3A_2175 = vector.load %arg9[%get3A_2173, %get3A_2174] : memref<2048x192xf32, #tpu.memory_space<vmem>>, vector<32x192xf32>
    %convert_element_type3A_2176 = arith.truncf %get3A_2175 : vector<32x192xf32> to vector<32x192xbf16>
    %get3A_2177 = arith.constant 30 : index
    %get3A_2178 = arith.constant 0 : index
    %get3A_2179 = arith.constant 0 : index
    %get3A_2180 = vector.load %arg5[%get3A_2177, %get3A_2178, %get3A_2179] : memref<64x192x96xbf16, #tpu.memory_space<vmem>>, vector<1x192x96xbf16>
    %get3A_2181 = vector.shape_cast %get3A_2180 : vector<1x192x96xbf16> to vector<192x96xbf16>
    %dot_general3A_2182 = arith.constant dense<0.000000e+00> : vector<32x96xf32>
    %dot_general3A_2183 = tpu.matmul %convert_element_type3A_2176, %get3A_2181, %dot_general3A_2182 {dimension_numbers = #tpu.dot_dimension_numbers<[1], [0], [0], [1], [0, 0, 1, 1], [], []>, transpose_lhs_hint = false} : vector<32x192xbf16>, vector<192x96xbf16>, vector<32x96xf32> -> vector<32x96xf32>
    %get3A_2184 = arith.constant 30 : index
    %get3A_2185 = arith.constant 0 : index
    %get3A_2186 = arith.constant 0 : index
    %get3A_2187 = vector.load %arg6[%get3A_2184, %get3A_2185, %get3A_2186] : memref<64x1x96xf32, #tpu.memory_space<vmem>>, vector<1x1x96xf32>
    %get3A_2188 = vector.shape_cast %get3A_2187 : vector<1x1x96xf32> to vector<1x96xf32>
    %add3A_2189 = vector.broadcast %get3A_2188 : vector<1x96xf32> to vector<32x96xf32>
    %add3A_2190 = arith.addf %dot_general3A_2183, %add3A_2189 : vector<32x96xf32>
    %mul3A_2191 = vector.broadcast %get3A_2 : f32 to vector<32x96xf32>
    %mul3A_2192 = arith.mulf %mul3A_2191, %add3A_2190 : vector<32x96xf32>
    %add3A_2193 = arith.addf %get3A_2172, %mul3A_2192 : vector<32x96xf32>
    %swap3A_2194 = arith.constant 960 : index
    %swap3A_2195 = arith.constant 0 : index
    %swap3A_2196 = vector.load %arg8[%swap3A_2194, %swap3A_2195] : memref<3376x128xf32, #tpu.memory_space<vmem>>, vector<32x96xf32>
    tpu.vector_store %arg8[%swap3A_2194, %swap3A_2195], %add3A_2193 {strides = array<i32>} : memref<3376x128xf32, #tpu.memory_space<vmem>>, vector<32x96xf32>,
    %get3A_2197 = arith.constant 992 : index
    %get3A_2198 = arith.constant 0 : index
    %get3A_2199 = vector.load %arg2[%get3A_2197, %get3A_2198] : memref<3376x128xf32, #tpu.memory_space<vmem>>, vector<32x96xf32>
    %get3A_2200 = arith.constant 992 : index
    %get3A_2201 = arith.constant 0 : index
    %get3A_2202 = vector.load %arg9[%get3A_2200, %get3A_2201] : memref<2048x192xf32, #tpu.memory_space<vmem>>, vector<32x192xf32>
    %convert_element_type3A_2203 = arith.truncf %get3A_2202 : vector<32x192xf32> to vector<32x192xbf16>
    %get3A_2204 = arith.constant 31 : index
    %get3A_2205 = arith.constant 0 : index
    %get3A_2206 = arith.constant 0 : index
    %get3A_2207 = vector.load %arg5[%get3A_2204, %get3A_2205, %get3A_2206] : memref<64x192x96xbf16, #tpu.memory_space<vmem>>, vector<1x192x96xbf16>
    %get3A_2208 = vector.shape_cast %get3A_2207 : vector<1x192x96xbf16> to vector<192x96xbf16>
    %dot_general3A_2209 = arith.constant dense<0.000000e+00> : vector<32x96xf32>
    %dot_general3A_2210 = tpu.matmul %convert_element_type3A_2203, %get3A_2208, %dot_general3A_2209 {dimension_numbers = #tpu.dot_dimension_numbers<[1], [0], [0], [1], [0, 0, 1, 1], [], []>, transpose_lhs_hint = false} : vector<32x192xbf16>, vector<192x96xbf16>, vector<32x96xf32> -> vector<32x96xf32>
    %get3A_2211 = arith.constant 31 : index
    %get3A_2212 = arith.constant 0 : index
    %get3A_2213 = arith.constant 0 : index
    %get3A_2214 = vector.load %arg6[%get3A_2211, %get3A_2212, %get3A_2213] : memref<64x1x96xf32, #tpu.memory_space<vmem>>, vector<1x1x96xf32>
    %get3A_2215 = vector.shape_cast %get3A_2214 : vector<1x1x96xf32> to vector<1x96xf32>
    %add3A_2216 = vector.broadcast %get3A_2215 : vector<1x96xf32> to vector<32x96xf32>
    %add3A_2217 = arith.addf %dot_general3A_2210, %add3A_2216 : vector<32x96xf32>
    %mul3A_2218 = vector.broadcast %get3A_2 : f32 to vector<32x96xf32>
    %mul3A_2219 = arith.mulf %mul3A_2218, %add3A_2217 : vector<32x96xf32>
    %add3A_2220 = arith.addf %get3A_2199, %mul3A_2219 : vector<32x96xf32>
    %swap3A_2221 = arith.constant 992 : index
    %swap3A_2222 = arith.constant 0 : index
    %swap3A_2223 = vector.load %arg8[%swap3A_2221, %swap3A_2222] : memref<3376x128xf32, #tpu.memory_space<vmem>>, vector<32x96xf32>
    tpu.vector_store %arg8[%swap3A_2221, %swap3A_2222], %add3A_2220 {strides = array<i32>} : memref<3376x128xf32, #tpu.memory_space<vmem>>, vector<32x96xf32>,
    %get3A_2224 = arith.constant 1024 : index
    %get3A_2225 = arith.constant 0 : index
    %get3A_2226 = vector.load %arg2[%get3A_2224, %get3A_2225] : memref<3376x128xf32, #tpu.memory_space<vmem>>, vector<32x96xf32>
    %get3A_2227 = arith.constant 1024 : index
    %get3A_2228 = arith.constant 0 : index
    %get3A_2229 = vector.load %arg9[%get3A_2227, %get3A_2228] : memref<2048x192xf32, #tpu.memory_space<vmem>>, vector<32x192xf32>
    %convert_element_type3A_2230 = arith.truncf %get3A_2229 : vector<32x192xf32> to vector<32x192xbf16>
    %get3A_2231 = arith.constant 32 : index
    %get3A_2232 = arith.constant 0 : index
    %get3A_2233 = arith.constant 0 : index
    %get3A_2234 = vector.load %arg5[%get3A_2231, %get3A_2232, %get3A_2233] : memref<64x192x96xbf16, #tpu.memory_space<vmem>>, vector<1x192x96xbf16>
    %get3A_2235 = vector.shape_cast %get3A_2234 : vector<1x192x96xbf16> to vector<192x96xbf16>
    %dot_general3A_2236 = arith.constant dense<0.000000e+00> : vector<32x96xf32>
    %dot_general3A_2237 = tpu.matmul %convert_element_type3A_2230, %get3A_2235, %dot_general3A_2236 {dimension_numbers = #tpu.dot_dimension_numbers<[1], [0], [0], [1], [0, 0, 1, 1], [], []>, transpose_lhs_hint = false} : vector<32x192xbf16>, vector<192x96xbf16>, vector<32x96xf32> -> vector<32x96xf32>
    %get3A_2238 = arith.constant 32 : index
    %get3A_2239 = arith.constant 0 : index
    %get3A_2240 = arith.constant 0 : index
    %get3A_2241 = vector.load %arg6[%get3A_2238, %get3A_2239, %get3A_2240] : memref<64x1x96xf32, #tpu.memory_space<vmem>>, vector<1x1x96xf32>
    %get3A_2242 = vector.shape_cast %get3A_2241 : vector<1x1x96xf32> to vector<1x96xf32>
    %add3A_2243 = vector.broadcast %get3A_2242 : vector<1x96xf32> to vector<32x96xf32>
    %add3A_2244 = arith.addf %dot_general3A_2237, %add3A_2243 : vector<32x96xf32>
    %mul3A_2245 = vector.broadcast %get3A_2 : f32 to vector<32x96xf32>
    %mul3A_2246 = arith.mulf %mul3A_2245, %add3A_2244 : vector<32x96xf32>
    %add3A_2247 = arith.addf %get3A_2226, %mul3A_2246 : vector<32x96xf32>
    %swap3A_2248 = arith.constant 1024 : index
    %swap3A_2249 = arith.constant 0 : index
    %swap3A_2250 = vector.load %arg8[%swap3A_2248, %swap3A_2249] : memref<3376x128xf32, #tpu.memory_space<vmem>>, vector<32x96xf32>
    tpu.vector_store %arg8[%swap3A_2248, %swap3A_2249], %add3A_2247 {strides = array<i32>} : memref<3376x128xf32, #tpu.memory_space<vmem>>, vector<32x96xf32>,
    %get3A_2251 = arith.constant 1056 : index
    %get3A_2252 = arith.constant 0 : index
    %get3A_2253 = vector.load %arg2[%get3A_2251, %get3A_2252] : memref<3376x128xf32, #tpu.memory_space<vmem>>, vector<32x96xf32>
    %get3A_2254 = arith.constant 1056 : index
    %get3A_2255 = arith.constant 0 : index
    %get3A_2256 = vector.load %arg9[%get3A_2254, %get3A_2255] : memref<2048x192xf32, #tpu.memory_space<vmem>>, vector<32x192xf32>
    %convert_element_type3A_2257 = arith.truncf %get3A_2256 : vector<32x192xf32> to vector<32x192xbf16>
    %get3A_2258 = arith.constant 33 : index
    %get3A_2259 = arith.constant 0 : index
    %get3A_2260 = arith.constant 0 : index
    %get3A_2261 = vector.load %arg5[%get3A_2258, %get3A_2259, %get3A_2260] : memref<64x192x96xbf16, #tpu.memory_space<vmem>>, vector<1x192x96xbf16>
    %get3A_2262 = vector.shape_cast %get3A_2261 : vector<1x192x96xbf16> to vector<192x96xbf16>
    %dot_general3A_2263 = arith.constant dense<0.000000e+00> : vector<32x96xf32>
    %dot_general3A_2264 = tpu.matmul %convert_element_type3A_2257, %get3A_2262, %dot_general3A_2263 {dimension_numbers = #tpu.dot_dimension_numbers<[1], [0], [0], [1], [0, 0, 1, 1], [], []>, transpose_lhs_hint = false} : vector<32x192xbf16>, vector<192x96xbf16>, vector<32x96xf32> -> vector<32x96xf32>
    %get3A_2265 = arith.constant 33 : index
    %get3A_2266 = arith.constant 0 : index
    %get3A_2267 = arith.constant 0 : index
    %get3A_2268 = vector.load %arg6[%get3A_2265, %get3A_2266, %get3A_2267] : memref<64x1x96xf32, #tpu.memory_space<vmem>>, vector<1x1x96xf32>
    %get3A_2269 = vector.shape_cast %get3A_2268 : vector<1x1x96xf32> to vector<1x96xf32>
    %add3A_2270 = vector.broadcast %get3A_2269 : vector<1x96xf32> to vector<32x96xf32>
    %add3A_2271 = arith.addf %dot_general3A_2264, %add3A_2270 : vector<32x96xf32>
    %mul3A_2272 = vector.broadcast %get3A_2 : f32 to vector<32x96xf32>
    %mul3A_2273 = arith.mulf %mul3A_2272, %add3A_2271 : vector<32x96xf32>
    %add3A_2274 = arith.addf %get3A_2253, %mul3A_2273 : vector<32x96xf32>
    %swap3A_2275 = arith.constant 1056 : index
    %swap3A_2276 = arith.constant 0 : index
    %swap3A_2277 = vector.load %arg8[%swap3A_2275, %swap3A_2276] : memref<3376x128xf32, #tpu.memory_space<vmem>>, vector<32x96xf32>
    tpu.vector_store %arg8[%swap3A_2275, %swap3A_2276], %add3A_2274 {strides = array<i32>} : memref<3376x128xf32, #tpu.memory_space<vmem>>, vector<32x96xf32>,
    %get3A_2278 = arith.constant 1088 : index
    %get3A_2279 = arith.constant 0 : index
    %get3A_2280 = vector.load %arg2[%get3A_2278, %get3A_2279] : memref<3376x128xf32, #tpu.memory_space<vmem>>, vector<32x96xf32>
    %get3A_2281 = arith.constant 1088 : index
    %get3A_2282 = arith.constant 0 : index
    %get3A_2283 = vector.load %arg9[%get3A_2281, %get3A_2282] : memref<2048x192xf32, #tpu.memory_space<vmem>>, vector<32x192xf32>
    %convert_element_type3A_2284 = arith.truncf %get3A_2283 : vector<32x192xf32> to vector<32x192xbf16>
    %get3A_2285 = arith.constant 34 : index
    %get3A_2286 = arith.constant 0 : index
    %get3A_2287 = arith.constant 0 : index
    %get3A_2288 = vector.load %arg5[%get3A_2285, %get3A_2286, %get3A_2287] : memref<64x192x96xbf16, #tpu.memory_space<vmem>>, vector<1x192x96xbf16>
    %get3A_2289 = vector.shape_cast %get3A_2288 : vector<1x192x96xbf16> to vector<192x96xbf16>
    %dot_general3A_2290 = arith.constant dense<0.000000e+00> : vector<32x96xf32>
    %dot_general3A_2291 = tpu.matmul %convert_element_type3A_2284, %get3A_2289, %dot_general3A_2290 {dimension_numbers = #tpu.dot_dimension_numbers<[1], [0], [0], [1], [0, 0, 1, 1], [], []>, transpose_lhs_hint = false} : vector<32x192xbf16>, vector<192x96xbf16>, vector<32x96xf32> -> vector<32x96xf32>
    %get3A_2292 = arith.constant 34 : index
    %get3A_2293 = arith.constant 0 : index
    %get3A_2294 = arith.constant 0 : index
    %get3A_2295 = vector.load %arg6[%get3A_2292, %get3A_2293, %get3A_2294] : memref<64x1x96xf32, #tpu.memory_space<vmem>>, vector<1x1x96xf32>
    %get3A_2296 = vector.shape_cast %get3A_2295 : vector<1x1x96xf32> to vector<1x96xf32>
    %add3A_2297 = vector.broadcast %get3A_2296 : vector<1x96xf32> to vector<32x96xf32>
    %add3A_2298 = arith.addf %dot_general3A_2291, %add3A_2297 : vector<32x96xf32>
    %mul3A_2299 = vector.broadcast %get3A_2 : f32 to vector<32x96xf32>
    %mul3A_2300 = arith.mulf %mul3A_2299, %add3A_2298 : vector<32x96xf32>
    %add3A_2301 = arith.addf %get3A_2280, %mul3A_2300 : vector<32x96xf32>
    %swap3A_2302 = arith.constant 1088 : index
    %swap3A_2303 = arith.constant 0 : index
    %swap3A_2304 = vector.load %arg8[%swap3A_2302, %swap3A_2303] : memref<3376x128xf32, #tpu.memory_space<vmem>>, vector<32x96xf32>
    tpu.vector_store %arg8[%swap3A_2302, %swap3A_2303], %add3A_2301 {strides = array<i32>} : memref<3376x128xf32, #tpu.memory_space<vmem>>, vector<32x96xf32>,
    %get3A_2305 = arith.constant 1120 : index
    %get3A_2306 = arith.constant 0 : index
    %get3A_2307 = vector.load %arg2[%get3A_2305, %get3A_2306] : memref<3376x128xf32, #tpu.memory_space<vmem>>, vector<32x96xf32>
    %get3A_2308 = arith.constant 1120 : index
    %get3A_2309 = arith.constant 0 : index
    %get3A_2310 = vector.load %arg9[%get3A_2308, %get3A_2309] : memref<2048x192xf32, #tpu.memory_space<vmem>>, vector<32x192xf32>
    %convert_element_type3A_2311 = arith.truncf %get3A_2310 : vector<32x192xf32> to vector<32x192xbf16>
    %get3A_2312 = arith.constant 35 : index
    %get3A_2313 = arith.constant 0 : index
    %get3A_2314 = arith.constant 0 : index
    %get3A_2315 = vector.load %arg5[%get3A_2312, %get3A_2313, %get3A_2314] : memref<64x192x96xbf16, #tpu.memory_space<vmem>>, vector<1x192x96xbf16>
    %get3A_2316 = vector.shape_cast %get3A_2315 : vector<1x192x96xbf16> to vector<192x96xbf16>
    %dot_general3A_2317 = arith.constant dense<0.000000e+00> : vector<32x96xf32>
    %dot_general3A_2318 = tpu.matmul %convert_element_type3A_2311, %get3A_2316, %dot_general3A_2317 {dimension_numbers = #tpu.dot_dimension_numbers<[1], [0], [0], [1], [0, 0, 1, 1], [], []>, transpose_lhs_hint = false} : vector<32x192xbf16>, vector<192x96xbf16>, vector<32x96xf32> -> vector<32x96xf32>
    %get3A_2319 = arith.constant 35 : index
    %get3A_2320 = arith.constant 0 : index
    %get3A_2321 = arith.constant 0 : index
    %get3A_2322 = vector.load %arg6[%get3A_2319, %get3A_2320, %get3A_2321] : memref<64x1x96xf32, #tpu.memory_space<vmem>>, vector<1x1x96xf32>
    %get3A_2323 = vector.shape_cast %get3A_2322 : vector<1x1x96xf32> to vector<1x96xf32>
    %add3A_2324 = vector.broadcast %get3A_2323 : vector<1x96xf32> to vector<32x96xf32>
    %add3A_2325 = arith.addf %dot_general3A_2318, %add3A_2324 : vector<32x96xf32>
    %mul3A_2326 = vector.broadcast %get3A_2 : f32 to vector<32x96xf32>
    %mul3A_2327 = arith.mulf %mul3A_2326, %add3A_2325 : vector<32x96xf32>
    %add3A_2328 = arith.addf %get3A_2307, %mul3A_2327 : vector<32x96xf32>
    %swap3A_2329 = arith.constant 1120 : index
    %swap3A_2330 = arith.constant 0 : index
    %swap3A_2331 = vector.load %arg8[%swap3A_2329, %swap3A_2330] : memref<3376x128xf32, #tpu.memory_space<vmem>>, vector<32x96xf32>
    tpu.vector_store %arg8[%swap3A_2329, %swap3A_2330], %add3A_2328 {strides = array<i32>} : memref<3376x128xf32, #tpu.memory_space<vmem>>, vector<32x96xf32>,
    %get3A_2332 = arith.constant 1152 : index
    %get3A_2333 = arith.constant 0 : index
    %get3A_2334 = vector.load %arg2[%get3A_2332, %get3A_2333] : memref<3376x128xf32, #tpu.memory_space<vmem>>, vector<32x96xf32>
    %get3A_2335 = arith.constant 1152 : index
    %get3A_2336 = arith.constant 0 : index
    %get3A_2337 = vector.load %arg9[%get3A_2335, %get3A_2336] : memref<2048x192xf32, #tpu.memory_space<vmem>>, vector<32x192xf32>
    %convert_element_type3A_2338 = arith.truncf %get3A_2337 : vector<32x192xf32> to vector<32x192xbf16>
    %get3A_2339 = arith.constant 36 : index
    %get3A_2340 = arith.constant 0 : index
    %get3A_2341 = arith.constant 0 : index
    %get3A_2342 = vector.load %arg5[%get3A_2339, %get3A_2340, %get3A_2341] : memref<64x192x96xbf16, #tpu.memory_space<vmem>>, vector<1x192x96xbf16>
    %get3A_2343 = vector.shape_cast %get3A_2342 : vector<1x192x96xbf16> to vector<192x96xbf16>
    %dot_general3A_2344 = arith.constant dense<0.000000e+00> : vector<32x96xf32>
    %dot_general3A_2345 = tpu.matmul %convert_element_type3A_2338, %get3A_2343, %dot_general3A_2344 {dimension_numbers = #tpu.dot_dimension_numbers<[1], [0], [0], [1], [0, 0, 1, 1], [], []>, transpose_lhs_hint = false} : vector<32x192xbf16>, vector<192x96xbf16>, vector<32x96xf32> -> vector<32x96xf32>
    %get3A_2346 = arith.constant 36 : index
    %get3A_2347 = arith.constant 0 : index
    %get3A_2348 = arith.constant 0 : index
    %get3A_2349 = vector.load %arg6[%get3A_2346, %get3A_2347, %get3A_2348] : memref<64x1x96xf32, #tpu.memory_space<vmem>>, vector<1x1x96xf32>
    %get3A_2350 = vector.shape_cast %get3A_2349 : vector<1x1x96xf32> to vector<1x96xf32>
    %add3A_2351 = vector.broadcast %get3A_2350 : vector<1x96xf32> to vector<32x96xf32>
    %add3A_2352 = arith.addf %dot_general3A_2345, %add3A_2351 : vector<32x96xf32>
    %mul3A_2353 = vector.broadcast %get3A_2 : f32 to vector<32x96xf32>
    %mul3A_2354 = arith.mulf %mul3A_2353, %add3A_2352 : vector<32x96xf32>
    %add3A_2355 = arith.addf %get3A_2334, %mul3A_2354 : vector<32x96xf32>
    %swap3A_2356 = arith.constant 1152 : index
    %swap3A_2357 = arith.constant 0 : index
    %swap3A_2358 = vector.load %arg8[%swap3A_2356, %swap3A_2357] : memref<3376x128xf32, #tpu.memory_space<vmem>>, vector<32x96xf32>
    tpu.vector_store %arg8[%swap3A_2356, %swap3A_2357], %add3A_2355 {strides = array<i32>} : memref<3376x128xf32, #tpu.memory_space<vmem>>, vector<32x96xf32>,
    %get3A_2359 = arith.constant 1184 : index
    %get3A_2360 = arith.constant 0 : index
    %get3A_2361 = vector.load %arg2[%get3A_2359, %get3A_2360] : memref<3376x128xf32, #tpu.memory_space<vmem>>, vector<32x96xf32>
    %get3A_2362 = arith.constant 1184 : index
    %get3A_2363 = arith.constant 0 : index
    %get3A_2364 = vector.load %arg9[%get3A_2362, %get3A_2363] : memref<2048x192xf32, #tpu.memory_space<vmem>>, vector<32x192xf32>
    %convert_element_type3A_2365 = arith.truncf %get3A_2364 : vector<32x192xf32> to vector<32x192xbf16>
    %get3A_2366 = arith.constant 37 : index
    %get3A_2367 = arith.constant 0 : index
    %get3A_2368 = arith.constant 0 : index
    %get3A_2369 = vector.load %arg5[%get3A_2366, %get3A_2367, %get3A_2368] : memref<64x192x96xbf16, #tpu.memory_space<vmem>>, vector<1x192x96xbf16>
    %get3A_2370 = vector.shape_cast %get3A_2369 : vector<1x192x96xbf16> to vector<192x96xbf16>
    %dot_general3A_2371 = arith.constant dense<0.000000e+00> : vector<32x96xf32>
    %dot_general3A_2372 = tpu.matmul %convert_element_type3A_2365, %get3A_2370, %dot_general3A_2371 {dimension_numbers = #tpu.dot_dimension_numbers<[1], [0], [0], [1], [0, 0, 1, 1], [], []>, transpose_lhs_hint = false} : vector<32x192xbf16>, vector<192x96xbf16>, vector<32x96xf32> -> vector<32x96xf32>
    %get3A_2373 = arith.constant 37 : index
    %get3A_2374 = arith.constant 0 : index
    %get3A_2375 = arith.constant 0 : index
    %get3A_2376 = vector.load %arg6[%get3A_2373, %get3A_2374, %get3A_2375] : memref<64x1x96xf32, #tpu.memory_space<vmem>>, vector<1x1x96xf32>
    %get3A_2377 = vector.shape_cast %get3A_2376 : vector<1x1x96xf32> to vector<1x96xf32>
    %add3A_2378 = vector.broadcast %get3A_2377 : vector<1x96xf32> to vector<32x96xf32>
    %add3A_2379 = arith.addf %dot_general3A_2372, %add3A_2378 : vector<32x96xf32>
    %mul3A_2380 = vector.broadcast %get3A_2 : f32 to vector<32x96xf32>
    %mul3A_2381 = arith.mulf %mul3A_2380, %add3A_2379 : vector<32x96xf32>
    %add3A_2382 = arith.addf %get3A_2361, %mul3A_2381 : vector<32x96xf32>
    %swap3A_2383 = arith.constant 1184 : index
    %swap3A_2384 = arith.constant 0 : index
    %swap3A_2385 = vector.load %arg8[%swap3A_2383, %swap3A_2384] : memref<3376x128xf32, #tpu.memory_space<vmem>>, vector<32x96xf32>
    tpu.vector_store %arg8[%swap3A_2383, %swap3A_2384], %add3A_2382 {strides = array<i32>} : memref<3376x128xf32, #tpu.memory_space<vmem>>, vector<32x96xf32>,
    %get3A_2386 = arith.constant 1216 : index
    %get3A_2387 = arith.constant 0 : index
    %get3A_2388 = vector.load %arg2[%get3A_2386, %get3A_2387] : memref<3376x128xf32, #tpu.memory_space<vmem>>, vector<32x96xf32>
    %get3A_2389 = arith.constant 1216 : index
    %get3A_2390 = arith.constant 0 : index
    %get3A_2391 = vector.load %arg9[%get3A_2389, %get3A_2390] : memref<2048x192xf32, #tpu.memory_space<vmem>>, vector<32x192xf32>
    %convert_element_type3A_2392 = arith.truncf %get3A_2391 : vector<32x192xf32> to vector<32x192xbf16>
    %get3A_2393 = arith.constant 38 : index
    %get3A_2394 = arith.constant 0 : index
    %get3A_2395 = arith.constant 0 : index
    %get3A_2396 = vector.load %arg5[%get3A_2393, %get3A_2394, %get3A_2395] : memref<64x192x96xbf16, #tpu.memory_space<vmem>>, vector<1x192x96xbf16>
    %get3A_2397 = vector.shape_cast %get3A_2396 : vector<1x192x96xbf16> to vector<192x96xbf16>
    %dot_general3A_2398 = arith.constant dense<0.000000e+00> : vector<32x96xf32>
    %dot_general3A_2399 = tpu.matmul %convert_element_type3A_2392, %get3A_2397, %dot_general3A_2398 {dimension_numbers = #tpu.dot_dimension_numbers<[1], [0], [0], [1], [0, 0, 1, 1], [], []>, transpose_lhs_hint = false} : vector<32x192xbf16>, vector<192x96xbf16>, vector<32x96xf32> -> vector<32x96xf32>
    %get3A_2400 = arith.constant 38 : index
    %get3A_2401 = arith.constant 0 : index
    %get3A_2402 = arith.constant 0 : index
    %get3A_2403 = vector.load %arg6[%get3A_2400, %get3A_2401, %get3A_2402] : memref<64x1x96xf32, #tpu.memory_space<vmem>>, vector<1x1x96xf32>
    %get3A_2404 = vector.shape_cast %get3A_2403 : vector<1x1x96xf32> to vector<1x96xf32>
    %add3A_2405 = vector.broadcast %get3A_2404 : vector<1x96xf32> to vector<32x96xf32>
    %add3A_2406 = arith.addf %dot_general3A_2399, %add3A_2405 : vector<32x96xf32>
    %mul3A_2407 = vector.broadcast %get3A_2 : f32 to vector<32x96xf32>
    %mul3A_2408 = arith.mulf %mul3A_2407, %add3A_2406 : vector<32x96xf32>
    %add3A_2409 = arith.addf %get3A_2388, %mul3A_2408 : vector<32x96xf32>
    %swap3A_2410 = arith.constant 1216 : index
    %swap3A_2411 = arith.constant 0 : index
    %swap3A_2412 = vector.load %arg8[%swap3A_2410, %swap3A_2411] : memref<3376x128xf32, #tpu.memory_space<vmem>>, vector<32x96xf32>
    tpu.vector_store %arg8[%swap3A_2410, %swap3A_2411], %add3A_2409 {strides = array<i32>} : memref<3376x128xf32, #tpu.memory_space<vmem>>, vector<32x96xf32>,
    %get3A_2413 = arith.constant 1248 : index
    %get3A_2414 = arith.constant 0 : index
    %get3A_2415 = vector.load %arg2[%get3A_2413, %get3A_2414] : memref<3376x128xf32, #tpu.memory_space<vmem>>, vector<32x96xf32>
    %get3A_2416 = arith.constant 1248 : index
    %get3A_2417 = arith.constant 0 : index
    %get3A_2418 = vector.load %arg9[%get3A_2416, %get3A_2417] : memref<2048x192xf32, #tpu.memory_space<vmem>>, vector<32x192xf32>
    %convert_element_type3A_2419 = arith.truncf %get3A_2418 : vector<32x192xf32> to vector<32x192xbf16>
    %get3A_2420 = arith.constant 39 : index
    %get3A_2421 = arith.constant 0 : index
    %get3A_2422 = arith.constant 0 : index
    %get3A_2423 = vector.load %arg5[%get3A_2420, %get3A_2421, %get3A_2422] : memref<64x192x96xbf16, #tpu.memory_space<vmem>>, vector<1x192x96xbf16>
    %get3A_2424 = vector.shape_cast %get3A_2423 : vector<1x192x96xbf16> to vector<192x96xbf16>
    %dot_general3A_2425 = arith.constant dense<0.000000e+00> : vector<32x96xf32>
    %dot_general3A_2426 = tpu.matmul %convert_element_type3A_2419, %get3A_2424, %dot_general3A_2425 {dimension_numbers = #tpu.dot_dimension_numbers<[1], [0], [0], [1], [0, 0, 1, 1], [], []>, transpose_lhs_hint = false} : vector<32x192xbf16>, vector<192x96xbf16>, vector<32x96xf32> -> vector<32x96xf32>
    %get3A_2427 = arith.constant 39 : index
    %get3A_2428 = arith.constant 0 : index
    %get3A_2429 = arith.constant 0 : index
    %get3A_2430 = vector.load %arg6[%get3A_2427, %get3A_2428, %get3A_2429] : memref<64x1x96xf32, #tpu.memory_space<vmem>>, vector<1x1x96xf32>
    %get3A_2431 = vector.shape_cast %get3A_2430 : vector<1x1x96xf32> to vector<1x96xf32>
    %add3A_2432 = vector.broadcast %get3A_2431 : vector<1x96xf32> to vector<32x96xf32>
    %add3A_2433 = arith.addf %dot_general3A_2426, %add3A_2432 : vector<32x96xf32>
    %mul3A_2434 = vector.broadcast %get3A_2 : f32 to vector<32x96xf32>
    %mul3A_2435 = arith.mulf %mul3A_2434, %add3A_2433 : vector<32x96xf32>
    %add3A_2436 = arith.addf %get3A_2415, %mul3A_2435 : vector<32x96xf32>
    %swap3A_2437 = arith.constant 1248 : index
    %swap3A_2438 = arith.constant 0 : index
    %swap3A_2439 = vector.load %arg8[%swap3A_2437, %swap3A_2438] : memref<3376x128xf32, #tpu.memory_space<vmem>>, vector<32x96xf32>
    tpu.vector_store %arg8[%swap3A_2437, %swap3A_2438], %add3A_2436 {strides = array<i32>} : memref<3376x128xf32, #tpu.memory_space<vmem>>, vector<32x96xf32>,
    %get3A_2440 = arith.constant 1280 : index
    %get3A_2441 = arith.constant 0 : index
    %get3A_2442 = vector.load %arg2[%get3A_2440, %get3A_2441] : memref<3376x128xf32, #tpu.memory_space<vmem>>, vector<32x96xf32>
    %get3A_2443 = arith.constant 1280 : index
    %get3A_2444 = arith.constant 0 : index
    %get3A_2445 = vector.load %arg9[%get3A_2443, %get3A_2444] : memref<2048x192xf32, #tpu.memory_space<vmem>>, vector<32x192xf32>
    %convert_element_type3A_2446 = arith.truncf %get3A_2445 : vector<32x192xf32> to vector<32x192xbf16>
    %get3A_2447 = arith.constant 40 : index
    %get3A_2448 = arith.constant 0 : index
    %get3A_2449 = arith.constant 0 : index
    %get3A_2450 = vector.load %arg5[%get3A_2447, %get3A_2448, %get3A_2449] : memref<64x192x96xbf16, #tpu.memory_space<vmem>>, vector<1x192x96xbf16>
    %get3A_2451 = vector.shape_cast %get3A_2450 : vector<1x192x96xbf16> to vector<192x96xbf16>
    %dot_general3A_2452 = arith.constant dense<0.000000e+00> : vector<32x96xf32>
    %dot_general3A_2453 = tpu.matmul %convert_element_type3A_2446, %get3A_2451, %dot_general3A_2452 {dimension_numbers = #tpu.dot_dimension_numbers<[1], [0], [0], [1], [0, 0, 1, 1], [], []>, transpose_lhs_hint = false} : vector<32x192xbf16>, vector<192x96xbf16>, vector<32x96xf32> -> vector<32x96xf32>
    %get3A_2454 = arith.constant 40 : index
    %get3A_2455 = arith.constant 0 : index
    %get3A_2456 = arith.constant 0 : index
    %get3A_2457 = vector.load %arg6[%get3A_2454, %get3A_2455, %get3A_2456] : memref<64x1x96xf32, #tpu.memory_space<vmem>>, vector<1x1x96xf32>
    %get3A_2458 = vector.shape_cast %get3A_2457 : vector<1x1x96xf32> to vector<1x96xf32>
    %add3A_2459 = vector.broadcast %get3A_2458 : vector<1x96xf32> to vector<32x96xf32>
    %add3A_2460 = arith.addf %dot_general3A_2453, %add3A_2459 : vector<32x96xf32>
    %mul3A_2461 = vector.broadcast %get3A_2 : f32 to vector<32x96xf32>
    %mul3A_2462 = arith.mulf %mul3A_2461, %add3A_2460 : vector<32x96xf32>
    %add3A_2463 = arith.addf %get3A_2442, %mul3A_2462 : vector<32x96xf32>
    %swap3A_2464 = arith.constant 1280 : index
    %swap3A_2465 = arith.constant 0 : index
    %swap3A_2466 = vector.load %arg8[%swap3A_2464, %swap3A_2465] : memref<3376x128xf32, #tpu.memory_space<vmem>>, vector<32x96xf32>
    tpu.vector_store %arg8[%swap3A_2464, %swap3A_2465], %add3A_2463 {strides = array<i32>} : memref<3376x128xf32, #tpu.memory_space<vmem>>, vector<32x96xf32>,
    %get3A_2467 = arith.constant 1312 : index
    %get3A_2468 = arith.constant 0 : index
    %get3A_2469 = vector.load %arg2[%get3A_2467, %get3A_2468] : memref<3376x128xf32, #tpu.memory_space<vmem>>, vector<32x96xf32>
    %get3A_2470 = arith.constant 1312 : index
    %get3A_2471 = arith.constant 0 : index
    %get3A_2472 = vector.load %arg9[%get3A_2470, %get3A_2471] : memref<2048x192xf32, #tpu.memory_space<vmem>>, vector<32x192xf32>
    %convert_element_type3A_2473 = arith.truncf %get3A_2472 : vector<32x192xf32> to vector<32x192xbf16>
    %get3A_2474 = arith.constant 41 : index
    %get3A_2475 = arith.constant 0 : index
    %get3A_2476 = arith.constant 0 : index
    %get3A_2477 = vector.load %arg5[%get3A_2474, %get3A_2475, %get3A_2476] : memref<64x192x96xbf16, #tpu.memory_space<vmem>>, vector<1x192x96xbf16>
    %get3A_2478 = vector.shape_cast %get3A_2477 : vector<1x192x96xbf16> to vector<192x96xbf16>
    %dot_general3A_2479 = arith.constant dense<0.000000e+00> : vector<32x96xf32>
    %dot_general3A_2480 = tpu.matmul %convert_element_type3A_2473, %get3A_2478, %dot_general3A_2479 {dimension_numbers = #tpu.dot_dimension_numbers<[1], [0], [0], [1], [0, 0, 1, 1], [], []>, transpose_lhs_hint = false} : vector<32x192xbf16>, vector<192x96xbf16>, vector<32x96xf32> -> vector<32x96xf32>
    %get3A_2481 = arith.constant 41 : index
    %get3A_2482 = arith.constant 0 : index
    %get3A_2483 = arith.constant 0 : index
    %get3A_2484 = vector.load %arg6[%get3A_2481, %get3A_2482, %get3A_2483] : memref<64x1x96xf32, #tpu.memory_space<vmem>>, vector<1x1x96xf32>
    %get3A_2485 = vector.shape_cast %get3A_2484 : vector<1x1x96xf32> to vector<1x96xf32>
    %add3A_2486 = vector.broadcast %get3A_2485 : vector<1x96xf32> to vector<32x96xf32>
    %add3A_2487 = arith.addf %dot_general3A_2480, %add3A_2486 : vector<32x96xf32>
    %mul3A_2488 = vector.broadcast %get3A_2 : f32 to vector<32x96xf32>
    %mul3A_2489 = arith.mulf %mul3A_2488, %add3A_2487 : vector<32x96xf32>
    %add3A_2490 = arith.addf %get3A_2469, %mul3A_2489 : vector<32x96xf32>
    %swap3A_2491 = arith.constant 1312 : index
    %swap3A_2492 = arith.constant 0 : index
    %swap3A_2493 = vector.load %arg8[%swap3A_2491, %swap3A_2492] : memref<3376x128xf32, #tpu.memory_space<vmem>>, vector<32x96xf32>
    tpu.vector_store %arg8[%swap3A_2491, %swap3A_2492], %add3A_2490 {strides = array<i32>} : memref<3376x128xf32, #tpu.memory_space<vmem>>, vector<32x96xf32>,
    %get3A_2494 = arith.constant 1344 : index
    %get3A_2495 = arith.constant 0 : index
    %get3A_2496 = vector.load %arg2[%get3A_2494, %get3A_2495] : memref<3376x128xf32, #tpu.memory_space<vmem>>, vector<32x96xf32>
    %get3A_2497 = arith.constant 1344 : index
    %get3A_2498 = arith.constant 0 : index
    %get3A_2499 = vector.load %arg9[%get3A_2497, %get3A_2498] : memref<2048x192xf32, #tpu.memory_space<vmem>>, vector<32x192xf32>
    %convert_element_type3A_2500 = arith.truncf %get3A_2499 : vector<32x192xf32> to vector<32x192xbf16>
    %get3A_2501 = arith.constant 42 : index
    %get3A_2502 = arith.constant 0 : index
    %get3A_2503 = arith.constant 0 : index
    %get3A_2504 = vector.load %arg5[%get3A_2501, %get3A_2502, %get3A_2503] : memref<64x192x96xbf16, #tpu.memory_space<vmem>>, vector<1x192x96xbf16>
    %get3A_2505 = vector.shape_cast %get3A_2504 : vector<1x192x96xbf16> to vector<192x96xbf16>
    %dot_general3A_2506 = arith.constant dense<0.000000e+00> : vector<32x96xf32>
    %dot_general3A_2507 = tpu.matmul %convert_element_type3A_2500, %get3A_2505, %dot_general3A_2506 {dimension_numbers = #tpu.dot_dimension_numbers<[1], [0], [0], [1], [0, 0, 1, 1], [], []>, transpose_lhs_hint = false} : vector<32x192xbf16>, vector<192x96xbf16>, vector<32x96xf32> -> vector<32x96xf32>
    %get3A_2508 = arith.constant 42 : index
    %get3A_2509 = arith.constant 0 : index
    %get3A_2510 = arith.constant 0 : index
    %get3A_2511 = vector.load %arg6[%get3A_2508, %get3A_2509, %get3A_2510] : memref<64x1x96xf32, #tpu.memory_space<vmem>>, vector<1x1x96xf32>
    %get3A_2512 = vector.shape_cast %get3A_2511 : vector<1x1x96xf32> to vector<1x96xf32>
    %add3A_2513 = vector.broadcast %get3A_2512 : vector<1x96xf32> to vector<32x96xf32>
    %add3A_2514 = arith.addf %dot_general3A_2507, %add3A_2513 : vector<32x96xf32>
    %mul3A_2515 = vector.broadcast %get3A_2 : f32 to vector<32x96xf32>
    %mul3A_2516 = arith.mulf %mul3A_2515, %add3A_2514 : vector<32x96xf32>
    %add3A_2517 = arith.addf %get3A_2496, %mul3A_2516 : vector<32x96xf32>
    %swap3A_2518 = arith.constant 1344 : index
    %swap3A_2519 = arith.constant 0 : index
    %swap3A_2520 = vector.load %arg8[%swap3A_2518, %swap3A_2519] : memref<3376x128xf32, #tpu.memory_space<vmem>>, vector<32x96xf32>
    tpu.vector_store %arg8[%swap3A_2518, %swap3A_2519], %add3A_2517 {strides = array<i32>} : memref<3376x128xf32, #tpu.memory_space<vmem>>, vector<32x96xf32>,
    %get3A_2521 = arith.constant 1376 : index
    %get3A_2522 = arith.constant 0 : index
    %get3A_2523 = vector.load %arg2[%get3A_2521, %get3A_2522] : memref<3376x128xf32, #tpu.memory_space<vmem>>, vector<32x96xf32>
    %get3A_2524 = arith.constant 1376 : index
    %get3A_2525 = arith.constant 0 : index
    %get3A_2526 = vector.load %arg9[%get3A_2524, %get3A_2525] : memref<2048x192xf32, #tpu.memory_space<vmem>>, vector<32x192xf32>
    %convert_element_type3A_2527 = arith.truncf %get3A_2526 : vector<32x192xf32> to vector<32x192xbf16>
    %get3A_2528 = arith.constant 43 : index
    %get3A_2529 = arith.constant 0 : index
    %get3A_2530 = arith.constant 0 : index
    %get3A_2531 = vector.load %arg5[%get3A_2528, %get3A_2529, %get3A_2530] : memref<64x192x96xbf16, #tpu.memory_space<vmem>>, vector<1x192x96xbf16>
    %get3A_2532 = vector.shape_cast %get3A_2531 : vector<1x192x96xbf16> to vector<192x96xbf16>
    %dot_general3A_2533 = arith.constant dense<0.000000e+00> : vector<32x96xf32>
    %dot_general3A_2534 = tpu.matmul %convert_element_type3A_2527, %get3A_2532, %dot_general3A_2533 {dimension_numbers = #tpu.dot_dimension_numbers<[1], [0], [0], [1], [0, 0, 1, 1], [], []>, transpose_lhs_hint = false} : vector<32x192xbf16>, vector<192x96xbf16>, vector<32x96xf32> -> vector<32x96xf32>
    %get3A_2535 = arith.constant 43 : index
    %get3A_2536 = arith.constant 0 : index
    %get3A_2537 = arith.constant 0 : index
    %get3A_2538 = vector.load %arg6[%get3A_2535, %get3A_2536, %get3A_2537] : memref<64x1x96xf32, #tpu.memory_space<vmem>>, vector<1x1x96xf32>
    %get3A_2539 = vector.shape_cast %get3A_2538 : vector<1x1x96xf32> to vector<1x96xf32>
    %add3A_2540 = vector.broadcast %get3A_2539 : vector<1x96xf32> to vector<32x96xf32>
    %add3A_2541 = arith.addf %dot_general3A_2534, %add3A_2540 : vector<32x96xf32>
    %mul3A_2542 = vector.broadcast %get3A_2 : f32 to vector<32x96xf32>
    %mul3A_2543 = arith.mulf %mul3A_2542, %add3A_2541 : vector<32x96xf32>
    %add3A_2544 = arith.addf %get3A_2523, %mul3A_2543 : vector<32x96xf32>
    %swap3A_2545 = arith.constant 1376 : index
    %swap3A_2546 = arith.constant 0 : index
    %swap3A_2547 = vector.load %arg8[%swap3A_2545, %swap3A_2546] : memref<3376x128xf32, #tpu.memory_space<vmem>>, vector<32x96xf32>
    tpu.vector_store %arg8[%swap3A_2545, %swap3A_2546], %add3A_2544 {strides = array<i32>} : memref<3376x128xf32, #tpu.memory_space<vmem>>, vector<32x96xf32>,
    %get3A_2548 = arith.constant 1408 : index
    %get3A_2549 = arith.constant 0 : index
    %get3A_2550 = vector.load %arg2[%get3A_2548, %get3A_2549] : memref<3376x128xf32, #tpu.memory_space<vmem>>, vector<32x96xf32>
    %get3A_2551 = arith.constant 1408 : index
    %get3A_2552 = arith.constant 0 : index
    %get3A_2553 = vector.load %arg9[%get3A_2551, %get3A_2552] : memref<2048x192xf32, #tpu.memory_space<vmem>>, vector<32x192xf32>
    %convert_element_type3A_2554 = arith.truncf %get3A_2553 : vector<32x192xf32> to vector<32x192xbf16>
    %get3A_2555 = arith.constant 44 : index
    %get3A_2556 = arith.constant 0 : index
    %get3A_2557 = arith.constant 0 : index
    %get3A_2558 = vector.load %arg5[%get3A_2555, %get3A_2556, %get3A_2557] : memref<64x192x96xbf16, #tpu.memory_space<vmem>>, vector<1x192x96xbf16>
    %get3A_2559 = vector.shape_cast %get3A_2558 : vector<1x192x96xbf16> to vector<192x96xbf16>
    %dot_general3A_2560 = arith.constant dense<0.000000e+00> : vector<32x96xf32>
    %dot_general3A_2561 = tpu.matmul %convert_element_type3A_2554, %get3A_2559, %dot_general3A_2560 {dimension_numbers = #tpu.dot_dimension_numbers<[1], [0], [0], [1], [0, 0, 1, 1], [], []>, transpose_lhs_hint = false} : vector<32x192xbf16>, vector<192x96xbf16>, vector<32x96xf32> -> vector<32x96xf32>
    %get3A_2562 = arith.constant 44 : index
    %get3A_2563 = arith.constant 0 : index
    %get3A_2564 = arith.constant 0 : index
    %get3A_2565 = vector.load %arg6[%get3A_2562, %get3A_2563, %get3A_2564] : memref<64x1x96xf32, #tpu.memory_space<vmem>>, vector<1x1x96xf32>
    %get3A_2566 = vector.shape_cast %get3A_2565 : vector<1x1x96xf32> to vector<1x96xf32>
    %add3A_2567 = vector.broadcast %get3A_2566 : vector<1x96xf32> to vector<32x96xf32>
    %add3A_2568 = arith.addf %dot_general3A_2561, %add3A_2567 : vector<32x96xf32>
    %mul3A_2569 = vector.broadcast %get3A_2 : f32 to vector<32x96xf32>
    %mul3A_2570 = arith.mulf %mul3A_2569, %add3A_2568 : vector<32x96xf32>
    %add3A_2571 = arith.addf %get3A_2550, %mul3A_2570 : vector<32x96xf32>
    %swap3A_2572 = arith.constant 1408 : index
    %swap3A_2573 = arith.constant 0 : index
    %swap3A_2574 = vector.load %arg8[%swap3A_2572, %swap3A_2573] : memref<3376x128xf32, #tpu.memory_space<vmem>>, vector<32x96xf32>
    tpu.vector_store %arg8[%swap3A_2572, %swap3A_2573], %add3A_2571 {strides = array<i32>} : memref<3376x128xf32, #tpu.memory_space<vmem>>, vector<32x96xf32>,
    %get3A_2575 = arith.constant 1440 : index
    %get3A_2576 = arith.constant 0 : index
    %get3A_2577 = vector.load %arg2[%get3A_2575, %get3A_2576] : memref<3376x128xf32, #tpu.memory_space<vmem>>, vector<32x96xf32>
    %get3A_2578 = arith.constant 1440 : index
    %get3A_2579 = arith.constant 0 : index
    %get3A_2580 = vector.load %arg9[%get3A_2578, %get3A_2579] : memref<2048x192xf32, #tpu.memory_space<vmem>>, vector<32x192xf32>
    %convert_element_type3A_2581 = arith.truncf %get3A_2580 : vector<32x192xf32> to vector<32x192xbf16>
    %get3A_2582 = arith.constant 45 : index
    %get3A_2583 = arith.constant 0 : index
    %get3A_2584 = arith.constant 0 : index
    %get3A_2585 = vector.load %arg5[%get3A_2582, %get3A_2583, %get3A_2584] : memref<64x192x96xbf16, #tpu.memory_space<vmem>>, vector<1x192x96xbf16>
    %get3A_2586 = vector.shape_cast %get3A_2585 : vector<1x192x96xbf16> to vector<192x96xbf16>
    %dot_general3A_2587 = arith.constant dense<0.000000e+00> : vector<32x96xf32>
    %dot_general3A_2588 = tpu.matmul %convert_element_type3A_2581, %get3A_2586, %dot_general3A_2587 {dimension_numbers = #tpu.dot_dimension_numbers<[1], [0], [0], [1], [0, 0, 1, 1], [], []>, transpose_lhs_hint = false} : vector<32x192xbf16>, vector<192x96xbf16>, vector<32x96xf32> -> vector<32x96xf32>
    %get3A_2589 = arith.constant 45 : index
    %get3A_2590 = arith.constant 0 : index
    %get3A_2591 = arith.constant 0 : index
    %get3A_2592 = vector.load %arg6[%get3A_2589, %get3A_2590, %get3A_2591] : memref<64x1x96xf32, #tpu.memory_space<vmem>>, vector<1x1x96xf32>
    %get3A_2593 = vector.shape_cast %get3A_2592 : vector<1x1x96xf32> to vector<1x96xf32>
    %add3A_2594 = vector.broadcast %get3A_2593 : vector<1x96xf32> to vector<32x96xf32>
    %add3A_2595 = arith.addf %dot_general3A_2588, %add3A_2594 : vector<32x96xf32>
    %mul3A_2596 = vector.broadcast %get3A_2 : f32 to vector<32x96xf32>
    %mul3A_2597 = arith.mulf %mul3A_2596, %add3A_2595 : vector<32x96xf32>
    %add3A_2598 = arith.addf %get3A_2577, %mul3A_2597 : vector<32x96xf32>
    %swap3A_2599 = arith.constant 1440 : index
    %swap3A_2600 = arith.constant 0 : index
    %swap3A_2601 = vector.load %arg8[%swap3A_2599, %swap3A_2600] : memref<3376x128xf32, #tpu.memory_space<vmem>>, vector<32x96xf32>
    tpu.vector_store %arg8[%swap3A_2599, %swap3A_2600], %add3A_2598 {strides = array<i32>} : memref<3376x128xf32, #tpu.memory_space<vmem>>, vector<32x96xf32>,
    %get3A_2602 = arith.constant 1472 : index
    %get3A_2603 = arith.constant 0 : index
    %get3A_2604 = vector.load %arg2[%get3A_2602, %get3A_2603] : memref<3376x128xf32, #tpu.memory_space<vmem>>, vector<32x96xf32>
    %get3A_2605 = arith.constant 1472 : index
    %get3A_2606 = arith.constant 0 : index
    %get3A_2607 = vector.load %arg9[%get3A_2605, %get3A_2606] : memref<2048x192xf32, #tpu.memory_space<vmem>>, vector<32x192xf32>
    %convert_element_type3A_2608 = arith.truncf %get3A_2607 : vector<32x192xf32> to vector<32x192xbf16>
    %get3A_2609 = arith.constant 46 : index
    %get3A_2610 = arith.constant 0 : index
    %get3A_2611 = arith.constant 0 : index
    %get3A_2612 = vector.load %arg5[%get3A_2609, %get3A_2610, %get3A_2611] : memref<64x192x96xbf16, #tpu.memory_space<vmem>>, vector<1x192x96xbf16>
    %get3A_2613 = vector.shape_cast %get3A_2612 : vector<1x192x96xbf16> to vector<192x96xbf16>
    %dot_general3A_2614 = arith.constant dense<0.000000e+00> : vector<32x96xf32>
    %dot_general3A_2615 = tpu.matmul %convert_element_type3A_2608, %get3A_2613, %dot_general3A_2614 {dimension_numbers = #tpu.dot_dimension_numbers<[1], [0], [0], [1], [0, 0, 1, 1], [], []>, transpose_lhs_hint = false} : vector<32x192xbf16>, vector<192x96xbf16>, vector<32x96xf32> -> vector<32x96xf32>
    %get3A_2616 = arith.constant 46 : index
    %get3A_2617 = arith.constant 0 : index
    %get3A_2618 = arith.constant 0 : index
    %get3A_2619 = vector.load %arg6[%get3A_2616, %get3A_2617, %get3A_2618] : memref<64x1x96xf32, #tpu.memory_space<vmem>>, vector<1x1x96xf32>
    %get3A_2620 = vector.shape_cast %get3A_2619 : vector<1x1x96xf32> to vector<1x96xf32>
    %add3A_2621 = vector.broadcast %get3A_2620 : vector<1x96xf32> to vector<32x96xf32>
    %add3A_2622 = arith.addf %dot_general3A_2615, %add3A_2621 : vector<32x96xf32>
    %mul3A_2623 = vector.broadcast %get3A_2 : f32 to vector<32x96xf32>
    %mul3A_2624 = arith.mulf %mul3A_2623, %add3A_2622 : vector<32x96xf32>
    %add3A_2625 = arith.addf %get3A_2604, %mul3A_2624 : vector<32x96xf32>
    %swap3A_2626 = arith.constant 1472 : index
    %swap3A_2627 = arith.constant 0 : index
    %swap3A_2628 = vector.load %arg8[%swap3A_2626, %swap3A_2627] : memref<3376x128xf32, #tpu.memory_space<vmem>>, vector<32x96xf32>
    tpu.vector_store %arg8[%swap3A_2626, %swap3A_2627], %add3A_2625 {strides = array<i32>} : memref<3376x128xf32, #tpu.memory_space<vmem>>, vector<32x96xf32>,
    %get3A_2629 = arith.constant 1504 : index
    %get3A_2630 = arith.constant 0 : index
    %get3A_2631 = vector.load %arg2[%get3A_2629, %get3A_2630] : memref<3376x128xf32, #tpu.memory_space<vmem>>, vector<32x96xf32>
    %get3A_2632 = arith.constant 1504 : index
    %get3A_2633 = arith.constant 0 : index
    %get3A_2634 = vector.load %arg9[%get3A_2632, %get3A_2633] : memref<2048x192xf32, #tpu.memory_space<vmem>>, vector<32x192xf32>
    %convert_element_type3A_2635 = arith.truncf %get3A_2634 : vector<32x192xf32> to vector<32x192xbf16>
    %get3A_2636 = arith.constant 47 : index
    %get3A_2637 = arith.constant 0 : index
    %get3A_2638 = arith.constant 0 : index
    %get3A_2639 = vector.load %arg5[%get3A_2636, %get3A_2637, %get3A_2638] : memref<64x192x96xbf16, #tpu.memory_space<vmem>>, vector<1x192x96xbf16>
    %get3A_2640 = vector.shape_cast %get3A_2639 : vector<1x192x96xbf16> to vector<192x96xbf16>
    %dot_general3A_2641 = arith.constant dense<0.000000e+00> : vector<32x96xf32>
    %dot_general3A_2642 = tpu.matmul %convert_element_type3A_2635, %get3A_2640, %dot_general3A_2641 {dimension_numbers = #tpu.dot_dimension_numbers<[1], [0], [0], [1], [0, 0, 1, 1], [], []>, transpose_lhs_hint = false} : vector<32x192xbf16>, vector<192x96xbf16>, vector<32x96xf32> -> vector<32x96xf32>
    %get3A_2643 = arith.constant 47 : index
    %get3A_2644 = arith.constant 0 : index
    %get3A_2645 = arith.constant 0 : index
    %get3A_2646 = vector.load %arg6[%get3A_2643, %get3A_2644, %get3A_2645] : memref<64x1x96xf32, #tpu.memory_space<vmem>>, vector<1x1x96xf32>
    %get3A_2647 = vector.shape_cast %get3A_2646 : vector<1x1x96xf32> to vector<1x96xf32>
    %add3A_2648 = vector.broadcast %get3A_2647 : vector<1x96xf32> to vector<32x96xf32>
    %add3A_2649 = arith.addf %dot_general3A_2642, %add3A_2648 : vector<32x96xf32>
    %mul3A_2650 = vector.broadcast %get3A_2 : f32 to vector<32x96xf32>
    %mul3A_2651 = arith.mulf %mul3A_2650, %add3A_2649 : vector<32x96xf32>
    %add3A_2652 = arith.addf %get3A_2631, %mul3A_2651 : vector<32x96xf32>
    %swap3A_2653 = arith.constant 1504 : index
    %swap3A_2654 = arith.constant 0 : index
    %swap3A_2655 = vector.load %arg8[%swap3A_2653, %swap3A_2654] : memref<3376x128xf32, #tpu.memory_space<vmem>>, vector<32x96xf32>
    tpu.vector_store %arg8[%swap3A_2653, %swap3A_2654], %add3A_2652 {strides = array<i32>} : memref<3376x128xf32, #tpu.memory_space<vmem>>, vector<32x96xf32>,
    %get3A_2656 = arith.constant 1536 : index
    %get3A_2657 = arith.constant 0 : index
    %get3A_2658 = vector.load %arg2[%get3A_2656, %get3A_2657] : memref<3376x128xf32, #tpu.memory_space<vmem>>, vector<32x96xf32>
    %get3A_2659 = arith.constant 1536 : index
    %get3A_2660 = arith.constant 0 : index
    %get3A_2661 = vector.load %arg9[%get3A_2659, %get3A_2660] : memref<2048x192xf32, #tpu.memory_space<vmem>>, vector<32x192xf32>
    %convert_element_type3A_2662 = arith.truncf %get3A_2661 : vector<32x192xf32> to vector<32x192xbf16>
    %get3A_2663 = arith.constant 48 : index
    %get3A_2664 = arith.constant 0 : index
    %get3A_2665 = arith.constant 0 : index
    %get3A_2666 = vector.load %arg5[%get3A_2663, %get3A_2664, %get3A_2665] : memref<64x192x96xbf16, #tpu.memory_space<vmem>>, vector<1x192x96xbf16>
    %get3A_2667 = vector.shape_cast %get3A_2666 : vector<1x192x96xbf16> to vector<192x96xbf16>
    %dot_general3A_2668 = arith.constant dense<0.000000e+00> : vector<32x96xf32>
    %dot_general3A_2669 = tpu.matmul %convert_element_type3A_2662, %get3A_2667, %dot_general3A_2668 {dimension_numbers = #tpu.dot_dimension_numbers<[1], [0], [0], [1], [0, 0, 1, 1], [], []>, transpose_lhs_hint = false} : vector<32x192xbf16>, vector<192x96xbf16>, vector<32x96xf32> -> vector<32x96xf32>
    %get3A_2670 = arith.constant 48 : index
    %get3A_2671 = arith.constant 0 : index
    %get3A_2672 = arith.constant 0 : index
    %get3A_2673 = vector.load %arg6[%get3A_2670, %get3A_2671, %get3A_2672] : memref<64x1x96xf32, #tpu.memory_space<vmem>>, vector<1x1x96xf32>
    %get3A_2674 = vector.shape_cast %get3A_2673 : vector<1x1x96xf32> to vector<1x96xf32>
    %add3A_2675 = vector.broadcast %get3A_2674 : vector<1x96xf32> to vector<32x96xf32>
    %add3A_2676 = arith.addf %dot_general3A_2669, %add3A_2675 : vector<32x96xf32>
    %mul3A_2677 = vector.broadcast %get3A_2 : f32 to vector<32x96xf32>
    %mul3A_2678 = arith.mulf %mul3A_2677, %add3A_2676 : vector<32x96xf32>
    %add3A_2679 = arith.addf %get3A_2658, %mul3A_2678 : vector<32x96xf32>
    %swap3A_2680 = arith.constant 1536 : index
    %swap3A_2681 = arith.constant 0 : index
    %swap3A_2682 = vector.load %arg8[%swap3A_2680, %swap3A_2681] : memref<3376x128xf32, #tpu.memory_space<vmem>>, vector<32x96xf32>
    tpu.vector_store %arg8[%swap3A_2680, %swap3A_2681], %add3A_2679 {strides = array<i32>} : memref<3376x128xf32, #tpu.memory_space<vmem>>, vector<32x96xf32>,
    %get3A_2683 = arith.constant 1568 : index
    %get3A_2684 = arith.constant 0 : index
    %get3A_2685 = vector.load %arg2[%get3A_2683, %get3A_2684] : memref<3376x128xf32, #tpu.memory_space<vmem>>, vector<32x96xf32>
    %get3A_2686 = arith.constant 1568 : index
    %get3A_2687 = arith.constant 0 : index
    %get3A_2688 = vector.load %arg9[%get3A_2686, %get3A_2687] : memref<2048x192xf32, #tpu.memory_space<vmem>>, vector<32x192xf32>
    %convert_element_type3A_2689 = arith.truncf %get3A_2688 : vector<32x192xf32> to vector<32x192xbf16>
    %get3A_2690 = arith.constant 49 : index
    %get3A_2691 = arith.constant 0 : index
    %get3A_2692 = arith.constant 0 : index
    %get3A_2693 = vector.load %arg5[%get3A_2690, %get3A_2691, %get3A_2692] : memref<64x192x96xbf16, #tpu.memory_space<vmem>>, vector<1x192x96xbf16>
    %get3A_2694 = vector.shape_cast %get3A_2693 : vector<1x192x96xbf16> to vector<192x96xbf16>
    %dot_general3A_2695 = arith.constant dense<0.000000e+00> : vector<32x96xf32>
    %dot_general3A_2696 = tpu.matmul %convert_element_type3A_2689, %get3A_2694, %dot_general3A_2695 {dimension_numbers = #tpu.dot_dimension_numbers<[1], [0], [0], [1], [0, 0, 1, 1], [], []>, transpose_lhs_hint = false} : vector<32x192xbf16>, vector<192x96xbf16>, vector<32x96xf32> -> vector<32x96xf32>
    %get3A_2697 = arith.constant 49 : index
    %get3A_2698 = arith.constant 0 : index
    %get3A_2699 = arith.constant 0 : index
    %get3A_2700 = vector.load %arg6[%get3A_2697, %get3A_2698, %get3A_2699] : memref<64x1x96xf32, #tpu.memory_space<vmem>>, vector<1x1x96xf32>
    %get3A_2701 = vector.shape_cast %get3A_2700 : vector<1x1x96xf32> to vector<1x96xf32>
    %add3A_2702 = vector.broadcast %get3A_2701 : vector<1x96xf32> to vector<32x96xf32>
    %add3A_2703 = arith.addf %dot_general3A_2696, %add3A_2702 : vector<32x96xf32>
    %mul3A_2704 = vector.broadcast %get3A_2 : f32 to vector<32x96xf32>
    %mul3A_2705 = arith.mulf %mul3A_2704, %add3A_2703 : vector<32x96xf32>
    %add3A_2706 = arith.addf %get3A_2685, %mul3A_2705 : vector<32x96xf32>
    %swap3A_2707 = arith.constant 1568 : index
    %swap3A_2708 = arith.constant 0 : index
    %swap3A_2709 = vector.load %arg8[%swap3A_2707, %swap3A_2708] : memref<3376x128xf32, #tpu.memory_space<vmem>>, vector<32x96xf32>
    tpu.vector_store %arg8[%swap3A_2707, %swap3A_2708], %add3A_2706 {strides = array<i32>} : memref<3376x128xf32, #tpu.memory_space<vmem>>, vector<32x96xf32>,
    %get3A_2710 = arith.constant 1600 : index
    %get3A_2711 = arith.constant 0 : index
    %get3A_2712 = vector.load %arg2[%get3A_2710, %get3A_2711] : memref<3376x128xf32, #tpu.memory_space<vmem>>, vector<32x96xf32>
    %get3A_2713 = arith.constant 1600 : index
    %get3A_2714 = arith.constant 0 : index
    %get3A_2715 = vector.load %arg9[%get3A_2713, %get3A_2714] : memref<2048x192xf32, #tpu.memory_space<vmem>>, vector<32x192xf32>
    %convert_element_type3A_2716 = arith.truncf %get3A_2715 : vector<32x192xf32> to vector<32x192xbf16>
    %get3A_2717 = arith.constant 50 : index
    %get3A_2718 = arith.constant 0 : index
    %get3A_2719 = arith.constant 0 : index
    %get3A_2720 = vector.load %arg5[%get3A_2717, %get3A_2718, %get3A_2719] : memref<64x192x96xbf16, #tpu.memory_space<vmem>>, vector<1x192x96xbf16>
    %get3A_2721 = vector.shape_cast %get3A_2720 : vector<1x192x96xbf16> to vector<192x96xbf16>
    %dot_general3A_2722 = arith.constant dense<0.000000e+00> : vector<32x96xf32>
    %dot_general3A_2723 = tpu.matmul %convert_element_type3A_2716, %get3A_2721, %dot_general3A_2722 {dimension_numbers = #tpu.dot_dimension_numbers<[1], [0], [0], [1], [0, 0, 1, 1], [], []>, transpose_lhs_hint = false} : vector<32x192xbf16>, vector<192x96xbf16>, vector<32x96xf32> -> vector<32x96xf32>
    %get3A_2724 = arith.constant 50 : index
    %get3A_2725 = arith.constant 0 : index
    %get3A_2726 = arith.constant 0 : index
    %get3A_2727 = vector.load %arg6[%get3A_2724, %get3A_2725, %get3A_2726] : memref<64x1x96xf32, #tpu.memory_space<vmem>>, vector<1x1x96xf32>
    %get3A_2728 = vector.shape_cast %get3A_2727 : vector<1x1x96xf32> to vector<1x96xf32>
    %add3A_2729 = vector.broadcast %get3A_2728 : vector<1x96xf32> to vector<32x96xf32>
    %add3A_2730 = arith.addf %dot_general3A_2723, %add3A_2729 : vector<32x96xf32>
    %mul3A_2731 = vector.broadcast %get3A_2 : f32 to vector<32x96xf32>
    %mul3A_2732 = arith.mulf %mul3A_2731, %add3A_2730 : vector<32x96xf32>
    %add3A_2733 = arith.addf %get3A_2712, %mul3A_2732 : vector<32x96xf32>
    %swap3A_2734 = arith.constant 1600 : index
    %swap3A_2735 = arith.constant 0 : index
    %swap3A_2736 = vector.load %arg8[%swap3A_2734, %swap3A_2735] : memref<3376x128xf32, #tpu.memory_space<vmem>>, vector<32x96xf32>
    tpu.vector_store %arg8[%swap3A_2734, %swap3A_2735], %add3A_2733 {strides = array<i32>} : memref<3376x128xf32, #tpu.memory_space<vmem>>, vector<32x96xf32>,
    %get3A_2737 = arith.constant 1632 : index
    %get3A_2738 = arith.constant 0 : index
    %get3A_2739 = vector.load %arg2[%get3A_2737, %get3A_2738] : memref<3376x128xf32, #tpu.memory_space<vmem>>, vector<32x96xf32>
    %get3A_2740 = arith.constant 1632 : index
    %get3A_2741 = arith.constant 0 : index
    %get3A_2742 = vector.load %arg9[%get3A_2740, %get3A_2741] : memref<2048x192xf32, #tpu.memory_space<vmem>>, vector<32x192xf32>
    %convert_element_type3A_2743 = arith.truncf %get3A_2742 : vector<32x192xf32> to vector<32x192xbf16>
    %get3A_2744 = arith.constant 51 : index
    %get3A_2745 = arith.constant 0 : index
    %get3A_2746 = arith.constant 0 : index
    %get3A_2747 = vector.load %arg5[%get3A_2744, %get3A_2745, %get3A_2746] : memref<64x192x96xbf16, #tpu.memory_space<vmem>>, vector<1x192x96xbf16>
    %get3A_2748 = vector.shape_cast %get3A_2747 : vector<1x192x96xbf16> to vector<192x96xbf16>
    %dot_general3A_2749 = arith.constant dense<0.000000e+00> : vector<32x96xf32>
    %dot_general3A_2750 = tpu.matmul %convert_element_type3A_2743, %get3A_2748, %dot_general3A_2749 {dimension_numbers = #tpu.dot_dimension_numbers<[1], [0], [0], [1], [0, 0, 1, 1], [], []>, transpose_lhs_hint = false} : vector<32x192xbf16>, vector<192x96xbf16>, vector<32x96xf32> -> vector<32x96xf32>
    %get3A_2751 = arith.constant 51 : index
    %get3A_2752 = arith.constant 0 : index
    %get3A_2753 = arith.constant 0 : index
    %get3A_2754 = vector.load %arg6[%get3A_2751, %get3A_2752, %get3A_2753] : memref<64x1x96xf32, #tpu.memory_space<vmem>>, vector<1x1x96xf32>
    %get3A_2755 = vector.shape_cast %get3A_2754 : vector<1x1x96xf32> to vector<1x96xf32>
    %add3A_2756 = vector.broadcast %get3A_2755 : vector<1x96xf32> to vector<32x96xf32>
    %add3A_2757 = arith.addf %dot_general3A_2750, %add3A_2756 : vector<32x96xf32>
    %mul3A_2758 = vector.broadcast %get3A_2 : f32 to vector<32x96xf32>
    %mul3A_2759 = arith.mulf %mul3A_2758, %add3A_2757 : vector<32x96xf32>
    %add3A_2760 = arith.addf %get3A_2739, %mul3A_2759 : vector<32x96xf32>
    %swap3A_2761 = arith.constant 1632 : index
    %swap3A_2762 = arith.constant 0 : index
    %swap3A_2763 = vector.load %arg8[%swap3A_2761, %swap3A_2762] : memref<3376x128xf32, #tpu.memory_space<vmem>>, vector<32x96xf32>
    tpu.vector_store %arg8[%swap3A_2761, %swap3A_2762], %add3A_2760 {strides = array<i32>} : memref<3376x128xf32, #tpu.memory_space<vmem>>, vector<32x96xf32>,
    %get3A_2764 = arith.constant 1664 : index
    %get3A_2765 = arith.constant 0 : index
    %get3A_2766 = vector.load %arg2[%get3A_2764, %get3A_2765] : memref<3376x128xf32, #tpu.memory_space<vmem>>, vector<32x96xf32>
    %get3A_2767 = arith.constant 1664 : index
    %get3A_2768 = arith.constant 0 : index
    %get3A_2769 = vector.load %arg9[%get3A_2767, %get3A_2768] : memref<2048x192xf32, #tpu.memory_space<vmem>>, vector<32x192xf32>
    %convert_element_type3A_2770 = arith.truncf %get3A_2769 : vector<32x192xf32> to vector<32x192xbf16>
    %get3A_2771 = arith.constant 52 : index
    %get3A_2772 = arith.constant 0 : index
    %get3A_2773 = arith.constant 0 : index
    %get3A_2774 = vector.load %arg5[%get3A_2771, %get3A_2772, %get3A_2773] : memref<64x192x96xbf16, #tpu.memory_space<vmem>>, vector<1x192x96xbf16>
    %get3A_2775 = vector.shape_cast %get3A_2774 : vector<1x192x96xbf16> to vector<192x96xbf16>
    %dot_general3A_2776 = arith.constant dense<0.000000e+00> : vector<32x96xf32>
    %dot_general3A_2777 = tpu.matmul %convert_element_type3A_2770, %get3A_2775, %dot_general3A_2776 {dimension_numbers = #tpu.dot_dimension_numbers<[1], [0], [0], [1], [0, 0, 1, 1], [], []>, transpose_lhs_hint = false} : vector<32x192xbf16>, vector<192x96xbf16>, vector<32x96xf32> -> vector<32x96xf32>
    %get3A_2778 = arith.constant 52 : index
    %get3A_2779 = arith.constant 0 : index
    %get3A_2780 = arith.constant 0 : index
    %get3A_2781 = vector.load %arg6[%get3A_2778, %get3A_2779, %get3A_2780] : memref<64x1x96xf32, #tpu.memory_space<vmem>>, vector<1x1x96xf32>
    %get3A_2782 = vector.shape_cast %get3A_2781 : vector<1x1x96xf32> to vector<1x96xf32>
    %add3A_2783 = vector.broadcast %get3A_2782 : vector<1x96xf32> to vector<32x96xf32>
    %add3A_2784 = arith.addf %dot_general3A_2777, %add3A_2783 : vector<32x96xf32>
    %mul3A_2785 = vector.broadcast %get3A_2 : f32 to vector<32x96xf32>
    %mul3A_2786 = arith.mulf %mul3A_2785, %add3A_2784 : vector<32x96xf32>
    %add3A_2787 = arith.addf %get3A_2766, %mul3A_2786 : vector<32x96xf32>
    %swap3A_2788 = arith.constant 1664 : index
    %swap3A_2789 = arith.constant 0 : index
    %swap3A_2790 = vector.load %arg8[%swap3A_2788, %swap3A_2789] : memref<3376x128xf32, #tpu.memory_space<vmem>>, vector<32x96xf32>
    tpu.vector_store %arg8[%swap3A_2788, %swap3A_2789], %add3A_2787 {strides = array<i32>} : memref<3376x128xf32, #tpu.memory_space<vmem>>, vector<32x96xf32>,
    %get3A_2791 = arith.constant 1696 : index
    %get3A_2792 = arith.constant 0 : index
    %get3A_2793 = vector.load %arg2[%get3A_2791, %get3A_2792] : memref<3376x128xf32, #tpu.memory_space<vmem>>, vector<32x96xf32>
    %get3A_2794 = arith.constant 1696 : index
    %get3A_2795 = arith.constant 0 : index
    %get3A_2796 = vector.load %arg9[%get3A_2794, %get3A_2795] : memref<2048x192xf32, #tpu.memory_space<vmem>>, vector<32x192xf32>
    %convert_element_type3A_2797 = arith.truncf %get3A_2796 : vector<32x192xf32> to vector<32x192xbf16>
    %get3A_2798 = arith.constant 53 : index
    %get3A_2799 = arith.constant 0 : index
    %get3A_2800 = arith.constant 0 : index
    %get3A_2801 = vector.load %arg5[%get3A_2798, %get3A_2799, %get3A_2800] : memref<64x192x96xbf16, #tpu.memory_space<vmem>>, vector<1x192x96xbf16>
    %get3A_2802 = vector.shape_cast %get3A_2801 : vector<1x192x96xbf16> to vector<192x96xbf16>
    %dot_general3A_2803 = arith.constant dense<0.000000e+00> : vector<32x96xf32>
    %dot_general3A_2804 = tpu.matmul %convert_element_type3A_2797, %get3A_2802, %dot_general3A_2803 {dimension_numbers = #tpu.dot_dimension_numbers<[1], [0], [0], [1], [0, 0, 1, 1], [], []>, transpose_lhs_hint = false} : vector<32x192xbf16>, vector<192x96xbf16>, vector<32x96xf32> -> vector<32x96xf32>
    %get3A_2805 = arith.constant 53 : index
    %get3A_2806 = arith.constant 0 : index
    %get3A_2807 = arith.constant 0 : index
    %get3A_2808 = vector.load %arg6[%get3A_2805, %get3A_2806, %get3A_2807] : memref<64x1x96xf32, #tpu.memory_space<vmem>>, vector<1x1x96xf32>
    %get3A_2809 = vector.shape_cast %get3A_2808 : vector<1x1x96xf32> to vector<1x96xf32>
    %add3A_2810 = vector.broadcast %get3A_2809 : vector<1x96xf32> to vector<32x96xf32>
    %add3A_2811 = arith.addf %dot_general3A_2804, %add3A_2810 : vector<32x96xf32>
    %mul3A_2812 = vector.broadcast %get3A_2 : f32 to vector<32x96xf32>
    %mul3A_2813 = arith.mulf %mul3A_2812, %add3A_2811 : vector<32x96xf32>
    %add3A_2814 = arith.addf %get3A_2793, %mul3A_2813 : vector<32x96xf32>
    %swap3A_2815 = arith.constant 1696 : index
    %swap3A_2816 = arith.constant 0 : index
    %swap3A_2817 = vector.load %arg8[%swap3A_2815, %swap3A_2816] : memref<3376x128xf32, #tpu.memory_space<vmem>>, vector<32x96xf32>
    tpu.vector_store %arg8[%swap3A_2815, %swap3A_2816], %add3A_2814 {strides = array<i32>} : memref<3376x128xf32, #tpu.memory_space<vmem>>, vector<32x96xf32>,
    %get3A_2818 = arith.constant 1728 : index
    %get3A_2819 = arith.constant 0 : index
    %get3A_2820 = vector.load %arg2[%get3A_2818, %get3A_2819] : memref<3376x128xf32, #tpu.memory_space<vmem>>, vector<32x96xf32>
    %get3A_2821 = arith.constant 1728 : index
    %get3A_2822 = arith.constant 0 : index
    %get3A_2823 = vector.load %arg9[%get3A_2821, %get3A_2822] : memref<2048x192xf32, #tpu.memory_space<vmem>>, vector<32x192xf32>
    %convert_element_type3A_2824 = arith.truncf %get3A_2823 : vector<32x192xf32> to vector<32x192xbf16>
    %get3A_2825 = arith.constant 54 : index
    %get3A_2826 = arith.constant 0 : index
    %get3A_2827 = arith.constant 0 : index
    %get3A_2828 = vector.load %arg5[%get3A_2825, %get3A_2826, %get3A_2827] : memref<64x192x96xbf16, #tpu.memory_space<vmem>>, vector<1x192x96xbf16>
    %get3A_2829 = vector.shape_cast %get3A_2828 : vector<1x192x96xbf16> to vector<192x96xbf16>
    %dot_general3A_2830 = arith.constant dense<0.000000e+00> : vector<32x96xf32>
    %dot_general3A_2831 = tpu.matmul %convert_element_type3A_2824, %get3A_2829, %dot_general3A_2830 {dimension_numbers = #tpu.dot_dimension_numbers<[1], [0], [0], [1], [0, 0, 1, 1], [], []>, transpose_lhs_hint = false} : vector<32x192xbf16>, vector<192x96xbf16>, vector<32x96xf32> -> vector<32x96xf32>
    %get3A_2832 = arith.constant 54 : index
    %get3A_2833 = arith.constant 0 : index
    %get3A_2834 = arith.constant 0 : index
    %get3A_2835 = vector.load %arg6[%get3A_2832, %get3A_2833, %get3A_2834] : memref<64x1x96xf32, #tpu.memory_space<vmem>>, vector<1x1x96xf32>
    %get3A_2836 = vector.shape_cast %get3A_2835 : vector<1x1x96xf32> to vector<1x96xf32>
    %add3A_2837 = vector.broadcast %get3A_2836 : vector<1x96xf32> to vector<32x96xf32>
    %add3A_2838 = arith.addf %dot_general3A_2831, %add3A_2837 : vector<32x96xf32>
    %mul3A_2839 = vector.broadcast %get3A_2 : f32 to vector<32x96xf32>
    %mul3A_2840 = arith.mulf %mul3A_2839, %add3A_2838 : vector<32x96xf32>
    %add3A_2841 = arith.addf %get3A_2820, %mul3A_2840 : vector<32x96xf32>
    %swap3A_2842 = arith.constant 1728 : index
    %swap3A_2843 = arith.constant 0 : index
    %swap3A_2844 = vector.load %arg8[%swap3A_2842, %swap3A_2843] : memref<3376x128xf32, #tpu.memory_space<vmem>>, vector<32x96xf32>
    tpu.vector_store %arg8[%swap3A_2842, %swap3A_2843], %add3A_2841 {strides = array<i32>} : memref<3376x128xf32, #tpu.memory_space<vmem>>, vector<32x96xf32>,
    %get3A_2845 = arith.constant 1760 : index
    %get3A_2846 = arith.constant 0 : index
    %get3A_2847 = vector.load %arg2[%get3A_2845, %get3A_2846] : memref<3376x128xf32, #tpu.memory_space<vmem>>, vector<32x96xf32>
    %get3A_2848 = arith.constant 1760 : index
    %get3A_2849 = arith.constant 0 : index
    %get3A_2850 = vector.load %arg9[%get3A_2848, %get3A_2849] : memref<2048x192xf32, #tpu.memory_space<vmem>>, vector<32x192xf32>
    %convert_element_type3A_2851 = arith.truncf %get3A_2850 : vector<32x192xf32> to vector<32x192xbf16>
    %get3A_2852 = arith.constant 55 : index
    %get3A_2853 = arith.constant 0 : index
    %get3A_2854 = arith.constant 0 : index
    %get3A_2855 = vector.load %arg5[%get3A_2852, %get3A_2853, %get3A_2854] : memref<64x192x96xbf16, #tpu.memory_space<vmem>>, vector<1x192x96xbf16>
    %get3A_2856 = vector.shape_cast %get3A_2855 : vector<1x192x96xbf16> to vector<192x96xbf16>
    %dot_general3A_2857 = arith.constant dense<0.000000e+00> : vector<32x96xf32>
    %dot_general3A_2858 = tpu.matmul %convert_element_type3A_2851, %get3A_2856, %dot_general3A_2857 {dimension_numbers = #tpu.dot_dimension_numbers<[1], [0], [0], [1], [0, 0, 1, 1], [], []>, transpose_lhs_hint = false} : vector<32x192xbf16>, vector<192x96xbf16>, vector<32x96xf32> -> vector<32x96xf32>
    %get3A_2859 = arith.constant 55 : index
    %get3A_2860 = arith.constant 0 : index
    %get3A_2861 = arith.constant 0 : index
    %get3A_2862 = vector.load %arg6[%get3A_2859, %get3A_2860, %get3A_2861] : memref<64x1x96xf32, #tpu.memory_space<vmem>>, vector<1x1x96xf32>
    %get3A_2863 = vector.shape_cast %get3A_2862 : vector<1x1x96xf32> to vector<1x96xf32>
    %add3A_2864 = vector.broadcast %get3A_2863 : vector<1x96xf32> to vector<32x96xf32>
    %add3A_2865 = arith.addf %dot_general3A_2858, %add3A_2864 : vector<32x96xf32>
    %mul3A_2866 = vector.broadcast %get3A_2 : f32 to vector<32x96xf32>
    %mul3A_2867 = arith.mulf %mul3A_2866, %add3A_2865 : vector<32x96xf32>
    %add3A_2868 = arith.addf %get3A_2847, %mul3A_2867 : vector<32x96xf32>
    %swap3A_2869 = arith.constant 1760 : index
    %swap3A_2870 = arith.constant 0 : index
    %swap3A_2871 = vector.load %arg8[%swap3A_2869, %swap3A_2870] : memref<3376x128xf32, #tpu.memory_space<vmem>>, vector<32x96xf32>
    tpu.vector_store %arg8[%swap3A_2869, %swap3A_2870], %add3A_2868 {strides = array<i32>} : memref<3376x128xf32, #tpu.memory_space<vmem>>, vector<32x96xf32>,
    %get3A_2872 = arith.constant 1792 : index
    %get3A_2873 = arith.constant 0 : index
    %get3A_2874 = vector.load %arg2[%get3A_2872, %get3A_2873] : memref<3376x128xf32, #tpu.memory_space<vmem>>, vector<32x96xf32>
    %get3A_2875 = arith.constant 1792 : index
    %get3A_2876 = arith.constant 0 : index
    %get3A_2877 = vector.load %arg9[%get3A_2875, %get3A_2876] : memref<2048x192xf32, #tpu.memory_space<vmem>>, vector<32x192xf32>
    %convert_element_type3A_2878 = arith.truncf %get3A_2877 : vector<32x192xf32> to vector<32x192xbf16>
    %get3A_2879 = arith.constant 56 : index
    %get3A_2880 = arith.constant 0 : index
    %get3A_2881 = arith.constant 0 : index
    %get3A_2882 = vector.load %arg5[%get3A_2879, %get3A_2880, %get3A_2881] : memref<64x192x96xbf16, #tpu.memory_space<vmem>>, vector<1x192x96xbf16>
    %get3A_2883 = vector.shape_cast %get3A_2882 : vector<1x192x96xbf16> to vector<192x96xbf16>
    %dot_general3A_2884 = arith.constant dense<0.000000e+00> : vector<32x96xf32>
    %dot_general3A_2885 = tpu.matmul %convert_element_type3A_2878, %get3A_2883, %dot_general3A_2884 {dimension_numbers = #tpu.dot_dimension_numbers<[1], [0], [0], [1], [0, 0, 1, 1], [], []>, transpose_lhs_hint = false} : vector<32x192xbf16>, vector<192x96xbf16>, vector<32x96xf32> -> vector<32x96xf32>
    %get3A_2886 = arith.constant 56 : index
    %get3A_2887 = arith.constant 0 : index
    %get3A_2888 = arith.constant 0 : index
    %get3A_2889 = vector.load %arg6[%get3A_2886, %get3A_2887, %get3A_2888] : memref<64x1x96xf32, #tpu.memory_space<vmem>>, vector<1x1x96xf32>
    %get3A_2890 = vector.shape_cast %get3A_2889 : vector<1x1x96xf32> to vector<1x96xf32>
    %add3A_2891 = vector.broadcast %get3A_2890 : vector<1x96xf32> to vector<32x96xf32>
    %add3A_2892 = arith.addf %dot_general3A_2885, %add3A_2891 : vector<32x96xf32>
    %mul3A_2893 = vector.broadcast %get3A_2 : f32 to vector<32x96xf32>
    %mul3A_2894 = arith.mulf %mul3A_2893, %add3A_2892 : vector<32x96xf32>
    %add3A_2895 = arith.addf %get3A_2874, %mul3A_2894 : vector<32x96xf32>
    %swap3A_2896 = arith.constant 1792 : index
    %swap3A_2897 = arith.constant 0 : index
    %swap3A_2898 = vector.load %arg8[%swap3A_2896, %swap3A_2897] : memref<3376x128xf32, #tpu.memory_space<vmem>>, vector<32x96xf32>
    tpu.vector_store %arg8[%swap3A_2896, %swap3A_2897], %add3A_2895 {strides = array<i32>} : memref<3376x128xf32, #tpu.memory_space<vmem>>, vector<32x96xf32>,
    %get3A_2899 = arith.constant 1824 : index
    %get3A_2900 = arith.constant 0 : index
    %get3A_2901 = vector.load %arg2[%get3A_2899, %get3A_2900] : memref<3376x128xf32, #tpu.memory_space<vmem>>, vector<32x96xf32>
    %get3A_2902 = arith.constant 1824 : index
    %get3A_2903 = arith.constant 0 : index
    %get3A_2904 = vector.load %arg9[%get3A_2902, %get3A_2903] : memref<2048x192xf32, #tpu.memory_space<vmem>>, vector<32x192xf32>
    %convert_element_type3A_2905 = arith.truncf %get3A_2904 : vector<32x192xf32> to vector<32x192xbf16>
    %get3A_2906 = arith.constant 57 : index
    %get3A_2907 = arith.constant 0 : index
    %get3A_2908 = arith.constant 0 : index
    %get3A_2909 = vector.load %arg5[%get3A_2906, %get3A_2907, %get3A_2908] : memref<64x192x96xbf16, #tpu.memory_space<vmem>>, vector<1x192x96xbf16>
    %get3A_2910 = vector.shape_cast %get3A_2909 : vector<1x192x96xbf16> to vector<192x96xbf16>
    %dot_general3A_2911 = arith.constant dense<0.000000e+00> : vector<32x96xf32>
    %dot_general3A_2912 = tpu.matmul %convert_element_type3A_2905, %get3A_2910, %dot_general3A_2911 {dimension_numbers = #tpu.dot_dimension_numbers<[1], [0], [0], [1], [0, 0, 1, 1], [], []>, transpose_lhs_hint = false} : vector<32x192xbf16>, vector<192x96xbf16>, vector<32x96xf32> -> vector<32x96xf32>
    %get3A_2913 = arith.constant 57 : index
    %get3A_2914 = arith.constant 0 : index
    %get3A_2915 = arith.constant 0 : index
    %get3A_2916 = vector.load %arg6[%get3A_2913, %get3A_2914, %get3A_2915] : memref<64x1x96xf32, #tpu.memory_space<vmem>>, vector<1x1x96xf32>
    %get3A_2917 = vector.shape_cast %get3A_2916 : vector<1x1x96xf32> to vector<1x96xf32>
    %add3A_2918 = vector.broadcast %get3A_2917 : vector<1x96xf32> to vector<32x96xf32>
    %add3A_2919 = arith.addf %dot_general3A_2912, %add3A_2918 : vector<32x96xf32>
    %mul3A_2920 = vector.broadcast %get3A_2 : f32 to vector<32x96xf32>
    %mul3A_2921 = arith.mulf %mul3A_2920, %add3A_2919 : vector<32x96xf32>
    %add3A_2922 = arith.addf %get3A_2901, %mul3A_2921 : vector<32x96xf32>
    %swap3A_2923 = arith.constant 1824 : index
    %swap3A_2924 = arith.constant 0 : index
    %swap3A_2925 = vector.load %arg8[%swap3A_2923, %swap3A_2924] : memref<3376x128xf32, #tpu.memory_space<vmem>>, vector<32x96xf32>
    tpu.vector_store %arg8[%swap3A_2923, %swap3A_2924], %add3A_2922 {strides = array<i32>} : memref<3376x128xf32, #tpu.memory_space<vmem>>, vector<32x96xf32>,
    %get3A_2926 = arith.constant 1856 : index
    %get3A_2927 = arith.constant 0 : index
    %get3A_2928 = vector.load %arg2[%get3A_2926, %get3A_2927] : memref<3376x128xf32, #tpu.memory_space<vmem>>, vector<32x96xf32>
    %get3A_2929 = arith.constant 1856 : index
    %get3A_2930 = arith.constant 0 : index
    %get3A_2931 = vector.load %arg9[%get3A_2929, %get3A_2930] : memref<2048x192xf32, #tpu.memory_space<vmem>>, vector<32x192xf32>
    %convert_element_type3A_2932 = arith.truncf %get3A_2931 : vector<32x192xf32> to vector<32x192xbf16>
    %get3A_2933 = arith.constant 58 : index
    %get3A_2934 = arith.constant 0 : index
    %get3A_2935 = arith.constant 0 : index
    %get3A_2936 = vector.load %arg5[%get3A_2933, %get3A_2934, %get3A_2935] : memref<64x192x96xbf16, #tpu.memory_space<vmem>>, vector<1x192x96xbf16>
    %get3A_2937 = vector.shape_cast %get3A_2936 : vector<1x192x96xbf16> to vector<192x96xbf16>
    %dot_general3A_2938 = arith.constant dense<0.000000e+00> : vector<32x96xf32>
    %dot_general3A_2939 = tpu.matmul %convert_element_type3A_2932, %get3A_2937, %dot_general3A_2938 {dimension_numbers = #tpu.dot_dimension_numbers<[1], [0], [0], [1], [0, 0, 1, 1], [], []>, transpose_lhs_hint = false} : vector<32x192xbf16>, vector<192x96xbf16>, vector<32x96xf32> -> vector<32x96xf32>
    %get3A_2940 = arith.constant 58 : index
    %get3A_2941 = arith.constant 0 : index
    %get3A_2942 = arith.constant 0 : index
    %get3A_2943 = vector.load %arg6[%get3A_2940, %get3A_2941, %get3A_2942] : memref<64x1x96xf32, #tpu.memory_space<vmem>>, vector<1x1x96xf32>
    %get3A_2944 = vector.shape_cast %get3A_2943 : vector<1x1x96xf32> to vector<1x96xf32>
    %add3A_2945 = vector.broadcast %get3A_2944 : vector<1x96xf32> to vector<32x96xf32>
    %add3A_2946 = arith.addf %dot_general3A_2939, %add3A_2945 : vector<32x96xf32>
    %mul3A_2947 = vector.broadcast %get3A_2 : f32 to vector<32x96xf32>
    %mul3A_2948 = arith.mulf %mul3A_2947, %add3A_2946 : vector<32x96xf32>
    %add3A_2949 = arith.addf %get3A_2928, %mul3A_2948 : vector<32x96xf32>
    %swap3A_2950 = arith.constant 1856 : index
    %swap3A_2951 = arith.constant 0 : index
    %swap3A_2952 = vector.load %arg8[%swap3A_2950, %swap3A_2951] : memref<3376x128xf32, #tpu.memory_space<vmem>>, vector<32x96xf32>
    tpu.vector_store %arg8[%swap3A_2950, %swap3A_2951], %add3A_2949 {strides = array<i32>} : memref<3376x128xf32, #tpu.memory_space<vmem>>, vector<32x96xf32>,
    %get3A_2953 = arith.constant 1888 : index
    %get3A_2954 = arith.constant 0 : index
    %get3A_2955 = vector.load %arg2[%get3A_2953, %get3A_2954] : memref<3376x128xf32, #tpu.memory_space<vmem>>, vector<32x96xf32>
    %get3A_2956 = arith.constant 1888 : index
    %get3A_2957 = arith.constant 0 : index
    %get3A_2958 = vector.load %arg9[%get3A_2956, %get3A_2957] : memref<2048x192xf32, #tpu.memory_space<vmem>>, vector<32x192xf32>
    %convert_element_type3A_2959 = arith.truncf %get3A_2958 : vector<32x192xf32> to vector<32x192xbf16>
    %get3A_2960 = arith.constant 59 : index
    %get3A_2961 = arith.constant 0 : index
    %get3A_2962 = arith.constant 0 : index
    %get3A_2963 = vector.load %arg5[%get3A_2960, %get3A_2961, %get3A_2962] : memref<64x192x96xbf16, #tpu.memory_space<vmem>>, vector<1x192x96xbf16>
    %get3A_2964 = vector.shape_cast %get3A_2963 : vector<1x192x96xbf16> to vector<192x96xbf16>
    %dot_general3A_2965 = arith.constant dense<0.000000e+00> : vector<32x96xf32>
    %dot_general3A_2966 = tpu.matmul %convert_element_type3A_2959, %get3A_2964, %dot_general3A_2965 {dimension_numbers = #tpu.dot_dimension_numbers<[1], [0], [0], [1], [0, 0, 1, 1], [], []>, transpose_lhs_hint = false} : vector<32x192xbf16>, vector<192x96xbf16>, vector<32x96xf32> -> vector<32x96xf32>
    %get3A_2967 = arith.constant 59 : index
    %get3A_2968 = arith.constant 0 : index
    %get3A_2969 = arith.constant 0 : index
    %get3A_2970 = vector.load %arg6[%get3A_2967, %get3A_2968, %get3A_2969] : memref<64x1x96xf32, #tpu.memory_space<vmem>>, vector<1x1x96xf32>
    %get3A_2971 = vector.shape_cast %get3A_2970 : vector<1x1x96xf32> to vector<1x96xf32>
    %add3A_2972 = vector.broadcast %get3A_2971 : vector<1x96xf32> to vector<32x96xf32>
    %add3A_2973 = arith.addf %dot_general3A_2966, %add3A_2972 : vector<32x96xf32>
    %mul3A_2974 = vector.broadcast %get3A_2 : f32 to vector<32x96xf32>
    %mul3A_2975 = arith.mulf %mul3A_2974, %add3A_2973 : vector<32x96xf32>
    %add3A_2976 = arith.addf %get3A_2955, %mul3A_2975 : vector<32x96xf32>
    %swap3A_2977 = arith.constant 1888 : index
    %swap3A_2978 = arith.constant 0 : index
    %swap3A_2979 = vector.load %arg8[%swap3A_2977, %swap3A_2978] : memref<3376x128xf32, #tpu.memory_space<vmem>>, vector<32x96xf32>
    tpu.vector_store %arg8[%swap3A_2977, %swap3A_2978], %add3A_2976 {strides = array<i32>} : memref<3376x128xf32, #tpu.memory_space<vmem>>, vector<32x96xf32>,
    %get3A_2980 = arith.constant 1920 : index
    %get3A_2981 = arith.constant 0 : index
    %get3A_2982 = vector.load %arg2[%get3A_2980, %get3A_2981] : memref<3376x128xf32, #tpu.memory_space<vmem>>, vector<32x96xf32>
    %get3A_2983 = arith.constant 1920 : index
    %get3A_2984 = arith.constant 0 : index
    %get3A_2985 = vector.load %arg9[%get3A_2983, %get3A_2984] : memref<2048x192xf32, #tpu.memory_space<vmem>>, vector<32x192xf32>
    %convert_element_type3A_2986 = arith.truncf %get3A_2985 : vector<32x192xf32> to vector<32x192xbf16>
    %get3A_2987 = arith.constant 60 : index
    %get3A_2988 = arith.constant 0 : index
    %get3A_2989 = arith.constant 0 : index
    %get3A_2990 = vector.load %arg5[%get3A_2987, %get3A_2988, %get3A_2989] : memref<64x192x96xbf16, #tpu.memory_space<vmem>>, vector<1x192x96xbf16>
    %get3A_2991 = vector.shape_cast %get3A_2990 : vector<1x192x96xbf16> to vector<192x96xbf16>
    %dot_general3A_2992 = arith.constant dense<0.000000e+00> : vector<32x96xf32>
    %dot_general3A_2993 = tpu.matmul %convert_element_type3A_2986, %get3A_2991, %dot_general3A_2992 {dimension_numbers = #tpu.dot_dimension_numbers<[1], [0], [0], [1], [0, 0, 1, 1], [], []>, transpose_lhs_hint = false} : vector<32x192xbf16>, vector<192x96xbf16>, vector<32x96xf32> -> vector<32x96xf32>
    %get3A_2994 = arith.constant 60 : index
    %get3A_2995 = arith.constant 0 : index
    %get3A_2996 = arith.constant 0 : index
    %get3A_2997 = vector.load %arg6[%get3A_2994, %get3A_2995, %get3A_2996] : memref<64x1x96xf32, #tpu.memory_space<vmem>>, vector<1x1x96xf32>
    %get3A_2998 = vector.shape_cast %get3A_2997 : vector<1x1x96xf32> to vector<1x96xf32>
    %add3A_2999 = vector.broadcast %get3A_2998 : vector<1x96xf32> to vector<32x96xf32>
    %add3A_3000 = arith.addf %dot_general3A_2993, %add3A_2999 : vector<32x96xf32>
    %mul3A_3001 = vector.broadcast %get3A_2 : f32 to vector<32x96xf32>
    %mul3A_3002 = arith.mulf %mul3A_3001, %add3A_3000 : vector<32x96xf32>
    %add3A_3003 = arith.addf %get3A_2982, %mul3A_3002 : vector<32x96xf32>
    %swap3A_3004 = arith.constant 1920 : index
    %swap3A_3005 = arith.constant 0 : index
    %swap3A_3006 = vector.load %arg8[%swap3A_3004, %swap3A_3005] : memref<3376x128xf32, #tpu.memory_space<vmem>>, vector<32x96xf32>
    tpu.vector_store %arg8[%swap3A_3004, %swap3A_3005], %add3A_3003 {strides = array<i32>} : memref<3376x128xf32, #tpu.memory_space<vmem>>, vector<32x96xf32>,
    %get3A_3007 = arith.constant 1952 : index
    %get3A_3008 = arith.constant 0 : index
    %get3A_3009 = vector.load %arg2[%get3A_3007, %get3A_3008] : memref<3376x128xf32, #tpu.memory_space<vmem>>, vector<32x96xf32>
    %get3A_3010 = arith.constant 1952 : index
    %get3A_3011 = arith.constant 0 : index
    %get3A_3012 = vector.load %arg9[%get3A_3010, %get3A_3011] : memref<2048x192xf32, #tpu.memory_space<vmem>>, vector<32x192xf32>
    %convert_element_type3A_3013 = arith.truncf %get3A_3012 : vector<32x192xf32> to vector<32x192xbf16>
    %get3A_3014 = arith.constant 61 : index
    %get3A_3015 = arith.constant 0 : index
    %get3A_3016 = arith.constant 0 : index
    %get3A_3017 = vector.load %arg5[%get3A_3014, %get3A_3015, %get3A_3016] : memref<64x192x96xbf16, #tpu.memory_space<vmem>>, vector<1x192x96xbf16>
    %get3A_3018 = vector.shape_cast %get3A_3017 : vector<1x192x96xbf16> to vector<192x96xbf16>
    %dot_general3A_3019 = arith.constant dense<0.000000e+00> : vector<32x96xf32>
    %dot_general3A_3020 = tpu.matmul %convert_element_type3A_3013, %get3A_3018, %dot_general3A_3019 {dimension_numbers = #tpu.dot_dimension_numbers<[1], [0], [0], [1], [0, 0, 1, 1], [], []>, transpose_lhs_hint = false} : vector<32x192xbf16>, vector<192x96xbf16>, vector<32x96xf32> -> vector<32x96xf32>
    %get3A_3021 = arith.constant 61 : index
    %get3A_3022 = arith.constant 0 : index
    %get3A_3023 = arith.constant 0 : index
    %get3A_3024 = vector.load %arg6[%get3A_3021, %get3A_3022, %get3A_3023] : memref<64x1x96xf32, #tpu.memory_space<vmem>>, vector<1x1x96xf32>
    %get3A_3025 = vector.shape_cast %get3A_3024 : vector<1x1x96xf32> to vector<1x96xf32>
    %add3A_3026 = vector.broadcast %get3A_3025 : vector<1x96xf32> to vector<32x96xf32>
    %add3A_3027 = arith.addf %dot_general3A_3020, %add3A_3026 : vector<32x96xf32>
    %mul3A_3028 = vector.broadcast %get3A_2 : f32 to vector<32x96xf32>
    %mul3A_3029 = arith.mulf %mul3A_3028, %add3A_3027 : vector<32x96xf32>
    %add3A_3030 = arith.addf %get3A_3009, %mul3A_3029 : vector<32x96xf32>
    %swap3A_3031 = arith.constant 1952 : index
    %swap3A_3032 = arith.constant 0 : index
    %swap3A_3033 = vector.load %arg8[%swap3A_3031, %swap3A_3032] : memref<3376x128xf32, #tpu.memory_space<vmem>>, vector<32x96xf32>
    tpu.vector_store %arg8[%swap3A_3031, %swap3A_3032], %add3A_3030 {strides = array<i32>} : memref<3376x128xf32, #tpu.memory_space<vmem>>, vector<32x96xf32>,
    %get3A_3034 = arith.constant 1984 : index
    %get3A_3035 = arith.constant 0 : index
    %get3A_3036 = vector.load %arg2[%get3A_3034, %get3A_3035] : memref<3376x128xf32, #tpu.memory_space<vmem>>, vector<32x96xf32>
    %get3A_3037 = arith.constant 1984 : index
    %get3A_3038 = arith.constant 0 : index
    %get3A_3039 = vector.load %arg9[%get3A_3037, %get3A_3038] : memref<2048x192xf32, #tpu.memory_space<vmem>>, vector<32x192xf32>
    %convert_element_type3A_3040 = arith.truncf %get3A_3039 : vector<32x192xf32> to vector<32x192xbf16>
    %get3A_3041 = arith.constant 62 : index
    %get3A_3042 = arith.constant 0 : index
    %get3A_3043 = arith.constant 0 : index
    %get3A_3044 = vector.load %arg5[%get3A_3041, %get3A_3042, %get3A_3043] : memref<64x192x96xbf16, #tpu.memory_space<vmem>>, vector<1x192x96xbf16>
    %get3A_3045 = vector.shape_cast %get3A_3044 : vector<1x192x96xbf16> to vector<192x96xbf16>
    %dot_general3A_3046 = arith.constant dense<0.000000e+00> : vector<32x96xf32>
    %dot_general3A_3047 = tpu.matmul %convert_element_type3A_3040, %get3A_3045, %dot_general3A_3046 {dimension_numbers = #tpu.dot_dimension_numbers<[1], [0], [0], [1], [0, 0, 1, 1], [], []>, transpose_lhs_hint = false} : vector<32x192xbf16>, vector<192x96xbf16>, vector<32x96xf32> -> vector<32x96xf32>
    %get3A_3048 = arith.constant 62 : index
    %get3A_3049 = arith.constant 0 : index
    %get3A_3050 = arith.constant 0 : index
    %get3A_3051 = vector.load %arg6[%get3A_3048, %get3A_3049, %get3A_3050] : memref<64x1x96xf32, #tpu.memory_space<vmem>>, vector<1x1x96xf32>
    %get3A_3052 = vector.shape_cast %get3A_3051 : vector<1x1x96xf32> to vector<1x96xf32>
    %add3A_3053 = vector.broadcast %get3A_3052 : vector<1x96xf32> to vector<32x96xf32>
    %add3A_3054 = arith.addf %dot_general3A_3047, %add3A_3053 : vector<32x96xf32>
    %mul3A_3055 = vector.broadcast %get3A_2 : f32 to vector<32x96xf32>
    %mul3A_3056 = arith.mulf %mul3A_3055, %add3A_3054 : vector<32x96xf32>
    %add3A_3057 = arith.addf %get3A_3036, %mul3A_3056 : vector<32x96xf32>
    %swap3A_3058 = arith.constant 1984 : index
    %swap3A_3059 = arith.constant 0 : index
    %swap3A_3060 = vector.load %arg8[%swap3A_3058, %swap3A_3059] : memref<3376x128xf32, #tpu.memory_space<vmem>>, vector<32x96xf32>
    tpu.vector_store %arg8[%swap3A_3058, %swap3A_3059], %add3A_3057 {strides = array<i32>} : memref<3376x128xf32, #tpu.memory_space<vmem>>, vector<32x96xf32>,
    %get3A_3061 = arith.constant 2016 : index
    %get3A_3062 = arith.constant 0 : index
    %get3A_3063 = vector.load %arg2[%get3A_3061, %get3A_3062] : memref<3376x128xf32, #tpu.memory_space<vmem>>, vector<32x96xf32>
    %get3A_3064 = arith.constant 2016 : index
    %get3A_3065 = arith.constant 0 : index
    %get3A_3066 = vector.load %arg9[%get3A_3064, %get3A_3065] : memref<2048x192xf32, #tpu.memory_space<vmem>>, vector<32x192xf32>
    %convert_element_type3A_3067 = arith.truncf %get3A_3066 : vector<32x192xf32> to vector<32x192xbf16>
    %get3A_3068 = arith.constant 63 : index
    %get3A_3069 = arith.constant 0 : index
    %get3A_3070 = arith.constant 0 : index
    %get3A_3071 = vector.load %arg5[%get3A_3068, %get3A_3069, %get3A_3070] : memref<64x192x96xbf16, #tpu.memory_space<vmem>>, vector<1x192x96xbf16>
    %get3A_3072 = vector.shape_cast %get3A_3071 : vector<1x192x96xbf16> to vector<192x96xbf16>
    %dot_general3A_3073 = arith.constant dense<0.000000e+00> : vector<32x96xf32>
    %dot_general3A_3074 = tpu.matmul %convert_element_type3A_3067, %get3A_3072, %dot_general3A_3073 {dimension_numbers = #tpu.dot_dimension_numbers<[1], [0], [0], [1], [0, 0, 1, 1], [], []>, transpose_lhs_hint = false} : vector<32x192xbf16>, vector<192x96xbf16>, vector<32x96xf32> -> vector<32x96xf32>
    %get3A_3075 = arith.constant 63 : index
    %get3A_3076 = arith.constant 0 : index
    %get3A_3077 = arith.constant 0 : index
    %get3A_3078 = vector.load %arg6[%get3A_3075, %get3A_3076, %get3A_3077] : memref<64x1x96xf32, #tpu.memory_space<vmem>>, vector<1x1x96xf32>
    %get3A_3079 = vector.shape_cast %get3A_3078 : vector<1x1x96xf32> to vector<1x96xf32>
    %add3A_3080 = vector.broadcast %get3A_3079 : vector<1x96xf32> to vector<32x96xf32>
    %add3A_3081 = arith.addf %dot_general3A_3074, %add3A_3080 : vector<32x96xf32>
    %mul3A_3082 = vector.broadcast %get3A_2 : f32 to vector<32x96xf32>
    %mul3A_3083 = arith.mulf %mul3A_3082, %add3A_3081 : vector<32x96xf32>
    %add3A_3084 = arith.addf %get3A_3063, %mul3A_3083 : vector<32x96xf32>
    %swap3A_3085 = arith.constant 2016 : index
    %swap3A_3086 = arith.constant 0 : index
    %swap3A_3087 = vector.load %arg8[%swap3A_3085, %swap3A_3086] : memref<3376x128xf32, #tpu.memory_space<vmem>>, vector<32x96xf32>
    tpu.vector_store %arg8[%swap3A_3085, %swap3A_3086], %add3A_3084 {strides = array<i32>} : memref<3376x128xf32, #tpu.memory_space<vmem>>, vector<32x96xf32>,
    %get3A_3088 = arith.constant 0 : index
    %get3A_3089 = arith.constant 152 : index
    %get3A_3090 = memref.load %arg1[%get3A_3088, %get3A_3089] : memref<1x153xi32, #tpu.memory_space<smem>>
    %while3A = arith.constant 0 : i32
    %while3A_3091 = arith.constant 0 : i32
    %while3A_3092 = arith.subi %get3A_3090, %while3A_3091 : i32
    %while3A_3093 = arith.addi %while3A_3091, %while3A_3092 : i32
    %while3A_3094 = arith.constant 1 : i32
    %while3A_3095 = arith.divsi %while3A_3092, %while3A_3094 : i32
    %while3A_3096 = arith.muli %while3A_3095, %while3A_3094 : i32
    %while3A_3097 = arith.addi %while3A_3091, %while3A_3096 : i32
    %while3A_3098 = arith.constant 1 : i32
    scf.for %while3A_3100 = %while3A_3091 to %while3A_3097 step %while3A_3098  : i32 {
      %get3A_3101 = arith.constant 0 : index
      %get3A_3102 = arith.index_cast %while3A_3100 : i32 to index
      %get3A_3103 = memref.load %arg1[%get3A_3101, %get3A_3102] : memref<1x153xi32, #tpu.memory_space<smem>>
      %mul3A_3104 = arith.constant 8 : i32
      %mul3A_3105 = arith.muli %while3A_3100, %mul3A_3104 : i32
      %add3A_3106 = arith.constant 2048 : i32
      %add3A_3107 = arith.addi %add3A_3106, %mul3A_3105 : i32
      %get3A_3108 = arith.index_cast %add3A_3107 : i32 to index
      %get3A_3109 = arith.constant 0 : index
      %get3A_3110 = vector.load %arg2[%get3A_3108, %get3A_3109] : memref<3376x128xf32, #tpu.memory_space<vmem>>, vector<8x96xf32>
      %get3A_3111 = arith.index_cast %get3A_3103 : i32 to index
      %get3A_3112 = arith.constant 0 : index
      %get3A_3113 = arith.constant 0 : index
      %get3A_3114 = vector.load %arg3[%get3A_3111, %get3A_3112, %get3A_3113] : memref<64x96x192xbf16, #tpu.memory_space<vmem>>, vector<1x96x192xbf16>
      %get3A_3115 = vector.shape_cast %get3A_3114 : vector<1x96x192xbf16> to vector<96x192xbf16>
      %get3A_3116 = arith.index_cast %get3A_3103 : i32 to index
      %get3A_3117 = arith.constant 0 : index
      %get3A_3118 = arith.constant 0 : index
      %get3A_3119 = vector.load %arg4[%get3A_3116, %get3A_3117, %get3A_3118] : memref<64x1x192xf32, #tpu.memory_space<vmem>>, vector<1x1x192xf32>
      %get3A_3120 = vector.shape_cast %get3A_3119 : vector<1x1x192xf32> to vector<1x192xf32>
      %get3A_3121 = arith.index_cast %get3A_3103 : i32 to index
      %get3A_3122 = arith.constant 0 : index
      %get3A_3123 = arith.constant 0 : index
      %get3A_3124 = vector.load %arg5[%get3A_3121, %get3A_3122, %get3A_3123] : memref<64x192x96xbf16, #tpu.memory_space<vmem>>, vector<1x192x96xbf16>
      %get3A_3125 = vector.shape_cast %get3A_3124 : vector<1x192x96xbf16> to vector<192x96xbf16>
      %get3A_3126 = arith.index_cast %get3A_3103 : i32 to index
      %get3A_3127 = arith.constant 0 : index
      %get3A_3128 = arith.constant 0 : index
      %get3A_3129 = vector.load %arg6[%get3A_3126, %get3A_3127, %get3A_3128] : memref<64x1x96xf32, #tpu.memory_space<vmem>>, vector<1x1x96xf32>
      %get3A_3130 = vector.shape_cast %get3A_3129 : vector<1x1x96xf32> to vector<1x96xf32>
      %convert_element_type3A_3131 = arith.truncf %get3A_3110 : vector<8x96xf32> to vector<8x96xbf16>
      %dot_general3A_3132 = arith.constant dense<0.000000e+00> : vector<8x192xf32>
      %dot_general3A_3133 = tpu.matmul %convert_element_type3A_3131, %get3A_3115, %dot_general3A_3132 {dimension_numbers = #tpu.dot_dimension_numbers<[1], [0], [0], [1], [0, 0, 1, 1], [], []>, transpose_lhs_hint = false} : vector<8x96xbf16>, vector<96x192xbf16>, vector<8x192xf32> -> vector<8x192xf32>
      %add3A_3134 = vector.broadcast %get3A_3120 : vector<1x192xf32> to vector<8x192xf32>
      %add3A_3135 = arith.addf %dot_general3A_3133, %add3A_3134 : vector<8x192xf32>
      %mul3A_3136 = arith.constant 5.000000e-01 : f32
      %mul3A_3137 = vector.broadcast %mul3A_3136 : f32 to vector<8x192xf32>
      %mul3A_3138 = arith.mulf %mul3A_3137, %add3A_3135 : vector<8x192xf32>
      %mul3A_3139 = arith.constant 0.707106769 : f32
      %mul3A_3140 = vector.broadcast %mul3A_3139 : f32 to vector<8x192xf32>
      %mul3A_3141 = arith.mulf %add3A_3135, %mul3A_3140 : vector<8x192xf32>
      %erf3A_3142 = math.erf %mul3A_3141 : vector<8x192xf32>
      %add3A_3143 = arith.constant 1.000000e+00 : f32
      %add3A_3144 = vector.broadcast %add3A_3143 : f32 to vector<8x192xf32>
      %add3A_3145 = arith.addf %add3A_3144, %erf3A_3142 : vector<8x192xf32>
      %mul3A_3146 = arith.mulf %mul3A_3138, %add3A_3145 : vector<8x192xf32>
      %convert_element_type3A_3147 = arith.truncf %mul3A_3146 : vector<8x192xf32> to vector<8x192xbf16>
      %dot_general3A_3148 = arith.constant dense<0.000000e+00> : vector<8x96xf32>
      %dot_general3A_3149 = tpu.matmul %convert_element_type3A_3147, %get3A_3125, %dot_general3A_3148 {dimension_numbers = #tpu.dot_dimension_numbers<[1], [0], [0], [1], [0, 0, 1, 1], [], []>, transpose_lhs_hint = false} : vector<8x192xbf16>, vector<192x96xbf16>, vector<8x96xf32> -> vector<8x96xf32>
      %add3A_3150 = vector.broadcast %get3A_3130 : vector<1x96xf32> to vector<8x96xf32>
      %add3A_3151 = arith.addf %dot_general3A_3149, %add3A_3150 : vector<8x96xf32>
      %mul3A_3152 = vector.broadcast %get3A_2 : f32 to vector<8x96xf32>
      %mul3A_3153 = arith.mulf %mul3A_3152, %add3A_3151 : vector<8x96xf32>
      %add3A_3154 = arith.addf %get3A_3110, %mul3A_3153 : vector<8x96xf32>
      %mul3A_3155 = arith.constant 8 : i32
      %mul3A_3156 = arith.muli %while3A_3100, %mul3A_3155 : i32
      %add3A_3157 = arith.constant 2048 : i32
      %add3A_3158 = arith.addi %add3A_3157, %mul3A_3156 : i32
      %swap3A_3159 = arith.index_cast %add3A_3158 : i32 to index
      %swap3A_3160 = arith.constant 0 : index
      %swap3A_3161 = vector.load %arg8[%swap3A_3159, %swap3A_3160] : memref<3376x128xf32, #tpu.memory_space<vmem>>, vector<8x96xf32>
      tpu.vector_store %arg8[%swap3A_3159, %swap3A_3160], %add3A_3154 {strides = array<i32>} : memref<3376x128xf32, #tpu.memory_space<vmem>>, vector<8x96xf32>,
    }
    %while3A_3099 = arith.constant 1 : i32
    scf.for %while3A_3100 = %while3A_3097 to %while3A_3093 step %while3A_3099  : i32 {
      %get3A_3101 = arith.constant 0 : index
      %get3A_3102 = arith.index_cast %while3A_3100 : i32 to index
      %get3A_3103 = memref.load %arg1[%get3A_3101, %get3A_3102] : memref<1x153xi32, #tpu.memory_space<smem>>
      %mul3A_3104 = arith.constant 8 : i32
      %mul3A_3105 = arith.muli %while3A_3100, %mul3A_3104 : i32
      %add3A_3106 = arith.constant 2048 : i32
      %add3A_3107 = arith.addi %add3A_3106, %mul3A_3105 : i32
      %get3A_3108 = arith.index_cast %add3A_3107 : i32 to index
      %get3A_3109 = arith.constant 0 : index
      %get3A_3110 = vector.load %arg2[%get3A_3108, %get3A_3109] : memref<3376x128xf32, #tpu.memory_space<vmem>>, vector<8x96xf32>
      %get3A_3111 = arith.index_cast %get3A_3103 : i32 to index
      %get3A_3112 = arith.constant 0 : index
      %get3A_3113 = arith.constant 0 : index
      %get3A_3114 = vector.load %arg3[%get3A_3111, %get3A_3112, %get3A_3113] : memref<64x96x192xbf16, #tpu.memory_space<vmem>>, vector<1x96x192xbf16>
      %get3A_3115 = vector.shape_cast %get3A_3114 : vector<1x96x192xbf16> to vector<96x192xbf16>
      %get3A_3116 = arith.index_cast %get3A_3103 : i32 to index
      %get3A_3117 = arith.constant 0 : index
      %get3A_3118 = arith.constant 0 : index
      %get3A_3119 = vector.load %arg4[%get3A_3116, %get3A_3117, %get3A_3118] : memref<64x1x192xf32, #tpu.memory_space<vmem>>, vector<1x1x192xf32>
      %get3A_3120 = vector.shape_cast %get3A_3119 : vector<1x1x192xf32> to vector<1x192xf32>
      %get3A_3121 = arith.index_cast %get3A_3103 : i32 to index
      %get3A_3122 = arith.constant 0 : index
      %get3A_3123 = arith.constant 0 : index
      %get3A_3124 = vector.load %arg5[%get3A_3121, %get3A_3122, %get3A_3123] : memref<64x192x96xbf16, #tpu.memory_space<vmem>>, vector<1x192x96xbf16>
      %get3A_3125 = vector.shape_cast %get3A_3124 : vector<1x192x96xbf16> to vector<192x96xbf16>
      %get3A_3126 = arith.index_cast %get3A_3103 : i32 to index
      %get3A_3127 = arith.constant 0 : index
      %get3A_3128 = arith.constant 0 : index
      %get3A_3129 = vector.load %arg6[%get3A_3126, %get3A_3127, %get3A_3128] : memref<64x1x96xf32, #tpu.memory_space<vmem>>, vector<1x1x96xf32>
      %get3A_3130 = vector.shape_cast %get3A_3129 : vector<1x1x96xf32> to vector<1x96xf32>
      %convert_element_type3A_3131 = arith.truncf %get3A_3110 : vector<8x96xf32> to vector<8x96xbf16>
      %dot_general3A_3132 = arith.constant dense<0.000000e+00> : vector<8x192xf32>
      %dot_general3A_3133 = tpu.matmul %convert_element_type3A_3131, %get3A_3115, %dot_general3A_3132 {dimension_numbers = #tpu.dot_dimension_numbers<[1], [0], [0], [1], [0, 0, 1, 1], [], []>, transpose_lhs_hint = false} : vector<8x96xbf16>, vector<96x192xbf16>, vector<8x192xf32> -> vector<8x192xf32>
      %add3A_3134 = vector.broadcast %get3A_3120 : vector<1x192xf32> to vector<8x192xf32>
      %add3A_3135 = arith.addf %dot_general3A_3133, %add3A_3134 : vector<8x192xf32>
      %mul3A_3136 = arith.constant 5.000000e-01 : f32
      %mul3A_3137 = vector.broadcast %mul3A_3136 : f32 to vector<8x192xf32>
      %mul3A_3138 = arith.mulf %mul3A_3137, %add3A_3135 : vector<8x192xf32>
      %mul3A_3139 = arith.constant 0.707106769 : f32
      %mul3A_3140 = vector.broadcast %mul3A_3139 : f32 to vector<8x192xf32>
      %mul3A_3141 = arith.mulf %add3A_3135, %mul3A_3140 : vector<8x192xf32>
      %erf3A_3142 = math.erf %mul3A_3141 : vector<8x192xf32>
      %add3A_3143 = arith.constant 1.000000e+00 : f32
      %add3A_3144 = vector.broadcast %add3A_3143 : f32 to vector<8x192xf32>
      %add3A_3145 = arith.addf %add3A_3144, %erf3A_3142 : vector<8x192xf32>
      %mul3A_3146 = arith.mulf %mul3A_3138, %add3A_3145 : vector<8x192xf32>
      %convert_element_type3A_3147 = arith.truncf %mul3A_3146 : vector<8x192xf32> to vector<8x192xbf16>
      %dot_general3A_3148 = arith.constant dense<0.000000e+00> : vector<8x96xf32>
      %dot_general3A_3149 = tpu.matmul %convert_element_type3A_3147, %get3A_3125, %dot_general3A_3148 {dimension_numbers = #tpu.dot_dimension_numbers<[1], [0], [0], [1], [0, 0, 1, 1], [], []>, transpose_lhs_hint = false} : vector<8x192xbf16>, vector<192x96xbf16>, vector<8x96xf32> -> vector<8x96xf32>
      %add3A_3150 = vector.broadcast %get3A_3130 : vector<1x96xf32> to vector<8x96xf32>
      %add3A_3151 = arith.addf %dot_general3A_3149, %add3A_3150 : vector<8x96xf32>
      %mul3A_3152 = vector.broadcast %get3A_2 : f32 to vector<8x96xf32>
      %mul3A_3153 = arith.mulf %mul3A_3152, %add3A_3151 : vector<8x96xf32>
      %add3A_3154 = arith.addf %get3A_3110, %mul3A_3153 : vector<8x96xf32>
      %mul3A_3155 = arith.constant 8 : i32
      %mul3A_3156 = arith.muli %while3A_3100, %mul3A_3155 : i32
      %add3A_3157 = arith.constant 2048 : i32
      %add3A_3158 = arith.addi %add3A_3157, %mul3A_3156 : i32
      %swap3A_3159 = arith.index_cast %add3A_3158 : i32 to index
      %swap3A_3160 = arith.constant 0 : index
      %swap3A_3161 = vector.load %arg8[%swap3A_3159, %swap3A_3160] : memref<3376x128xf32, #tpu.memory_space<vmem>>, vector<8x96xf32>
      tpu.vector_store %arg8[%swap3A_3159, %swap3A_3160], %add3A_3154 {strides = array<i32>} : memref<3376x128xf32, #tpu.memory_space<vmem>>, vector<8x96xf32>,
    }
    return
  }
  func.func @transform_0(%arg0: i32, %arg1: memref<1x153xi32, #tpu.memory_space<smem>>) -> (i32, i32) {
    %c0_i32 = arith.constant 0 : i32
    %c0_i32_0 = arith.constant 0 : i32
    %c0_i32_1 = arith.constant 0 : i32
    return %c0_i32, %c0_i32_0 : i32, i32
  }
  func.func @transform_1(%arg0: i32, %arg1: memref<1x153xi32, #tpu.memory_space<smem>>) -> (i32, i32, i32) {
    %c0_i32 = arith.constant 0 : i32
    %c0_i32_0 = arith.constant 0 : i32
    %c0_i32_1 = arith.constant 0 : i32
    %c0_i32_2 = arith.constant 0 : i32
    return %c0_i32, %c0_i32_0, %c0_i32_1 : i32, i32, i32
  }
  func.func @transform_2(%arg0: i32, %arg1: memref<1x153xi32, #tpu.memory_space<smem>>) -> (i32, i32, i32) {
    %c0_i32 = arith.constant 0 : i32
    %c0_i32_0 = arith.constant 0 : i32
    %c0_i32_1 = arith.constant 0 : i32
    %c0_i32_2 = arith.constant 0 : i32
    return %c0_i32, %c0_i32_0, %c0_i32_1 : i32, i32, i32
  }
  func.func @transform_3(%arg0: i32, %arg1: memref<1x153xi32, #tpu.memory_space<smem>>) -> (i32, i32, i32) {
    %c0_i32 = arith.constant 0 : i32
    %c0_i32_0 = arith.constant 0 : i32
    %c0_i32_1 = arith.constant 0 : i32
    %c0_i32_2 = arith.constant 0 : i32
    return %c0_i32, %c0_i32_0, %c0_i32_1 : i32, i32, i32
  }
  func.func @transform_4(%arg0: i32, %arg1: memref<1x153xi32, #tpu.memory_space<smem>>) -> (i32, i32, i32) {
    %c0_i32 = arith.constant 0 : i32
    %c0_i32_0 = arith.constant 0 : i32
    %c0_i32_1 = arith.constant 0 : i32
    %c0_i32_2 = arith.constant 0 : i32
    return %c0_i32, %c0_i32_0, %c0_i32_1 : i32, i32, i32
  }
  func.func @transform_5(%arg0: i32, %arg1: memref<1x153xi32, #tpu.memory_space<smem>>) -> (i32, i32) {
    %c0_i32 = arith.constant 0 : i32
    %c0_i32_0 = arith.constant 0 : i32
    %c0_i32_1 = arith.constant 0 : i32
    return %c0_i32, %c0_i32_0 : i32, i32
  }
  func.func @transform_6(%arg0: i32, %arg1: memref<1x153xi32, #tpu.memory_space<smem>>) -> (i32, i32) {
    %c0_i32 = arith.constant 0 : i32
    %c0_i32_0 = arith.constant 0 : i32
    %c0_i32_1 = arith.constant 0 : i32
    return %c0_i32, %c0_i32_0 : i32, i32
  }
}

</mosaic_0001>

<sc_bundles>
// kernel: kernel.6.cloned.1.call-start
scs
__scs_entry_jumppad:
0x0: {  	(pc) =	sbr.rel $0x88, $3  }
0x1: {  	(tag) =	ssettag $0x0;
	lr =	simm.s32 $0x1  }
0x2: {  	[smem:$0x3F99] =	sst lr;
	_ =	strace $0xD0000000  }
0x3: {  	_ = 	snop  }
0x4: {  	_ = 	snop  }
0x5: {  	_ = 	snop  }
0x6: {  	_ = 	snop  }
0x7: {  	_ = 	snop  }
__scs_overlays_trampoline_lowered:
0x8: {  	[smem:$0x3FA8] =	sst s0  }
0x9: {  	[smem:$0x3FA9] =	sst s1  }
0xa: {  	[smem:$0x3FAA] =	sst s2  }
0xb: {  	[smem:$0x3FAB] =	sst s3  }
0xc: {  	[smem:$0x3FAC] =	sst s4  }
0xd: {  	[smem:$0x3FAD] =	sst s5  }
0xe: {  	[smem:$0x3FAE] =	sst s6  }
0xf: {  	[smem:$0x3FAF] =	sst s7  }
0x10: {  	[smem:$0x3FB0] =	sst s8  }
0x11: {  	[smem:$0x3FB1] =	sst s9;
	s0 =	simm.s32 @!p0 $0x0  }
0x12: {  	s1 =	sld [smem:$0x3F97];
	s0 =	simm.s32 @p0 $0x1  }
0x13: {  	[smem:$0x3FB2] =	sst s0;
	s0 =	simm.s32 @!p1 $0x0  }
0x14: {  	s2 =	sld [smem:$0x3F96];
	s0 =	simm.s32 @p1 $0x1  }
0x15: {  	[smem:$0x3FB3] =	sst s0;
	s0 =	simm.s32 @!p2 $0x0  }
0x16: {  	s3 =	sld [smem:$0x3FDB];
	s0 =	simm.s32 @p2 $0x1  }
0x17: {  	s4 =	simm.s32 $0x1BF5;
	[smem:$0x3FB5] =	sst s0  }
0x18: {  	s0 =	sld [smem:$0x3F98];
	_ =	swait.ge [sflag:s4], $0x0  }
0x19: {  	s7 =	sld [smem:$0x3F99]  }
0x1a: {  	s8 =	sadd.s32 $0xFFFFE003, lr  }
0x1b: {  	s9 =	sadd.s32 $0xFFFFFEF7, lr;
	s5 =	simm.s32 $0xFFFFFFFF;
	p2 =	slt.u32 s8, $0xFFFFF086  }
0x1c: {  	p1 =	slt.u32 s9, $0xF7A;
	s5 =	simm.s32 @!p2 $0x0  }
0x1d: {  	s5 =	simm.s32 @p1 $0x1;
	p0 =	seq.s32 s7, s2  }
0x1e: {  	s7 =	smul.u32 @!p0 $0xF7A, s2;
	p2 =	seq.s32 @!p0 s5, $0x0  }
0x1f: {  	s9 =	smul.u32 $0xF7A, s1;
	s8 =	simm.s32 @!p0 $0x1BF5;
	p2 =	por !p2, p0  }
0x20: {  	[sflag:s8] =	ssyncset.s32 @!p0 $0xFFFFF086;
	s6 =	sadd.s32 @!p0 s3, s7;
	s7 =	simm.s32 @!p0 $0x108  }
0x21: {  	s3 =	sadd.s32 s3, s9;
	s6 =	sadd.s32 @!p0 $0x88, s6;
	s7 =	simm.s32 @p2 $0x1082  }
0x22: {  	[simem:s7], [sflag:s8] =	dma.local @!p0 [hbm:s6], $0xF7A  }
0x23: {  	s9 =	sor.u32 $0xD0000000, s2;
	s6 =	simm.s32 $0x108;
	_ =	swait.ge @!p0 [sflag:s8], $0x0  }
0x24: {  	s3 =	sadd.s32 $0x88, s3;
	s6 =	simm.s32 @!p1 $0x1082;
	[sflag:s4] =	ssyncset.s32 $0xFFFFF086  }
0x25: {  	[simem:s6], [sflag:s4] =	dma.local [hbm:s3], $0xF7A  }
0x26: {  	[smem:$0x3F99] =	sst s1;
	(tag) =	ssettag s2;
	_ =	strace s9  }
0x27: {  	s1 =	sld [smem:$0x3FA9]  }
0x28: {  	s2 =	sld [smem:$0x3FAA]  }
0x29: {  	s4 =	sld [smem:$0x3FAC]  }
0x2a: {  	p0 =	seq.s32 s5, $0x0;
	s5 =	sld [smem:$0x3FAD]  }
0x2b: {  	s6 =	sld [smem:$0x3FAE]  }
0x2c: {  	s7 =	sld [smem:$0x3FAF]  }
0x2d: {  	s3 =	simm.s32 $0x108;
	s8 =	sld [smem:$0x3FB0]  }
0x2e: {  	s3 =	simm.s32 @!p0 $0x1082;
	s9 =	sld [smem:$0x3FB1]  }
0x2f: {  	lr =	sadd.s32 s0, s3;
	s0 =	sld [smem:$0x3FA8]  }
0x30: {  	s3 =	sld [smem:$0x3FAB]  }
0x31: {  	[smem:$0x3FB4] =	sst s10  }
0x32: {  	s10 =	sld [smem:$0x3FB2];
	_ =	sdelay $0x3  }
0x33: {  	p0 =	seq.s32 s10, $0x1;
	s10 =	sld [smem:$0x3FB4];
	_ =	sdelay $0x3  }
0x34: {  	[smem:$0x3FB4] =	sst s10  }
0x35: {  	s10 =	sld [smem:$0x3FB3];
	_ =	sdelay $0x3  }
0x36: {  	p1 =	seq.s32 s10, $0x1;
	s10 =	sld [smem:$0x3FB4];
	_ =	sdelay $0x3  }
0x37: {  	[smem:$0x3FB4] =	sst s10  }
0x38: {  	s10 =	sld [smem:$0x3FB5]  }
0x39: {  	_ = 	snop;
	(pc) =	sbr.ind lr, $3  }
0x3a: {  	_ = 	snop  }
0x3b: {  	_ = 	snop  }
0x3c: {  	p2 =	seq.s32 s10, $0x1;
	s10 =	sld [smem:$0x3FB4]  }
0x3d: {  	_ =	shalt  }
0x3e: {  	_ =	shalt  }
0x3f: {  	_ =	shalt  }
0x40: {  	_ =	shalt  }
0x41: {  	_ =	shalt  }
0x42: {  	_ =	shalt  }
0x43: {  	_ =	shalt  }
0x44: {  	_ =	shalt  }
0x45: {  	_ =	shalt  }
0x46: {  	_ =	shalt  }
0x47: {  	_ =	shalt  }
0x48: {  	_ =	shalt  }
0x49: {  	_ =	shalt  }
0x4a: {  	_ =	shalt  }
0x4b: {  	_ =	shalt  }
0x4c: {  	_ =	shalt  }
0x4d: {  	_ =	shalt  }
0x4e: {  	_ =	shalt  }
0x4f: {  	_ =	shalt  }
0x50: {  	_ =	shalt  }
0x51: {  	_ =	shalt  }
0x52: {  	_ =	shalt  }
0x53: {  	_ =	shalt  }
0x54: {  	_ =	shalt  }
0x55: {  	_ =	shalt  }
0x56: {  	_ =	shalt  }
0x57: {  	_ =	shalt  }
0x58: {  	_ =	shalt  }
0x59: {  	_ =	shalt  }
0x5a: {  	_ =	shalt  }
0x5b: {  	_ =	shalt  }
0x5c: {  	_ =	shalt  }
0x5d: {  	_ =	shalt  }
0x5e: {  	_ =	shalt  }
0x5f: {  	_ =	shalt  }
0x60: {  	_ =	shalt  }
0x61: {  	_ =	shalt  }
0x62: {  	_ =	shalt  }
0x63: {  	_ =	shalt  }
0x64: {  	_ =	shalt  }
0x65: {  	_ =	shalt  }
0x66: {  	_ =	shalt  }
0x67: {  	_ =	shalt  }
0x68: {  	_ =	shalt  }
0x69: {  	_ =	shalt  }
0x6a: {  	_ =	shalt  }
0x6b: {  	_ =	shalt  }
0x6c: {  	_ =	shalt  }
0x6d: {  	_ =	shalt  }
0x6e: {  	_ =	shalt  }
0x6f: {  	_ =	shalt  }
0x70: {  	_ =	shalt  }
0x71: {  	_ =	shalt  }
0x72: {  	_ =	shalt  }
0x73: {  	_ =	shalt  }
0x74: {  	_ =	shalt  }
0x75: {  	_ =	shalt  }
0x76: {  	_ =	shalt  }
0x77: {  	_ =	shalt  }
0x78: {  	_ =	shalt  }
0x79: {  	_ =	shalt  }
0x7a: {  	_ =	shalt  }
0x7b: {  	_ =	shalt  }
0x7c: {  	_ =	shalt  }
0x7d: {  	_ =	shalt  }
0x7e: {  	_ =	shalt  }
0x7f: {  	_ =	shalt  }
0x80: {  	_ =	shalt  }
0x81: {  	_ =	shalt  }
0x82: {  	_ =	shalt  }
0x83: {  	_ =	shalt  }
0x84: {  	_ =	shalt  }
0x85: {  	_ =	shalt  }
0x86: {  	_ =	shalt  }
0x87: {  	_ =	shalt  }
.Lfunc_end0:
.L_simem_size_0:
called_computation_lowered:
.L_overlay_start_0:
0x88: {  	s2 =	sld [smem:$0x3FD9]  }
0x89: {  	s3 =	sld [smem:$0x3FFE];
	_ =	sdelay $0x1  }
0x8a: {  	s1 =	srdreg.scid  }
0x8b: {  	s0 =	sand.u32 $0x1, s1  }
0x8c: {  	s17 =	sshll.u32 s0, $0xA;
	s2 =	sadd.s32 s3, s2  }
0x8d: {  	s2 =	sadd.s32 s2, s17  }
0x8e: {  	[smem:$0x3FC0] =	sst s2  }
0x8f: {  	_ = 	snop  }
0x90: {  	s2 =	sld [smem:$0x3FD0];
	(tm) =	ssettm $0x1  }
0x91: {  	s18 =	sld [smem:$0x3FFB];
	_ =	sdelay $0x3  }
0x92: {  	_ =	strace s18  }
0x93: {  	s3 =	sld [smem:$0x3FFC];
	_ =	sdelay $0x3  }
0x94: {  	_ =	strace s3  }
0x95: {  	s3 =	sld [smem:$0x3FFD];
	_ =	sdelay $0x3  }
0x96: {  	_ =	strace s3  }
0x97: {  	_ =	strace $0x8FFFFFFF  }
0x98: {  	s19 =	sld [smem:$0x3FDB];
	_ =	sdelay $0x1  }
0x99: {  	s4 =	simm.s32 $_scs_section_size  }
0x9a: {  	s5 =	simm.s32 $_size__tile_overlayer_lowered;
	s6 =	simm.s32 $_tile_overlayer_lowered  }
0x9b: {  	s22 =	simm.s32 $0x1BFF;
	s21 =	sshll.u32 s6, $0x1;
	s3 =	sadd.s32 s4, s19  }
0x9c: {  	s7 =	simm.s32 $0x0;
	s20 =	sshll.u32 s5, $0x1;
	s5 =	sadd.s32 s21, s3  }
0x9d: {  	[timem:s7], [sflag:s22] =	dma.local [hbm:s5], s20  }
0x9e: {  	_ =	swait.ge [sflag:s22], s20  }
0x9f: {  	s4 =	ssub.s32 $0x0, s20;
	[sflag:s22] =	ssyncset.done $0x0  }
0xa0: {  	[sflag:s22] =	ssyncadd.s32 s4;
	_ =	sdelay $0x1  }
0xa1: {  	s23 =	simm.s32 $0x1B8B  }
0xa2: {  	_ =	swait.ge [sflag:s23], $0x1  }
0xa3: {  	[sflag:s23] =	ssyncset.done $0x0  }
0xa4: {  	s25 =	simm.s32 $0x1B8E;
	s24 =	sld [smem:$0x3FFE];
	[sflag:s23] =	ssyncadd.s32 $0xFFFFFFFF  }
0xa5: {  	s26 =	simm.s32 $execute0_lowered;
	[smem:$0x3FD2] =	sst s25  }
0xa6: {  	s5 =	sshll.u32 s26, $0x1;
	_ =	strace $0x80000046;
	[dreg:$0x1] =	wrdreg $0xFFFFFFFF  }
0xa7: {  	s28 =	simm.s32 $_size_execute0_lowered;
	s3 =	sadd.s32 s3, s5;
	[dreg:$0x0] =	wrdreg $0x0  }
0xa8: {  	s5 =	sshll.u32 s28, $0x1;
	[dreg:$0x2] =	wrdreg s3  }
0xa9: {  	[dreg:$0x3] =	wrdreg s5  }
0xaa: {  	[dreg:$0x4] =	wrdreg $0xC0  }
0xab: {  	_ =	task [dreg:s7], $0x5FFFF  }
0xac: {  	[dreg:$0x1] =	wrdreg $0xFFFFFFFF  }
0xad: {  	[dreg:$0x0] =	wrdreg $0x60  }
0xae: {  	[dreg:$0x2] =	wrdreg s24  }
0xaf: {  	[dreg:$0x3] =	wrdreg s2  }
0xb0: {  	[dreg:$0x4] =	wrdreg $0x9  }
0xb1: {  	_ =	task.clear_ibuf [dreg:s7], $0x5FFFF;
	_ =	strace $0x90000046  }
0xb2: {  	s29 =	simm.s32 $0x9;
	_ =	strace $0x8000004E  }
0xb3: {  	_ =	swait.ge [sflag:s29], $0x1  }
0xb4: {  	[sflag:s29] =	ssyncadd.s32 $0xFFFFFFFF  }
0xb5: {  	_ =	strace $0x9000004E  }
0xb6: {  	_ =	sfence  }
0xb7: {  	s30 =	sld [smem:$0x0];
	_ =	sdelay $0x2  }
0xb8: {  	s31 =	sshll.u32 s1, $0xD;
	s1 =	sshrl.u32 s1, $0x2  }
0xb9: {  	s3 =	sand.u32 $0x4000, s31;
	s1 =	sadd.s32 s1, s30  }
0xba: {  	s0 =	sor.u32 s3, s0;
	s1 =	sshll.u32 s1, $0x11  }
0xbb: {  	s0 =	sor.u32 s1, s0  }
0xbc: {  	s0 =	sadd.s32 $0x8F2B, s0  }
0xbd: {  	[sflag:s0] =	ssyncadd.remote.s32 $0x1  }
0xbe: {  	_ =	sfence.sel $0xFFFF  }
0xbf: {  	[dreg:$0x0] =	wrdreg $0xFFFFFFFF;
	(pc) =	sbr.abs _section_cstart, $3  }
0xc0: {  	[dreg:$0x1] =	wrdreg $0xFFFFFFFF  }
0xc1: {  	_ =	task.clear_ibuf [dreg:s7], $0x2FFFF;
	_ =	strace $0x9FFFFFFF  }
0xc2: {  	(tm) =	ssettm $0x7FFFFFFF  }
0xc3: {  	_ =	shalt  }
tec
execute0_lowered:
.L_overlay_start_1:
0x0: {  	(tag) =	ssettag $0x1  }
0x1: {  	s1 =	stileid.u32  }
0x2: {  	p0 =	sgt.u32 s1, $0x6  }
.Ltmp0:
0x3: {  	_ = 	snop;
	(pc) =	sbr.rel @p0 .LBB2_4-.Ltmp0, $4  }
0x4: {  	s8 =	rddreg [dreg:$0x0]  }
0x5: {  	s4 =	rddreg [dreg:$0x1];
	s2 =	simm.s32 $0x0  }
0x6: {  	[smem:$0x7FF] =	sst s2  }
0x7: {  	s0 =	rddreg [dreg:$0x2];
	_ =	strace $0x80000047  }
0x8: {  	s3 =	sshll.u32 s1, $0xB  }
0x9: {  	s3 =	sadd.s32 s3, s8  }
0xa: {  	s5 =	sshll.u32 s1, $0x4;
	_ =	strace $0x80000048;
	s3 =	sadd.s32 $0x2200, s3  }
0xb: {  	[tilespmem:s2], [sflag:$0x1] =	stream.linear.gather [hbm4b:s3+s2], $0x4000, $0x200038;
	[tilespmem:$0x8100] =	vst v63  }
0xc: {  	s4 =	sadd.s32 s4, s5;
	s5 =	simm.s32 $0x8000  }
0xd: {  	[tilespmem:s5], [sflag:$0x3] =	stream.linear.gather [hbm4b:s4+s2], $0x80, $0x200038;
	[tilespmem:$0x8100] =	vst v63  }
0xe: {  	_ =	strace $0x90000048  }
0xf: {  	s6 =	simm.s32 $0x1;
	_ =	strace $0x8000004B  }
0x10: {  	_ =	swait.ge [sflag:s6], $0x4000  }
0x11: {  	[sflag:s6] =	ssyncset.done $0x0  }
0x12: {  	s9 =	srdreg.scid;
	[sflag:s6] =	ssyncadd.s32 $0xFFFFC000  }
0x13: {  	s9 =	sand.u32 $0x1, s9;
	_ =	strace $0x9000004B  }
0x14: {  	s7 =	simm.s32 $0x3;
	s9 =	ssub.s32 $0x2, s9;
	_ =	strace $0x8000004C  }
0x15: {  	s10 =	sshrl.u32 s9, $0x1;
	_ =	swait.ge [sflag:s7], $0x80  }
0x16: {  	s11 =	ssub.s32 s9, s10;
	[sflag:s7] =	ssyncset.done $0x0  }
0x17: {  	s8 =	sadd.s32 $0x5A00, s8;
	s11 =	smax.u32 s11, $0x1;
	[sflag:s7] =	ssyncadd.s32 $0xFFFFFF80  }
0x18: {  	s9 =	simm.s32 $0x80;
	p0 =	sne.s32 s11, $0x1;
	_ =	strace $0x9000004C  }
.Ltmp1:
0x19: {  	s10 =	simm.s32 $0x5;
	_ =	strace $0x8000004D;
	(pc) =	sbr.rel @!p0 .LBB2_3-.Ltmp1, $4  }
0x1a: {  	[hbm4b:s8+s9] =	stream.indirect.scatter [tilespmem:s2], [sflag:$0x5], $0x80, s5, s9, $0x2000b8;
	[tilespmem:$0x8100] =	vst v63  }
0x1b: {  	_ =	swait.ge [sflag:s10], $0x4000  }
0x1c: {  	[sflag:s10] =	ssyncset.done $0x0  }
0x1d: {  	s11 =	sadd.s32 $0xFFFFFFFF, s11;
	[sflag:s10] =	ssyncadd.s32 $0xFFFFC000  }
.LBB2_2:
0x1e: {  	p0 =	sne.s32 s11, $0x1;
	s11 =	sadd.s32 $0xFFFFFFFF, s11;
	_ =	strace $0x9000004D  }
0x1f: {  	_ =	strace $0x80000048  }
0x20: {  	[tilespmem:s2], [sflag:$0x1] =	stream.linear.gather [hbm4b:s3+s2], $0x4000, $0x200038;
	[tilespmem:$0x8100] =	vst v63  }
0x21: {  	_ = 	snop  }
0x22: {  	[tilespmem:s5], [sflag:$0x3] =	stream.linear.gather [hbm4b:s4+s2], $0x80, $0x200038;
	[tilespmem:$0x8100] =	vst v63  }
0x23: {  	_ =	strace $0x90000048  }
0x24: {  	_ =	strace $0x8000004B  }
0x25: {  	_ =	swait.ge [sflag:s6], $0x4000  }
0x26: {  	[sflag:s6] =	ssyncset.done $0x0  }
0x27: {  	[sflag:s6] =	ssyncadd.s32 $0xFFFFC000  }
0x28: {  	_ =	strace $0x9000004B  }
0x29: {  	_ =	strace $0x8000004C  }
0x2a: {  	_ =	swait.ge [sflag:s7], $0x80  }
0x2b: {  	[sflag:s7] =	ssyncset.done $0x0  }
0x2c: {  	[sflag:s7] =	ssyncadd.s32 $0xFFFFFF80  }
0x2d: {  	_ =	strace $0x9000004C  }
.Ltmp2:
0x2e: {  	_ =	strace $0x8000004D;
	(pc) =	sbr.rel @p0 .LBB2_2-.Ltmp2, $4  }
0x2f: {  	[hbm4b:s8+s9] =	stream.indirect.scatter [tilespmem:s2], [sflag:$0x5], $0x80, s5, s9, $0x2000b8;
	[tilespmem:$0x8100] =	vst v63  }
0x30: {  	_ =	swait.ge [sflag:s10], $0x4000  }
0x31: {  	[sflag:s10] =	ssyncset.done $0x0  }
0x32: {  	[sflag:s10] =	ssyncadd.s32 $0xFFFFC000  }
.LBB2_3:
0x33: {  	_ =	strace $0x9000004D  }
.LBB2_4:
0x34: {  	_ =	sfence.sel $0x180000  }
0x35: {  	[bflag:$0x0] =	sbarrier.arrive $0xFFFF  }
0x36: {  	p0 =	sne.s32 s1, $0x0;
	_ =	strace $0x90000047  }
0x37: {  	s0 =	sadd.s32 @!p0 $0x100000, s0;
	[bflag:$0x2] =	sbarrier.arrive $0xFFFF  }
0x38: {  	[sflag:s0] =	ssyncadd.tile.s32 @!p0 $0x1;
	_ =	shalt  }
.Lfunc_end2:
_tile_overlayer_lowered:
.L_overlay_start_2:
0x39: {  	(tag) =	ssettag $0x2  }
0x3a: {  	s0 =	rddreg [dreg:$0x0];
	s2 =	stileid.u32  }
0x3b: {  	s1 =	rddreg [dreg:$0x1];
	p0 =	sne.s32 s2, $0x0  }
0x3c: {  	s3 =	rddreg [dreg:$0x2];
	[bflag:$0x3] =	sbarrier.arrive $0xFFFF;
	s2 =	simm.s32 @!p0 $0x1C01  }
0x3d: {  	[timem:s3], [sflag:s2] =	dma.local @!p0 [hbm:s0], s1  }
0x3e: {  	s0 =	simm.s32 @!p0 $0x1  }
0x3f: {  	_ =	swait.ge @!p0 [sflag:s0], s1  }
0x40: {  	s1 =	ssub.s32 @!p0 $0x0, s1;
	[sflag:s0] =	ssyncset.done @!p0 $0x0  }
0x41: {  	[sflag:s0] =	ssyncadd.s32 @!p0 s1  }
0x42: {  	[bflag:$0x3] =	sbarrier.arrive $0xFFFF  }
0x43: {  	_ =	shalt  }

// kernel: kernel.9.cloned.1.call-start
scs
__scs_entry_jumppad:
0x0: {  	(pc) =	sbr.rel $0x88, $3  }
0x1: {  	(tag) =	ssettag $0x0;
	lr =	simm.s32 $0x1  }
0x2: {  	[smem:$0x3F99] =	sst lr;
	_ =	strace $0xD0000000  }
0x3: {  	_ = 	snop  }
0x4: {  	_ = 	snop  }
0x5: {  	_ = 	snop  }
0x6: {  	_ = 	snop  }
0x7: {  	_ = 	snop  }
__scs_overlays_trampoline_lowered:
0x8: {  	[smem:$0x3FA8] =	sst s0  }
0x9: {  	[smem:$0x3FA9] =	sst s1  }
0xa: {  	[smem:$0x3FAA] =	sst s2  }
0xb: {  	[smem:$0x3FAB] =	sst s3  }
0xc: {  	[smem:$0x3FAC] =	sst s4  }
0xd: {  	[smem:$0x3FAD] =	sst s5  }
0xe: {  	[smem:$0x3FAE] =	sst s6  }
0xf: {  	[smem:$0x3FAF] =	sst s7  }
0x10: {  	[smem:$0x3FB0] =	sst s8  }
0x11: {  	[smem:$0x3FB1] =	sst s9;
	s0 =	simm.s32 @!p0 $0x0  }
0x12: {  	s1 =	sld [smem:$0x3F97];
	s0 =	simm.s32 @p0 $0x1  }
0x13: {  	[smem:$0x3FB2] =	sst s0;
	s0 =	simm.s32 @!p1 $0x0  }
0x14: {  	s2 =	sld [smem:$0x3F96];
	s0 =	simm.s32 @p1 $0x1  }
0x15: {  	[smem:$0x3FB3] =	sst s0;
	s0 =	simm.s32 @!p2 $0x0  }
0x16: {  	s3 =	sld [smem:$0x3FDB];
	s0 =	simm.s32 @p2 $0x1  }
0x17: {  	s4 =	simm.s32 $0x1BF5;
	[smem:$0x3FB5] =	sst s0  }
0x18: {  	s0 =	sld [smem:$0x3F98];
	_ =	swait.ge [sflag:s4], $0x0  }
0x19: {  	s7 =	sld [smem:$0x3F99]  }
0x1a: {  	s8 =	sadd.s32 $0xFFFFE003, lr  }
0x1b: {  	s9 =	sadd.s32 $0xFFFFFEF7, lr;
	s5 =	simm.s32 $0xFFFFFFFF;
	p2 =	slt.u32 s8, $0xFFFFF086  }
0x1c: {  	p1 =	slt.u32 s9, $0xF7A;
	s5 =	simm.s32 @!p2 $0x0  }
0x1d: {  	s5 =	simm.s32 @p1 $0x1;
	p0 =	seq.s32 s7, s2  }
0x1e: {  	s7 =	smul.u32 @!p0 $0xF7A, s2;
	p2 =	seq.s32 @!p0 s5, $0x0  }
0x1f: {  	s9 =	smul.u32 $0xF7A, s1;
	s8 =	simm.s32 @!p0 $0x1BF5;
	p2 =	por !p2, p0  }
0x20: {  	[sflag:s8] =	ssyncset.s32 @!p0 $0xFFFFF086;
	s6 =	sadd.s32 @!p0 s3, s7;
	s7 =	simm.s32 @!p0 $0x108  }
0x21: {  	s3 =	sadd.s32 s3, s9;
	s6 =	sadd.s32 @!p0 $0x88, s6;
	s7 =	simm.s32 @p2 $0x1082  }
0x22: {  	[simem:s7], [sflag:s8] =	dma.local @!p0 [hbm:s6], $0xF7A  }
0x23: {  	s9 =	sor.u32 $0xD0000000, s2;
	s6 =	simm.s32 $0x108;
	_ =	swait.ge @!p0 [sflag:s8], $0x0  }
0x24: {  	s3 =	sadd.s32 $0x88, s3;
	s6 =	simm.s32 @!p1 $0x1082;
	[sflag:s4] =	ssyncset.s32 $0xFFFFF086  }
0x25: {  	[simem:s6], [sflag:s4] =	dma.local [hbm:s3], $0xF7A  }
0x26: {  	[smem:$0x3F99] =	sst s1;
	(tag) =	ssettag s2;
	_ =	strace s9  }
0x27: {  	s1 =	sld [smem:$0x3FA9]  }
0x28: {  	s2 =	sld [smem:$0x3FAA]  }
0x29: {  	s4 =	sld [smem:$0x3FAC]  }
0x2a: {  	p0 =	seq.s32 s5, $0x0;
	s5 =	sld [smem:$0x3FAD]  }
0x2b: {  	s6 =	sld [smem:$0x3FAE]  }
0x2c: {  	s7 =	sld [smem:$0x3FAF]  }
0x2d: {  	s3 =	simm.s32 $0x108;
	s8 =	sld [smem:$0x3FB0]  }
0x2e: {  	s3 =	simm.s32 @!p0 $0x1082;
	s9 =	sld [smem:$0x3FB1]  }
0x2f: {  	lr =	sadd.s32 s0, s3;
	s0 =	sld [smem:$0x3FA8]  }
0x30: {  	s3 =	sld [smem:$0x3FAB]  }
0x31: {  	[smem:$0x3FB4] =	sst s10  }
0x32: {  	s10 =	sld [smem:$0x3FB2];
	_ =	sdelay $0x3  }
0x33: {  	p0 =	seq.s32 s10, $0x1;
	s10 =	sld [smem:$0x3FB4];
	_ =	sdelay $0x3  }
0x34: {  	[smem:$0x3FB4] =	sst s10  }
0x35: {  	s10 =	sld [smem:$0x3FB3];
	_ =	sdelay $0x3  }
0x36: {  	p1 =	seq.s32 s10, $0x1;
	s10 =	sld [smem:$0x3FB4];
	_ =	sdelay $0x3  }
0x37: {  	[smem:$0x3FB4] =	sst s10  }
0x38: {  	s10 =	sld [smem:$0x3FB5]  }
0x39: {  	_ = 	snop;
	(pc) =	sbr.ind lr, $3  }
0x3a: {  	_ = 	snop  }
0x3b: {  	_ = 	snop  }
0x3c: {  	p2 =	seq.s32 s10, $0x1;
	s10 =	sld [smem:$0x3FB4]  }
0x3d: {  	_ =	shalt  }
0x3e: {  	_ =	shalt  }
0x3f: {  	_ =	shalt  }
0x40: {  	_ =	shalt  }
0x41: {  	_ =	shalt  }
0x42: {  	_ =	shalt  }
0x43: {  	_ =	shalt  }
0x44: {  	_ =	shalt  }
0x45: {  	_ =	shalt  }
0x46: {  	_ =	shalt  }
0x47: {  	_ =	shalt  }
0x48: {  	_ =	shalt  }
0x49: {  	_ =	shalt  }
0x4a: {  	_ =	shalt  }
0x4b: {  	_ =	shalt  }
0x4c: {  	_ =	shalt  }
0x4d: {  	_ =	shalt  }
0x4e: {  	_ =	shalt  }
0x4f: {  	_ =	shalt  }
0x50: {  	_ =	shalt  }
0x51: {  	_ =	shalt  }
0x52: {  	_ =	shalt  }
0x53: {  	_ =	shalt  }
0x54: {  	_ =	shalt  }
0x55: {  	_ =	shalt  }
0x56: {  	_ =	shalt  }
0x57: {  	_ =	shalt  }
0x58: {  	_ =	shalt  }
0x59: {  	_ =	shalt  }
0x5a: {  	_ =	shalt  }
0x5b: {  	_ =	shalt  }
0x5c: {  	_ =	shalt  }
0x5d: {  	_ =	shalt  }
0x5e: {  	_ =	shalt  }
0x5f: {  	_ =	shalt  }
0x60: {  	_ =	shalt  }
0x61: {  	_ =	shalt  }
0x62: {  	_ =	shalt  }
0x63: {  	_ =	shalt  }
0x64: {  	_ =	shalt  }
0x65: {  	_ =	shalt  }
0x66: {  	_ =	shalt  }
0x67: {  	_ =	shalt  }
0x68: {  	_ =	shalt  }
0x69: {  	_ =	shalt  }
0x6a: {  	_ =	shalt  }
0x6b: {  	_ =	shalt  }
0x6c: {  	_ =	shalt  }
0x6d: {  	_ =	shalt  }
0x6e: {  	_ =	shalt  }
0x6f: {  	_ =	shalt  }
0x70: {  	_ =	shalt  }
0x71: {  	_ =	shalt  }
0x72: {  	_ =	shalt  }
0x73: {  	_ =	shalt  }
0x74: {  	_ =	shalt  }
0x75: {  	_ =	shalt  }
0x76: {  	_ =	shalt  }
0x77: {  	_ =	shalt  }
0x78: {  	_ =	shalt  }
0x79: {  	_ =	shalt  }
0x7a: {  	_ =	shalt  }
0x7b: {  	_ =	shalt  }
0x7c: {  	_ =	shalt  }
0x7d: {  	_ =	shalt  }
0x7e: {  	_ =	shalt  }
0x7f: {  	_ =	shalt  }
0x80: {  	_ =	shalt  }
0x81: {  	_ =	shalt  }
0x82: {  	_ =	shalt  }
0x83: {  	_ =	shalt  }
0x84: {  	_ =	shalt  }
0x85: {  	_ =	shalt  }
0x86: {  	_ =	shalt  }
0x87: {  	_ =	shalt  }
.Lfunc_end0:
.L_simem_size_0:
called_computation.1_lowered:
.L_overlay_start_0:
0x88: {  	s2 =	sld [smem:$0x3FD9]  }
0x89: {  	s3 =	sld [smem:$0x3FFE];
	_ =	sdelay $0x1  }
0x8a: {  	s1 =	srdreg.scid  }
0x8b: {  	s0 =	sand.u32 $0x1, s1  }
0x8c: {  	s17 =	sshll.u32 s0, $0xA;
	s2 =	sadd.s32 s3, s2  }
0x8d: {  	s2 =	sadd.s32 s2, s17  }
0x8e: {  	[smem:$0x3FC0] =	sst s2  }
0x8f: {  	_ = 	snop  }
0x90: {  	s2 =	sld [smem:$0x3FD0];
	(tm) =	ssettm $0x1  }
0x91: {  	s18 =	sld [smem:$0x3FFB];
	_ =	sdelay $0x3  }
0x92: {  	_ =	strace s18  }
0x93: {  	s3 =	sld [smem:$0x3FFC];
	_ =	sdelay $0x3  }
0x94: {  	_ =	strace s3  }
0x95: {  	s3 =	sld [smem:$0x3FFD];
	_ =	sdelay $0x3  }
0x96: {  	_ =	strace s3  }
0x97: {  	_ =	strace $0x8FFFFFFF  }
0x98: {  	s19 =	sld [smem:$0x3FDB];
	_ =	sdelay $0x1  }
0x99: {  	s4 =	simm.s32 $_scs_section_size  }
0x9a: {  	s5 =	simm.s32 $_size__tile_overlayer_lowered;
	s6 =	simm.s32 $_tile_overlayer_lowered  }
0x9b: {  	s22 =	simm.s32 $0x1BFF;
	s21 =	sshll.u32 s6, $0x1;
	s3 =	sadd.s32 s4, s19  }
0x9c: {  	s7 =	simm.s32 $0x0;
	s20 =	sshll.u32 s5, $0x1;
	s5 =	sadd.s32 s21, s3  }
0x9d: {  	[timem:s7], [sflag:s22] =	dma.local [hbm:s5], s20  }
0x9e: {  	_ =	swait.ge [sflag:s22], s20  }
0x9f: {  	s4 =	ssub.s32 $0x0, s20;
	[sflag:s22] =	ssyncset.done $0x0  }
0xa0: {  	[sflag:s22] =	ssyncadd.s32 s4;
	_ =	sdelay $0x1  }
0xa1: {  	s23 =	simm.s32 $0x1B8B  }
0xa2: {  	_ =	swait.ge [sflag:s23], $0x1  }
0xa3: {  	[sflag:s23] =	ssyncset.done $0x0  }
0xa4: {  	s25 =	simm.s32 $0x1B8E;
	s24 =	sld [smem:$0x3FFE];
	[sflag:s23] =	ssyncadd.s32 $0xFFFFFFFF  }
0xa5: {  	s26 =	simm.s32 $execute0_lowered;
	[smem:$0x3FD2] =	sst s25  }
0xa6: {  	s5 =	sshll.u32 s26, $0x1;
	_ =	strace $0x8000004F;
	[dreg:$0x1] =	wrdreg $0xFFFFFFFF  }
0xa7: {  	s28 =	simm.s32 $_size_execute0_lowered;
	s3 =	sadd.s32 s3, s5;
	[dreg:$0x0] =	wrdreg $0x0  }
0xa8: {  	s5 =	sshll.u32 s28, $0x1;
	[dreg:$0x2] =	wrdreg s3  }
0xa9: {  	[dreg:$0x3] =	wrdreg s5  }
0xaa: {  	[dreg:$0x4] =	wrdreg $0xC0  }
0xab: {  	_ =	task [dreg:s7], $0x5FFFF  }
0xac: {  	[dreg:$0x1] =	wrdreg $0xFFFFFFFF  }
0xad: {  	[dreg:$0x0] =	wrdreg $0x60  }
0xae: {  	[dreg:$0x2] =	wrdreg s24  }
0xaf: {  	[dreg:$0x3] =	wrdreg s2  }
0xb0: {  	[dreg:$0x4] =	wrdreg $0x9  }
0xb1: {  	_ =	task.clear_ibuf [dreg:s7], $0x5FFFF;
	_ =	strace $0x9000004F  }
0xb2: {  	s29 =	simm.s32 $0x9;
	_ =	strace $0x80000058  }
0xb3: {  	_ =	swait.ge [sflag:s29], $0x1  }
0xb4: {  	[sflag:s29] =	ssyncadd.s32 $0xFFFFFFFF  }
0xb5: {  	_ =	strace $0x90000058  }
0xb6: {  	_ =	sfence  }
0xb7: {  	s30 =	sld [smem:$0x0];
	_ =	sdelay $0x2  }
0xb8: {  	s31 =	sshll.u32 s1, $0xD;
	s1 =	sshrl.u32 s1, $0x2  }
0xb9: {  	s3 =	sand.u32 $0x4000, s31;
	s1 =	sadd.s32 s1, s30  }
0xba: {  	s0 =	sor.u32 s3, s0;
	s1 =	sshll.u32 s1, $0x11  }
0xbb: {  	s0 =	sor.u32 s1, s0  }
0xbc: {  	s0 =	sadd.s32 $0x8F2B, s0  }
0xbd: {  	[sflag:s0] =	ssyncadd.remote.s32 $0x1  }
0xbe: {  	_ =	sfence.sel $0xFFFF  }
0xbf: {  	[dreg:$0x0] =	wrdreg $0xFFFFFFFF;
	(pc) =	sbr.abs _section_cstart, $3  }
0xc0: {  	[dreg:$0x1] =	wrdreg $0xFFFFFFFF  }
0xc1: {  	_ =	task.clear_ibuf [dreg:s7], $0x2FFFF;
	_ =	strace $0x9FFFFFFF  }
0xc2: {  	(tm) =	ssettm $0x7FFFFFFF  }
0xc3: {  	_ =	shalt  }
tec
execute0_lowered:
.L_overlay_start_1:
0x0: {  	(tag) =	ssettag $0x1  }
0x1: {  	s1 =	stileid.u32  }
0x2: {  	p0 =	sgt.u32 s1, $0x6  }
.Ltmp0:
0x3: {  	_ = 	snop;
	(pc) =	sbr.rel @p0 .LBB2_4-.Ltmp0, $4  }
0x4: {  	s9 =	rddreg [dreg:$0x0]  }
0x5: {  	s3 =	rddreg [dreg:$0x1];
	s2 =	simm.s32 $0x0  }
0x6: {  	[smem:$0x7FF] =	sst s2  }
0x7: {  	s0 =	rddreg [dreg:$0x2];
	_ =	strace $0x80000050  }
0x8: {  	s10 =	smin.u32 s1, $0x7  }
0x9: {  	s4 =	sshll.u32 s10, $0x4  }
0xa: {  	_ =	strace $0x80000051;
	s3 =	sadd.s32 s3, s4  }
0xb: {  	[tilespmem:s2], [sflag:$0x1] =	stream.linear.gather [hbm4b:s3+s2], $0x80, $0x200038;
	[tilespmem:$0x8100] =	vst v63  }
0xc: {  	_ =	strace $0x90000051  }
0xd: {  	s4 =	simm.s32 $0x1;
	_ =	strace $0x80000053  }
0xe: {  	_ =	swait.ge [sflag:s4], $0x80  }
0xf: {  	s5 =	sadd.s32 $0x2200, s9;
	[sflag:s4] =	ssyncset.done $0x0  }
0x10: {  	s6 =	simm.s32 $0x80;
	s7 =	simm.s32 $0x100;
	[sflag:s4] =	ssyncadd.s32 $0xFFFFFF80  }
0x11: {  	s8 =	simm.s32 $0x5;
	s11 =	srdreg.scid;
	_ =	strace $0x90000053  }
0x12: {  	s10 =	sshll.u32 s10, $0xB;
	s30 =	sand.u32 $0x1, s11;
	_ =	strace $0x80000054  }
0x13: {  	[tilespmem:s7], [sflag:$0x5] =	stream.indirect.gather [hbm4b:s5+s6], $0x80, s2, s6, $0x2000b8;
	[tilespmem:$0x8100] =	vst v63  }
0x14: {  	s29 =	sadd.s32 s10, s9;
	s10 =	ssub.s32 $0x2, s30;
	_ =	swait.ge [sflag:s8], $0x4000  }
0x15: {  	s31 =	sshrl.u32 s10, $0x1;
	[sflag:s8] =	ssyncset.done $0x0  }
0x16: {  	s11 =	ssub.s32 s10, s31;
	[sflag:s8] =	ssyncadd.s32 $0xFFFFC000  }
0x17: {  	s11 =	smax.u32 s11, $0x1;
	_ =	strace $0x90000054  }
0x18: {  	s9 =	sadd.s32 $0xF600, s29;
	p0 =	sne.s32 s11, $0x1;
	_ =	strace $0x80000055  }
0x19: {  	[hbm4b:s9+s2] =	stream.linear.scatter [tilespmem:s7], [sflag:$0x3], $0x4000, $0x200038;
	[tilespmem:$0x8100] =	vst v63  }
.Ltmp1:
0x1a: {  	_ =	strace $0x90000055;
	(pc) =	sbr.rel @!p0 .LBB2_3-.Ltmp1, $4  }
0x1b: {  	s10 =	simm.s32 $0x3;
	_ =	strace $0x80000057  }
0x1c: {  	_ =	swait.ge [sflag:s10], $0x4000  }
0x1d: {  	[sflag:s10] =	ssyncset.done $0x0  }
0x1e: {  	s11 =	sadd.s32 $0xFFFFFFFF, s11;
	[sflag:s10] =	ssyncadd.s32 $0xFFFFC000  }
.LBB2_2:
0x1f: {  	p0 =	sne.s32 s11, $0x1;
	s11 =	sadd.s32 $0xFFFFFFFF, s11;
	_ =	strace $0x90000057  }
0x20: {  	_ =	strace $0x80000051  }
0x21: {  	[tilespmem:s2], [sflag:$0x1] =	stream.linear.gather [hbm4b:s3+s2], $0x80, $0x200038;
	[tilespmem:$0x8100] =	vst v63  }
0x22: {  	_ =	strace $0x90000051  }
0x23: {  	_ =	strace $0x80000053  }
0x24: {  	_ =	swait.ge [sflag:s4], $0x80  }
0x25: {  	[sflag:s4] =	ssyncset.done $0x0  }
0x26: {  	[sflag:s4] =	ssyncadd.s32 $0xFFFFFF80  }
0x27: {  	_ =	strace $0x90000053  }
0x28: {  	_ =	strace $0x80000054  }
0x29: {  	[tilespmem:s7], [sflag:$0x5] =	stream.indirect.gather [hbm4b:s5+s6], $0x80, s2, s6, $0x2000b8;
	[tilespmem:$0x8100] =	vst v63  }
0x2a: {  	_ =	swait.ge [sflag:s8], $0x4000  }
0x2b: {  	[sflag:s8] =	ssyncset.done $0x0  }
0x2c: {  	[sflag:s8] =	ssyncadd.s32 $0xFFFFC000  }
0x2d: {  	_ =	strace $0x90000054  }
0x2e: {  	_ =	strace $0x80000055  }
0x2f: {  	[hbm4b:s9+s2] =	stream.linear.scatter [tilespmem:s7], [sflag:$0x3], $0x4000, $0x200038;
	[tilespmem:$0x8100] =	vst v63  }
.Ltmp2:
0x30: {  	_ =	strace $0x90000055;
	(pc) =	sbr.rel @p0 .LBB2_2-.Ltmp2, $4  }
0x31: {  	_ =	strace $0x80000057  }
0x32: {  	_ =	swait.ge [sflag:s10], $0x4000  }
0x33: {  	[sflag:s10] =	ssyncset.done $0x0  }
0x34: {  	[sflag:s10] =	ssyncadd.s32 $0xFFFFC000  }
.LBB2_3:
0x35: {  	_ =	strace $0x90000057  }
.LBB2_4:
0x36: {  	_ =	sfence.sel $0x180000  }
0x37: {  	[bflag:$0x0] =	sbarrier.arrive $0xFFFF  }
0x38: {  	p0 =	sne.s32 s1, $0x0;
	_ =	strace $0x90000050  }
0x39: {  	s0 =	sadd.s32 @!p0 $0x100000, s0;
	[bflag:$0x2] =	sbarrier.arrive $0xFFFF  }
0x3a: {  	[sflag:s0] =	ssyncadd.tile.s32 @!p0 $0x1;
	_ =	shalt  }
.Lfunc_end2:
_tile_overlayer_lowered:
.L_overlay_start_2:
0x3b: {  	(tag) =	ssettag $0x2  }
0x3c: {  	s0 =	rddreg [dreg:$0x0];
	s2 =	stileid.u32  }
0x3d: {  	s1 =	rddreg [dreg:$0x1];
	p0 =	sne.s32 s2, $0x0  }
0x3e: {  	s3 =	rddreg [dreg:$0x2];
	[bflag:$0x3] =	sbarrier.arrive $0xFFFF;
	s2 =	simm.s32 @!p0 $0x1C01  }
0x3f: {  	[timem:s3], [sflag:s2] =	dma.local @!p0 [hbm:s0], s1  }
0x40: {  	s0 =	simm.s32 @!p0 $0x1  }
0x41: {  	_ =	swait.ge @!p0 [sflag:s0], s1  }
0x42: {  	s1 =	ssub.s32 @!p0 $0x0, s1;
	[sflag:s0] =	ssyncset.done @!p0 $0x0  }
0x43: {  	[sflag:s0] =	ssyncadd.s32 @!p0 s1  }
0x44: {  	[bflag:$0x3] =	sbarrier.arrive $0xFFFF  }
0x45: {  	_ =	shalt  }

</sc_bundles>
